<compile_context>
chip_gen: v7x
topology: tpu7x:2x2x1
jax: 0.10.2.dev20260603
libtpu: 0.0.44.dev20260713+nightly
codegen_flags: <defaults>
</compile_context>

<pallas_src>
import functools

import jax
import jax.numpy as jnp
from jax import lax
from jax.experimental import pallas as pl
from jax.experimental.pallas import tpu as pltpu
from jax.experimental.pallas import tpu_sc as plsc

_BIG = 1e30
_BIGTH = 1e29
_NEG = -1e9
_K = 16


def _topk_kernel(q_ref, sT_ref, o_ref, *, nsp, r2, sent, rp, bq):
    q0 = q_ref[0, :, 0:1]
    q1 = q_ref[0, :, 1:2]
    q2 = q_ref[0, :, 2:3]
    s0 = sT_ref[0, 0:1, :]
    s1 = sT_ref[0, 1:2, :]
    s2 = sT_ref[0, 2:3, :]
    qs = jnp.dot(q_ref[0], sT_ref[0, 0:3, :],
                 precision=lax.Precision.DEFAULT,
                 preferred_element_type=jnp.float32)
    qn = q0 * q0 + q1 * q1 + q2 * q2
    sn = s0 * s0 + s1 * s1 + s2 * s2
    d = qn + sn - 2.0 * qs
    d = jnp.where(d <= r2, d, _BIG)
    lane = lax.broadcasted_iota(jnp.int32, (bq, nsp), 1).astype(jnp.float32)
    cols = []
    for i in range(_K):
        m = jnp.min(d, axis=1, keepdims=True)
        cand = jnp.where(d == m, lane, jnp.float32(nsp))
        amin = jnp.min(cand, axis=1, keepdims=True)
        if i + 1 < _K:
            d = jnp.where(lane == amin, _BIG, d)
        cols.append(jnp.where(m < _BIGTH, amin, jnp.float32(sent)))
    idx = jnp.concatenate(cols, axis=1).astype(jnp.int32)
    o_ref[0] = idx + pl.program_id(0) * rp


def _topk(qp, sTp, nsp, r2, sent, rp, bq=512):
    bs, nqp, _ = qp.shape
    return pl.pallas_call(
        functools.partial(_topk_kernel, nsp=nsp, r2=r2, sent=sent, rp=rp, bq=bq),
        grid=(bs, nqp // bq),
        in_specs=[
            pl.BlockSpec((1, bq, 3), lambda b, i: (b, i, 0)),
            pl.BlockSpec((1, 8, nsp), lambda b, i: (b, 0, 0)),
        ],
        out_specs=pl.BlockSpec((1, bq, _K), lambda b, i: (b, i, 0)),
        out_shape=jax.ShapeDtypeStruct((bs, nqp, _K), jnp.int32),
    )(qp, sTp)


def _make_sc_gathermax(rows_tab, d_tab, d, nq_tot):
    nw = 32
    cq = 8
    qw = nq_tot // nw
    steps = qw // cq
    assert qw % cq == 0 and steps % 2 == 0 and nq_tot % nw == 0
    mesh = plsc.VectorSubcoreMesh(core_axis_name="c", subcore_axis_name="s")

    @functools.partial(
        pl.kernel,
        mesh=mesh,
        compiler_params=pltpu.CompilerParams(use_tc_tiling_on_sc=False),
        out_type=jax.ShapeDtypeStruct((nq_tot, d), jnp.float32),
        scratch_types=[
            pltpu.VMEM((cq * _K,), jnp.int32),
            pltpu.VMEM((cq * _K,), jnp.int32),
            pltpu.VMEM((cq * _K, d_tab), jnp.float32),
            pltpu.VMEM((cq * _K, d_tab), jnp.float32),
            pltpu.VMEM((cq, d), jnp.float32),
            pltpu.SemaphoreType.DMA,
            pltpu.SemaphoreType.DMA,
        ],
    )
    def gather_max(tab_hbm, idx_hbm, out_hbm, idx0, idx1, rows0, rows1,
                   out_v, sem0, sem1):
        wid = lax.axis_index("s") * 2 + lax.axis_index("c")
        q0 = wid * qw
        idx_v = (idx0, idx1)
        rows_v = (rows0, rows1)
        sems = (sem0, sem1)

        def fire(p, g):
            base = (q0 + g * cq) * _K
            pltpu.sync_copy(idx_hbm.at[pl.ds(base, cq * _K)], idx_v[p])
            pltpu.make_async_copy(tab_hbm.at[idx_v[p]], rows_v[p], sems[p]).start()

        fire(0, 0)
        fire(1, 1)

        def body(g2, _):
            for p in range(2):
                g = g2 * 2 + p
                pltpu.make_async_copy(
                    tab_hbm.at[idx_v[p]], rows_v[p], sems[p]).wait()

                def per_q(qi, _):
                    for v in range(d // 16):
                        acc = rows_v[p][qi * _K, pl.ds(v * 16, 16)]
                        for j in range(1, _K):
                            acc = jnp.maximum(
                                acc, rows_v[p][qi * _K + j, pl.ds(v * 16, 16)])
                        out_v[qi, pl.ds(v * 16, 16)] = acc
                    return 0

                lax.fori_loop(0, cq, per_q, 0, unroll=False)
                pltpu.sync_copy(out_v, out_hbm.at[pl.ds(q0 + g * cq, cq)])
                gn = g + 2
                gn = jnp.where(gn < steps, gn, gn - steps)
                fire(p, gn)
            return 0

        lax.fori_loop(0, steps // 2, body, 0, unroll=False)
        pltpu.make_async_copy(tab_hbm.at[idx0], rows0, sem0).wait()
        pltpu.make_async_copy(tab_hbm.at[idx1], rows1, sem1).wait()

    return gather_max


def _prep1_kernel(fT_ref, x2_ref, wf_ref, wx_ref, b_ref, o_ref, *, ns):
    h = jnp.dot(fT_ref[0], wf_ref[...], preferred_element_type=jnp.float32)
    h = h + jnp.dot(x2_ref[0], wx_ref[...], preferred_element_type=jnp.float32)
    h = h + b_ref[...]
    row = lax.broadcasted_iota(jnp.int32, h.shape, 0)
    o_ref[0] = jnp.where(row < ns, h, _NEG)


def _mid_kernel(h1_ref, x1_ref, w1x_ref, w2f_ref, w2x_ref, b2_ref, o_ref, *, ns, dh):
    pq = jnp.dot(x1_ref[0], w1x_ref[...], preferred_element_type=jnp.float32)
    f1 = jnp.maximum(h1_ref[0] - pq, 0.0)
    h2 = jnp.dot(f1, w2f_ref[...], preferred_element_type=jnp.float32)
    h2 = h2 + jnp.dot(x1_ref[0], w2x_ref[...], preferred_element_type=jnp.float32)
    h2 = h2 + b2_ref[...]
    row = lax.broadcasted_iota(jnp.int32, h2.shape, 0)
    lane = lax.broadcasted_iota(jnp.int32, h2.shape, 1)
    pr = row * 2 + jnp.where(lane >= dh, 1, 0)
    o_ref[0] = jnp.where(pr < ns, h2, _NEG)


def _finish_kernel(h2_ref, x0_ref, w2x_ref, wo_ref, bo_ref, o_ref):
    pq = jnp.dot(x0_ref[0], w2x_ref[...], preferred_element_type=jnp.float32)
    f2 = jnp.maximum(h2_ref[0] - pq, 0.0)
    o_ref[0] = jnp.dot(f2, wo_ref[...], preferred_element_type=jnp.float32) + bo_ref[...]


def _dense_call(body, ins, in_blocks, out_block, out_shape):
    bs = out_shape[0]
    return pl.pallas_call(
        body,
        grid=(bs,),
        in_specs=[
            pl.BlockSpec(blk, (lambda b: (b, 0, 0)) if len(blk) == 3 else
                         (lambda b, _l=len(blk): (0,) * _l))
            for blk in in_blocks
        ],
        out_specs=pl.BlockSpec(out_block, lambda b: (b, 0, 0)),
        out_shape=jax.ShapeDtypeStruct(out_shape, jnp.float32),
    )(*ins)


def _pad_rows(x, n, val):
    return jnp.pad(x, ((0, 0), (0, n - x.shape[1]), (0, 0)), constant_values=val)


def _pad_cols(x, n):
    return jnp.pad(x, ((0, 0), (0, 0), (0, n - x.shape[2])))


def kernel(xyz_0, xyz_1, xyz_2, feats, W1, b1, W2, b2, W_out, b_out):
    bs = xyz_0.shape[0]
    n0, n1, n2 = 10240, 2560, 640
    c_in = feats.shape[1]

    x0p = _pad_rows(xyz_0, n0, 1e3)
    x1p = _pad_rows(xyz_1, n1, 1e3)
    x2p = _pad_rows(xyz_2, n2, 1e3)
    x0p8 = _pad_cols(x0p, 8)
    x1p8 = _pad_cols(x1p, 8)
    x2p8 = _pad_cols(x2p, 8)
    x1T = _pad_rows(jnp.transpose(x1p, (0, 2, 1)), 8, 0.0)
    x2T = _pad_rows(jnp.transpose(x2p, (0, 2, 1)), 8, 0.0)
    fT = _pad_rows(jnp.transpose(feats, (0, 2, 1)), n2, 0.0)
    w1fT = W1[:, :c_in].T
    w1xT8 = jnp.pad(W1[:, c_in:].T, ((0, 5), (0, 0)))
    w2fT = W2[:, :128].T
    w2xT8 = jnp.pad(W2[:, 128:].T, ((0, 5), (0, 0)))
    woT = W_out.T
    b1r = b1[None, :]

    def bd(w):
        z = jnp.zeros_like(w)
        return jnp.concatenate(
            [jnp.concatenate([w, z], 1), jnp.concatenate([z, w], 1)], 0)

    w1x_bd = bd(w1xT8)
    w2f_bd = bd(w2fT)
    w2x_bd = bd(w2xT8)
    wo_bd = bd(woT)
    b2bd = jnp.tile(b2[None, :], (1, 2))
    bobd = jnp.tile(b_out[None, :], (1, 2))
    x1p16 = x1p8.reshape(bs, n1 // 2, 16)
    x0p16 = x0p8.reshape(bs, n0 // 2, 16)

    h1 = _dense_call(
        functools.partial(_prep1_kernel, ns=xyz_2.shape[1]),
        (fT, x2p8, w1fT, w1xT8, b1r),
        [(1, n2, c_in), (1, n2, 8), (c_in, 128), (8, 128), (1, 128)],
        (1, n2, 128), (bs, n2, 128))

    idx1 = _topk(x1p, x2T, n2, 0.5 ** 2, xyz_2.shape[1], n2)
    idx2 = _topk(x0p, x1T, n1, 0.35 ** 2, xyz_1.shape[1], n1)

    g1 = _make_sc_gathermax(bs * n2, 128, 128, bs * n1)(
        h1.reshape(bs * n2, 128), idx1.reshape(-1))
    H1p = g1.reshape(bs, n1 // 2, 256)

    h2 = _dense_call(
        functools.partial(_mid_kernel, ns=xyz_1.shape[1], dh=64),
        (H1p, x1p16, w1x_bd, w2f_bd, w2x_bd, b2bd),
        [(1, n1 // 2, 256), (1, n1 // 2, 16), (16, 256), (256, 128),
         (16, 128), (1, 128)],
        (1, n1 // 2, 128), (bs, n1 // 2, 128))

    g2 = _make_sc_gathermax(bs * n1, 64, 64, bs * n0)(
        h2.reshape(bs * n1, 64), idx2.reshape(-1))
    H2p = g2.reshape(bs, n0 // 2, 128)

    rgb = _dense_call(
        _finish_kernel,
        (H2p, x0p16, w2x_bd, wo_bd, bobd),
        [(1, n0 // 2, 128), (1, n0 // 2, 16), (16, 128), (128, 6), (1, 6)],
        (1, n0 // 2, 6), (bs, n0 // 2, 6))

    rgb = rgb.reshape(bs, n0, 3)
    return jnp.transpose(rgb[:, :xyz_0.shape[1], :], (0, 2, 1))

# --- scband reference (transcript-rebuilt; emitter-appended) ---
"""Pipeline reference for scband-point-cloud-decoder-46471546143490 (READ-ONLY COPY).

The authoritative reference and input builder live on the scoring server;
editing this copy changes nothing except your own understanding.
"""

import jax, jax.numpy as jnp
import numpy as np


def _knn(q, s, k):
    # q: (nq, 3) query points, s: (ns, 3) support points
    d2 = jnp.sum(q * q, axis=-1)[:, None] + jnp.sum(s * s, axis=-1)[None, :] - 2.0 * (q @ s.T)
    neg, idx = jax.lax.top_k(-d2, k)
    return -neg, idx


def _up_block(xyz_c, f, xyz_f, W, b, radius, k):
    # xyz_c: (m, 3) coarse coords, f: (m, C) coarse feats, xyz_f: (n, 3) fine coords
    d2, idx = _knn(xyz_f, xyz_c, k)          # (n, k) each
    nb_f = f[idx]                              # gather: (n, k, C)
    rel = xyz_c[idx] - xyz_f[:, None, :]       # (n, k, 3)
    e = jnp.concatenate([nb_f, rel], axis=-1) @ W.T + b   # (n, k, out_dim)
    e = jax.nn.relu(e)
    mask = (d2 <= radius * radius)[:, :, None]
    e = jnp.where(mask, e, -1e9)
    out = jnp.max(e, axis=1)                   # max aggregate over neighbors
    out = jnp.where(out <= -1e8, 0.0, out)     # no-neighbor fallback
    return out


def setup_inputs(seed: int = 0) -> dict:
    key = jax.random.key(seed)
    ks = jax.random.split(key, 10)
    xyz_0 = jax.random.uniform(ks[0], (2, 10000, 3), dtype=jnp.float32)
    xyz_1 = jax.random.uniform(ks[1], (2, 2500, 3), dtype=jnp.float32)
    xyz_2 = jax.random.uniform(ks[2], (2, 625, 3), dtype=jnp.float32)
    feats = jax.random.normal(ks[3], (2, 256, 625), dtype=jnp.float32)
    W1 = jax.random.normal(ks[4], (128, 256 + 3), dtype=jnp.float32) * 0.05
    b1 = jnp.zeros((128,), dtype=jnp.float32)
    W2 = jax.random.normal(ks[5], (64, 128 + 3), dtype=jnp.float32) * 0.05
    b2 = jnp.zeros((64,), dtype=jnp.float32)
    W_out = jax.random.normal(ks[6], (3, 64), dtype=jnp.float32) * 0.05
    b_out = jnp.zeros((3,), dtype=jnp.float32)
    return {"xyz_0": xyz_0, "xyz_1": xyz_1, "xyz_2": xyz_2, "feats": feats,
            "W1": W1, "b1": b1, "W2": W2, "b2": b2, "W_out": W_out, "b_out": b_out}


def reference(xyz_0, xyz_1, xyz_2, feats, W1, b1, W2, b2, W_out, b_out):
    # xyz_list = [xyz_0 (finest), xyz_1, xyz_2 (coarsest)]; feats: (bs, C, m) with m = xyz_2 count
    radii = (0.5, 0.35)
    kk = (16, 16)

    def single(x0, x1, x2, f):
        f = f.T  # (m, C)
        # level 0: coarse xyz_2 -> parent xyz_1 (GCNUpBlock, 256 -> 128)
        f = _up_block(x2, f, x1, W1, b1, radii[0], kk[0])
        # level 1: xyz_1 -> parent xyz_0 (GCNUpBlock, 128 -> 64)
        f = _up_block(x1, f, x0, W2, b2, radii[1], kk[1])
        # out_fc: Conv1d(64, 3, 1)
        rgb = f @ W_out.T + b_out   # (n0, 3)
        return rgb.T                 # (3, n0)

    return jax.vmap(single)(xyz_0, xyz_1, xyz_2, feats)

if __name__ == "__main__":
    import jax
    _d = setup_inputs()
    print(jax.jit(kernel)(*tuple(_d.values())))

</pallas_src>

<mosaic_0001>
#map = affine_map<(d0, d1) -> (0, 0)>
#map1 = affine_map<(d0, d1) -> (0)>
module attributes {stable_mosaic.version = 14 : i64} {
  func.func @gather_max(%arg0: i32, %arg1: i32, %arg2: memref<1280x128xf32, #tpu.memory_space<hbm>>, %arg3: memref<81920xi32, #tpu.memory_space<hbm>>, %arg4: memref<5120x128xf32, #tpu.memory_space<hbm>>, %arg5: memref<128xi32, #tpu.memory_space<vmem>>, %arg6: memref<128xi32, #tpu.memory_space<vmem>>, %arg7: memref<128x128xf32, #tpu.memory_space<vmem>>, %arg8: memref<128x128xf32, #tpu.memory_space<vmem>>, %arg9: memref<8x128xf32, #tpu.memory_space<vmem>>, %arg10: memref<!tpu.dma_semaphore, #tpu.memory_space<semaphore_mem>>, %arg11: memref<!tpu.dma_semaphore, #tpu.memory_space<semaphore_mem>>) attributes {dimension_semantics = [#tpu.dimension_semantics<core_parallel>, #tpu.dimension_semantics<subcore_parallel>], iteration_bounds = array<i64: 2, 16>, scalar_prefetch = 0 : i64, scratch_operands = 7 : i64, tpu.core_type = #tpu.core_type<sc_vector_subcore>, window_params = [{transform_indices = #map}, {transform_indices = #map1}, {transform_indices = #map}]} {
    %mul3A = arith.constant 2 : i32
    %mul3A_0 = arith.muli %arg1, %mul3A : i32
    %add3A = arith.addi %mul3A_0, %arg0 : i32
    %mul3A_1 = arith.constant 160 : i32
    %mul3A_2 = arith.muli %add3A, %mul3A_1 : i32
    %add3A_3 = arith.constant 0 : i32
    %add3A_4 = arith.addi %mul3A_2, %add3A_3 : i32
    %mul3A_5 = arith.constant 16 : i32
    %mul3A_6 = arith.muli %add3A_4, %mul3A_5 : i32
    "tpu.region"() ({
      %run_scoped3A = tpu.sem_alloc : memref<!tpu.dma_semaphore, #tpu.memory_space<semaphore_mem>>
      %dma_start3A_27 = tpu.memref_slice %arg3[%mul3A_6] : memref<81920xi32, #tpu.memory_space<hbm>> -> memref<128xi32, #tpu.memory_space<hbm>>
      %dma_start3A_28 = tpu.memref_slice %arg3[%mul3A_6] : memref<81920xi32, #tpu.memory_space<hbm>> -> memref<128xi32, #tpu.memory_space<hbm>>
      tpu.enqueue_dma source(%dma_start3A_28 : memref<128xi32, #tpu.memory_space<hbm>>) target(%arg5 : memref<128xi32, #tpu.memory_space<vmem>>) target_semaphore(%run_scoped3A : memref<!tpu.dma_semaphore, #tpu.memory_space<semaphore_mem>>)
      %dma_wait3A_29 = tpu.memref_slice %arg3[%mul3A_6] : memref<81920xi32, #tpu.memory_space<hbm>> -> memref<128xi32, #tpu.memory_space<hbm>>
      %dma_wait3A_30 = tpu.memref_slice %arg3[%mul3A_6] : memref<81920xi32, #tpu.memory_space<hbm>> -> memref<128xi32, #tpu.memory_space<hbm>>
      tpu.wait_dma2 semaphore(%run_scoped3A : memref<!tpu.dma_semaphore, #tpu.memory_space<semaphore_mem>>) src(%dma_wait3A_30 : memref<128xi32, #tpu.memory_space<hbm>>) dst(%arg5 : memref<128xi32, #tpu.memory_space<vmem>>)
      tpu.yield
    }) : () -> ()
    %dma_start3A = arith.constant 0 : i32
    %dma_start3A_7 = arith.constant 0 : i32
    %dma_start3A_8 = tpu.memref_slice %arg2[%dma_start3A, %dma_start3A_7] : memref<1280x128xf32, #tpu.memory_space<hbm>> -> memref<1280x128xf32, #tpu.memory_space<hbm>>
    tpu.enqueue_indirect_dma source(%dma_start3A_8 : memref<1280x128xf32, #tpu.memory_space<hbm>>) target(%arg7 : memref<128x128xf32, #tpu.memory_space<vmem>>) offsets(%arg5 : memref<128xi32, #tpu.memory_space<vmem>>) semaphore(%arg10 : memref<!tpu.dma_semaphore, #tpu.memory_space<semaphore_mem>>)
    %add3A_9 = arith.constant 8 : i32
    %add3A_10 = arith.addi %mul3A_2, %add3A_9 : i32
    %mul3A_11 = arith.constant 16 : i32
    %mul3A_12 = arith.muli %add3A_10, %mul3A_11 : i32
    "tpu.region"() ({
      %run_scoped3A = tpu.sem_alloc : memref<!tpu.dma_semaphore, #tpu.memory_space<semaphore_mem>>
      %dma_start3A_27 = tpu.memref_slice %arg3[%mul3A_12] : memref<81920xi32, #tpu.memory_space<hbm>> -> memref<128xi32, #tpu.memory_space<hbm>>
      %dma_start3A_28 = tpu.memref_slice %arg3[%mul3A_12] : memref<81920xi32, #tpu.memory_space<hbm>> -> memref<128xi32, #tpu.memory_space<hbm>>
      tpu.enqueue_dma source(%dma_start3A_28 : memref<128xi32, #tpu.memory_space<hbm>>) target(%arg6 : memref<128xi32, #tpu.memory_space<vmem>>) target_semaphore(%run_scoped3A : memref<!tpu.dma_semaphore, #tpu.memory_space<semaphore_mem>>)
      %dma_wait3A_29 = tpu.memref_slice %arg3[%mul3A_12] : memref<81920xi32, #tpu.memory_space<hbm>> -> memref<128xi32, #tpu.memory_space<hbm>>
      %dma_wait3A_30 = tpu.memref_slice %arg3[%mul3A_12] : memref<81920xi32, #tpu.memory_space<hbm>> -> memref<128xi32, #tpu.memory_space<hbm>>
      tpu.wait_dma2 semaphore(%run_scoped3A : memref<!tpu.dma_semaphore, #tpu.memory_space<semaphore_mem>>) src(%dma_wait3A_30 : memref<128xi32, #tpu.memory_space<hbm>>) dst(%arg6 : memref<128xi32, #tpu.memory_space<vmem>>)
      tpu.yield
    }) : () -> ()
    %dma_start3A_13 = arith.constant 0 : i32
    %dma_start3A_14 = arith.constant 0 : i32
    %dma_start3A_15 = tpu.memref_slice %arg2[%dma_start3A_13, %dma_start3A_14] : memref<1280x128xf32, #tpu.memory_space<hbm>> -> memref<1280x128xf32, #tpu.memory_space<hbm>>
    tpu.enqueue_indirect_dma source(%dma_start3A_15 : memref<1280x128xf32, #tpu.memory_space<hbm>>) target(%arg8 : memref<128x128xf32, #tpu.memory_space<vmem>>) offsets(%arg6 : memref<128xi32, #tpu.memory_space<vmem>>) semaphore(%arg11 : memref<!tpu.dma_semaphore, #tpu.memory_space<semaphore_mem>>)
    %scan3A = arith.constant 0 : i32
    %scan3A_16 = arith.constant 0 : i32
    %scan3A_17 = arith.constant 10 : i32
    %scan3A_18 = arith.addi %scan3A_16, %scan3A_17 : i32
    %scan3A_19 = arith.constant 1 : i32
    %scan3A_20 = scf.for %scan3A_27 = %scan3A_16 to %scan3A_18 step %scan3A_19 iter_args(%scan3A_28 = %scan3A) -> (i32)  : i32 {
      %mul3A_29 = arith.constant 2 : i32
      %mul3A_30 = arith.muli %scan3A_27, %mul3A_29 : i32
      %add3A_31 = arith.constant 0 : i32
      %add3A_32 = arith.addi %mul3A_30, %add3A_31 : i32
      %dma_wait3A_33 = arith.constant 0 : i32
      %dma_wait3A_34 = arith.constant 0 : i32
      %dma_wait3A_35 = tpu.memref_slice %arg2[%dma_wait3A_33, %dma_wait3A_34] : memref<1280x128xf32, #tpu.memory_space<hbm>> -> memref<1280x128xf32, #tpu.memory_space<hbm>>
      tpu.wait_indirect_dma semaphore(%arg10 : memref<!tpu.dma_semaphore, #tpu.memory_space<semaphore_mem>>) src(%dma_wait3A_35 : memref<1280x128xf32, #tpu.memory_space<hbm>>) dst(%arg7 : memref<128x128xf32, #tpu.memory_space<vmem>>)
      %scan3A_36 = arith.constant 0 : i32
      %scan3A_37 = arith.constant 0 : i32
      %scan3A_38 = arith.constant 8 : i32
      %scan3A_39 = arith.addi %scan3A_37, %scan3A_38 : i32
      %scan3A_40 = arith.constant 1 : i32
      %scan3A_41 = scf.for %scan3A_91 = %scan3A_37 to %scan3A_39 step %scan3A_40 iter_args(%scan3A_92 = %scan3A_36) -> (i32)  : i32 {
        %mul3A_93 = arith.constant 16 : i32
        %mul3A_94 = arith.muli %scan3A_91, %mul3A_93 : i32
        %get3A = arith.index_cast %mul3A_94 : i32 to index
        %get3A_95 = arith.constant 0 : index
        %get3A_96 = tpu.vector_load %arg7[%get3A, %get3A_95] {strides = array<i32>} : memref<128x128xf32, #tpu.memory_space<vmem>>, vector<1x16xf32>,
        %get3A_97 = vector.shape_cast %get3A_96 : vector<1x16xf32> to vector<16xf32>
        %mul3A_98 = arith.constant 16 : i32
        %mul3A_99 = arith.muli %scan3A_91, %mul3A_98 : i32
        %add3A_100 = arith.constant 1 : i32
        %add3A_101 = arith.addi %mul3A_99, %add3A_100 : i32
        %get3A_102 = arith.index_cast %add3A_101 : i32 to index
        %get3A_103 = arith.constant 0 : index
        %get3A_104 = tpu.vector_load %arg7[%get3A_102, %get3A_103] {strides = array<i32>} : memref<128x128xf32, #tpu.memory_space<vmem>>, vector<1x16xf32>,
        %get3A_105 = vector.shape_cast %get3A_104 : vector<1x16xf32> to vector<16xf32>
        %max3A = arith.maximumf %get3A_97, %get3A_105 : vector<16xf32>
        %mul3A_106 = arith.constant 16 : i32
        %mul3A_107 = arith.muli %scan3A_91, %mul3A_106 : i32
        %add3A_108 = arith.constant 2 : i32
        %add3A_109 = arith.addi %mul3A_107, %add3A_108 : i32
        %get3A_110 = arith.index_cast %add3A_109 : i32 to index
        %get3A_111 = arith.constant 0 : index
        %get3A_112 = tpu.vector_load %arg7[%get3A_110, %get3A_111] {strides = array<i32>} : memref<128x128xf32, #tpu.memory_space<vmem>>, vector<1x16xf32>,
        %get3A_113 = vector.shape_cast %get3A_112 : vector<1x16xf32> to vector<16xf32>
        %max3A_114 = arith.maximumf %max3A, %get3A_113 : vector<16xf32>
        %mul3A_115 = arith.constant 16 : i32
        %mul3A_116 = arith.muli %scan3A_91, %mul3A_115 : i32
        %add3A_117 = arith.constant 3 : i32
        %add3A_118 = arith.addi %mul3A_116, %add3A_117 : i32
        %get3A_119 = arith.index_cast %add3A_118 : i32 to index
        %get3A_120 = arith.constant 0 : index
        %get3A_121 = tpu.vector_load %arg7[%get3A_119, %get3A_120] {strides = array<i32>} : memref<128x128xf32, #tpu.memory_space<vmem>>, vector<1x16xf32>,
        %get3A_122 = vector.shape_cast %get3A_121 : vector<1x16xf32> to vector<16xf32>
        %max3A_123 = arith.maximumf %max3A_114, %get3A_122 : vector<16xf32>
        %mul3A_124 = arith.constant 16 : i32
        %mul3A_125 = arith.muli %scan3A_91, %mul3A_124 : i32
        %add3A_126 = arith.constant 4 : i32
        %add3A_127 = arith.addi %mul3A_125, %add3A_126 : i32
        %get3A_128 = arith.index_cast %add3A_127 : i32 to index
        %get3A_129 = arith.constant 0 : index
        %get3A_130 = tpu.vector_load %arg7[%get3A_128, %get3A_129] {strides = array<i32>} : memref<128x128xf32, #tpu.memory_space<vmem>>, vector<1x16xf32>,
        %get3A_131 = vector.shape_cast %get3A_130 : vector<1x16xf32> to vector<16xf32>
        %max3A_132 = arith.maximumf %max3A_123, %get3A_131 : vector<16xf32>
        %mul3A_133 = arith.constant 16 : i32
        %mul3A_134 = arith.muli %scan3A_91, %mul3A_133 : i32
        %add3A_135 = arith.constant 5 : i32
        %add3A_136 = arith.addi %mul3A_134, %add3A_135 : i32
        %get3A_137 = arith.index_cast %add3A_136 : i32 to index
        %get3A_138 = arith.constant 0 : index
        %get3A_139 = tpu.vector_load %arg7[%get3A_137, %get3A_138] {strides = array<i32>} : memref<128x128xf32, #tpu.memory_space<vmem>>, vector<1x16xf32>,
        %get3A_140 = vector.shape_cast %get3A_139 : vector<1x16xf32> to vector<16xf32>
        %max3A_141 = arith.maximumf %max3A_132, %get3A_140 : vector<16xf32>
        %mul3A_142 = arith.constant 16 : i32
        %mul3A_143 = arith.muli %scan3A_91, %mul3A_142 : i32
        %add3A_144 = arith.constant 6 : i32
        %add3A_145 = arith.addi %mul3A_143, %add3A_144 : i32
        %get3A_146 = arith.index_cast %add3A_145 : i32 to index
        %get3A_147 = arith.constant 0 : index
        %get3A_148 = tpu.vector_load %arg7[%get3A_146, %get3A_147] {strides = array<i32>} : memref<128x128xf32, #tpu.memory_space<vmem>>, vector<1x16xf32>,
        %get3A_149 = vector.shape_cast %get3A_148 : vector<1x16xf32> to vector<16xf32>
        %max3A_150 = arith.maximumf %max3A_141, %get3A_149 : vector<16xf32>
        %mul3A_151 = arith.constant 16 : i32
        %mul3A_152 = arith.muli %scan3A_91, %mul3A_151 : i32
        %add3A_153 = arith.constant 7 : i32
        %add3A_154 = arith.addi %mul3A_152, %add3A_153 : i32
        %get3A_155 = arith.index_cast %add3A_154 : i32 to index
        %get3A_156 = arith.constant 0 : index
        %get3A_157 = tpu.vector_load %arg7[%get3A_155, %get3A_156] {strides = array<i32>} : memref<128x128xf32, #tpu.memory_space<vmem>>, vector<1x16xf32>,
        %get3A_158 = vector.shape_cast %get3A_157 : vector<1x16xf32> to vector<16xf32>
        %max3A_159 = arith.maximumf %max3A_150, %get3A_158 : vector<16xf32>
        %mul3A_160 = arith.constant 16 : i32
        %mul3A_161 = arith.muli %scan3A_91, %mul3A_160 : i32
        %add3A_162 = arith.constant 8 : i32
        %add3A_163 = arith.addi %mul3A_161, %add3A_162 : i32
        %get3A_164 = arith.index_cast %add3A_163 : i32 to index
        %get3A_165 = arith.constant 0 : index
        %get3A_166 = tpu.vector_load %arg7[%get3A_164, %get3A_165] {strides = array<i32>} : memref<128x128xf32, #tpu.memory_space<vmem>>, vector<1x16xf32>,
        %get3A_167 = vector.shape_cast %get3A_166 : vector<1x16xf32> to vector<16xf32>
        %max3A_168 = arith.maximumf %max3A_159, %get3A_167 : vector<16xf32>
        %mul3A_169 = arith.constant 16 : i32
        %mul3A_170 = arith.muli %scan3A_91, %mul3A_169 : i32
        %add3A_171 = arith.constant 9 : i32
        %add3A_172 = arith.addi %mul3A_170, %add3A_171 : i32
        %get3A_173 = arith.index_cast %add3A_172 : i32 to index
        %get3A_174 = arith.constant 0 : index
        %get3A_175 = tpu.vector_load %arg7[%get3A_173, %get3A_174] {strides = array<i32>} : memref<128x128xf32, #tpu.memory_space<vmem>>, vector<1x16xf32>,
        %get3A_176 = vector.shape_cast %get3A_175 : vector<1x16xf32> to vector<16xf32>
        %max3A_177 = arith.maximumf %max3A_168, %get3A_176 : vector<16xf32>
        %mul3A_178 = arith.constant 16 : i32
        %mul3A_179 = arith.muli %scan3A_91, %mul3A_178 : i32
        %add3A_180 = arith.constant 10 : i32
        %add3A_181 = arith.addi %mul3A_179, %add3A_180 : i32
        %get3A_182 = arith.index_cast %add3A_181 : i32 to index
        %get3A_183 = arith.constant 0 : index
        %get3A_184 = tpu.vector_load %arg7[%get3A_182, %get3A_183] {strides = array<i32>} : memref<128x128xf32, #tpu.memory_space<vmem>>, vector<1x16xf32>,
        %get3A_185 = vector.shape_cast %get3A_184 : vector<1x16xf32> to vector<16xf32>
        %max3A_186 = arith.maximumf %max3A_177, %get3A_185 : vector<16xf32>
        %mul3A_187 = arith.constant 16 : i32
        %mul3A_188 = arith.muli %scan3A_91, %mul3A_187 : i32
        %add3A_189 = arith.constant 11 : i32
        %add3A_190 = arith.addi %mul3A_188, %add3A_189 : i32
        %get3A_191 = arith.index_cast %add3A_190 : i32 to index
        %get3A_192 = arith.constant 0 : index
        %get3A_193 = tpu.vector_load %arg7[%get3A_191, %get3A_192] {strides = array<i32>} : memref<128x128xf32, #tpu.memory_space<vmem>>, vector<1x16xf32>,
        %get3A_194 = vector.shape_cast %get3A_193 : vector<1x16xf32> to vector<16xf32>
        %max3A_195 = arith.maximumf %max3A_186, %get3A_194 : vector<16xf32>
        %mul3A_196 = arith.constant 16 : i32
        %mul3A_197 = arith.muli %scan3A_91, %mul3A_196 : i32
        %add3A_198 = arith.constant 12 : i32
        %add3A_199 = arith.addi %mul3A_197, %add3A_198 : i32
        %get3A_200 = arith.index_cast %add3A_199 : i32 to index
        %get3A_201 = arith.constant 0 : index
        %get3A_202 = tpu.vector_load %arg7[%get3A_200, %get3A_201] {strides = array<i32>} : memref<128x128xf32, #tpu.memory_space<vmem>>, vector<1x16xf32>,
        %get3A_203 = vector.shape_cast %get3A_202 : vector<1x16xf32> to vector<16xf32>
        %max3A_204 = arith.maximumf %max3A_195, %get3A_203 : vector<16xf32>
        %mul3A_205 = arith.constant 16 : i32
        %mul3A_206 = arith.muli %scan3A_91, %mul3A_205 : i32
        %add3A_207 = arith.constant 13 : i32
        %add3A_208 = arith.addi %mul3A_206, %add3A_207 : i32
        %get3A_209 = arith.index_cast %add3A_208 : i32 to index
        %get3A_210 = arith.constant 0 : index
        %get3A_211 = tpu.vector_load %arg7[%get3A_209, %get3A_210] {strides = array<i32>} : memref<128x128xf32, #tpu.memory_space<vmem>>, vector<1x16xf32>,
        %get3A_212 = vector.shape_cast %get3A_211 : vector<1x16xf32> to vector<16xf32>
        %max3A_213 = arith.maximumf %max3A_204, %get3A_212 : vector<16xf32>
        %mul3A_214 = arith.constant 16 : i32
        %mul3A_215 = arith.muli %scan3A_91, %mul3A_214 : i32
        %add3A_216 = arith.constant 14 : i32
        %add3A_217 = arith.addi %mul3A_215, %add3A_216 : i32
        %get3A_218 = arith.index_cast %add3A_217 : i32 to index
        %get3A_219 = arith.constant 0 : index
        %get3A_220 = tpu.vector_load %arg7[%get3A_218, %get3A_219] {strides = array<i32>} : memref<128x128xf32, #tpu.memory_space<vmem>>, vector<1x16xf32>,
        %get3A_221 = vector.shape_cast %get3A_220 : vector<1x16xf32> to vector<16xf32>
        %max3A_222 = arith.maximumf %max3A_213, %get3A_221 : vector<16xf32>
        %mul3A_223 = arith.constant 16 : i32
        %mul3A_224 = arith.muli %scan3A_91, %mul3A_223 : i32
        %add3A_225 = arith.constant 15 : i32
        %add3A_226 = arith.addi %mul3A_224, %add3A_225 : i32
        %get3A_227 = arith.index_cast %add3A_226 : i32 to index
        %get3A_228 = arith.constant 0 : index
        %get3A_229 = tpu.vector_load %arg7[%get3A_227, %get3A_228] {strides = array<i32>} : memref<128x128xf32, #tpu.memory_space<vmem>>, vector<1x16xf32>,
        %get3A_230 = vector.shape_cast %get3A_229 : vector<1x16xf32> to vector<16xf32>
        %max3A_231 = arith.maximumf %max3A_222, %get3A_230 : vector<16xf32>
        %swap3A = arith.index_cast %scan3A_91 : i32 to index
        %swap3A_232 = arith.constant 0 : index
        %swap3A_233 = tpu.vector_load %arg9[%swap3A, %swap3A_232] {strides = array<i32>} : memref<8x128xf32, #tpu.memory_space<vmem>>, vector<1x16xf32>,
        %swap3A_234 = vector.shape_cast %swap3A_233 : vector<1x16xf32> to vector<16xf32>
        %swap3A_235 = vector.shape_cast %max3A_231 : vector<16xf32> to vector<1x16xf32>
        tpu.vector_store %arg9[%swap3A, %swap3A_232], %swap3A_235 {strides = array<i32>} : memref<8x128xf32, #tpu.memory_space<vmem>>, vector<1x16xf32>,
        %mul3A_236 = arith.constant 16 : i32
        %mul3A_237 = arith.muli %scan3A_91, %mul3A_236 : i32
        %get3A_238 = arith.index_cast %mul3A_237 : i32 to index
        %get3A_239 = arith.constant 16 : index
        %get3A_240 = tpu.vector_load %arg7[%get3A_238, %get3A_239] {strides = array<i32>} : memref<128x128xf32, #tpu.memory_space<vmem>>, vector<1x16xf32>,
        %get3A_241 = vector.shape_cast %get3A_240 : vector<1x16xf32> to vector<16xf32>
        %mul3A_242 = arith.constant 16 : i32
        %mul3A_243 = arith.muli %scan3A_91, %mul3A_242 : i32
        %add3A_244 = arith.constant 1 : i32
        %add3A_245 = arith.addi %mul3A_243, %add3A_244 : i32
        %get3A_246 = arith.index_cast %add3A_245 : i32 to index
        %get3A_247 = arith.constant 16 : index
        %get3A_248 = tpu.vector_load %arg7[%get3A_246, %get3A_247] {strides = array<i32>} : memref<128x128xf32, #tpu.memory_space<vmem>>, vector<1x16xf32>,
        %get3A_249 = vector.shape_cast %get3A_248 : vector<1x16xf32> to vector<16xf32>
        %max3A_250 = arith.maximumf %get3A_241, %get3A_249 : vector<16xf32>
        %mul3A_251 = arith.constant 16 : i32
        %mul3A_252 = arith.muli %scan3A_91, %mul3A_251 : i32
        %add3A_253 = arith.constant 2 : i32
        %add3A_254 = arith.addi %mul3A_252, %add3A_253 : i32
        %get3A_255 = arith.index_cast %add3A_254 : i32 to index
        %get3A_256 = arith.constant 16 : index
        %get3A_257 = tpu.vector_load %arg7[%get3A_255, %get3A_256] {strides = array<i32>} : memref<128x128xf32, #tpu.memory_space<vmem>>, vector<1x16xf32>,
        %get3A_258 = vector.shape_cast %get3A_257 : vector<1x16xf32> to vector<16xf32>
        %max3A_259 = arith.maximumf %max3A_250, %get3A_258 : vector<16xf32>
        %mul3A_260 = arith.constant 16 : i32
        %mul3A_261 = arith.muli %scan3A_91, %mul3A_260 : i32
        %add3A_262 = arith.constant 3 : i32
        %add3A_263 = arith.addi %mul3A_261, %add3A_262 : i32
        %get3A_264 = arith.index_cast %add3A_263 : i32 to index
        %get3A_265 = arith.constant 16 : index
        %get3A_266 = tpu.vector_load %arg7[%get3A_264, %get3A_265] {strides = array<i32>} : memref<128x128xf32, #tpu.memory_space<vmem>>, vector<1x16xf32>,
        %get3A_267 = vector.shape_cast %get3A_266 : vector<1x16xf32> to vector<16xf32>
        %max3A_268 = arith.maximumf %max3A_259, %get3A_267 : vector<16xf32>
        %mul3A_269 = arith.constant 16 : i32
        %mul3A_270 = arith.muli %scan3A_91, %mul3A_269 : i32
        %add3A_271 = arith.constant 4 : i32
        %add3A_272 = arith.addi %mul3A_270, %add3A_271 : i32
        %get3A_273 = arith.index_cast %add3A_272 : i32 to index
        %get3A_274 = arith.constant 16 : index
        %get3A_275 = tpu.vector_load %arg7[%get3A_273, %get3A_274] {strides = array<i32>} : memref<128x128xf32, #tpu.memory_space<vmem>>, vector<1x16xf32>,
        %get3A_276 = vector.shape_cast %get3A_275 : vector<1x16xf32> to vector<16xf32>
        %max3A_277 = arith.maximumf %max3A_268, %get3A_276 : vector<16xf32>
        %mul3A_278 = arith.constant 16 : i32
        %mul3A_279 = arith.muli %scan3A_91, %mul3A_278 : i32
        %add3A_280 = arith.constant 5 : i32
        %add3A_281 = arith.addi %mul3A_279, %add3A_280 : i32
        %get3A_282 = arith.index_cast %add3A_281 : i32 to index
        %get3A_283 = arith.constant 16 : index
        %get3A_284 = tpu.vector_load %arg7[%get3A_282, %get3A_283] {strides = array<i32>} : memref<128x128xf32, #tpu.memory_space<vmem>>, vector<1x16xf32>,
        %get3A_285 = vector.shape_cast %get3A_284 : vector<1x16xf32> to vector<16xf32>
        %max3A_286 = arith.maximumf %max3A_277, %get3A_285 : vector<16xf32>
        %mul3A_287 = arith.constant 16 : i32
        %mul3A_288 = arith.muli %scan3A_91, %mul3A_287 : i32
        %add3A_289 = arith.constant 6 : i32
        %add3A_290 = arith.addi %mul3A_288, %add3A_289 : i32
        %get3A_291 = arith.index_cast %add3A_290 : i32 to index
        %get3A_292 = arith.constant 16 : index
        %get3A_293 = tpu.vector_load %arg7[%get3A_291, %get3A_292] {strides = array<i32>} : memref<128x128xf32, #tpu.memory_space<vmem>>, vector<1x16xf32>,
        %get3A_294 = vector.shape_cast %get3A_293 : vector<1x16xf32> to vector<16xf32>
        %max3A_295 = arith.maximumf %max3A_286, %get3A_294 : vector<16xf32>
        %mul3A_296 = arith.constant 16 : i32
        %mul3A_297 = arith.muli %scan3A_91, %mul3A_296 : i32
        %add3A_298 = arith.constant 7 : i32
        %add3A_299 = arith.addi %mul3A_297, %add3A_298 : i32
        %get3A_300 = arith.index_cast %add3A_299 : i32 to index
        %get3A_301 = arith.constant 16 : index
        %get3A_302 = tpu.vector_load %arg7[%get3A_300, %get3A_301] {strides = array<i32>} : memref<128x128xf32, #tpu.memory_space<vmem>>, vector<1x16xf32>,
        %get3A_303 = vector.shape_cast %get3A_302 : vector<1x16xf32> to vector<16xf32>
        %max3A_304 = arith.maximumf %max3A_295, %get3A_303 : vector<16xf32>
        %mul3A_305 = arith.constant 16 : i32
        %mul3A_306 = arith.muli %scan3A_91, %mul3A_305 : i32
        %add3A_307 = arith.constant 8 : i32
        %add3A_308 = arith.addi %mul3A_306, %add3A_307 : i32
        %get3A_309 = arith.index_cast %add3A_308 : i32 to index
        %get3A_310 = arith.constant 16 : index
        %get3A_311 = tpu.vector_load %arg7[%get3A_309, %get3A_310] {strides = array<i32>} : memref<128x128xf32, #tpu.memory_space<vmem>>, vector<1x16xf32>,
        %get3A_312 = vector.shape_cast %get3A_311 : vector<1x16xf32> to vector<16xf32>
        %max3A_313 = arith.maximumf %max3A_304, %get3A_312 : vector<16xf32>
        %mul3A_314 = arith.constant 16 : i32
        %mul3A_315 = arith.muli %scan3A_91, %mul3A_314 : i32
        %add3A_316 = arith.constant 9 : i32
        %add3A_317 = arith.addi %mul3A_315, %add3A_316 : i32
        %get3A_318 = arith.index_cast %add3A_317 : i32 to index
        %get3A_319 = arith.constant 16 : index
        %get3A_320 = tpu.vector_load %arg7[%get3A_318, %get3A_319] {strides = array<i32>} : memref<128x128xf32, #tpu.memory_space<vmem>>, vector<1x16xf32>,
        %get3A_321 = vector.shape_cast %get3A_320 : vector<1x16xf32> to vector<16xf32>
        %max3A_322 = arith.maximumf %max3A_313, %get3A_321 : vector<16xf32>
        %mul3A_323 = arith.constant 16 : i32
        %mul3A_324 = arith.muli %scan3A_91, %mul3A_323 : i32
        %add3A_325 = arith.constant 10 : i32
        %add3A_326 = arith.addi %mul3A_324, %add3A_325 : i32
        %get3A_327 = arith.index_cast %add3A_326 : i32 to index
        %get3A_328 = arith.constant 16 : index
        %get3A_329 = tpu.vector_load %arg7[%get3A_327, %get3A_328] {strides = array<i32>} : memref<128x128xf32, #tpu.memory_space<vmem>>, vector<1x16xf32>,
        %get3A_330 = vector.shape_cast %get3A_329 : vector<1x16xf32> to vector<16xf32>
        %max3A_331 = arith.maximumf %max3A_322, %get3A_330 : vector<16xf32>
        %mul3A_332 = arith.constant 16 : i32
        %mul3A_333 = arith.muli %scan3A_91, %mul3A_332 : i32
        %add3A_334 = arith.constant 11 : i32
        %add3A_335 = arith.addi %mul3A_333, %add3A_334 : i32
        %get3A_336 = arith.index_cast %add3A_335 : i32 to index
        %get3A_337 = arith.constant 16 : index
        %get3A_338 = tpu.vector_load %arg7[%get3A_336, %get3A_337] {strides = array<i32>} : memref<128x128xf32, #tpu.memory_space<vmem>>, vector<1x16xf32>,
        %get3A_339 = vector.shape_cast %get3A_338 : vector<1x16xf32> to vector<16xf32>
        %max3A_340 = arith.maximumf %max3A_331, %get3A_339 : vector<16xf32>
        %mul3A_341 = arith.constant 16 : i32
        %mul3A_342 = arith.muli %scan3A_91, %mul3A_341 : i32
        %add3A_343 = arith.constant 12 : i32
        %add3A_344 = arith.addi %mul3A_342, %add3A_343 : i32
        %get3A_345 = arith.index_cast %add3A_344 : i32 to index
        %get3A_346 = arith.constant 16 : index
        %get3A_347 = tpu.vector_load %arg7[%get3A_345, %get3A_346] {strides = array<i32>} : memref<128x128xf32, #tpu.memory_space<vmem>>, vector<1x16xf32>,
        %get3A_348 = vector.shape_cast %get3A_347 : vector<1x16xf32> to vector<16xf32>
        %max3A_349 = arith.maximumf %max3A_340, %get3A_348 : vector<16xf32>
        %mul3A_350 = arith.constant 16 : i32
        %mul3A_351 = arith.muli %scan3A_91, %mul3A_350 : i32
        %add3A_352 = arith.constant 13 : i32
        %add3A_353 = arith.addi %mul3A_351, %add3A_352 : i32
        %get3A_354 = arith.index_cast %add3A_353 : i32 to index
        %get3A_355 = arith.constant 16 : index
        %get3A_356 = tpu.vector_load %arg7[%get3A_354, %get3A_355] {strides = array<i32>} : memref<128x128xf32, #tpu.memory_space<vmem>>, vector<1x16xf32>,
        %get3A_357 = vector.shape_cast %get3A_356 : vector<1x16xf32> to vector<16xf32>
        %max3A_358 = arith.maximumf %max3A_349, %get3A_357 : vector<16xf32>
        %mul3A_359 = arith.constant 16 : i32
        %mul3A_360 = arith.muli %scan3A_91, %mul3A_359 : i32
        %add3A_361 = arith.constant 14 : i32
        %add3A_362 = arith.addi %mul3A_360, %add3A_361 : i32
        %get3A_363 = arith.index_cast %add3A_362 : i32 to index
        %get3A_364 = arith.constant 16 : index
        %get3A_365 = tpu.vector_load %arg7[%get3A_363, %get3A_364] {strides = array<i32>} : memref<128x128xf32, #tpu.memory_space<vmem>>, vector<1x16xf32>,
        %get3A_366 = vector.shape_cast %get3A_365 : vector<1x16xf32> to vector<16xf32>
        %max3A_367 = arith.maximumf %max3A_358, %get3A_366 : vector<16xf32>
        %mul3A_368 = arith.constant 16 : i32
        %mul3A_369 = arith.muli %scan3A_91, %mul3A_368 : i32
        %add3A_370 = arith.constant 15 : i32
        %add3A_371 = arith.addi %mul3A_369, %add3A_370 : i32
        %get3A_372 = arith.index_cast %add3A_371 : i32 to index
        %get3A_373 = arith.constant 16 : index
        %get3A_374 = tpu.vector_load %arg7[%get3A_372, %get3A_373] {strides = array<i32>} : memref<128x128xf32, #tpu.memory_space<vmem>>, vector<1x16xf32>,
        %get3A_375 = vector.shape_cast %get3A_374 : vector<1x16xf32> to vector<16xf32>
        %max3A_376 = arith.maximumf %max3A_367, %get3A_375 : vector<16xf32>
        %swap3A_377 = arith.index_cast %scan3A_91 : i32 to index
        %swap3A_378 = arith.constant 16 : index
        %swap3A_379 = tpu.vector_load %arg9[%swap3A_377, %swap3A_378] {strides = array<i32>} : memref<8x128xf32, #tpu.memory_space<vmem>>, vector<1x16xf32>,
        %swap3A_380 = vector.shape_cast %swap3A_379 : vector<1x16xf32> to vector<16xf32>
        %swap3A_381 = vector.shape_cast %max3A_376 : vector<16xf32> to vector<1x16xf32>
        tpu.vector_store %arg9[%swap3A_377, %swap3A_378], %swap3A_381 {strides = array<i32>} : memref<8x128xf32, #tpu.memory_space<vmem>>, vector<1x16xf32>,
        %mul3A_382 = arith.constant 16 : i32
        %mul3A_383 = arith.muli %scan3A_91, %mul3A_382 : i32
        %get3A_384 = arith.index_cast %mul3A_383 : i32 to index
        %get3A_385 = arith.constant 32 : index
        %get3A_386 = tpu.vector_load %arg7[%get3A_384, %get3A_385] {strides = array<i32>} : memref<128x128xf32, #tpu.memory_space<vmem>>, vector<1x16xf32>,
        %get3A_387 = vector.shape_cast %get3A_386 : vector<1x16xf32> to vector<16xf32>
        %mul3A_388 = arith.constant 16 : i32
        %mul3A_389 = arith.muli %scan3A_91, %mul3A_388 : i32
        %add3A_390 = arith.constant 1 : i32
        %add3A_391 = arith.addi %mul3A_389, %add3A_390 : i32
        %get3A_392 = arith.index_cast %add3A_391 : i32 to index
        %get3A_393 = arith.constant 32 : index
        %get3A_394 = tpu.vector_load %arg7[%get3A_392, %get3A_393] {strides = array<i32>} : memref<128x128xf32, #tpu.memory_space<vmem>>, vector<1x16xf32>,
        %get3A_395 = vector.shape_cast %get3A_394 : vector<1x16xf32> to vector<16xf32>
        %max3A_396 = arith.maximumf %get3A_387, %get3A_395 : vector<16xf32>
        %mul3A_397 = arith.constant 16 : i32
        %mul3A_398 = arith.muli %scan3A_91, %mul3A_397 : i32
        %add3A_399 = arith.constant 2 : i32
        %add3A_400 = arith.addi %mul3A_398, %add3A_399 : i32
        %get3A_401 = arith.index_cast %add3A_400 : i32 to index
        %get3A_402 = arith.constant 32 : index
        %get3A_403 = tpu.vector_load %arg7[%get3A_401, %get3A_402] {strides = array<i32>} : memref<128x128xf32, #tpu.memory_space<vmem>>, vector<1x16xf32>,
        %get3A_404 = vector.shape_cast %get3A_403 : vector<1x16xf32> to vector<16xf32>
        %max3A_405 = arith.maximumf %max3A_396, %get3A_404 : vector<16xf32>
        %mul3A_406 = arith.constant 16 : i32
        %mul3A_407 = arith.muli %scan3A_91, %mul3A_406 : i32
        %add3A_408 = arith.constant 3 : i32
        %add3A_409 = arith.addi %mul3A_407, %add3A_408 : i32
        %get3A_410 = arith.index_cast %add3A_409 : i32 to index
        %get3A_411 = arith.constant 32 : index
        %get3A_412 = tpu.vector_load %arg7[%get3A_410, %get3A_411] {strides = array<i32>} : memref<128x128xf32, #tpu.memory_space<vmem>>, vector<1x16xf32>,
        %get3A_413 = vector.shape_cast %get3A_412 : vector<1x16xf32> to vector<16xf32>
        %max3A_414 = arith.maximumf %max3A_405, %get3A_413 : vector<16xf32>
        %mul3A_415 = arith.constant 16 : i32
        %mul3A_416 = arith.muli %scan3A_91, %mul3A_415 : i32
        %add3A_417 = arith.constant 4 : i32
        %add3A_418 = arith.addi %mul3A_416, %add3A_417 : i32
        %get3A_419 = arith.index_cast %add3A_418 : i32 to index
        %get3A_420 = arith.constant 32 : index
        %get3A_421 = tpu.vector_load %arg7[%get3A_419, %get3A_420] {strides = array<i32>} : memref<128x128xf32, #tpu.memory_space<vmem>>, vector<1x16xf32>,
        %get3A_422 = vector.shape_cast %get3A_421 : vector<1x16xf32> to vector<16xf32>
        %max3A_423 = arith.maximumf %max3A_414, %get3A_422 : vector<16xf32>
        %mul3A_424 = arith.constant 16 : i32
        %mul3A_425 = arith.muli %scan3A_91, %mul3A_424 : i32
        %add3A_426 = arith.constant 5 : i32
        %add3A_427 = arith.addi %mul3A_425, %add3A_426 : i32
        %get3A_428 = arith.index_cast %add3A_427 : i32 to index
        %get3A_429 = arith.constant 32 : index
        %get3A_430 = tpu.vector_load %arg7[%get3A_428, %get3A_429] {strides = array<i32>} : memref<128x128xf32, #tpu.memory_space<vmem>>, vector<1x16xf32>,
        %get3A_431 = vector.shape_cast %get3A_430 : vector<1x16xf32> to vector<16xf32>
        %max3A_432 = arith.maximumf %max3A_423, %get3A_431 : vector<16xf32>
        %mul3A_433 = arith.constant 16 : i32
        %mul3A_434 = arith.muli %scan3A_91, %mul3A_433 : i32
        %add3A_435 = arith.constant 6 : i32
        %add3A_436 = arith.addi %mul3A_434, %add3A_435 : i32
        %get3A_437 = arith.index_cast %add3A_436 : i32 to index
        %get3A_438 = arith.constant 32 : index
        %get3A_439 = tpu.vector_load %arg7[%get3A_437, %get3A_438] {strides = array<i32>} : memref<128x128xf32, #tpu.memory_space<vmem>>, vector<1x16xf32>,
        %get3A_440 = vector.shape_cast %get3A_439 : vector<1x16xf32> to vector<16xf32>
        %max3A_441 = arith.maximumf %max3A_432, %get3A_440 : vector<16xf32>
        %mul3A_442 = arith.constant 16 : i32
        %mul3A_443 = arith.muli %scan3A_91, %mul3A_442 : i32
        %add3A_444 = arith.constant 7 : i32
        %add3A_445 = arith.addi %mul3A_443, %add3A_444 : i32
        %get3A_446 = arith.index_cast %add3A_445 : i32 to index
        %get3A_447 = arith.constant 32 : index
        %get3A_448 = tpu.vector_load %arg7[%get3A_446, %get3A_447] {strides = array<i32>} : memref<128x128xf32, #tpu.memory_space<vmem>>, vector<1x16xf32>,
        %get3A_449 = vector.shape_cast %get3A_448 : vector<1x16xf32> to vector<16xf32>
        %max3A_450 = arith.maximumf %max3A_441, %get3A_449 : vector<16xf32>
        %mul3A_451 = arith.constant 16 : i32
        %mul3A_452 = arith.muli %scan3A_91, %mul3A_451 : i32
        %add3A_453 = arith.constant 8 : i32
        %add3A_454 = arith.addi %mul3A_452, %add3A_453 : i32
        %get3A_455 = arith.index_cast %add3A_454 : i32 to index
        %get3A_456 = arith.constant 32 : index
        %get3A_457 = tpu.vector_load %arg7[%get3A_455, %get3A_456] {strides = array<i32>} : memref<128x128xf32, #tpu.memory_space<vmem>>, vector<1x16xf32>,
        %get3A_458 = vector.shape_cast %get3A_457 : vector<1x16xf32> to vector<16xf32>
        %max3A_459 = arith.maximumf %max3A_450, %get3A_458 : vector<16xf32>
        %mul3A_460 = arith.constant 16 : i32
        %mul3A_461 = arith.muli %scan3A_91, %mul3A_460 : i32
        %add3A_462 = arith.constant 9 : i32
        %add3A_463 = arith.addi %mul3A_461, %add3A_462 : i32
        %get3A_464 = arith.index_cast %add3A_463 : i32 to index
        %get3A_465 = arith.constant 32 : index
        %get3A_466 = tpu.vector_load %arg7[%get3A_464, %get3A_465] {strides = array<i32>} : memref<128x128xf32, #tpu.memory_space<vmem>>, vector<1x16xf32>,
        %get3A_467 = vector.shape_cast %get3A_466 : vector<1x16xf32> to vector<16xf32>
        %max3A_468 = arith.maximumf %max3A_459, %get3A_467 : vector<16xf32>
        %mul3A_469 = arith.constant 16 : i32
        %mul3A_470 = arith.muli %scan3A_91, %mul3A_469 : i32
        %add3A_471 = arith.constant 10 : i32
        %add3A_472 = arith.addi %mul3A_470, %add3A_471 : i32
        %get3A_473 = arith.index_cast %add3A_472 : i32 to index
        %get3A_474 = arith.constant 32 : index
        %get3A_475 = tpu.vector_load %arg7[%get3A_473, %get3A_474] {strides = array<i32>} : memref<128x128xf32, #tpu.memory_space<vmem>>, vector<1x16xf32>,
        %get3A_476 = vector.shape_cast %get3A_475 : vector<1x16xf32> to vector<16xf32>
        %max3A_477 = arith.maximumf %max3A_468, %get3A_476 : vector<16xf32>
        %mul3A_478 = arith.constant 16 : i32
        %mul3A_479 = arith.muli %scan3A_91, %mul3A_478 : i32
        %add3A_480 = arith.constant 11 : i32
        %add3A_481 = arith.addi %mul3A_479, %add3A_480 : i32
        %get3A_482 = arith.index_cast %add3A_481 : i32 to index
        %get3A_483 = arith.constant 32 : index
        %get3A_484 = tpu.vector_load %arg7[%get3A_482, %get3A_483] {strides = array<i32>} : memref<128x128xf32, #tpu.memory_space<vmem>>, vector<1x16xf32>,
        %get3A_485 = vector.shape_cast %get3A_484 : vector<1x16xf32> to vector<16xf32>
        %max3A_486 = arith.maximumf %max3A_477, %get3A_485 : vector<16xf32>
        %mul3A_487 = arith.constant 16 : i32
        %mul3A_488 = arith.muli %scan3A_91, %mul3A_487 : i32
        %add3A_489 = arith.constant 12 : i32
        %add3A_490 = arith.addi %mul3A_488, %add3A_489 : i32
        %get3A_491 = arith.index_cast %add3A_490 : i32 to index
        %get3A_492 = arith.constant 32 : index
        %get3A_493 = tpu.vector_load %arg7[%get3A_491, %get3A_492] {strides = array<i32>} : memref<128x128xf32, #tpu.memory_space<vmem>>, vector<1x16xf32>,
        %get3A_494 = vector.shape_cast %get3A_493 : vector<1x16xf32> to vector<16xf32>
        %max3A_495 = arith.maximumf %max3A_486, %get3A_494 : vector<16xf32>
        %mul3A_496 = arith.constant 16 : i32
        %mul3A_497 = arith.muli %scan3A_91, %mul3A_496 : i32
        %add3A_498 = arith.constant 13 : i32
        %add3A_499 = arith.addi %mul3A_497, %add3A_498 : i32
        %get3A_500 = arith.index_cast %add3A_499 : i32 to index
        %get3A_501 = arith.constant 32 : index
        %get3A_502 = tpu.vector_load %arg7[%get3A_500, %get3A_501] {strides = array<i32>} : memref<128x128xf32, #tpu.memory_space<vmem>>, vector<1x16xf32>,
        %get3A_503 = vector.shape_cast %get3A_502 : vector<1x16xf32> to vector<16xf32>
        %max3A_504 = arith.maximumf %max3A_495, %get3A_503 : vector<16xf32>
        %mul3A_505 = arith.constant 16 : i32
        %mul3A_506 = arith.muli %scan3A_91, %mul3A_505 : i32
        %add3A_507 = arith.constant 14 : i32
        %add3A_508 = arith.addi %mul3A_506, %add3A_507 : i32
        %get3A_509 = arith.index_cast %add3A_508 : i32 to index
        %get3A_510 = arith.constant 32 : index
        %get3A_511 = tpu.vector_load %arg7[%get3A_509, %get3A_510] {strides = array<i32>} : memref<128x128xf32, #tpu.memory_space<vmem>>, vector<1x16xf32>,
        %get3A_512 = vector.shape_cast %get3A_511 : vector<1x16xf32> to vector<16xf32>
        %max3A_513 = arith.maximumf %max3A_504, %get3A_512 : vector<16xf32>
        %mul3A_514 = arith.constant 16 : i32
        %mul3A_515 = arith.muli %scan3A_91, %mul3A_514 : i32
        %add3A_516 = arith.constant 15 : i32
        %add3A_517 = arith.addi %mul3A_515, %add3A_516 : i32
        %get3A_518 = arith.index_cast %add3A_517 : i32 to index
        %get3A_519 = arith.constant 32 : index
        %get3A_520 = tpu.vector_load %arg7[%get3A_518, %get3A_519] {strides = array<i32>} : memref<128x128xf32, #tpu.memory_space<vmem>>, vector<1x16xf32>,
        %get3A_521 = vector.shape_cast %get3A_520 : vector<1x16xf32> to vector<16xf32>
        %max3A_522 = arith.maximumf %max3A_513, %get3A_521 : vector<16xf32>
        %swap3A_523 = arith.index_cast %scan3A_91 : i32 to index
        %swap3A_524 = arith.constant 32 : index
        %swap3A_525 = tpu.vector_load %arg9[%swap3A_523, %swap3A_524] {strides = array<i32>} : memref<8x128xf32, #tpu.memory_space<vmem>>, vector<1x16xf32>,
        %swap3A_526 = vector.shape_cast %swap3A_525 : vector<1x16xf32> to vector<16xf32>
        %swap3A_527 = vector.shape_cast %max3A_522 : vector<16xf32> to vector<1x16xf32>
        tpu.vector_store %arg9[%swap3A_523, %swap3A_524], %swap3A_527 {strides = array<i32>} : memref<8x128xf32, #tpu.memory_space<vmem>>, vector<1x16xf32>,
        %mul3A_528 = arith.constant 16 : i32
        %mul3A_529 = arith.muli %scan3A_91, %mul3A_528 : i32
        %get3A_530 = arith.index_cast %mul3A_529 : i32 to index
        %get3A_531 = arith.constant 48 : index
        %get3A_532 = tpu.vector_load %arg7[%get3A_530, %get3A_531] {strides = array<i32>} : memref<128x128xf32, #tpu.memory_space<vmem>>, vector<1x16xf32>,
        %get3A_533 = vector.shape_cast %get3A_532 : vector<1x16xf32> to vector<16xf32>
        %mul3A_534 = arith.constant 16 : i32
        %mul3A_535 = arith.muli %scan3A_91, %mul3A_534 : i32
        %add3A_536 = arith.constant 1 : i32
        %add3A_537 = arith.addi %mul3A_535, %add3A_536 : i32
        %get3A_538 = arith.index_cast %add3A_537 : i32 to index
        %get3A_539 = arith.constant 48 : index
        %get3A_540 = tpu.vector_load %arg7[%get3A_538, %get3A_539] {strides = array<i32>} : memref<128x128xf32, #tpu.memory_space<vmem>>, vector<1x16xf32>,
        %get3A_541 = vector.shape_cast %get3A_540 : vector<1x16xf32> to vector<16xf32>
        %max3A_542 = arith.maximumf %get3A_533, %get3A_541 : vector<16xf32>
        %mul3A_543 = arith.constant 16 : i32
        %mul3A_544 = arith.muli %scan3A_91, %mul3A_543 : i32
        %add3A_545 = arith.constant 2 : i32
        %add3A_546 = arith.addi %mul3A_544, %add3A_545 : i32
        %get3A_547 = arith.index_cast %add3A_546 : i32 to index
        %get3A_548 = arith.constant 48 : index
        %get3A_549 = tpu.vector_load %arg7[%get3A_547, %get3A_548] {strides = array<i32>} : memref<128x128xf32, #tpu.memory_space<vmem>>, vector<1x16xf32>,
        %get3A_550 = vector.shape_cast %get3A_549 : vector<1x16xf32> to vector<16xf32>
        %max3A_551 = arith.maximumf %max3A_542, %get3A_550 : vector<16xf32>
        %mul3A_552 = arith.constant 16 : i32
        %mul3A_553 = arith.muli %scan3A_91, %mul3A_552 : i32
        %add3A_554 = arith.constant 3 : i32
        %add3A_555 = arith.addi %mul3A_553, %add3A_554 : i32
        %get3A_556 = arith.index_cast %add3A_555 : i32 to index
        %get3A_557 = arith.constant 48 : index
        %get3A_558 = tpu.vector_load %arg7[%get3A_556, %get3A_557] {strides = array<i32>} : memref<128x128xf32, #tpu.memory_space<vmem>>, vector<1x16xf32>,
        %get3A_559 = vector.shape_cast %get3A_558 : vector<1x16xf32> to vector<16xf32>
        %max3A_560 = arith.maximumf %max3A_551, %get3A_559 : vector<16xf32>
        %mul3A_561 = arith.constant 16 : i32
        %mul3A_562 = arith.muli %scan3A_91, %mul3A_561 : i32
        %add3A_563 = arith.constant 4 : i32
        %add3A_564 = arith.addi %mul3A_562, %add3A_563 : i32
        %get3A_565 = arith.index_cast %add3A_564 : i32 to index
        %get3A_566 = arith.constant 48 : index
        %get3A_567 = tpu.vector_load %arg7[%get3A_565, %get3A_566] {strides = array<i32>} : memref<128x128xf32, #tpu.memory_space<vmem>>, vector<1x16xf32>,
        %get3A_568 = vector.shape_cast %get3A_567 : vector<1x16xf32> to vector<16xf32>
        %max3A_569 = arith.maximumf %max3A_560, %get3A_568 : vector<16xf32>
        %mul3A_570 = arith.constant 16 : i32
        %mul3A_571 = arith.muli %scan3A_91, %mul3A_570 : i32
        %add3A_572 = arith.constant 5 : i32
        %add3A_573 = arith.addi %mul3A_571, %add3A_572 : i32
        %get3A_574 = arith.index_cast %add3A_573 : i32 to index
        %get3A_575 = arith.constant 48 : index
        %get3A_576 = tpu.vector_load %arg7[%get3A_574, %get3A_575] {strides = array<i32>} : memref<128x128xf32, #tpu.memory_space<vmem>>, vector<1x16xf32>,
        %get3A_577 = vector.shape_cast %get3A_576 : vector<1x16xf32> to vector<16xf32>
        %max3A_578 = arith.maximumf %max3A_569, %get3A_577 : vector<16xf32>
        %mul3A_579 = arith.constant 16 : i32
        %mul3A_580 = arith.muli %scan3A_91, %mul3A_579 : i32
        %add3A_581 = arith.constant 6 : i32
        %add3A_582 = arith.addi %mul3A_580, %add3A_581 : i32
        %get3A_583 = arith.index_cast %add3A_582 : i32 to index
        %get3A_584 = arith.constant 48 : index
        %get3A_585 = tpu.vector_load %arg7[%get3A_583, %get3A_584] {strides = array<i32>} : memref<128x128xf32, #tpu.memory_space<vmem>>, vector<1x16xf32>,
        %get3A_586 = vector.shape_cast %get3A_585 : vector<1x16xf32> to vector<16xf32>
        %max3A_587 = arith.maximumf %max3A_578, %get3A_586 : vector<16xf32>
        %mul3A_588 = arith.constant 16 : i32
        %mul3A_589 = arith.muli %scan3A_91, %mul3A_588 : i32
        %add3A_590 = arith.constant 7 : i32
        %add3A_591 = arith.addi %mul3A_589, %add3A_590 : i32
        %get3A_592 = arith.index_cast %add3A_591 : i32 to index
        %get3A_593 = arith.constant 48 : index
        %get3A_594 = tpu.vector_load %arg7[%get3A_592, %get3A_593] {strides = array<i32>} : memref<128x128xf32, #tpu.memory_space<vmem>>, vector<1x16xf32>,
        %get3A_595 = vector.shape_cast %get3A_594 : vector<1x16xf32> to vector<16xf32>
        %max3A_596 = arith.maximumf %max3A_587, %get3A_595 : vector<16xf32>
        %mul3A_597 = arith.constant 16 : i32
        %mul3A_598 = arith.muli %scan3A_91, %mul3A_597 : i32
        %add3A_599 = arith.constant 8 : i32
        %add3A_600 = arith.addi %mul3A_598, %add3A_599 : i32
        %get3A_601 = arith.index_cast %add3A_600 : i32 to index
        %get3A_602 = arith.constant 48 : index
        %get3A_603 = tpu.vector_load %arg7[%get3A_601, %get3A_602] {strides = array<i32>} : memref<128x128xf32, #tpu.memory_space<vmem>>, vector<1x16xf32>,
        %get3A_604 = vector.shape_cast %get3A_603 : vector<1x16xf32> to vector<16xf32>
        %max3A_605 = arith.maximumf %max3A_596, %get3A_604 : vector<16xf32>
        %mul3A_606 = arith.constant 16 : i32
        %mul3A_607 = arith.muli %scan3A_91, %mul3A_606 : i32
        %add3A_608 = arith.constant 9 : i32
        %add3A_609 = arith.addi %mul3A_607, %add3A_608 : i32
        %get3A_610 = arith.index_cast %add3A_609 : i32 to index
        %get3A_611 = arith.constant 48 : index
        %get3A_612 = tpu.vector_load %arg7[%get3A_610, %get3A_611] {strides = array<i32>} : memref<128x128xf32, #tpu.memory_space<vmem>>, vector<1x16xf32>,
        %get3A_613 = vector.shape_cast %get3A_612 : vector<1x16xf32> to vector<16xf32>
        %max3A_614 = arith.maximumf %max3A_605, %get3A_613 : vector<16xf32>
        %mul3A_615 = arith.constant 16 : i32
        %mul3A_616 = arith.muli %scan3A_91, %mul3A_615 : i32
        %add3A_617 = arith.constant 10 : i32
        %add3A_618 = arith.addi %mul3A_616, %add3A_617 : i32
        %get3A_619 = arith.index_cast %add3A_618 : i32 to index
        %get3A_620 = arith.constant 48 : index
        %get3A_621 = tpu.vector_load %arg7[%get3A_619, %get3A_620] {strides = array<i32>} : memref<128x128xf32, #tpu.memory_space<vmem>>, vector<1x16xf32>,
        %get3A_622 = vector.shape_cast %get3A_621 : vector<1x16xf32> to vector<16xf32>
        %max3A_623 = arith.maximumf %max3A_614, %get3A_622 : vector<16xf32>
        %mul3A_624 = arith.constant 16 : i32
        %mul3A_625 = arith.muli %scan3A_91, %mul3A_624 : i32
        %add3A_626 = arith.constant 11 : i32
        %add3A_627 = arith.addi %mul3A_625, %add3A_626 : i32
        %get3A_628 = arith.index_cast %add3A_627 : i32 to index
        %get3A_629 = arith.constant 48 : index
        %get3A_630 = tpu.vector_load %arg7[%get3A_628, %get3A_629] {strides = array<i32>} : memref<128x128xf32, #tpu.memory_space<vmem>>, vector<1x16xf32>,
        %get3A_631 = vector.shape_cast %get3A_630 : vector<1x16xf32> to vector<16xf32>
        %max3A_632 = arith.maximumf %max3A_623, %get3A_631 : vector<16xf32>
        %mul3A_633 = arith.constant 16 : i32
        %mul3A_634 = arith.muli %scan3A_91, %mul3A_633 : i32
        %add3A_635 = arith.constant 12 : i32
        %add3A_636 = arith.addi %mul3A_634, %add3A_635 : i32
        %get3A_637 = arith.index_cast %add3A_636 : i32 to index
        %get3A_638 = arith.constant 48 : index
        %get3A_639 = tpu.vector_load %arg7[%get3A_637, %get3A_638] {strides = array<i32>} : memref<128x128xf32, #tpu.memory_space<vmem>>, vector<1x16xf32>,
        %get3A_640 = vector.shape_cast %get3A_639 : vector<1x16xf32> to vector<16xf32>
        %max3A_641 = arith.maximumf %max3A_632, %get3A_640 : vector<16xf32>
        %mul3A_642 = arith.constant 16 : i32
        %mul3A_643 = arith.muli %scan3A_91, %mul3A_642 : i32
        %add3A_644 = arith.constant 13 : i32
        %add3A_645 = arith.addi %mul3A_643, %add3A_644 : i32
        %get3A_646 = arith.index_cast %add3A_645 : i32 to index
        %get3A_647 = arith.constant 48 : index
        %get3A_648 = tpu.vector_load %arg7[%get3A_646, %get3A_647] {strides = array<i32>} : memref<128x128xf32, #tpu.memory_space<vmem>>, vector<1x16xf32>,
        %get3A_649 = vector.shape_cast %get3A_648 : vector<1x16xf32> to vector<16xf32>
        %max3A_650 = arith.maximumf %max3A_641, %get3A_649 : vector<16xf32>
        %mul3A_651 = arith.constant 16 : i32
        %mul3A_652 = arith.muli %scan3A_91, %mul3A_651 : i32
        %add3A_653 = arith.constant 14 : i32
        %add3A_654 = arith.addi %mul3A_652, %add3A_653 : i32
        %get3A_655 = arith.index_cast %add3A_654 : i32 to index
        %get3A_656 = arith.constant 48 : index
        %get3A_657 = tpu.vector_load %arg7[%get3A_655, %get3A_656] {strides = array<i32>} : memref<128x128xf32, #tpu.memory_space<vmem>>, vector<1x16xf32>,
        %get3A_658 = vector.shape_cast %get3A_657 : vector<1x16xf32> to vector<16xf32>
        %max3A_659 = arith.maximumf %max3A_650, %get3A_658 : vector<16xf32>
        %mul3A_660 = arith.constant 16 : i32
        %mul3A_661 = arith.muli %scan3A_91, %mul3A_660 : i32
        %add3A_662 = arith.constant 15 : i32
        %add3A_663 = arith.addi %mul3A_661, %add3A_662 : i32
        %get3A_664 = arith.index_cast %add3A_663 : i32 to index
        %get3A_665 = arith.constant 48 : index
        %get3A_666 = tpu.vector_load %arg7[%get3A_664, %get3A_665] {strides = array<i32>} : memref<128x128xf32, #tpu.memory_space<vmem>>, vector<1x16xf32>,
        %get3A_667 = vector.shape_cast %get3A_666 : vector<1x16xf32> to vector<16xf32>
        %max3A_668 = arith.maximumf %max3A_659, %get3A_667 : vector<16xf32>
        %swap3A_669 = arith.index_cast %scan3A_91 : i32 to index
        %swap3A_670 = arith.constant 48 : index
        %swap3A_671 = tpu.vector_load %arg9[%swap3A_669, %swap3A_670] {strides = array<i32>} : memref<8x128xf32, #tpu.memory_space<vmem>>, vector<1x16xf32>,
        %swap3A_672 = vector.shape_cast %swap3A_671 : vector<1x16xf32> to vector<16xf32>
        %swap3A_673 = vector.shape_cast %max3A_668 : vector<16xf32> to vector<1x16xf32>
        tpu.vector_store %arg9[%swap3A_669, %swap3A_670], %swap3A_673 {strides = array<i32>} : memref<8x128xf32, #tpu.memory_space<vmem>>, vector<1x16xf32>,
        %mul3A_674 = arith.constant 16 : i32
        %mul3A_675 = arith.muli %scan3A_91, %mul3A_674 : i32
        %get3A_676 = arith.index_cast %mul3A_675 : i32 to index
        %get3A_677 = arith.constant 64 : index
        %get3A_678 = tpu.vector_load %arg7[%get3A_676, %get3A_677] {strides = array<i32>} : memref<128x128xf32, #tpu.memory_space<vmem>>, vector<1x16xf32>,
        %get3A_679 = vector.shape_cast %get3A_678 : vector<1x16xf32> to vector<16xf32>
        %mul3A_680 = arith.constant 16 : i32
        %mul3A_681 = arith.muli %scan3A_91, %mul3A_680 : i32
        %add3A_682 = arith.constant 1 : i32
        %add3A_683 = arith.addi %mul3A_681, %add3A_682 : i32
        %get3A_684 = arith.index_cast %add3A_683 : i32 to index
        %get3A_685 = arith.constant 64 : index
        %get3A_686 = tpu.vector_load %arg7[%get3A_684, %get3A_685] {strides = array<i32>} : memref<128x128xf32, #tpu.memory_space<vmem>>, vector<1x16xf32>,
        %get3A_687 = vector.shape_cast %get3A_686 : vector<1x16xf32> to vector<16xf32>
        %max3A_688 = arith.maximumf %get3A_679, %get3A_687 : vector<16xf32>
        %mul3A_689 = arith.constant 16 : i32
        %mul3A_690 = arith.muli %scan3A_91, %mul3A_689 : i32
        %add3A_691 = arith.constant 2 : i32
        %add3A_692 = arith.addi %mul3A_690, %add3A_691 : i32
        %get3A_693 = arith.index_cast %add3A_692 : i32 to index
        %get3A_694 = arith.constant 64 : index
        %get3A_695 = tpu.vector_load %arg7[%get3A_693, %get3A_694] {strides = array<i32>} : memref<128x128xf32, #tpu.memory_space<vmem>>, vector<1x16xf32>,
        %get3A_696 = vector.shape_cast %get3A_695 : vector<1x16xf32> to vector<16xf32>
        %max3A_697 = arith.maximumf %max3A_688, %get3A_696 : vector<16xf32>
        %mul3A_698 = arith.constant 16 : i32
        %mul3A_699 = arith.muli %scan3A_91, %mul3A_698 : i32
        %add3A_700 = arith.constant 3 : i32
        %add3A_701 = arith.addi %mul3A_699, %add3A_700 : i32
        %get3A_702 = arith.index_cast %add3A_701 : i32 to index
        %get3A_703 = arith.constant 64 : index
        %get3A_704 = tpu.vector_load %arg7[%get3A_702, %get3A_703] {strides = array<i32>} : memref<128x128xf32, #tpu.memory_space<vmem>>, vector<1x16xf32>,
        %get3A_705 = vector.shape_cast %get3A_704 : vector<1x16xf32> to vector<16xf32>
        %max3A_706 = arith.maximumf %max3A_697, %get3A_705 : vector<16xf32>
        %mul3A_707 = arith.constant 16 : i32
        %mul3A_708 = arith.muli %scan3A_91, %mul3A_707 : i32
        %add3A_709 = arith.constant 4 : i32
        %add3A_710 = arith.addi %mul3A_708, %add3A_709 : i32
        %get3A_711 = arith.index_cast %add3A_710 : i32 to index
        %get3A_712 = arith.constant 64 : index
        %get3A_713 = tpu.vector_load %arg7[%get3A_711, %get3A_712] {strides = array<i32>} : memref<128x128xf32, #tpu.memory_space<vmem>>, vector<1x16xf32>,
        %get3A_714 = vector.shape_cast %get3A_713 : vector<1x16xf32> to vector<16xf32>
        %max3A_715 = arith.maximumf %max3A_706, %get3A_714 : vector<16xf32>
        %mul3A_716 = arith.constant 16 : i32
        %mul3A_717 = arith.muli %scan3A_91, %mul3A_716 : i32
        %add3A_718 = arith.constant 5 : i32
        %add3A_719 = arith.addi %mul3A_717, %add3A_718 : i32
        %get3A_720 = arith.index_cast %add3A_719 : i32 to index
        %get3A_721 = arith.constant 64 : index
        %get3A_722 = tpu.vector_load %arg7[%get3A_720, %get3A_721] {strides = array<i32>} : memref<128x128xf32, #tpu.memory_space<vmem>>, vector<1x16xf32>,
        %get3A_723 = vector.shape_cast %get3A_722 : vector<1x16xf32> to vector<16xf32>
        %max3A_724 = arith.maximumf %max3A_715, %get3A_723 : vector<16xf32>
        %mul3A_725 = arith.constant 16 : i32
        %mul3A_726 = arith.muli %scan3A_91, %mul3A_725 : i32
        %add3A_727 = arith.constant 6 : i32
        %add3A_728 = arith.addi %mul3A_726, %add3A_727 : i32
        %get3A_729 = arith.index_cast %add3A_728 : i32 to index
        %get3A_730 = arith.constant 64 : index
        %get3A_731 = tpu.vector_load %arg7[%get3A_729, %get3A_730] {strides = array<i32>} : memref<128x128xf32, #tpu.memory_space<vmem>>, vector<1x16xf32>,
        %get3A_732 = vector.shape_cast %get3A_731 : vector<1x16xf32> to vector<16xf32>
        %max3A_733 = arith.maximumf %max3A_724, %get3A_732 : vector<16xf32>
        %mul3A_734 = arith.constant 16 : i32
        %mul3A_735 = arith.muli %scan3A_91, %mul3A_734 : i32
        %add3A_736 = arith.constant 7 : i32
        %add3A_737 = arith.addi %mul3A_735, %add3A_736 : i32
        %get3A_738 = arith.index_cast %add3A_737 : i32 to index
        %get3A_739 = arith.constant 64 : index
        %get3A_740 = tpu.vector_load %arg7[%get3A_738, %get3A_739] {strides = array<i32>} : memref<128x128xf32, #tpu.memory_space<vmem>>, vector<1x16xf32>,
        %get3A_741 = vector.shape_cast %get3A_740 : vector<1x16xf32> to vector<16xf32>
        %max3A_742 = arith.maximumf %max3A_733, %get3A_741 : vector<16xf32>
        %mul3A_743 = arith.constant 16 : i32
        %mul3A_744 = arith.muli %scan3A_91, %mul3A_743 : i32
        %add3A_745 = arith.constant 8 : i32
        %add3A_746 = arith.addi %mul3A_744, %add3A_745 : i32
        %get3A_747 = arith.index_cast %add3A_746 : i32 to index
        %get3A_748 = arith.constant 64 : index
        %get3A_749 = tpu.vector_load %arg7[%get3A_747, %get3A_748] {strides = array<i32>} : memref<128x128xf32, #tpu.memory_space<vmem>>, vector<1x16xf32>,
        %get3A_750 = vector.shape_cast %get3A_749 : vector<1x16xf32> to vector<16xf32>
        %max3A_751 = arith.maximumf %max3A_742, %get3A_750 : vector<16xf32>
        %mul3A_752 = arith.constant 16 : i32
        %mul3A_753 = arith.muli %scan3A_91, %mul3A_752 : i32
        %add3A_754 = arith.constant 9 : i32
        %add3A_755 = arith.addi %mul3A_753, %add3A_754 : i32
        %get3A_756 = arith.index_cast %add3A_755 : i32 to index
        %get3A_757 = arith.constant 64 : index
        %get3A_758 = tpu.vector_load %arg7[%get3A_756, %get3A_757] {strides = array<i32>} : memref<128x128xf32, #tpu.memory_space<vmem>>, vector<1x16xf32>,
        %get3A_759 = vector.shape_cast %get3A_758 : vector<1x16xf32> to vector<16xf32>
        %max3A_760 = arith.maximumf %max3A_751, %get3A_759 : vector<16xf32>
        %mul3A_761 = arith.constant 16 : i32
        %mul3A_762 = arith.muli %scan3A_91, %mul3A_761 : i32
        %add3A_763 = arith.constant 10 : i32
        %add3A_764 = arith.addi %mul3A_762, %add3A_763 : i32
        %get3A_765 = arith.index_cast %add3A_764 : i32 to index
        %get3A_766 = arith.constant 64 : index
        %get3A_767 = tpu.vector_load %arg7[%get3A_765, %get3A_766] {strides = array<i32>} : memref<128x128xf32, #tpu.memory_space<vmem>>, vector<1x16xf32>,
        %get3A_768 = vector.shape_cast %get3A_767 : vector<1x16xf32> to vector<16xf32>
        %max3A_769 = arith.maximumf %max3A_760, %get3A_768 : vector<16xf32>
        %mul3A_770 = arith.constant 16 : i32
        %mul3A_771 = arith.muli %scan3A_91, %mul3A_770 : i32
        %add3A_772 = arith.constant 11 : i32
        %add3A_773 = arith.addi %mul3A_771, %add3A_772 : i32
        %get3A_774 = arith.index_cast %add3A_773 : i32 to index
        %get3A_775 = arith.constant 64 : index
        %get3A_776 = tpu.vector_load %arg7[%get3A_774, %get3A_775] {strides = array<i32>} : memref<128x128xf32, #tpu.memory_space<vmem>>, vector<1x16xf32>,
        %get3A_777 = vector.shape_cast %get3A_776 : vector<1x16xf32> to vector<16xf32>
        %max3A_778 = arith.maximumf %max3A_769, %get3A_777 : vector<16xf32>
        %mul3A_779 = arith.constant 16 : i32
        %mul3A_780 = arith.muli %scan3A_91, %mul3A_779 : i32
        %add3A_781 = arith.constant 12 : i32
        %add3A_782 = arith.addi %mul3A_780, %add3A_781 : i32
        %get3A_783 = arith.index_cast %add3A_782 : i32 to index
        %get3A_784 = arith.constant 64 : index
        %get3A_785 = tpu.vector_load %arg7[%get3A_783, %get3A_784] {strides = array<i32>} : memref<128x128xf32, #tpu.memory_space<vmem>>, vector<1x16xf32>,
        %get3A_786 = vector.shape_cast %get3A_785 : vector<1x16xf32> to vector<16xf32>
        %max3A_787 = arith.maximumf %max3A_778, %get3A_786 : vector<16xf32>
        %mul3A_788 = arith.constant 16 : i32
        %mul3A_789 = arith.muli %scan3A_91, %mul3A_788 : i32
        %add3A_790 = arith.constant 13 : i32
        %add3A_791 = arith.addi %mul3A_789, %add3A_790 : i32
        %get3A_792 = arith.index_cast %add3A_791 : i32 to index
        %get3A_793 = arith.constant 64 : index
        %get3A_794 = tpu.vector_load %arg7[%get3A_792, %get3A_793] {strides = array<i32>} : memref<128x128xf32, #tpu.memory_space<vmem>>, vector<1x16xf32>,
        %get3A_795 = vector.shape_cast %get3A_794 : vector<1x16xf32> to vector<16xf32>
        %max3A_796 = arith.maximumf %max3A_787, %get3A_795 : vector<16xf32>
        %mul3A_797 = arith.constant 16 : i32
        %mul3A_798 = arith.muli %scan3A_91, %mul3A_797 : i32
        %add3A_799 = arith.constant 14 : i32
        %add3A_800 = arith.addi %mul3A_798, %add3A_799 : i32
        %get3A_801 = arith.index_cast %add3A_800 : i32 to index
        %get3A_802 = arith.constant 64 : index
        %get3A_803 = tpu.vector_load %arg7[%get3A_801, %get3A_802] {strides = array<i32>} : memref<128x128xf32, #tpu.memory_space<vmem>>, vector<1x16xf32>,
        %get3A_804 = vector.shape_cast %get3A_803 : vector<1x16xf32> to vector<16xf32>
        %max3A_805 = arith.maximumf %max3A_796, %get3A_804 : vector<16xf32>
        %mul3A_806 = arith.constant 16 : i32
        %mul3A_807 = arith.muli %scan3A_91, %mul3A_806 : i32
        %add3A_808 = arith.constant 15 : i32
        %add3A_809 = arith.addi %mul3A_807, %add3A_808 : i32
        %get3A_810 = arith.index_cast %add3A_809 : i32 to index
        %get3A_811 = arith.constant 64 : index
        %get3A_812 = tpu.vector_load %arg7[%get3A_810, %get3A_811] {strides = array<i32>} : memref<128x128xf32, #tpu.memory_space<vmem>>, vector<1x16xf32>,
        %get3A_813 = vector.shape_cast %get3A_812 : vector<1x16xf32> to vector<16xf32>
        %max3A_814 = arith.maximumf %max3A_805, %get3A_813 : vector<16xf32>
        %swap3A_815 = arith.index_cast %scan3A_91 : i32 to index
        %swap3A_816 = arith.constant 64 : index
        %swap3A_817 = tpu.vector_load %arg9[%swap3A_815, %swap3A_816] {strides = array<i32>} : memref<8x128xf32, #tpu.memory_space<vmem>>, vector<1x16xf32>,
        %swap3A_818 = vector.shape_cast %swap3A_817 : vector<1x16xf32> to vector<16xf32>
        %swap3A_819 = vector.shape_cast %max3A_814 : vector<16xf32> to vector<1x16xf32>
        tpu.vector_store %arg9[%swap3A_815, %swap3A_816], %swap3A_819 {strides = array<i32>} : memref<8x128xf32, #tpu.memory_space<vmem>>, vector<1x16xf32>,
        %mul3A_820 = arith.constant 16 : i32
        %mul3A_821 = arith.muli %scan3A_91, %mul3A_820 : i32
        %get3A_822 = arith.index_cast %mul3A_821 : i32 to index
        %get3A_823 = arith.constant 80 : index
        %get3A_824 = tpu.vector_load %arg7[%get3A_822, %get3A_823] {strides = array<i32>} : memref<128x128xf32, #tpu.memory_space<vmem>>, vector<1x16xf32>,
        %get3A_825 = vector.shape_cast %get3A_824 : vector<1x16xf32> to vector<16xf32>
        %mul3A_826 = arith.constant 16 : i32
        %mul3A_827 = arith.muli %scan3A_91, %mul3A_826 : i32
        %add3A_828 = arith.constant 1 : i32
        %add3A_829 = arith.addi %mul3A_827, %add3A_828 : i32
        %get3A_830 = arith.index_cast %add3A_829 : i32 to index
        %get3A_831 = arith.constant 80 : index
        %get3A_832 = tpu.vector_load %arg7[%get3A_830, %get3A_831] {strides = array<i32>} : memref<128x128xf32, #tpu.memory_space<vmem>>, vector<1x16xf32>,
        %get3A_833 = vector.shape_cast %get3A_832 : vector<1x16xf32> to vector<16xf32>
        %max3A_834 = arith.maximumf %get3A_825, %get3A_833 : vector<16xf32>
        %mul3A_835 = arith.constant 16 : i32
        %mul3A_836 = arith.muli %scan3A_91, %mul3A_835 : i32
        %add3A_837 = arith.constant 2 : i32
        %add3A_838 = arith.addi %mul3A_836, %add3A_837 : i32
        %get3A_839 = arith.index_cast %add3A_838 : i32 to index
        %get3A_840 = arith.constant 80 : index
        %get3A_841 = tpu.vector_load %arg7[%get3A_839, %get3A_840] {strides = array<i32>} : memref<128x128xf32, #tpu.memory_space<vmem>>, vector<1x16xf32>,
        %get3A_842 = vector.shape_cast %get3A_841 : vector<1x16xf32> to vector<16xf32>
        %max3A_843 = arith.maximumf %max3A_834, %get3A_842 : vector<16xf32>
        %mul3A_844 = arith.constant 16 : i32
        %mul3A_845 = arith.muli %scan3A_91, %mul3A_844 : i32
        %add3A_846 = arith.constant 3 : i32
        %add3A_847 = arith.addi %mul3A_845, %add3A_846 : i32
        %get3A_848 = arith.index_cast %add3A_847 : i32 to index
        %get3A_849 = arith.constant 80 : index
        %get3A_850 = tpu.vector_load %arg7[%get3A_848, %get3A_849] {strides = array<i32>} : memref<128x128xf32, #tpu.memory_space<vmem>>, vector<1x16xf32>,
        %get3A_851 = vector.shape_cast %get3A_850 : vector<1x16xf32> to vector<16xf32>
        %max3A_852 = arith.maximumf %max3A_843, %get3A_851 : vector<16xf32>
        %mul3A_853 = arith.constant 16 : i32
        %mul3A_854 = arith.muli %scan3A_91, %mul3A_853 : i32
        %add3A_855 = arith.constant 4 : i32
        %add3A_856 = arith.addi %mul3A_854, %add3A_855 : i32
        %get3A_857 = arith.index_cast %add3A_856 : i32 to index
        %get3A_858 = arith.constant 80 : index
        %get3A_859 = tpu.vector_load %arg7[%get3A_857, %get3A_858] {strides = array<i32>} : memref<128x128xf32, #tpu.memory_space<vmem>>, vector<1x16xf32>,
        %get3A_860 = vector.shape_cast %get3A_859 : vector<1x16xf32> to vector<16xf32>
        %max3A_861 = arith.maximumf %max3A_852, %get3A_860 : vector<16xf32>
        %mul3A_862 = arith.constant 16 : i32
        %mul3A_863 = arith.muli %scan3A_91, %mul3A_862 : i32
        %add3A_864 = arith.constant 5 : i32
        %add3A_865 = arith.addi %mul3A_863, %add3A_864 : i32
        %get3A_866 = arith.index_cast %add3A_865 : i32 to index
        %get3A_867 = arith.constant 80 : index
        %get3A_868 = tpu.vector_load %arg7[%get3A_866, %get3A_867] {strides = array<i32>} : memref<128x128xf32, #tpu.memory_space<vmem>>, vector<1x16xf32>,
        %get3A_869 = vector.shape_cast %get3A_868 : vector<1x16xf32> to vector<16xf32>
        %max3A_870 = arith.maximumf %max3A_861, %get3A_869 : vector<16xf32>
        %mul3A_871 = arith.constant 16 : i32
        %mul3A_872 = arith.muli %scan3A_91, %mul3A_871 : i32
        %add3A_873 = arith.constant 6 : i32
        %add3A_874 = arith.addi %mul3A_872, %add3A_873 : i32
        %get3A_875 = arith.index_cast %add3A_874 : i32 to index
        %get3A_876 = arith.constant 80 : index
        %get3A_877 = tpu.vector_load %arg7[%get3A_875, %get3A_876] {strides = array<i32>} : memref<128x128xf32, #tpu.memory_space<vmem>>, vector<1x16xf32>,
        %get3A_878 = vector.shape_cast %get3A_877 : vector<1x16xf32> to vector<16xf32>
        %max3A_879 = arith.maximumf %max3A_870, %get3A_878 : vector<16xf32>
        %mul3A_880 = arith.constant 16 : i32
        %mul3A_881 = arith.muli %scan3A_91, %mul3A_880 : i32
        %add3A_882 = arith.constant 7 : i32
        %add3A_883 = arith.addi %mul3A_881, %add3A_882 : i32
        %get3A_884 = arith.index_cast %add3A_883 : i32 to index
        %get3A_885 = arith.constant 80 : index
        %get3A_886 = tpu.vector_load %arg7[%get3A_884, %get3A_885] {strides = array<i32>} : memref<128x128xf32, #tpu.memory_space<vmem>>, vector<1x16xf32>,
        %get3A_887 = vector.shape_cast %get3A_886 : vector<1x16xf32> to vector<16xf32>
        %max3A_888 = arith.maximumf %max3A_879, %get3A_887 : vector<16xf32>
        %mul3A_889 = arith.constant 16 : i32
        %mul3A_890 = arith.muli %scan3A_91, %mul3A_889 : i32
        %add3A_891 = arith.constant 8 : i32
        %add3A_892 = arith.addi %mul3A_890, %add3A_891 : i32
        %get3A_893 = arith.index_cast %add3A_892 : i32 to index
        %get3A_894 = arith.constant 80 : index
        %get3A_895 = tpu.vector_load %arg7[%get3A_893, %get3A_894] {strides = array<i32>} : memref<128x128xf32, #tpu.memory_space<vmem>>, vector<1x16xf32>,
        %get3A_896 = vector.shape_cast %get3A_895 : vector<1x16xf32> to vector<16xf32>
        %max3A_897 = arith.maximumf %max3A_888, %get3A_896 : vector<16xf32>
        %mul3A_898 = arith.constant 16 : i32
        %mul3A_899 = arith.muli %scan3A_91, %mul3A_898 : i32
        %add3A_900 = arith.constant 9 : i32
        %add3A_901 = arith.addi %mul3A_899, %add3A_900 : i32
        %get3A_902 = arith.index_cast %add3A_901 : i32 to index
        %get3A_903 = arith.constant 80 : index
        %get3A_904 = tpu.vector_load %arg7[%get3A_902, %get3A_903] {strides = array<i32>} : memref<128x128xf32, #tpu.memory_space<vmem>>, vector<1x16xf32>,
        %get3A_905 = vector.shape_cast %get3A_904 : vector<1x16xf32> to vector<16xf32>
        %max3A_906 = arith.maximumf %max3A_897, %get3A_905 : vector<16xf32>
        %mul3A_907 = arith.constant 16 : i32
        %mul3A_908 = arith.muli %scan3A_91, %mul3A_907 : i32
        %add3A_909 = arith.constant 10 : i32
        %add3A_910 = arith.addi %mul3A_908, %add3A_909 : i32
        %get3A_911 = arith.index_cast %add3A_910 : i32 to index
        %get3A_912 = arith.constant 80 : index
        %get3A_913 = tpu.vector_load %arg7[%get3A_911, %get3A_912] {strides = array<i32>} : memref<128x128xf32, #tpu.memory_space<vmem>>, vector<1x16xf32>,
        %get3A_914 = vector.shape_cast %get3A_913 : vector<1x16xf32> to vector<16xf32>
        %max3A_915 = arith.maximumf %max3A_906, %get3A_914 : vector<16xf32>
        %mul3A_916 = arith.constant 16 : i32
        %mul3A_917 = arith.muli %scan3A_91, %mul3A_916 : i32
        %add3A_918 = arith.constant 11 : i32
        %add3A_919 = arith.addi %mul3A_917, %add3A_918 : i32
        %get3A_920 = arith.index_cast %add3A_919 : i32 to index
        %get3A_921 = arith.constant 80 : index
        %get3A_922 = tpu.vector_load %arg7[%get3A_920, %get3A_921] {strides = array<i32>} : memref<128x128xf32, #tpu.memory_space<vmem>>, vector<1x16xf32>,
        %get3A_923 = vector.shape_cast %get3A_922 : vector<1x16xf32> to vector<16xf32>
        %max3A_924 = arith.maximumf %max3A_915, %get3A_923 : vector<16xf32>
        %mul3A_925 = arith.constant 16 : i32
        %mul3A_926 = arith.muli %scan3A_91, %mul3A_925 : i32
        %add3A_927 = arith.constant 12 : i32
        %add3A_928 = arith.addi %mul3A_926, %add3A_927 : i32
        %get3A_929 = arith.index_cast %add3A_928 : i32 to index
        %get3A_930 = arith.constant 80 : index
        %get3A_931 = tpu.vector_load %arg7[%get3A_929, %get3A_930] {strides = array<i32>} : memref<128x128xf32, #tpu.memory_space<vmem>>, vector<1x16xf32>,
        %get3A_932 = vector.shape_cast %get3A_931 : vector<1x16xf32> to vector<16xf32>
        %max3A_933 = arith.maximumf %max3A_924, %get3A_932 : vector<16xf32>
        %mul3A_934 = arith.constant 16 : i32
        %mul3A_935 = arith.muli %scan3A_91, %mul3A_934 : i32
        %add3A_936 = arith.constant 13 : i32
        %add3A_937 = arith.addi %mul3A_935, %add3A_936 : i32
        %get3A_938 = arith.index_cast %add3A_937 : i32 to index
        %get3A_939 = arith.constant 80 : index
        %get3A_940 = tpu.vector_load %arg7[%get3A_938, %get3A_939] {strides = array<i32>} : memref<128x128xf32, #tpu.memory_space<vmem>>, vector<1x16xf32>,
        %get3A_941 = vector.shape_cast %get3A_940 : vector<1x16xf32> to vector<16xf32>
        %max3A_942 = arith.maximumf %max3A_933, %get3A_941 : vector<16xf32>
        %mul3A_943 = arith.constant 16 : i32
        %mul3A_944 = arith.muli %scan3A_91, %mul3A_943 : i32
        %add3A_945 = arith.constant 14 : i32
        %add3A_946 = arith.addi %mul3A_944, %add3A_945 : i32
        %get3A_947 = arith.index_cast %add3A_946 : i32 to index
        %get3A_948 = arith.constant 80 : index
        %get3A_949 = tpu.vector_load %arg7[%get3A_947, %get3A_948] {strides = array<i32>} : memref<128x128xf32, #tpu.memory_space<vmem>>, vector<1x16xf32>,
        %get3A_950 = vector.shape_cast %get3A_949 : vector<1x16xf32> to vector<16xf32>
        %max3A_951 = arith.maximumf %max3A_942, %get3A_950 : vector<16xf32>
        %mul3A_952 = arith.constant 16 : i32
        %mul3A_953 = arith.muli %scan3A_91, %mul3A_952 : i32
        %add3A_954 = arith.constant 15 : i32
        %add3A_955 = arith.addi %mul3A_953, %add3A_954 : i32
        %get3A_956 = arith.index_cast %add3A_955 : i32 to index
        %get3A_957 = arith.constant 80 : index
        %get3A_958 = tpu.vector_load %arg7[%get3A_956, %get3A_957] {strides = array<i32>} : memref<128x128xf32, #tpu.memory_space<vmem>>, vector<1x16xf32>,
        %get3A_959 = vector.shape_cast %get3A_958 : vector<1x16xf32> to vector<16xf32>
        %max3A_960 = arith.maximumf %max3A_951, %get3A_959 : vector<16xf32>
        %swap3A_961 = arith.index_cast %scan3A_91 : i32 to index
        %swap3A_962 = arith.constant 80 : index
        %swap3A_963 = tpu.vector_load %arg9[%swap3A_961, %swap3A_962] {strides = array<i32>} : memref<8x128xf32, #tpu.memory_space<vmem>>, vector<1x16xf32>,
        %swap3A_964 = vector.shape_cast %swap3A_963 : vector<1x16xf32> to vector<16xf32>
        %swap3A_965 = vector.shape_cast %max3A_960 : vector<16xf32> to vector<1x16xf32>
        tpu.vector_store %arg9[%swap3A_961, %swap3A_962], %swap3A_965 {strides = array<i32>} : memref<8x128xf32, #tpu.memory_space<vmem>>, vector<1x16xf32>,
        %mul3A_966 = arith.constant 16 : i32
        %mul3A_967 = arith.muli %scan3A_91, %mul3A_966 : i32
        %get3A_968 = arith.index_cast %mul3A_967 : i32 to index
        %get3A_969 = arith.constant 96 : index
        %get3A_970 = tpu.vector_load %arg7[%get3A_968, %get3A_969] {strides = array<i32>} : memref<128x128xf32, #tpu.memory_space<vmem>>, vector<1x16xf32>,
        %get3A_971 = vector.shape_cast %get3A_970 : vector<1x16xf32> to vector<16xf32>
        %mul3A_972 = arith.constant 16 : i32
        %mul3A_973 = arith.muli %scan3A_91, %mul3A_972 : i32
        %add3A_974 = arith.constant 1 : i32
        %add3A_975 = arith.addi %mul3A_973, %add3A_974 : i32
        %get3A_976 = arith.index_cast %add3A_975 : i32 to index
        %get3A_977 = arith.constant 96 : index
        %get3A_978 = tpu.vector_load %arg7[%get3A_976, %get3A_977] {strides = array<i32>} : memref<128x128xf32, #tpu.memory_space<vmem>>, vector<1x16xf32>,
        %get3A_979 = vector.shape_cast %get3A_978 : vector<1x16xf32> to vector<16xf32>
        %max3A_980 = arith.maximumf %get3A_971, %get3A_979 : vector<16xf32>
        %mul3A_981 = arith.constant 16 : i32
        %mul3A_982 = arith.muli %scan3A_91, %mul3A_981 : i32
        %add3A_983 = arith.constant 2 : i32
        %add3A_984 = arith.addi %mul3A_982, %add3A_983 : i32
        %get3A_985 = arith.index_cast %add3A_984 : i32 to index
        %get3A_986 = arith.constant 96 : index
        %get3A_987 = tpu.vector_load %arg7[%get3A_985, %get3A_986] {strides = array<i32>} : memref<128x128xf32, #tpu.memory_space<vmem>>, vector<1x16xf32>,
        %get3A_988 = vector.shape_cast %get3A_987 : vector<1x16xf32> to vector<16xf32>
        %max3A_989 = arith.maximumf %max3A_980, %get3A_988 : vector<16xf32>
        %mul3A_990 = arith.constant 16 : i32
        %mul3A_991 = arith.muli %scan3A_91, %mul3A_990 : i32
        %add3A_992 = arith.constant 3 : i32
        %add3A_993 = arith.addi %mul3A_991, %add3A_992 : i32
        %get3A_994 = arith.index_cast %add3A_993 : i32 to index
        %get3A_995 = arith.constant 96 : index
        %get3A_996 = tpu.vector_load %arg7[%get3A_994, %get3A_995] {strides = array<i32>} : memref<128x128xf32, #tpu.memory_space<vmem>>, vector<1x16xf32>,
        %get3A_997 = vector.shape_cast %get3A_996 : vector<1x16xf32> to vector<16xf32>
        %max3A_998 = arith.maximumf %max3A_989, %get3A_997 : vector<16xf32>
        %mul3A_999 = arith.constant 16 : i32
        %mul3A_1000 = arith.muli %scan3A_91, %mul3A_999 : i32
        %add3A_1001 = arith.constant 4 : i32
        %add3A_1002 = arith.addi %mul3A_1000, %add3A_1001 : i32
        %get3A_1003 = arith.index_cast %add3A_1002 : i32 to index
        %get3A_1004 = arith.constant 96 : index
        %get3A_1005 = tpu.vector_load %arg7[%get3A_1003, %get3A_1004] {strides = array<i32>} : memref<128x128xf32, #tpu.memory_space<vmem>>, vector<1x16xf32>,
        %get3A_1006 = vector.shape_cast %get3A_1005 : vector<1x16xf32> to vector<16xf32>
        %max3A_1007 = arith.maximumf %max3A_998, %get3A_1006 : vector<16xf32>
        %mul3A_1008 = arith.constant 16 : i32
        %mul3A_1009 = arith.muli %scan3A_91, %mul3A_1008 : i32
        %add3A_1010 = arith.constant 5 : i32
        %add3A_1011 = arith.addi %mul3A_1009, %add3A_1010 : i32
        %get3A_1012 = arith.index_cast %add3A_1011 : i32 to index
        %get3A_1013 = arith.constant 96 : index
        %get3A_1014 = tpu.vector_load %arg7[%get3A_1012, %get3A_1013] {strides = array<i32>} : memref<128x128xf32, #tpu.memory_space<vmem>>, vector<1x16xf32>,
        %get3A_1015 = vector.shape_cast %get3A_1014 : vector<1x16xf32> to vector<16xf32>
        %max3A_1016 = arith.maximumf %max3A_1007, %get3A_1015 : vector<16xf32>
        %mul3A_1017 = arith.constant 16 : i32
        %mul3A_1018 = arith.muli %scan3A_91, %mul3A_1017 : i32
        %add3A_1019 = arith.constant 6 : i32
        %add3A_1020 = arith.addi %mul3A_1018, %add3A_1019 : i32
        %get3A_1021 = arith.index_cast %add3A_1020 : i32 to index
        %get3A_1022 = arith.constant 96 : index
        %get3A_1023 = tpu.vector_load %arg7[%get3A_1021, %get3A_1022] {strides = array<i32>} : memref<128x128xf32, #tpu.memory_space<vmem>>, vector<1x16xf32>,
        %get3A_1024 = vector.shape_cast %get3A_1023 : vector<1x16xf32> to vector<16xf32>
        %max3A_1025 = arith.maximumf %max3A_1016, %get3A_1024 : vector<16xf32>
        %mul3A_1026 = arith.constant 16 : i32
        %mul3A_1027 = arith.muli %scan3A_91, %mul3A_1026 : i32
        %add3A_1028 = arith.constant 7 : i32
        %add3A_1029 = arith.addi %mul3A_1027, %add3A_1028 : i32
        %get3A_1030 = arith.index_cast %add3A_1029 : i32 to index
        %get3A_1031 = arith.constant 96 : index
        %get3A_1032 = tpu.vector_load %arg7[%get3A_1030, %get3A_1031] {strides = array<i32>} : memref<128x128xf32, #tpu.memory_space<vmem>>, vector<1x16xf32>,
        %get3A_1033 = vector.shape_cast %get3A_1032 : vector<1x16xf32> to vector<16xf32>
        %max3A_1034 = arith.maximumf %max3A_1025, %get3A_1033 : vector<16xf32>
        %mul3A_1035 = arith.constant 16 : i32
        %mul3A_1036 = arith.muli %scan3A_91, %mul3A_1035 : i32
        %add3A_1037 = arith.constant 8 : i32
        %add3A_1038 = arith.addi %mul3A_1036, %add3A_1037 : i32
        %get3A_1039 = arith.index_cast %add3A_1038 : i32 to index
        %get3A_1040 = arith.constant 96 : index
        %get3A_1041 = tpu.vector_load %arg7[%get3A_1039, %get3A_1040] {strides = array<i32>} : memref<128x128xf32, #tpu.memory_space<vmem>>, vector<1x16xf32>,
        %get3A_1042 = vector.shape_cast %get3A_1041 : vector<1x16xf32> to vector<16xf32>
        %max3A_1043 = arith.maximumf %max3A_1034, %get3A_1042 : vector<16xf32>
        %mul3A_1044 = arith.constant 16 : i32
        %mul3A_1045 = arith.muli %scan3A_91, %mul3A_1044 : i32
        %add3A_1046 = arith.constant 9 : i32
        %add3A_1047 = arith.addi %mul3A_1045, %add3A_1046 : i32
        %get3A_1048 = arith.index_cast %add3A_1047 : i32 to index
        %get3A_1049 = arith.constant 96 : index
        %get3A_1050 = tpu.vector_load %arg7[%get3A_1048, %get3A_1049] {strides = array<i32>} : memref<128x128xf32, #tpu.memory_space<vmem>>, vector<1x16xf32>,
        %get3A_1051 = vector.shape_cast %get3A_1050 : vector<1x16xf32> to vector<16xf32>
        %max3A_1052 = arith.maximumf %max3A_1043, %get3A_1051 : vector<16xf32>
        %mul3A_1053 = arith.constant 16 : i32
        %mul3A_1054 = arith.muli %scan3A_91, %mul3A_1053 : i32
        %add3A_1055 = arith.constant 10 : i32
        %add3A_1056 = arith.addi %mul3A_1054, %add3A_1055 : i32
        %get3A_1057 = arith.index_cast %add3A_1056 : i32 to index
        %get3A_1058 = arith.constant 96 : index
        %get3A_1059 = tpu.vector_load %arg7[%get3A_1057, %get3A_1058] {strides = array<i32>} : memref<128x128xf32, #tpu.memory_space<vmem>>, vector<1x16xf32>,
        %get3A_1060 = vector.shape_cast %get3A_1059 : vector<1x16xf32> to vector<16xf32>
        %max3A_1061 = arith.maximumf %max3A_1052, %get3A_1060 : vector<16xf32>
        %mul3A_1062 = arith.constant 16 : i32
        %mul3A_1063 = arith.muli %scan3A_91, %mul3A_1062 : i32
        %add3A_1064 = arith.constant 11 : i32
        %add3A_1065 = arith.addi %mul3A_1063, %add3A_1064 : i32
        %get3A_1066 = arith.index_cast %add3A_1065 : i32 to index
        %get3A_1067 = arith.constant 96 : index
        %get3A_1068 = tpu.vector_load %arg7[%get3A_1066, %get3A_1067] {strides = array<i32>} : memref<128x128xf32, #tpu.memory_space<vmem>>, vector<1x16xf32>,
        %get3A_1069 = vector.shape_cast %get3A_1068 : vector<1x16xf32> to vector<16xf32>
        %max3A_1070 = arith.maximumf %max3A_1061, %get3A_1069 : vector<16xf32>
        %mul3A_1071 = arith.constant 16 : i32
        %mul3A_1072 = arith.muli %scan3A_91, %mul3A_1071 : i32
        %add3A_1073 = arith.constant 12 : i32
        %add3A_1074 = arith.addi %mul3A_1072, %add3A_1073 : i32
        %get3A_1075 = arith.index_cast %add3A_1074 : i32 to index
        %get3A_1076 = arith.constant 96 : index
        %get3A_1077 = tpu.vector_load %arg7[%get3A_1075, %get3A_1076] {strides = array<i32>} : memref<128x128xf32, #tpu.memory_space<vmem>>, vector<1x16xf32>,
        %get3A_1078 = vector.shape_cast %get3A_1077 : vector<1x16xf32> to vector<16xf32>
        %max3A_1079 = arith.maximumf %max3A_1070, %get3A_1078 : vector<16xf32>
        %mul3A_1080 = arith.constant 16 : i32
        %mul3A_1081 = arith.muli %scan3A_91, %mul3A_1080 : i32
        %add3A_1082 = arith.constant 13 : i32
        %add3A_1083 = arith.addi %mul3A_1081, %add3A_1082 : i32
        %get3A_1084 = arith.index_cast %add3A_1083 : i32 to index
        %get3A_1085 = arith.constant 96 : index
        %get3A_1086 = tpu.vector_load %arg7[%get3A_1084, %get3A_1085] {strides = array<i32>} : memref<128x128xf32, #tpu.memory_space<vmem>>, vector<1x16xf32>,
        %get3A_1087 = vector.shape_cast %get3A_1086 : vector<1x16xf32> to vector<16xf32>
        %max3A_1088 = arith.maximumf %max3A_1079, %get3A_1087 : vector<16xf32>
        %mul3A_1089 = arith.constant 16 : i32
        %mul3A_1090 = arith.muli %scan3A_91, %mul3A_1089 : i32
        %add3A_1091 = arith.constant 14 : i32
        %add3A_1092 = arith.addi %mul3A_1090, %add3A_1091 : i32
        %get3A_1093 = arith.index_cast %add3A_1092 : i32 to index
        %get3A_1094 = arith.constant 96 : index
        %get3A_1095 = tpu.vector_load %arg7[%get3A_1093, %get3A_1094] {strides = array<i32>} : memref<128x128xf32, #tpu.memory_space<vmem>>, vector<1x16xf32>,
        %get3A_1096 = vector.shape_cast %get3A_1095 : vector<1x16xf32> to vector<16xf32>
        %max3A_1097 = arith.maximumf %max3A_1088, %get3A_1096 : vector<16xf32>
        %mul3A_1098 = arith.constant 16 : i32
        %mul3A_1099 = arith.muli %scan3A_91, %mul3A_1098 : i32
        %add3A_1100 = arith.constant 15 : i32
        %add3A_1101 = arith.addi %mul3A_1099, %add3A_1100 : i32
        %get3A_1102 = arith.index_cast %add3A_1101 : i32 to index
        %get3A_1103 = arith.constant 96 : index
        %get3A_1104 = tpu.vector_load %arg7[%get3A_1102, %get3A_1103] {strides = array<i32>} : memref<128x128xf32, #tpu.memory_space<vmem>>, vector<1x16xf32>,
        %get3A_1105 = vector.shape_cast %get3A_1104 : vector<1x16xf32> to vector<16xf32>
        %max3A_1106 = arith.maximumf %max3A_1097, %get3A_1105 : vector<16xf32>
        %swap3A_1107 = arith.index_cast %scan3A_91 : i32 to index
        %swap3A_1108 = arith.constant 96 : index
        %swap3A_1109 = tpu.vector_load %arg9[%swap3A_1107, %swap3A_1108] {strides = array<i32>} : memref<8x128xf32, #tpu.memory_space<vmem>>, vector<1x16xf32>,
        %swap3A_1110 = vector.shape_cast %swap3A_1109 : vector<1x16xf32> to vector<16xf32>
        %swap3A_1111 = vector.shape_cast %max3A_1106 : vector<16xf32> to vector<1x16xf32>
        tpu.vector_store %arg9[%swap3A_1107, %swap3A_1108], %swap3A_1111 {strides = array<i32>} : memref<8x128xf32, #tpu.memory_space<vmem>>, vector<1x16xf32>,
        %mul3A_1112 = arith.constant 16 : i32
        %mul3A_1113 = arith.muli %scan3A_91, %mul3A_1112 : i32
        %get3A_1114 = arith.index_cast %mul3A_1113 : i32 to index
        %get3A_1115 = arith.constant 112 : index
        %get3A_1116 = tpu.vector_load %arg7[%get3A_1114, %get3A_1115] {strides = array<i32>} : memref<128x128xf32, #tpu.memory_space<vmem>>, vector<1x16xf32>,
        %get3A_1117 = vector.shape_cast %get3A_1116 : vector<1x16xf32> to vector<16xf32>
        %mul3A_1118 = arith.constant 16 : i32
        %mul3A_1119 = arith.muli %scan3A_91, %mul3A_1118 : i32
        %add3A_1120 = arith.constant 1 : i32
        %add3A_1121 = arith.addi %mul3A_1119, %add3A_1120 : i32
        %get3A_1122 = arith.index_cast %add3A_1121 : i32 to index
        %get3A_1123 = arith.constant 112 : index
        %get3A_1124 = tpu.vector_load %arg7[%get3A_1122, %get3A_1123] {strides = array<i32>} : memref<128x128xf32, #tpu.memory_space<vmem>>, vector<1x16xf32>,
        %get3A_1125 = vector.shape_cast %get3A_1124 : vector<1x16xf32> to vector<16xf32>
        %max3A_1126 = arith.maximumf %get3A_1117, %get3A_1125 : vector<16xf32>
        %mul3A_1127 = arith.constant 16 : i32
        %mul3A_1128 = arith.muli %scan3A_91, %mul3A_1127 : i32
        %add3A_1129 = arith.constant 2 : i32
        %add3A_1130 = arith.addi %mul3A_1128, %add3A_1129 : i32
        %get3A_1131 = arith.index_cast %add3A_1130 : i32 to index
        %get3A_1132 = arith.constant 112 : index
        %get3A_1133 = tpu.vector_load %arg7[%get3A_1131, %get3A_1132] {strides = array<i32>} : memref<128x128xf32, #tpu.memory_space<vmem>>, vector<1x16xf32>,
        %get3A_1134 = vector.shape_cast %get3A_1133 : vector<1x16xf32> to vector<16xf32>
        %max3A_1135 = arith.maximumf %max3A_1126, %get3A_1134 : vector<16xf32>
        %mul3A_1136 = arith.constant 16 : i32
        %mul3A_1137 = arith.muli %scan3A_91, %mul3A_1136 : i32
        %add3A_1138 = arith.constant 3 : i32
        %add3A_1139 = arith.addi %mul3A_1137, %add3A_1138 : i32
        %get3A_1140 = arith.index_cast %add3A_1139 : i32 to index
        %get3A_1141 = arith.constant 112 : index
        %get3A_1142 = tpu.vector_load %arg7[%get3A_1140, %get3A_1141] {strides = array<i32>} : memref<128x128xf32, #tpu.memory_space<vmem>>, vector<1x16xf32>,
        %get3A_1143 = vector.shape_cast %get3A_1142 : vector<1x16xf32> to vector<16xf32>
        %max3A_1144 = arith.maximumf %max3A_1135, %get3A_1143 : vector<16xf32>
        %mul3A_1145 = arith.constant 16 : i32
        %mul3A_1146 = arith.muli %scan3A_91, %mul3A_1145 : i32
        %add3A_1147 = arith.constant 4 : i32
        %add3A_1148 = arith.addi %mul3A_1146, %add3A_1147 : i32
        %get3A_1149 = arith.index_cast %add3A_1148 : i32 to index
        %get3A_1150 = arith.constant 112 : index
        %get3A_1151 = tpu.vector_load %arg7[%get3A_1149, %get3A_1150] {strides = array<i32>} : memref<128x128xf32, #tpu.memory_space<vmem>>, vector<1x16xf32>,
        %get3A_1152 = vector.shape_cast %get3A_1151 : vector<1x16xf32> to vector<16xf32>
        %max3A_1153 = arith.maximumf %max3A_1144, %get3A_1152 : vector<16xf32>
        %mul3A_1154 = arith.constant 16 : i32
        %mul3A_1155 = arith.muli %scan3A_91, %mul3A_1154 : i32
        %add3A_1156 = arith.constant 5 : i32
        %add3A_1157 = arith.addi %mul3A_1155, %add3A_1156 : i32
        %get3A_1158 = arith.index_cast %add3A_1157 : i32 to index
        %get3A_1159 = arith.constant 112 : index
        %get3A_1160 = tpu.vector_load %arg7[%get3A_1158, %get3A_1159] {strides = array<i32>} : memref<128x128xf32, #tpu.memory_space<vmem>>, vector<1x16xf32>,
        %get3A_1161 = vector.shape_cast %get3A_1160 : vector<1x16xf32> to vector<16xf32>
        %max3A_1162 = arith.maximumf %max3A_1153, %get3A_1161 : vector<16xf32>
        %mul3A_1163 = arith.constant 16 : i32
        %mul3A_1164 = arith.muli %scan3A_91, %mul3A_1163 : i32
        %add3A_1165 = arith.constant 6 : i32
        %add3A_1166 = arith.addi %mul3A_1164, %add3A_1165 : i32
        %get3A_1167 = arith.index_cast %add3A_1166 : i32 to index
        %get3A_1168 = arith.constant 112 : index
        %get3A_1169 = tpu.vector_load %arg7[%get3A_1167, %get3A_1168] {strides = array<i32>} : memref<128x128xf32, #tpu.memory_space<vmem>>, vector<1x16xf32>,
        %get3A_1170 = vector.shape_cast %get3A_1169 : vector<1x16xf32> to vector<16xf32>
        %max3A_1171 = arith.maximumf %max3A_1162, %get3A_1170 : vector<16xf32>
        %mul3A_1172 = arith.constant 16 : i32
        %mul3A_1173 = arith.muli %scan3A_91, %mul3A_1172 : i32
        %add3A_1174 = arith.constant 7 : i32
        %add3A_1175 = arith.addi %mul3A_1173, %add3A_1174 : i32
        %get3A_1176 = arith.index_cast %add3A_1175 : i32 to index
        %get3A_1177 = arith.constant 112 : index
        %get3A_1178 = tpu.vector_load %arg7[%get3A_1176, %get3A_1177] {strides = array<i32>} : memref<128x128xf32, #tpu.memory_space<vmem>>, vector<1x16xf32>,
        %get3A_1179 = vector.shape_cast %get3A_1178 : vector<1x16xf32> to vector<16xf32>
        %max3A_1180 = arith.maximumf %max3A_1171, %get3A_1179 : vector<16xf32>
        %mul3A_1181 = arith.constant 16 : i32
        %mul3A_1182 = arith.muli %scan3A_91, %mul3A_1181 : i32
        %add3A_1183 = arith.constant 8 : i32
        %add3A_1184 = arith.addi %mul3A_1182, %add3A_1183 : i32
        %get3A_1185 = arith.index_cast %add3A_1184 : i32 to index
        %get3A_1186 = arith.constant 112 : index
        %get3A_1187 = tpu.vector_load %arg7[%get3A_1185, %get3A_1186] {strides = array<i32>} : memref<128x128xf32, #tpu.memory_space<vmem>>, vector<1x16xf32>,
        %get3A_1188 = vector.shape_cast %get3A_1187 : vector<1x16xf32> to vector<16xf32>
        %max3A_1189 = arith.maximumf %max3A_1180, %get3A_1188 : vector<16xf32>
        %mul3A_1190 = arith.constant 16 : i32
        %mul3A_1191 = arith.muli %scan3A_91, %mul3A_1190 : i32
        %add3A_1192 = arith.constant 9 : i32
        %add3A_1193 = arith.addi %mul3A_1191, %add3A_1192 : i32
        %get3A_1194 = arith.index_cast %add3A_1193 : i32 to index
        %get3A_1195 = arith.constant 112 : index
        %get3A_1196 = tpu.vector_load %arg7[%get3A_1194, %get3A_1195] {strides = array<i32>} : memref<128x128xf32, #tpu.memory_space<vmem>>, vector<1x16xf32>,
        %get3A_1197 = vector.shape_cast %get3A_1196 : vector<1x16xf32> to vector<16xf32>
        %max3A_1198 = arith.maximumf %max3A_1189, %get3A_1197 : vector<16xf32>
        %mul3A_1199 = arith.constant 16 : i32
        %mul3A_1200 = arith.muli %scan3A_91, %mul3A_1199 : i32
        %add3A_1201 = arith.constant 10 : i32
        %add3A_1202 = arith.addi %mul3A_1200, %add3A_1201 : i32
        %get3A_1203 = arith.index_cast %add3A_1202 : i32 to index
        %get3A_1204 = arith.constant 112 : index
        %get3A_1205 = tpu.vector_load %arg7[%get3A_1203, %get3A_1204] {strides = array<i32>} : memref<128x128xf32, #tpu.memory_space<vmem>>, vector<1x16xf32>,
        %get3A_1206 = vector.shape_cast %get3A_1205 : vector<1x16xf32> to vector<16xf32>
        %max3A_1207 = arith.maximumf %max3A_1198, %get3A_1206 : vector<16xf32>
        %mul3A_1208 = arith.constant 16 : i32
        %mul3A_1209 = arith.muli %scan3A_91, %mul3A_1208 : i32
        %add3A_1210 = arith.constant 11 : i32
        %add3A_1211 = arith.addi %mul3A_1209, %add3A_1210 : i32
        %get3A_1212 = arith.index_cast %add3A_1211 : i32 to index
        %get3A_1213 = arith.constant 112 : index
        %get3A_1214 = tpu.vector_load %arg7[%get3A_1212, %get3A_1213] {strides = array<i32>} : memref<128x128xf32, #tpu.memory_space<vmem>>, vector<1x16xf32>,
        %get3A_1215 = vector.shape_cast %get3A_1214 : vector<1x16xf32> to vector<16xf32>
        %max3A_1216 = arith.maximumf %max3A_1207, %get3A_1215 : vector<16xf32>
        %mul3A_1217 = arith.constant 16 : i32
        %mul3A_1218 = arith.muli %scan3A_91, %mul3A_1217 : i32
        %add3A_1219 = arith.constant 12 : i32
        %add3A_1220 = arith.addi %mul3A_1218, %add3A_1219 : i32
        %get3A_1221 = arith.index_cast %add3A_1220 : i32 to index
        %get3A_1222 = arith.constant 112 : index
        %get3A_1223 = tpu.vector_load %arg7[%get3A_1221, %get3A_1222] {strides = array<i32>} : memref<128x128xf32, #tpu.memory_space<vmem>>, vector<1x16xf32>,
        %get3A_1224 = vector.shape_cast %get3A_1223 : vector<1x16xf32> to vector<16xf32>
        %max3A_1225 = arith.maximumf %max3A_1216, %get3A_1224 : vector<16xf32>
        %mul3A_1226 = arith.constant 16 : i32
        %mul3A_1227 = arith.muli %scan3A_91, %mul3A_1226 : i32
        %add3A_1228 = arith.constant 13 : i32
        %add3A_1229 = arith.addi %mul3A_1227, %add3A_1228 : i32
        %get3A_1230 = arith.index_cast %add3A_1229 : i32 to index
        %get3A_1231 = arith.constant 112 : index
        %get3A_1232 = tpu.vector_load %arg7[%get3A_1230, %get3A_1231] {strides = array<i32>} : memref<128x128xf32, #tpu.memory_space<vmem>>, vector<1x16xf32>,
        %get3A_1233 = vector.shape_cast %get3A_1232 : vector<1x16xf32> to vector<16xf32>
        %max3A_1234 = arith.maximumf %max3A_1225, %get3A_1233 : vector<16xf32>
        %mul3A_1235 = arith.constant 16 : i32
        %mul3A_1236 = arith.muli %scan3A_91, %mul3A_1235 : i32
        %add3A_1237 = arith.constant 14 : i32
        %add3A_1238 = arith.addi %mul3A_1236, %add3A_1237 : i32
        %get3A_1239 = arith.index_cast %add3A_1238 : i32 to index
        %get3A_1240 = arith.constant 112 : index
        %get3A_1241 = tpu.vector_load %arg7[%get3A_1239, %get3A_1240] {strides = array<i32>} : memref<128x128xf32, #tpu.memory_space<vmem>>, vector<1x16xf32>,
        %get3A_1242 = vector.shape_cast %get3A_1241 : vector<1x16xf32> to vector<16xf32>
        %max3A_1243 = arith.maximumf %max3A_1234, %get3A_1242 : vector<16xf32>
        %mul3A_1244 = arith.constant 16 : i32
        %mul3A_1245 = arith.muli %scan3A_91, %mul3A_1244 : i32
        %add3A_1246 = arith.constant 15 : i32
        %add3A_1247 = arith.addi %mul3A_1245, %add3A_1246 : i32
        %get3A_1248 = arith.index_cast %add3A_1247 : i32 to index
        %get3A_1249 = arith.constant 112 : index
        %get3A_1250 = tpu.vector_load %arg7[%get3A_1248, %get3A_1249] {strides = array<i32>} : memref<128x128xf32, #tpu.memory_space<vmem>>, vector<1x16xf32>,
        %get3A_1251 = vector.shape_cast %get3A_1250 : vector<1x16xf32> to vector<16xf32>
        %max3A_1252 = arith.maximumf %max3A_1243, %get3A_1251 : vector<16xf32>
        %swap3A_1253 = arith.index_cast %scan3A_91 : i32 to index
        %swap3A_1254 = arith.constant 112 : index
        %swap3A_1255 = tpu.vector_load %arg9[%swap3A_1253, %swap3A_1254] {strides = array<i32>} : memref<8x128xf32, #tpu.memory_space<vmem>>, vector<1x16xf32>,
        %swap3A_1256 = vector.shape_cast %swap3A_1255 : vector<1x16xf32> to vector<16xf32>
        %swap3A_1257 = vector.shape_cast %max3A_1252 : vector<16xf32> to vector<1x16xf32>
        tpu.vector_store %arg9[%swap3A_1253, %swap3A_1254], %swap3A_1257 {strides = array<i32>} : memref<8x128xf32, #tpu.memory_space<vmem>>, vector<1x16xf32>,
        %scan3A_1258 = arith.constant 0 : i32
        scf.yield %scan3A_1258 : i32
      }
      %scan3A_42 = arith.constant 8 : i32
      %mul3A_43 = arith.constant 8 : i32
      %mul3A_44 = arith.muli %add3A_32, %mul3A_43 : i32
      %add3A_45 = arith.addi %mul3A_2, %mul3A_44 : i32
      "tpu.region"() ({
        %run_scoped3A = tpu.sem_alloc : memref<!tpu.dma_semaphore, #tpu.memory_space<semaphore_mem>>
        %dma_start3A_91 = arith.constant 0 : i32
        %dma_start3A_92 = tpu.memref_slice %arg4[%add3A_45, %dma_start3A_91] : memref<5120x128xf32, #tpu.memory_space<hbm>> -> memref<8x128xf32, #tpu.memory_space<hbm>>
        %dma_start3A_93 = arith.constant 0 : i32
        %dma_start3A_94 = tpu.memref_slice %arg4[%add3A_45, %dma_start3A_93] : memref<5120x128xf32, #tpu.memory_space<hbm>> -> memref<8x128xf32, #tpu.memory_space<hbm>>
        tpu.enqueue_dma source(%arg9 : memref<8x128xf32, #tpu.memory_space<vmem>>) target(%dma_start3A_94 : memref<8x128xf32, #tpu.memory_space<hbm>>) target_semaphore(%run_scoped3A : memref<!tpu.dma_semaphore, #tpu.memory_space<semaphore_mem>>)
        %dma_wait3A_95 = arith.constant 0 : i32
        %dma_wait3A_96 = tpu.memref_slice %arg4[%add3A_45, %dma_wait3A_95] : memref<5120x128xf32, #tpu.memory_space<hbm>> -> memref<8x128xf32, #tpu.memory_space<hbm>>
        %dma_wait3A_97 = arith.constant 0 : i32
        %dma_wait3A_98 = tpu.memref_slice %arg4[%add3A_45, %dma_wait3A_97] : memref<5120x128xf32, #tpu.memory_space<hbm>> -> memref<8x128xf32, #tpu.memory_space<hbm>>
        tpu.wait_dma2 semaphore(%run_scoped3A : memref<!tpu.dma_semaphore, #tpu.memory_space<semaphore_mem>>) src(%arg9 : memref<8x128xf32, #tpu.memory_space<vmem>>) dst(%dma_wait3A_98 : memref<8x128xf32, #tpu.memory_space<hbm>>)
        tpu.yield
      }) : () -> ()
      %add3A_46 = arith.constant 2 : i32
      %add3A_47 = arith.addi %add3A_32, %add3A_46 : i32
      %lt3A = arith.constant 20 : i32
      %lt3A_48 = arith.cmpi slt, %add3A_47, %lt3A : i32
      %sub3A = arith.constant 20 : i32
      %sub3A_49 = arith.subi %add3A_47, %sub3A : i32
      %select_n3A = arith.select %lt3A_48, %add3A_47, %sub3A_49 : i32
      %mul3A_50 = arith.constant 8 : i32
      %mul3A_51 = arith.muli %select_n3A, %mul3A_50 : i32
      %add3A_52 = arith.addi %mul3A_2, %mul3A_51 : i32
      %mul3A_53 = arith.constant 16 : i32
      %mul3A_54 = arith.muli %add3A_52, %mul3A_53 : i32
      "tpu.region"() ({
        %run_scoped3A = tpu.sem_alloc : memref<!tpu.dma_semaphore, #tpu.memory_space<semaphore_mem>>
        %dma_start3A_91 = tpu.memref_slice %arg3[%mul3A_54] : memref<81920xi32, #tpu.memory_space<hbm>> -> memref<128xi32, #tpu.memory_space<hbm>>
        %dma_start3A_92 = tpu.memref_slice %arg3[%mul3A_54] : memref<81920xi32, #tpu.memory_space<hbm>> -> memref<128xi32, #tpu.memory_space<hbm>>
        tpu.enqueue_dma source(%dma_start3A_92 : memref<128xi32, #tpu.memory_space<hbm>>) target(%arg5 : memref<128xi32, #tpu.memory_space<vmem>>) target_semaphore(%run_scoped3A : memref<!tpu.dma_semaphore, #tpu.memory_space<semaphore_mem>>)
        %dma_wait3A_93 = tpu.memref_slice %arg3[%mul3A_54] : memref<81920xi32, #tpu.memory_space<hbm>> -> memref<128xi32, #tpu.memory_space<hbm>>
        %dma_wait3A_94 = tpu.memref_slice %arg3[%mul3A_54] : memref<81920xi32, #tpu.memory_space<hbm>> -> memref<128xi32, #tpu.memory_space<hbm>>
        tpu.wait_dma2 semaphore(%run_scoped3A : memref<!tpu.dma_semaphore, #tpu.memory_space<semaphore_mem>>) src(%dma_wait3A_94 : memref<128xi32, #tpu.memory_space<hbm>>) dst(%arg5 : memref<128xi32, #tpu.memory_space<vmem>>)
        tpu.yield
      }) : () -> ()
      %dma_start3A_55 = arith.constant 0 : i32
      %dma_start3A_56 = arith.constant 0 : i32
      %dma_start3A_57 = tpu.memref_slice %arg2[%dma_start3A_55, %dma_start3A_56] : memref<1280x128xf32, #tpu.memory_space<hbm>> -> memref<1280x128xf32, #tpu.memory_space<hbm>>
      tpu.enqueue_indirect_dma source(%dma_start3A_57 : memref<1280x128xf32, #tpu.memory_space<hbm>>) target(%arg7 : memref<128x128xf32, #tpu.memory_space<vmem>>) offsets(%arg5 : memref<128xi32, #tpu.memory_space<vmem>>) semaphore(%arg10 : memref<!tpu.dma_semaphore, #tpu.memory_space<semaphore_mem>>)
      %mul3A_58 = arith.constant 2 : i32
      %mul3A_59 = arith.muli %scan3A_27, %mul3A_58 : i32
      %add3A_60 = arith.constant 1 : i32
      %add3A_61 = arith.addi %mul3A_59, %add3A_60 : i32
      %dma_wait3A_62 = arith.constant 0 : i32
      %dma_wait3A_63 = arith.constant 0 : i32
      %dma_wait3A_64 = tpu.memref_slice %arg2[%dma_wait3A_62, %dma_wait3A_63] : memref<1280x128xf32, #tpu.memory_space<hbm>> -> memref<1280x128xf32, #tpu.memory_space<hbm>>
      tpu.wait_indirect_dma semaphore(%arg11 : memref<!tpu.dma_semaphore, #tpu.memory_space<semaphore_mem>>) src(%dma_wait3A_64 : memref<1280x128xf32, #tpu.memory_space<hbm>>) dst(%arg8 : memref<128x128xf32, #tpu.memory_space<vmem>>)
      %scan3A_65 = arith.constant 0 : i32
      %scan3A_66 = arith.constant 0 : i32
      %scan3A_67 = arith.constant 8 : i32
      %scan3A_68 = arith.addi %scan3A_66, %scan3A_67 : i32
      %scan3A_69 = arith.constant 1 : i32
      %scan3A_70 = scf.for %scan3A_91 = %scan3A_66 to %scan3A_68 step %scan3A_69 iter_args(%scan3A_92 = %scan3A_65) -> (i32)  : i32 {
        %mul3A_93 = arith.constant 16 : i32
        %mul3A_94 = arith.muli %scan3A_91, %mul3A_93 : i32
        %get3A = arith.index_cast %mul3A_94 : i32 to index
        %get3A_95 = arith.constant 0 : index
        %get3A_96 = tpu.vector_load %arg8[%get3A, %get3A_95] {strides = array<i32>} : memref<128x128xf32, #tpu.memory_space<vmem>>, vector<1x16xf32>,
        %get3A_97 = vector.shape_cast %get3A_96 : vector<1x16xf32> to vector<16xf32>
        %mul3A_98 = arith.constant 16 : i32
        %mul3A_99 = arith.muli %scan3A_91, %mul3A_98 : i32
        %add3A_100 = arith.constant 1 : i32
        %add3A_101 = arith.addi %mul3A_99, %add3A_100 : i32
        %get3A_102 = arith.index_cast %add3A_101 : i32 to index
        %get3A_103 = arith.constant 0 : index
        %get3A_104 = tpu.vector_load %arg8[%get3A_102, %get3A_103] {strides = array<i32>} : memref<128x128xf32, #tpu.memory_space<vmem>>, vector<1x16xf32>,
        %get3A_105 = vector.shape_cast %get3A_104 : vector<1x16xf32> to vector<16xf32>
        %max3A = arith.maximumf %get3A_97, %get3A_105 : vector<16xf32>
        %mul3A_106 = arith.constant 16 : i32
        %mul3A_107 = arith.muli %scan3A_91, %mul3A_106 : i32
        %add3A_108 = arith.constant 2 : i32
        %add3A_109 = arith.addi %mul3A_107, %add3A_108 : i32
        %get3A_110 = arith.index_cast %add3A_109 : i32 to index
        %get3A_111 = arith.constant 0 : index
        %get3A_112 = tpu.vector_load %arg8[%get3A_110, %get3A_111] {strides = array<i32>} : memref<128x128xf32, #tpu.memory_space<vmem>>, vector<1x16xf32>,
        %get3A_113 = vector.shape_cast %get3A_112 : vector<1x16xf32> to vector<16xf32>
        %max3A_114 = arith.maximumf %max3A, %get3A_113 : vector<16xf32>
        %mul3A_115 = arith.constant 16 : i32
        %mul3A_116 = arith.muli %scan3A_91, %mul3A_115 : i32
        %add3A_117 = arith.constant 3 : i32
        %add3A_118 = arith.addi %mul3A_116, %add3A_117 : i32
        %get3A_119 = arith.index_cast %add3A_118 : i32 to index
        %get3A_120 = arith.constant 0 : index
        %get3A_121 = tpu.vector_load %arg8[%get3A_119, %get3A_120] {strides = array<i32>} : memref<128x128xf32, #tpu.memory_space<vmem>>, vector<1x16xf32>,
        %get3A_122 = vector.shape_cast %get3A_121 : vector<1x16xf32> to vector<16xf32>
        %max3A_123 = arith.maximumf %max3A_114, %get3A_122 : vector<16xf32>
        %mul3A_124 = arith.constant 16 : i32
        %mul3A_125 = arith.muli %scan3A_91, %mul3A_124 : i32
        %add3A_126 = arith.constant 4 : i32
        %add3A_127 = arith.addi %mul3A_125, %add3A_126 : i32
        %get3A_128 = arith.index_cast %add3A_127 : i32 to index
        %get3A_129 = arith.constant 0 : index
        %get3A_130 = tpu.vector_load %arg8[%get3A_128, %get3A_129] {strides = array<i32>} : memref<128x128xf32, #tpu.memory_space<vmem>>, vector<1x16xf32>,
        %get3A_131 = vector.shape_cast %get3A_130 : vector<1x16xf32> to vector<16xf32>
        %max3A_132 = arith.maximumf %max3A_123, %get3A_131 : vector<16xf32>
        %mul3A_133 = arith.constant 16 : i32
        %mul3A_134 = arith.muli %scan3A_91, %mul3A_133 : i32
        %add3A_135 = arith.constant 5 : i32
        %add3A_136 = arith.addi %mul3A_134, %add3A_135 : i32
        %get3A_137 = arith.index_cast %add3A_136 : i32 to index
        %get3A_138 = arith.constant 0 : index
        %get3A_139 = tpu.vector_load %arg8[%get3A_137, %get3A_138] {strides = array<i32>} : memref<128x128xf32, #tpu.memory_space<vmem>>, vector<1x16xf32>,
        %get3A_140 = vector.shape_cast %get3A_139 : vector<1x16xf32> to vector<16xf32>
        %max3A_141 = arith.maximumf %max3A_132, %get3A_140 : vector<16xf32>
        %mul3A_142 = arith.constant 16 : i32
        %mul3A_143 = arith.muli %scan3A_91, %mul3A_142 : i32
        %add3A_144 = arith.constant 6 : i32
        %add3A_145 = arith.addi %mul3A_143, %add3A_144 : i32
        %get3A_146 = arith.index_cast %add3A_145 : i32 to index
        %get3A_147 = arith.constant 0 : index
        %get3A_148 = tpu.vector_load %arg8[%get3A_146, %get3A_147] {strides = array<i32>} : memref<128x128xf32, #tpu.memory_space<vmem>>, vector<1x16xf32>,
        %get3A_149 = vector.shape_cast %get3A_148 : vector<1x16xf32> to vector<16xf32>
        %max3A_150 = arith.maximumf %max3A_141, %get3A_149 : vector<16xf32>
        %mul3A_151 = arith.constant 16 : i32
        %mul3A_152 = arith.muli %scan3A_91, %mul3A_151 : i32
        %add3A_153 = arith.constant 7 : i32
        %add3A_154 = arith.addi %mul3A_152, %add3A_153 : i32
        %get3A_155 = arith.index_cast %add3A_154 : i32 to index
        %get3A_156 = arith.constant 0 : index
        %get3A_157 = tpu.vector_load %arg8[%get3A_155, %get3A_156] {strides = array<i32>} : memref<128x128xf32, #tpu.memory_space<vmem>>, vector<1x16xf32>,
        %get3A_158 = vector.shape_cast %get3A_157 : vector<1x16xf32> to vector<16xf32>
        %max3A_159 = arith.maximumf %max3A_150, %get3A_158 : vector<16xf32>
        %mul3A_160 = arith.constant 16 : i32
        %mul3A_161 = arith.muli %scan3A_91, %mul3A_160 : i32
        %add3A_162 = arith.constant 8 : i32
        %add3A_163 = arith.addi %mul3A_161, %add3A_162 : i32
        %get3A_164 = arith.index_cast %add3A_163 : i32 to index
        %get3A_165 = arith.constant 0 : index
        %get3A_166 = tpu.vector_load %arg8[%get3A_164, %get3A_165] {strides = array<i32>} : memref<128x128xf32, #tpu.memory_space<vmem>>, vector<1x16xf32>,
        %get3A_167 = vector.shape_cast %get3A_166 : vector<1x16xf32> to vector<16xf32>
        %max3A_168 = arith.maximumf %max3A_159, %get3A_167 : vector<16xf32>
        %mul3A_169 = arith.constant 16 : i32
        %mul3A_170 = arith.muli %scan3A_91, %mul3A_169 : i32
        %add3A_171 = arith.constant 9 : i32
        %add3A_172 = arith.addi %mul3A_170, %add3A_171 : i32
        %get3A_173 = arith.index_cast %add3A_172 : i32 to index
        %get3A_174 = arith.constant 0 : index
        %get3A_175 = tpu.vector_load %arg8[%get3A_173, %get3A_174] {strides = array<i32>} : memref<128x128xf32, #tpu.memory_space<vmem>>, vector<1x16xf32>,
        %get3A_176 = vector.shape_cast %get3A_175 : vector<1x16xf32> to vector<16xf32>
        %max3A_177 = arith.maximumf %max3A_168, %get3A_176 : vector<16xf32>
        %mul3A_178 = arith.constant 16 : i32
        %mul3A_179 = arith.muli %scan3A_91, %mul3A_178 : i32
        %add3A_180 = arith.constant 10 : i32
        %add3A_181 = arith.addi %mul3A_179, %add3A_180 : i32
        %get3A_182 = arith.index_cast %add3A_181 : i32 to index
        %get3A_183 = arith.constant 0 : index
        %get3A_184 = tpu.vector_load %arg8[%get3A_182, %get3A_183] {strides = array<i32>} : memref<128x128xf32, #tpu.memory_space<vmem>>, vector<1x16xf32>,
        %get3A_185 = vector.shape_cast %get3A_184 : vector<1x16xf32> to vector<16xf32>
        %max3A_186 = arith.maximumf %max3A_177, %get3A_185 : vector<16xf32>
        %mul3A_187 = arith.constant 16 : i32
        %mul3A_188 = arith.muli %scan3A_91, %mul3A_187 : i32
        %add3A_189 = arith.constant 11 : i32
        %add3A_190 = arith.addi %mul3A_188, %add3A_189 : i32
        %get3A_191 = arith.index_cast %add3A_190 : i32 to index
        %get3A_192 = arith.constant 0 : index
        %get3A_193 = tpu.vector_load %arg8[%get3A_191, %get3A_192] {strides = array<i32>} : memref<128x128xf32, #tpu.memory_space<vmem>>, vector<1x16xf32>,
        %get3A_194 = vector.shape_cast %get3A_193 : vector<1x16xf32> to vector<16xf32>
        %max3A_195 = arith.maximumf %max3A_186, %get3A_194 : vector<16xf32>
        %mul3A_196 = arith.constant 16 : i32
        %mul3A_197 = arith.muli %scan3A_91, %mul3A_196 : i32
        %add3A_198 = arith.constant 12 : i32
        %add3A_199 = arith.addi %mul3A_197, %add3A_198 : i32
        %get3A_200 = arith.index_cast %add3A_199 : i32 to index
        %get3A_201 = arith.constant 0 : index
        %get3A_202 = tpu.vector_load %arg8[%get3A_200, %get3A_201] {strides = array<i32>} : memref<128x128xf32, #tpu.memory_space<vmem>>, vector<1x16xf32>,
        %get3A_203 = vector.shape_cast %get3A_202 : vector<1x16xf32> to vector<16xf32>
        %max3A_204 = arith.maximumf %max3A_195, %get3A_203 : vector<16xf32>
        %mul3A_205 = arith.constant 16 : i32
        %mul3A_206 = arith.muli %scan3A_91, %mul3A_205 : i32
        %add3A_207 = arith.constant 13 : i32
        %add3A_208 = arith.addi %mul3A_206, %add3A_207 : i32
        %get3A_209 = arith.index_cast %add3A_208 : i32 to index
        %get3A_210 = arith.constant 0 : index
        %get3A_211 = tpu.vector_load %arg8[%get3A_209, %get3A_210] {strides = array<i32>} : memref<128x128xf32, #tpu.memory_space<vmem>>, vector<1x16xf32>,
        %get3A_212 = vector.shape_cast %get3A_211 : vector<1x16xf32> to vector<16xf32>
        %max3A_213 = arith.maximumf %max3A_204, %get3A_212 : vector<16xf32>
        %mul3A_214 = arith.constant 16 : i32
        %mul3A_215 = arith.muli %scan3A_91, %mul3A_214 : i32
        %add3A_216 = arith.constant 14 : i32
        %add3A_217 = arith.addi %mul3A_215, %add3A_216 : i32
        %get3A_218 = arith.index_cast %add3A_217 : i32 to index
        %get3A_219 = arith.constant 0 : index
        %get3A_220 = tpu.vector_load %arg8[%get3A_218, %get3A_219] {strides = array<i32>} : memref<128x128xf32, #tpu.memory_space<vmem>>, vector<1x16xf32>,
        %get3A_221 = vector.shape_cast %get3A_220 : vector<1x16xf32> to vector<16xf32>
        %max3A_222 = arith.maximumf %max3A_213, %get3A_221 : vector<16xf32>
        %mul3A_223 = arith.constant 16 : i32
        %mul3A_224 = arith.muli %scan3A_91, %mul3A_223 : i32
        %add3A_225 = arith.constant 15 : i32
        %add3A_226 = arith.addi %mul3A_224, %add3A_225 : i32
        %get3A_227 = arith.index_cast %add3A_226 : i32 to index
        %get3A_228 = arith.constant 0 : index
        %get3A_229 = tpu.vector_load %arg8[%get3A_227, %get3A_228] {strides = array<i32>} : memref<128x128xf32, #tpu.memory_space<vmem>>, vector<1x16xf32>,
        %get3A_230 = vector.shape_cast %get3A_229 : vector<1x16xf32> to vector<16xf32>
        %max3A_231 = arith.maximumf %max3A_222, %get3A_230 : vector<16xf32>
        %swap3A = arith.index_cast %scan3A_91 : i32 to index
        %swap3A_232 = arith.constant 0 : index
        %swap3A_233 = tpu.vector_load %arg9[%swap3A, %swap3A_232] {strides = array<i32>} : memref<8x128xf32, #tpu.memory_space<vmem>>, vector<1x16xf32>,
        %swap3A_234 = vector.shape_cast %swap3A_233 : vector<1x16xf32> to vector<16xf32>
        %swap3A_235 = vector.shape_cast %max3A_231 : vector<16xf32> to vector<1x16xf32>
        tpu.vector_store %arg9[%swap3A, %swap3A_232], %swap3A_235 {strides = array<i32>} : memref<8x128xf32, #tpu.memory_space<vmem>>, vector<1x16xf32>,
        %mul3A_236 = arith.constant 16 : i32
        %mul3A_237 = arith.muli %scan3A_91, %mul3A_236 : i32
        %get3A_238 = arith.index_cast %mul3A_237 : i32 to index
        %get3A_239 = arith.constant 16 : index
        %get3A_240 = tpu.vector_load %arg8[%get3A_238, %get3A_239] {strides = array<i32>} : memref<128x128xf32, #tpu.memory_space<vmem>>, vector<1x16xf32>,
        %get3A_241 = vector.shape_cast %get3A_240 : vector<1x16xf32> to vector<16xf32>
        %mul3A_242 = arith.constant 16 : i32
        %mul3A_243 = arith.muli %scan3A_91, %mul3A_242 : i32
        %add3A_244 = arith.constant 1 : i32
        %add3A_245 = arith.addi %mul3A_243, %add3A_244 : i32
        %get3A_246 = arith.index_cast %add3A_245 : i32 to index
        %get3A_247 = arith.constant 16 : index
        %get3A_248 = tpu.vector_load %arg8[%get3A_246, %get3A_247] {strides = array<i32>} : memref<128x128xf32, #tpu.memory_space<vmem>>, vector<1x16xf32>,
        %get3A_249 = vector.shape_cast %get3A_248 : vector<1x16xf32> to vector<16xf32>
        %max3A_250 = arith.maximumf %get3A_241, %get3A_249 : vector<16xf32>
        %mul3A_251 = arith.constant 16 : i32
        %mul3A_252 = arith.muli %scan3A_91, %mul3A_251 : i32
        %add3A_253 = arith.constant 2 : i32
        %add3A_254 = arith.addi %mul3A_252, %add3A_253 : i32
        %get3A_255 = arith.index_cast %add3A_254 : i32 to index
        %get3A_256 = arith.constant 16 : index
        %get3A_257 = tpu.vector_load %arg8[%get3A_255, %get3A_256] {strides = array<i32>} : memref<128x128xf32, #tpu.memory_space<vmem>>, vector<1x16xf32>,
        %get3A_258 = vector.shape_cast %get3A_257 : vector<1x16xf32> to vector<16xf32>
        %max3A_259 = arith.maximumf %max3A_250, %get3A_258 : vector<16xf32>
        %mul3A_260 = arith.constant 16 : i32
        %mul3A_261 = arith.muli %scan3A_91, %mul3A_260 : i32
        %add3A_262 = arith.constant 3 : i32
        %add3A_263 = arith.addi %mul3A_261, %add3A_262 : i32
        %get3A_264 = arith.index_cast %add3A_263 : i32 to index
        %get3A_265 = arith.constant 16 : index
        %get3A_266 = tpu.vector_load %arg8[%get3A_264, %get3A_265] {strides = array<i32>} : memref<128x128xf32, #tpu.memory_space<vmem>>, vector<1x16xf32>,
        %get3A_267 = vector.shape_cast %get3A_266 : vector<1x16xf32> to vector<16xf32>
        %max3A_268 = arith.maximumf %max3A_259, %get3A_267 : vector<16xf32>
        %mul3A_269 = arith.constant 16 : i32
        %mul3A_270 = arith.muli %scan3A_91, %mul3A_269 : i32
        %add3A_271 = arith.constant 4 : i32
        %add3A_272 = arith.addi %mul3A_270, %add3A_271 : i32
        %get3A_273 = arith.index_cast %add3A_272 : i32 to index
        %get3A_274 = arith.constant 16 : index
        %get3A_275 = tpu.vector_load %arg8[%get3A_273, %get3A_274] {strides = array<i32>} : memref<128x128xf32, #tpu.memory_space<vmem>>, vector<1x16xf32>,
        %get3A_276 = vector.shape_cast %get3A_275 : vector<1x16xf32> to vector<16xf32>
        %max3A_277 = arith.maximumf %max3A_268, %get3A_276 : vector<16xf32>
        %mul3A_278 = arith.constant 16 : i32
        %mul3A_279 = arith.muli %scan3A_91, %mul3A_278 : i32
        %add3A_280 = arith.constant 5 : i32
        %add3A_281 = arith.addi %mul3A_279, %add3A_280 : i32
        %get3A_282 = arith.index_cast %add3A_281 : i32 to index
        %get3A_283 = arith.constant 16 : index
        %get3A_284 = tpu.vector_load %arg8[%get3A_282, %get3A_283] {strides = array<i32>} : memref<128x128xf32, #tpu.memory_space<vmem>>, vector<1x16xf32>,
        %get3A_285 = vector.shape_cast %get3A_284 : vector<1x16xf32> to vector<16xf32>
        %max3A_286 = arith.maximumf %max3A_277, %get3A_285 : vector<16xf32>
        %mul3A_287 = arith.constant 16 : i32
        %mul3A_288 = arith.muli %scan3A_91, %mul3A_287 : i32
        %add3A_289 = arith.constant 6 : i32
        %add3A_290 = arith.addi %mul3A_288, %add3A_289 : i32
        %get3A_291 = arith.index_cast %add3A_290 : i32 to index
        %get3A_292 = arith.constant 16 : index
        %get3A_293 = tpu.vector_load %arg8[%get3A_291, %get3A_292] {strides = array<i32>} : memref<128x128xf32, #tpu.memory_space<vmem>>, vector<1x16xf32>,
        %get3A_294 = vector.shape_cast %get3A_293 : vector<1x16xf32> to vector<16xf32>
        %max3A_295 = arith.maximumf %max3A_286, %get3A_294 : vector<16xf32>
        %mul3A_296 = arith.constant 16 : i32
        %mul3A_297 = arith.muli %scan3A_91, %mul3A_296 : i32
        %add3A_298 = arith.constant 7 : i32
        %add3A_299 = arith.addi %mul3A_297, %add3A_298 : i32
        %get3A_300 = arith.index_cast %add3A_299 : i32 to index
        %get3A_301 = arith.constant 16 : index
        %get3A_302 = tpu.vector_load %arg8[%get3A_300, %get3A_301] {strides = array<i32>} : memref<128x128xf32, #tpu.memory_space<vmem>>, vector<1x16xf32>,
        %get3A_303 = vector.shape_cast %get3A_302 : vector<1x16xf32> to vector<16xf32>
        %max3A_304 = arith.maximumf %max3A_295, %get3A_303 : vector<16xf32>
        %mul3A_305 = arith.constant 16 : i32
        %mul3A_306 = arith.muli %scan3A_91, %mul3A_305 : i32
        %add3A_307 = arith.constant 8 : i32
        %add3A_308 = arith.addi %mul3A_306, %add3A_307 : i32
        %get3A_309 = arith.index_cast %add3A_308 : i32 to index
        %get3A_310 = arith.constant 16 : index
        %get3A_311 = tpu.vector_load %arg8[%get3A_309, %get3A_310] {strides = array<i32>} : memref<128x128xf32, #tpu.memory_space<vmem>>, vector<1x16xf32>,
        %get3A_312 = vector.shape_cast %get3A_311 : vector<1x16xf32> to vector<16xf32>
        %max3A_313 = arith.maximumf %max3A_304, %get3A_312 : vector<16xf32>
        %mul3A_314 = arith.constant 16 : i32
        %mul3A_315 = arith.muli %scan3A_91, %mul3A_314 : i32
        %add3A_316 = arith.constant 9 : i32
        %add3A_317 = arith.addi %mul3A_315, %add3A_316 : i32
        %get3A_318 = arith.index_cast %add3A_317 : i32 to index
        %get3A_319 = arith.constant 16 : index
        %get3A_320 = tpu.vector_load %arg8[%get3A_318, %get3A_319] {strides = array<i32>} : memref<128x128xf32, #tpu.memory_space<vmem>>, vector<1x16xf32>,
        %get3A_321 = vector.shape_cast %get3A_320 : vector<1x16xf32> to vector<16xf32>
        %max3A_322 = arith.maximumf %max3A_313, %get3A_321 : vector<16xf32>
        %mul3A_323 = arith.constant 16 : i32
        %mul3A_324 = arith.muli %scan3A_91, %mul3A_323 : i32
        %add3A_325 = arith.constant 10 : i32
        %add3A_326 = arith.addi %mul3A_324, %add3A_325 : i32
        %get3A_327 = arith.index_cast %add3A_326 : i32 to index
        %get3A_328 = arith.constant 16 : index
        %get3A_329 = tpu.vector_load %arg8[%get3A_327, %get3A_328] {strides = array<i32>} : memref<128x128xf32, #tpu.memory_space<vmem>>, vector<1x16xf32>,
        %get3A_330 = vector.shape_cast %get3A_329 : vector<1x16xf32> to vector<16xf32>
        %max3A_331 = arith.maximumf %max3A_322, %get3A_330 : vector<16xf32>
        %mul3A_332 = arith.constant 16 : i32
        %mul3A_333 = arith.muli %scan3A_91, %mul3A_332 : i32
        %add3A_334 = arith.constant 11 : i32
        %add3A_335 = arith.addi %mul3A_333, %add3A_334 : i32
        %get3A_336 = arith.index_cast %add3A_335 : i32 to index
        %get3A_337 = arith.constant 16 : index
        %get3A_338 = tpu.vector_load %arg8[%get3A_336, %get3A_337] {strides = array<i32>} : memref<128x128xf32, #tpu.memory_space<vmem>>, vector<1x16xf32>,
        %get3A_339 = vector.shape_cast %get3A_338 : vector<1x16xf32> to vector<16xf32>
        %max3A_340 = arith.maximumf %max3A_331, %get3A_339 : vector<16xf32>
        %mul3A_341 = arith.constant 16 : i32
        %mul3A_342 = arith.muli %scan3A_91, %mul3A_341 : i32
        %add3A_343 = arith.constant 12 : i32
        %add3A_344 = arith.addi %mul3A_342, %add3A_343 : i32
        %get3A_345 = arith.index_cast %add3A_344 : i32 to index
        %get3A_346 = arith.constant 16 : index
        %get3A_347 = tpu.vector_load %arg8[%get3A_345, %get3A_346] {strides = array<i32>} : memref<128x128xf32, #tpu.memory_space<vmem>>, vector<1x16xf32>,
        %get3A_348 = vector.shape_cast %get3A_347 : vector<1x16xf32> to vector<16xf32>
        %max3A_349 = arith.maximumf %max3A_340, %get3A_348 : vector<16xf32>
        %mul3A_350 = arith.constant 16 : i32
        %mul3A_351 = arith.muli %scan3A_91, %mul3A_350 : i32
        %add3A_352 = arith.constant 13 : i32
        %add3A_353 = arith.addi %mul3A_351, %add3A_352 : i32
        %get3A_354 = arith.index_cast %add3A_353 : i32 to index
        %get3A_355 = arith.constant 16 : index
        %get3A_356 = tpu.vector_load %arg8[%get3A_354, %get3A_355] {strides = array<i32>} : memref<128x128xf32, #tpu.memory_space<vmem>>, vector<1x16xf32>,
        %get3A_357 = vector.shape_cast %get3A_356 : vector<1x16xf32> to vector<16xf32>
        %max3A_358 = arith.maximumf %max3A_349, %get3A_357 : vector<16xf32>
        %mul3A_359 = arith.constant 16 : i32
        %mul3A_360 = arith.muli %scan3A_91, %mul3A_359 : i32
        %add3A_361 = arith.constant 14 : i32
        %add3A_362 = arith.addi %mul3A_360, %add3A_361 : i32
        %get3A_363 = arith.index_cast %add3A_362 : i32 to index
        %get3A_364 = arith.constant 16 : index
        %get3A_365 = tpu.vector_load %arg8[%get3A_363, %get3A_364] {strides = array<i32>} : memref<128x128xf32, #tpu.memory_space<vmem>>, vector<1x16xf32>,
        %get3A_366 = vector.shape_cast %get3A_365 : vector<1x16xf32> to vector<16xf32>
        %max3A_367 = arith.maximumf %max3A_358, %get3A_366 : vector<16xf32>
        %mul3A_368 = arith.constant 16 : i32
        %mul3A_369 = arith.muli %scan3A_91, %mul3A_368 : i32
        %add3A_370 = arith.constant 15 : i32
        %add3A_371 = arith.addi %mul3A_369, %add3A_370 : i32
        %get3A_372 = arith.index_cast %add3A_371 : i32 to index
        %get3A_373 = arith.constant 16 : index
        %get3A_374 = tpu.vector_load %arg8[%get3A_372, %get3A_373] {strides = array<i32>} : memref<128x128xf32, #tpu.memory_space<vmem>>, vector<1x16xf32>,
        %get3A_375 = vector.shape_cast %get3A_374 : vector<1x16xf32> to vector<16xf32>
        %max3A_376 = arith.maximumf %max3A_367, %get3A_375 : vector<16xf32>
        %swap3A_377 = arith.index_cast %scan3A_91 : i32 to index
        %swap3A_378 = arith.constant 16 : index
        %swap3A_379 = tpu.vector_load %arg9[%swap3A_377, %swap3A_378] {strides = array<i32>} : memref<8x128xf32, #tpu.memory_space<vmem>>, vector<1x16xf32>,
        %swap3A_380 = vector.shape_cast %swap3A_379 : vector<1x16xf32> to vector<16xf32>
        %swap3A_381 = vector.shape_cast %max3A_376 : vector<16xf32> to vector<1x16xf32>
        tpu.vector_store %arg9[%swap3A_377, %swap3A_378], %swap3A_381 {strides = array<i32>} : memref<8x128xf32, #tpu.memory_space<vmem>>, vector<1x16xf32>,
        %mul3A_382 = arith.constant 16 : i32
        %mul3A_383 = arith.muli %scan3A_91, %mul3A_382 : i32
        %get3A_384 = arith.index_cast %mul3A_383 : i32 to index
        %get3A_385 = arith.constant 32 : index
        %get3A_386 = tpu.vector_load %arg8[%get3A_384, %get3A_385] {strides = array<i32>} : memref<128x128xf32, #tpu.memory_space<vmem>>, vector<1x16xf32>,
        %get3A_387 = vector.shape_cast %get3A_386 : vector<1x16xf32> to vector<16xf32>
        %mul3A_388 = arith.constant 16 : i32
        %mul3A_389 = arith.muli %scan3A_91, %mul3A_388 : i32
        %add3A_390 = arith.constant 1 : i32
        %add3A_391 = arith.addi %mul3A_389, %add3A_390 : i32
        %get3A_392 = arith.index_cast %add3A_391 : i32 to index
        %get3A_393 = arith.constant 32 : index
        %get3A_394 = tpu.vector_load %arg8[%get3A_392, %get3A_393] {strides = array<i32>} : memref<128x128xf32, #tpu.memory_space<vmem>>, vector<1x16xf32>,
        %get3A_395 = vector.shape_cast %get3A_394 : vector<1x16xf32> to vector<16xf32>
        %max3A_396 = arith.maximumf %get3A_387, %get3A_395 : vector<16xf32>
        %mul3A_397 = arith.constant 16 : i32
        %mul3A_398 = arith.muli %scan3A_91, %mul3A_397 : i32
        %add3A_399 = arith.constant 2 : i32
        %add3A_400 = arith.addi %mul3A_398, %add3A_399 : i32
        %get3A_401 = arith.index_cast %add3A_400 : i32 to index
        %get3A_402 = arith.constant 32 : index
        %get3A_403 = tpu.vector_load %arg8[%get3A_401, %get3A_402] {strides = array<i32>} : memref<128x128xf32, #tpu.memory_space<vmem>>, vector<1x16xf32>,
        %get3A_404 = vector.shape_cast %get3A_403 : vector<1x16xf32> to vector<16xf32>
        %max3A_405 = arith.maximumf %max3A_396, %get3A_404 : vector<16xf32>
        %mul3A_406 = arith.constant 16 : i32
        %mul3A_407 = arith.muli %scan3A_91, %mul3A_406 : i32
        %add3A_408 = arith.constant 3 : i32
        %add3A_409 = arith.addi %mul3A_407, %add3A_408 : i32
        %get3A_410 = arith.index_cast %add3A_409 : i32 to index
        %get3A_411 = arith.constant 32 : index
        %get3A_412 = tpu.vector_load %arg8[%get3A_410, %get3A_411] {strides = array<i32>} : memref<128x128xf32, #tpu.memory_space<vmem>>, vector<1x16xf32>,
        %get3A_413 = vector.shape_cast %get3A_412 : vector<1x16xf32> to vector<16xf32>
        %max3A_414 = arith.maximumf %max3A_405, %get3A_413 : vector<16xf32>
        %mul3A_415 = arith.constant 16 : i32
        %mul3A_416 = arith.muli %scan3A_91, %mul3A_415 : i32
        %add3A_417 = arith.constant 4 : i32
        %add3A_418 = arith.addi %mul3A_416, %add3A_417 : i32
        %get3A_419 = arith.index_cast %add3A_418 : i32 to index
        %get3A_420 = arith.constant 32 : index
        %get3A_421 = tpu.vector_load %arg8[%get3A_419, %get3A_420] {strides = array<i32>} : memref<128x128xf32, #tpu.memory_space<vmem>>, vector<1x16xf32>,
        %get3A_422 = vector.shape_cast %get3A_421 : vector<1x16xf32> to vector<16xf32>
        %max3A_423 = arith.maximumf %max3A_414, %get3A_422 : vector<16xf32>
        %mul3A_424 = arith.constant 16 : i32
        %mul3A_425 = arith.muli %scan3A_91, %mul3A_424 : i32
        %add3A_426 = arith.constant 5 : i32
        %add3A_427 = arith.addi %mul3A_425, %add3A_426 : i32
        %get3A_428 = arith.index_cast %add3A_427 : i32 to index
        %get3A_429 = arith.constant 32 : index
        %get3A_430 = tpu.vector_load %arg8[%get3A_428, %get3A_429] {strides = array<i32>} : memref<128x128xf32, #tpu.memory_space<vmem>>, vector<1x16xf32>,
        %get3A_431 = vector.shape_cast %get3A_430 : vector<1x16xf32> to vector<16xf32>
        %max3A_432 = arith.maximumf %max3A_423, %get3A_431 : vector<16xf32>
        %mul3A_433 = arith.constant 16 : i32
        %mul3A_434 = arith.muli %scan3A_91, %mul3A_433 : i32
        %add3A_435 = arith.constant 6 : i32
        %add3A_436 = arith.addi %mul3A_434, %add3A_435 : i32
        %get3A_437 = arith.index_cast %add3A_436 : i32 to index
        %get3A_438 = arith.constant 32 : index
        %get3A_439 = tpu.vector_load %arg8[%get3A_437, %get3A_438] {strides = array<i32>} : memref<128x128xf32, #tpu.memory_space<vmem>>, vector<1x16xf32>,
        %get3A_440 = vector.shape_cast %get3A_439 : vector<1x16xf32> to vector<16xf32>
        %max3A_441 = arith.maximumf %max3A_432, %get3A_440 : vector<16xf32>
        %mul3A_442 = arith.constant 16 : i32
        %mul3A_443 = arith.muli %scan3A_91, %mul3A_442 : i32
        %add3A_444 = arith.constant 7 : i32
        %add3A_445 = arith.addi %mul3A_443, %add3A_444 : i32
        %get3A_446 = arith.index_cast %add3A_445 : i32 to index
        %get3A_447 = arith.constant 32 : index
        %get3A_448 = tpu.vector_load %arg8[%get3A_446, %get3A_447] {strides = array<i32>} : memref<128x128xf32, #tpu.memory_space<vmem>>, vector<1x16xf32>,
        %get3A_449 = vector.shape_cast %get3A_448 : vector<1x16xf32> to vector<16xf32>
        %max3A_450 = arith.maximumf %max3A_441, %get3A_449 : vector<16xf32>
        %mul3A_451 = arith.constant 16 : i32
        %mul3A_452 = arith.muli %scan3A_91, %mul3A_451 : i32
        %add3A_453 = arith.constant 8 : i32
        %add3A_454 = arith.addi %mul3A_452, %add3A_453 : i32
        %get3A_455 = arith.index_cast %add3A_454 : i32 to index
        %get3A_456 = arith.constant 32 : index
        %get3A_457 = tpu.vector_load %arg8[%get3A_455, %get3A_456] {strides = array<i32>} : memref<128x128xf32, #tpu.memory_space<vmem>>, vector<1x16xf32>,
        %get3A_458 = vector.shape_cast %get3A_457 : vector<1x16xf32> to vector<16xf32>
        %max3A_459 = arith.maximumf %max3A_450, %get3A_458 : vector<16xf32>
        %mul3A_460 = arith.constant 16 : i32
        %mul3A_461 = arith.muli %scan3A_91, %mul3A_460 : i32
        %add3A_462 = arith.constant 9 : i32
        %add3A_463 = arith.addi %mul3A_461, %add3A_462 : i32
        %get3A_464 = arith.index_cast %add3A_463 : i32 to index
        %get3A_465 = arith.constant 32 : index
        %get3A_466 = tpu.vector_load %arg8[%get3A_464, %get3A_465] {strides = array<i32>} : memref<128x128xf32, #tpu.memory_space<vmem>>, vector<1x16xf32>,
        %get3A_467 = vector.shape_cast %get3A_466 : vector<1x16xf32> to vector<16xf32>
        %max3A_468 = arith.maximumf %max3A_459, %get3A_467 : vector<16xf32>
        %mul3A_469 = arith.constant 16 : i32
        %mul3A_470 = arith.muli %scan3A_91, %mul3A_469 : i32
        %add3A_471 = arith.constant 10 : i32
        %add3A_472 = arith.addi %mul3A_470, %add3A_471 : i32
        %get3A_473 = arith.index_cast %add3A_472 : i32 to index
        %get3A_474 = arith.constant 32 : index
        %get3A_475 = tpu.vector_load %arg8[%get3A_473, %get3A_474] {strides = array<i32>} : memref<128x128xf32, #tpu.memory_space<vmem>>, vector<1x16xf32>,
        %get3A_476 = vector.shape_cast %get3A_475 : vector<1x16xf32> to vector<16xf32>
        %max3A_477 = arith.maximumf %max3A_468, %get3A_476 : vector<16xf32>
        %mul3A_478 = arith.constant 16 : i32
        %mul3A_479 = arith.muli %scan3A_91, %mul3A_478 : i32
        %add3A_480 = arith.constant 11 : i32
        %add3A_481 = arith.addi %mul3A_479, %add3A_480 : i32
        %get3A_482 = arith.index_cast %add3A_481 : i32 to index
        %get3A_483 = arith.constant 32 : index
        %get3A_484 = tpu.vector_load %arg8[%get3A_482, %get3A_483] {strides = array<i32>} : memref<128x128xf32, #tpu.memory_space<vmem>>, vector<1x16xf32>,
        %get3A_485 = vector.shape_cast %get3A_484 : vector<1x16xf32> to vector<16xf32>
        %max3A_486 = arith.maximumf %max3A_477, %get3A_485 : vector<16xf32>
        %mul3A_487 = arith.constant 16 : i32
        %mul3A_488 = arith.muli %scan3A_91, %mul3A_487 : i32
        %add3A_489 = arith.constant 12 : i32
        %add3A_490 = arith.addi %mul3A_488, %add3A_489 : i32
        %get3A_491 = arith.index_cast %add3A_490 : i32 to index
        %get3A_492 = arith.constant 32 : index
        %get3A_493 = tpu.vector_load %arg8[%get3A_491, %get3A_492] {strides = array<i32>} : memref<128x128xf32, #tpu.memory_space<vmem>>, vector<1x16xf32>,
        %get3A_494 = vector.shape_cast %get3A_493 : vector<1x16xf32> to vector<16xf32>
        %max3A_495 = arith.maximumf %max3A_486, %get3A_494 : vector<16xf32>
        %mul3A_496 = arith.constant 16 : i32
        %mul3A_497 = arith.muli %scan3A_91, %mul3A_496 : i32
        %add3A_498 = arith.constant 13 : i32
        %add3A_499 = arith.addi %mul3A_497, %add3A_498 : i32
        %get3A_500 = arith.index_cast %add3A_499 : i32 to index
        %get3A_501 = arith.constant 32 : index
        %get3A_502 = tpu.vector_load %arg8[%get3A_500, %get3A_501] {strides = array<i32>} : memref<128x128xf32, #tpu.memory_space<vmem>>, vector<1x16xf32>,
        %get3A_503 = vector.shape_cast %get3A_502 : vector<1x16xf32> to vector<16xf32>
        %max3A_504 = arith.maximumf %max3A_495, %get3A_503 : vector<16xf32>
        %mul3A_505 = arith.constant 16 : i32
        %mul3A_506 = arith.muli %scan3A_91, %mul3A_505 : i32
        %add3A_507 = arith.constant 14 : i32
        %add3A_508 = arith.addi %mul3A_506, %add3A_507 : i32
        %get3A_509 = arith.index_cast %add3A_508 : i32 to index
        %get3A_510 = arith.constant 32 : index
        %get3A_511 = tpu.vector_load %arg8[%get3A_509, %get3A_510] {strides = array<i32>} : memref<128x128xf32, #tpu.memory_space<vmem>>, vector<1x16xf32>,
        %get3A_512 = vector.shape_cast %get3A_511 : vector<1x16xf32> to vector<16xf32>
        %max3A_513 = arith.maximumf %max3A_504, %get3A_512 : vector<16xf32>
        %mul3A_514 = arith.constant 16 : i32
        %mul3A_515 = arith.muli %scan3A_91, %mul3A_514 : i32
        %add3A_516 = arith.constant 15 : i32
        %add3A_517 = arith.addi %mul3A_515, %add3A_516 : i32
        %get3A_518 = arith.index_cast %add3A_517 : i32 to index
        %get3A_519 = arith.constant 32 : index
        %get3A_520 = tpu.vector_load %arg8[%get3A_518, %get3A_519] {strides = array<i32>} : memref<128x128xf32, #tpu.memory_space<vmem>>, vector<1x16xf32>,
        %get3A_521 = vector.shape_cast %get3A_520 : vector<1x16xf32> to vector<16xf32>
        %max3A_522 = arith.maximumf %max3A_513, %get3A_521 : vector<16xf32>
        %swap3A_523 = arith.index_cast %scan3A_91 : i32 to index
        %swap3A_524 = arith.constant 32 : index
        %swap3A_525 = tpu.vector_load %arg9[%swap3A_523, %swap3A_524] {strides = array<i32>} : memref<8x128xf32, #tpu.memory_space<vmem>>, vector<1x16xf32>,
        %swap3A_526 = vector.shape_cast %swap3A_525 : vector<1x16xf32> to vector<16xf32>
        %swap3A_527 = vector.shape_cast %max3A_522 : vector<16xf32> to vector<1x16xf32>
        tpu.vector_store %arg9[%swap3A_523, %swap3A_524], %swap3A_527 {strides = array<i32>} : memref<8x128xf32, #tpu.memory_space<vmem>>, vector<1x16xf32>,
        %mul3A_528 = arith.constant 16 : i32
        %mul3A_529 = arith.muli %scan3A_91, %mul3A_528 : i32
        %get3A_530 = arith.index_cast %mul3A_529 : i32 to index
        %get3A_531 = arith.constant 48 : index
        %get3A_532 = tpu.vector_load %arg8[%get3A_530, %get3A_531] {strides = array<i32>} : memref<128x128xf32, #tpu.memory_space<vmem>>, vector<1x16xf32>,
        %get3A_533 = vector.shape_cast %get3A_532 : vector<1x16xf32> to vector<16xf32>
        %mul3A_534 = arith.constant 16 : i32
        %mul3A_535 = arith.muli %scan3A_91, %mul3A_534 : i32
        %add3A_536 = arith.constant 1 : i32
        %add3A_537 = arith.addi %mul3A_535, %add3A_536 : i32
        %get3A_538 = arith.index_cast %add3A_537 : i32 to index
        %get3A_539 = arith.constant 48 : index
        %get3A_540 = tpu.vector_load %arg8[%get3A_538, %get3A_539] {strides = array<i32>} : memref<128x128xf32, #tpu.memory_space<vmem>>, vector<1x16xf32>,
        %get3A_541 = vector.shape_cast %get3A_540 : vector<1x16xf32> to vector<16xf32>
        %max3A_542 = arith.maximumf %get3A_533, %get3A_541 : vector<16xf32>
        %mul3A_543 = arith.constant 16 : i32
        %mul3A_544 = arith.muli %scan3A_91, %mul3A_543 : i32
        %add3A_545 = arith.constant 2 : i32
        %add3A_546 = arith.addi %mul3A_544, %add3A_545 : i32
        %get3A_547 = arith.index_cast %add3A_546 : i32 to index
        %get3A_548 = arith.constant 48 : index
        %get3A_549 = tpu.vector_load %arg8[%get3A_547, %get3A_548] {strides = array<i32>} : memref<128x128xf32, #tpu.memory_space<vmem>>, vector<1x16xf32>,
        %get3A_550 = vector.shape_cast %get3A_549 : vector<1x16xf32> to vector<16xf32>
        %max3A_551 = arith.maximumf %max3A_542, %get3A_550 : vector<16xf32>
        %mul3A_552 = arith.constant 16 : i32
        %mul3A_553 = arith.muli %scan3A_91, %mul3A_552 : i32
        %add3A_554 = arith.constant 3 : i32
        %add3A_555 = arith.addi %mul3A_553, %add3A_554 : i32
        %get3A_556 = arith.index_cast %add3A_555 : i32 to index
        %get3A_557 = arith.constant 48 : index
        %get3A_558 = tpu.vector_load %arg8[%get3A_556, %get3A_557] {strides = array<i32>} : memref<128x128xf32, #tpu.memory_space<vmem>>, vector<1x16xf32>,
        %get3A_559 = vector.shape_cast %get3A_558 : vector<1x16xf32> to vector<16xf32>
        %max3A_560 = arith.maximumf %max3A_551, %get3A_559 : vector<16xf32>
        %mul3A_561 = arith.constant 16 : i32
        %mul3A_562 = arith.muli %scan3A_91, %mul3A_561 : i32
        %add3A_563 = arith.constant 4 : i32
        %add3A_564 = arith.addi %mul3A_562, %add3A_563 : i32
        %get3A_565 = arith.index_cast %add3A_564 : i32 to index
        %get3A_566 = arith.constant 48 : index
        %get3A_567 = tpu.vector_load %arg8[%get3A_565, %get3A_566] {strides = array<i32>} : memref<128x128xf32, #tpu.memory_space<vmem>>, vector<1x16xf32>,
        %get3A_568 = vector.shape_cast %get3A_567 : vector<1x16xf32> to vector<16xf32>
        %max3A_569 = arith.maximumf %max3A_560, %get3A_568 : vector<16xf32>
        %mul3A_570 = arith.constant 16 : i32
        %mul3A_571 = arith.muli %scan3A_91, %mul3A_570 : i32
        %add3A_572 = arith.constant 5 : i32
        %add3A_573 = arith.addi %mul3A_571, %add3A_572 : i32
        %get3A_574 = arith.index_cast %add3A_573 : i32 to index
        %get3A_575 = arith.constant 48 : index
        %get3A_576 = tpu.vector_load %arg8[%get3A_574, %get3A_575] {strides = array<i32>} : memref<128x128xf32, #tpu.memory_space<vmem>>, vector<1x16xf32>,
        %get3A_577 = vector.shape_cast %get3A_576 : vector<1x16xf32> to vector<16xf32>
        %max3A_578 = arith.maximumf %max3A_569, %get3A_577 : vector<16xf32>
        %mul3A_579 = arith.constant 16 : i32
        %mul3A_580 = arith.muli %scan3A_91, %mul3A_579 : i32
        %add3A_581 = arith.constant 6 : i32
        %add3A_582 = arith.addi %mul3A_580, %add3A_581 : i32
        %get3A_583 = arith.index_cast %add3A_582 : i32 to index
        %get3A_584 = arith.constant 48 : index
        %get3A_585 = tpu.vector_load %arg8[%get3A_583, %get3A_584] {strides = array<i32>} : memref<128x128xf32, #tpu.memory_space<vmem>>, vector<1x16xf32>,
        %get3A_586 = vector.shape_cast %get3A_585 : vector<1x16xf32> to vector<16xf32>
        %max3A_587 = arith.maximumf %max3A_578, %get3A_586 : vector<16xf32>
        %mul3A_588 = arith.constant 16 : i32
        %mul3A_589 = arith.muli %scan3A_91, %mul3A_588 : i32
        %add3A_590 = arith.constant 7 : i32
        %add3A_591 = arith.addi %mul3A_589, %add3A_590 : i32
        %get3A_592 = arith.index_cast %add3A_591 : i32 to index
        %get3A_593 = arith.constant 48 : index
        %get3A_594 = tpu.vector_load %arg8[%get3A_592, %get3A_593] {strides = array<i32>} : memref<128x128xf32, #tpu.memory_space<vmem>>, vector<1x16xf32>,
        %get3A_595 = vector.shape_cast %get3A_594 : vector<1x16xf32> to vector<16xf32>
        %max3A_596 = arith.maximumf %max3A_587, %get3A_595 : vector<16xf32>
        %mul3A_597 = arith.constant 16 : i32
        %mul3A_598 = arith.muli %scan3A_91, %mul3A_597 : i32
        %add3A_599 = arith.constant 8 : i32
        %add3A_600 = arith.addi %mul3A_598, %add3A_599 : i32
        %get3A_601 = arith.index_cast %add3A_600 : i32 to index
        %get3A_602 = arith.constant 48 : index
        %get3A_603 = tpu.vector_load %arg8[%get3A_601, %get3A_602] {strides = array<i32>} : memref<128x128xf32, #tpu.memory_space<vmem>>, vector<1x16xf32>,
        %get3A_604 = vector.shape_cast %get3A_603 : vector<1x16xf32> to vector<16xf32>
        %max3A_605 = arith.maximumf %max3A_596, %get3A_604 : vector<16xf32>
        %mul3A_606 = arith.constant 16 : i32
        %mul3A_607 = arith.muli %scan3A_91, %mul3A_606 : i32
        %add3A_608 = arith.constant 9 : i32
        %add3A_609 = arith.addi %mul3A_607, %add3A_608 : i32
        %get3A_610 = arith.index_cast %add3A_609 : i32 to index
        %get3A_611 = arith.constant 48 : index
        %get3A_612 = tpu.vector_load %arg8[%get3A_610, %get3A_611] {strides = array<i32>} : memref<128x128xf32, #tpu.memory_space<vmem>>, vector<1x16xf32>,
        %get3A_613 = vector.shape_cast %get3A_612 : vector<1x16xf32> to vector<16xf32>
        %max3A_614 = arith.maximumf %max3A_605, %get3A_613 : vector<16xf32>
        %mul3A_615 = arith.constant 16 : i32
        %mul3A_616 = arith.muli %scan3A_91, %mul3A_615 : i32
        %add3A_617 = arith.constant 10 : i32
        %add3A_618 = arith.addi %mul3A_616, %add3A_617 : i32
        %get3A_619 = arith.index_cast %add3A_618 : i32 to index
        %get3A_620 = arith.constant 48 : index
        %get3A_621 = tpu.vector_load %arg8[%get3A_619, %get3A_620] {strides = array<i32>} : memref<128x128xf32, #tpu.memory_space<vmem>>, vector<1x16xf32>,
        %get3A_622 = vector.shape_cast %get3A_621 : vector<1x16xf32> to vector<16xf32>
        %max3A_623 = arith.maximumf %max3A_614, %get3A_622 : vector<16xf32>
        %mul3A_624 = arith.constant 16 : i32
        %mul3A_625 = arith.muli %scan3A_91, %mul3A_624 : i32
        %add3A_626 = arith.constant 11 : i32
        %add3A_627 = arith.addi %mul3A_625, %add3A_626 : i32
        %get3A_628 = arith.index_cast %add3A_627 : i32 to index
        %get3A_629 = arith.constant 48 : index
        %get3A_630 = tpu.vector_load %arg8[%get3A_628, %get3A_629] {strides = array<i32>} : memref<128x128xf32, #tpu.memory_space<vmem>>, vector<1x16xf32>,
        %get3A_631 = vector.shape_cast %get3A_630 : vector<1x16xf32> to vector<16xf32>
        %max3A_632 = arith.maximumf %max3A_623, %get3A_631 : vector<16xf32>
        %mul3A_633 = arith.constant 16 : i32
        %mul3A_634 = arith.muli %scan3A_91, %mul3A_633 : i32
        %add3A_635 = arith.constant 12 : i32
        %add3A_636 = arith.addi %mul3A_634, %add3A_635 : i32
        %get3A_637 = arith.index_cast %add3A_636 : i32 to index
        %get3A_638 = arith.constant 48 : index
        %get3A_639 = tpu.vector_load %arg8[%get3A_637, %get3A_638] {strides = array<i32>} : memref<128x128xf32, #tpu.memory_space<vmem>>, vector<1x16xf32>,
        %get3A_640 = vector.shape_cast %get3A_639 : vector<1x16xf32> to vector<16xf32>
        %max3A_641 = arith.maximumf %max3A_632, %get3A_640 : vector<16xf32>
        %mul3A_642 = arith.constant 16 : i32
        %mul3A_643 = arith.muli %scan3A_91, %mul3A_642 : i32
        %add3A_644 = arith.constant 13 : i32
        %add3A_645 = arith.addi %mul3A_643, %add3A_644 : i32
        %get3A_646 = arith.index_cast %add3A_645 : i32 to index
        %get3A_647 = arith.constant 48 : index
        %get3A_648 = tpu.vector_load %arg8[%get3A_646, %get3A_647] {strides = array<i32>} : memref<128x128xf32, #tpu.memory_space<vmem>>, vector<1x16xf32>,
        %get3A_649 = vector.shape_cast %get3A_648 : vector<1x16xf32> to vector<16xf32>
        %max3A_650 = arith.maximumf %max3A_641, %get3A_649 : vector<16xf32>
        %mul3A_651 = arith.constant 16 : i32
        %mul3A_652 = arith.muli %scan3A_91, %mul3A_651 : i32
        %add3A_653 = arith.constant 14 : i32
        %add3A_654 = arith.addi %mul3A_652, %add3A_653 : i32
        %get3A_655 = arith.index_cast %add3A_654 : i32 to index
        %get3A_656 = arith.constant 48 : index
        %get3A_657 = tpu.vector_load %arg8[%get3A_655, %get3A_656] {strides = array<i32>} : memref<128x128xf32, #tpu.memory_space<vmem>>, vector<1x16xf32>,
        %get3A_658 = vector.shape_cast %get3A_657 : vector<1x16xf32> to vector<16xf32>
        %max3A_659 = arith.maximumf %max3A_650, %get3A_658 : vector<16xf32>
        %mul3A_660 = arith.constant 16 : i32
        %mul3A_661 = arith.muli %scan3A_91, %mul3A_660 : i32
        %add3A_662 = arith.constant 15 : i32
        %add3A_663 = arith.addi %mul3A_661, %add3A_662 : i32
        %get3A_664 = arith.index_cast %add3A_663 : i32 to index
        %get3A_665 = arith.constant 48 : index
        %get3A_666 = tpu.vector_load %arg8[%get3A_664, %get3A_665] {strides = array<i32>} : memref<128x128xf32, #tpu.memory_space<vmem>>, vector<1x16xf32>,
        %get3A_667 = vector.shape_cast %get3A_666 : vector<1x16xf32> to vector<16xf32>
        %max3A_668 = arith.maximumf %max3A_659, %get3A_667 : vector<16xf32>
        %swap3A_669 = arith.index_cast %scan3A_91 : i32 to index
        %swap3A_670 = arith.constant 48 : index
        %swap3A_671 = tpu.vector_load %arg9[%swap3A_669, %swap3A_670] {strides = array<i32>} : memref<8x128xf32, #tpu.memory_space<vmem>>, vector<1x16xf32>,
        %swap3A_672 = vector.shape_cast %swap3A_671 : vector<1x16xf32> to vector<16xf32>
        %swap3A_673 = vector.shape_cast %max3A_668 : vector<16xf32> to vector<1x16xf32>
        tpu.vector_store %arg9[%swap3A_669, %swap3A_670], %swap3A_673 {strides = array<i32>} : memref<8x128xf32, #tpu.memory_space<vmem>>, vector<1x16xf32>,
        %mul3A_674 = arith.constant 16 : i32
        %mul3A_675 = arith.muli %scan3A_91, %mul3A_674 : i32
        %get3A_676 = arith.index_cast %mul3A_675 : i32 to index
        %get3A_677 = arith.constant 64 : index
        %get3A_678 = tpu.vector_load %arg8[%get3A_676, %get3A_677] {strides = array<i32>} : memref<128x128xf32, #tpu.memory_space<vmem>>, vector<1x16xf32>,
        %get3A_679 = vector.shape_cast %get3A_678 : vector<1x16xf32> to vector<16xf32>
        %mul3A_680 = arith.constant 16 : i32
        %mul3A_681 = arith.muli %scan3A_91, %mul3A_680 : i32
        %add3A_682 = arith.constant 1 : i32
        %add3A_683 = arith.addi %mul3A_681, %add3A_682 : i32
        %get3A_684 = arith.index_cast %add3A_683 : i32 to index
        %get3A_685 = arith.constant 64 : index
        %get3A_686 = tpu.vector_load %arg8[%get3A_684, %get3A_685] {strides = array<i32>} : memref<128x128xf32, #tpu.memory_space<vmem>>, vector<1x16xf32>,
        %get3A_687 = vector.shape_cast %get3A_686 : vector<1x16xf32> to vector<16xf32>
        %max3A_688 = arith.maximumf %get3A_679, %get3A_687 : vector<16xf32>
        %mul3A_689 = arith.constant 16 : i32
        %mul3A_690 = arith.muli %scan3A_91, %mul3A_689 : i32
        %add3A_691 = arith.constant 2 : i32
        %add3A_692 = arith.addi %mul3A_690, %add3A_691 : i32
        %get3A_693 = arith.index_cast %add3A_692 : i32 to index
        %get3A_694 = arith.constant 64 : index
        %get3A_695 = tpu.vector_load %arg8[%get3A_693, %get3A_694] {strides = array<i32>} : memref<128x128xf32, #tpu.memory_space<vmem>>, vector<1x16xf32>,
        %get3A_696 = vector.shape_cast %get3A_695 : vector<1x16xf32> to vector<16xf32>
        %max3A_697 = arith.maximumf %max3A_688, %get3A_696 : vector<16xf32>
        %mul3A_698 = arith.constant 16 : i32
        %mul3A_699 = arith.muli %scan3A_91, %mul3A_698 : i32
        %add3A_700 = arith.constant 3 : i32
        %add3A_701 = arith.addi %mul3A_699, %add3A_700 : i32
        %get3A_702 = arith.index_cast %add3A_701 : i32 to index
        %get3A_703 = arith.constant 64 : index
        %get3A_704 = tpu.vector_load %arg8[%get3A_702, %get3A_703] {strides = array<i32>} : memref<128x128xf32, #tpu.memory_space<vmem>>, vector<1x16xf32>,
        %get3A_705 = vector.shape_cast %get3A_704 : vector<1x16xf32> to vector<16xf32>
        %max3A_706 = arith.maximumf %max3A_697, %get3A_705 : vector<16xf32>
        %mul3A_707 = arith.constant 16 : i32
        %mul3A_708 = arith.muli %scan3A_91, %mul3A_707 : i32
        %add3A_709 = arith.constant 4 : i32
        %add3A_710 = arith.addi %mul3A_708, %add3A_709 : i32
        %get3A_711 = arith.index_cast %add3A_710 : i32 to index
        %get3A_712 = arith.constant 64 : index
        %get3A_713 = tpu.vector_load %arg8[%get3A_711, %get3A_712] {strides = array<i32>} : memref<128x128xf32, #tpu.memory_space<vmem>>, vector<1x16xf32>,
        %get3A_714 = vector.shape_cast %get3A_713 : vector<1x16xf32> to vector<16xf32>
        %max3A_715 = arith.maximumf %max3A_706, %get3A_714 : vector<16xf32>
        %mul3A_716 = arith.constant 16 : i32
        %mul3A_717 = arith.muli %scan3A_91, %mul3A_716 : i32
        %add3A_718 = arith.constant 5 : i32
        %add3A_719 = arith.addi %mul3A_717, %add3A_718 : i32
        %get3A_720 = arith.index_cast %add3A_719 : i32 to index
        %get3A_721 = arith.constant 64 : index
        %get3A_722 = tpu.vector_load %arg8[%get3A_720, %get3A_721] {strides = array<i32>} : memref<128x128xf32, #tpu.memory_space<vmem>>, vector<1x16xf32>,
        %get3A_723 = vector.shape_cast %get3A_722 : vector<1x16xf32> to vector<16xf32>
        %max3A_724 = arith.maximumf %max3A_715, %get3A_723 : vector<16xf32>
        %mul3A_725 = arith.constant 16 : i32
        %mul3A_726 = arith.muli %scan3A_91, %mul3A_725 : i32
        %add3A_727 = arith.constant 6 : i32
        %add3A_728 = arith.addi %mul3A_726, %add3A_727 : i32
        %get3A_729 = arith.index_cast %add3A_728 : i32 to index
        %get3A_730 = arith.constant 64 : index
        %get3A_731 = tpu.vector_load %arg8[%get3A_729, %get3A_730] {strides = array<i32>} : memref<128x128xf32, #tpu.memory_space<vmem>>, vector<1x16xf32>,
        %get3A_732 = vector.shape_cast %get3A_731 : vector<1x16xf32> to vector<16xf32>
        %max3A_733 = arith.maximumf %max3A_724, %get3A_732 : vector<16xf32>
        %mul3A_734 = arith.constant 16 : i32
        %mul3A_735 = arith.muli %scan3A_91, %mul3A_734 : i32
        %add3A_736 = arith.constant 7 : i32
        %add3A_737 = arith.addi %mul3A_735, %add3A_736 : i32
        %get3A_738 = arith.index_cast %add3A_737 : i32 to index
        %get3A_739 = arith.constant 64 : index
        %get3A_740 = tpu.vector_load %arg8[%get3A_738, %get3A_739] {strides = array<i32>} : memref<128x128xf32, #tpu.memory_space<vmem>>, vector<1x16xf32>,
        %get3A_741 = vector.shape_cast %get3A_740 : vector<1x16xf32> to vector<16xf32>
        %max3A_742 = arith.maximumf %max3A_733, %get3A_741 : vector<16xf32>
        %mul3A_743 = arith.constant 16 : i32
        %mul3A_744 = arith.muli %scan3A_91, %mul3A_743 : i32
        %add3A_745 = arith.constant 8 : i32
        %add3A_746 = arith.addi %mul3A_744, %add3A_745 : i32
        %get3A_747 = arith.index_cast %add3A_746 : i32 to index
        %get3A_748 = arith.constant 64 : index
        %get3A_749 = tpu.vector_load %arg8[%get3A_747, %get3A_748] {strides = array<i32>} : memref<128x128xf32, #tpu.memory_space<vmem>>, vector<1x16xf32>,
        %get3A_750 = vector.shape_cast %get3A_749 : vector<1x16xf32> to vector<16xf32>
        %max3A_751 = arith.maximumf %max3A_742, %get3A_750 : vector<16xf32>
        %mul3A_752 = arith.constant 16 : i32
        %mul3A_753 = arith.muli %scan3A_91, %mul3A_752 : i32
        %add3A_754 = arith.constant 9 : i32
        %add3A_755 = arith.addi %mul3A_753, %add3A_754 : i32
        %get3A_756 = arith.index_cast %add3A_755 : i32 to index
        %get3A_757 = arith.constant 64 : index
        %get3A_758 = tpu.vector_load %arg8[%get3A_756, %get3A_757] {strides = array<i32>} : memref<128x128xf32, #tpu.memory_space<vmem>>, vector<1x16xf32>,
        %get3A_759 = vector.shape_cast %get3A_758 : vector<1x16xf32> to vector<16xf32>
        %max3A_760 = arith.maximumf %max3A_751, %get3A_759 : vector<16xf32>
        %mul3A_761 = arith.constant 16 : i32
        %mul3A_762 = arith.muli %scan3A_91, %mul3A_761 : i32
        %add3A_763 = arith.constant 10 : i32
        %add3A_764 = arith.addi %mul3A_762, %add3A_763 : i32
        %get3A_765 = arith.index_cast %add3A_764 : i32 to index
        %get3A_766 = arith.constant 64 : index
        %get3A_767 = tpu.vector_load %arg8[%get3A_765, %get3A_766] {strides = array<i32>} : memref<128x128xf32, #tpu.memory_space<vmem>>, vector<1x16xf32>,
        %get3A_768 = vector.shape_cast %get3A_767 : vector<1x16xf32> to vector<16xf32>
        %max3A_769 = arith.maximumf %max3A_760, %get3A_768 : vector<16xf32>
        %mul3A_770 = arith.constant 16 : i32
        %mul3A_771 = arith.muli %scan3A_91, %mul3A_770 : i32
        %add3A_772 = arith.constant 11 : i32
        %add3A_773 = arith.addi %mul3A_771, %add3A_772 : i32
        %get3A_774 = arith.index_cast %add3A_773 : i32 to index
        %get3A_775 = arith.constant 64 : index
        %get3A_776 = tpu.vector_load %arg8[%get3A_774, %get3A_775] {strides = array<i32>} : memref<128x128xf32, #tpu.memory_space<vmem>>, vector<1x16xf32>,
        %get3A_777 = vector.shape_cast %get3A_776 : vector<1x16xf32> to vector<16xf32>
        %max3A_778 = arith.maximumf %max3A_769, %get3A_777 : vector<16xf32>
        %mul3A_779 = arith.constant 16 : i32
        %mul3A_780 = arith.muli %scan3A_91, %mul3A_779 : i32
        %add3A_781 = arith.constant 12 : i32
        %add3A_782 = arith.addi %mul3A_780, %add3A_781 : i32
        %get3A_783 = arith.index_cast %add3A_782 : i32 to index
        %get3A_784 = arith.constant 64 : index
        %get3A_785 = tpu.vector_load %arg8[%get3A_783, %get3A_784] {strides = array<i32>} : memref<128x128xf32, #tpu.memory_space<vmem>>, vector<1x16xf32>,
        %get3A_786 = vector.shape_cast %get3A_785 : vector<1x16xf32> to vector<16xf32>
        %max3A_787 = arith.maximumf %max3A_778, %get3A_786 : vector<16xf32>
        %mul3A_788 = arith.constant 16 : i32
        %mul3A_789 = arith.muli %scan3A_91, %mul3A_788 : i32
        %add3A_790 = arith.constant 13 : i32
        %add3A_791 = arith.addi %mul3A_789, %add3A_790 : i32
        %get3A_792 = arith.index_cast %add3A_791 : i32 to index
        %get3A_793 = arith.constant 64 : index
        %get3A_794 = tpu.vector_load %arg8[%get3A_792, %get3A_793] {strides = array<i32>} : memref<128x128xf32, #tpu.memory_space<vmem>>, vector<1x16xf32>,
        %get3A_795 = vector.shape_cast %get3A_794 : vector<1x16xf32> to vector<16xf32>
        %max3A_796 = arith.maximumf %max3A_787, %get3A_795 : vector<16xf32>
        %mul3A_797 = arith.constant 16 : i32
        %mul3A_798 = arith.muli %scan3A_91, %mul3A_797 : i32
        %add3A_799 = arith.constant 14 : i32
        %add3A_800 = arith.addi %mul3A_798, %add3A_799 : i32
        %get3A_801 = arith.index_cast %add3A_800 : i32 to index
        %get3A_802 = arith.constant 64 : index
        %get3A_803 = tpu.vector_load %arg8[%get3A_801, %get3A_802] {strides = array<i32>} : memref<128x128xf32, #tpu.memory_space<vmem>>, vector<1x16xf32>,
        %get3A_804 = vector.shape_cast %get3A_803 : vector<1x16xf32> to vector<16xf32>
        %max3A_805 = arith.maximumf %max3A_796, %get3A_804 : vector<16xf32>
        %mul3A_806 = arith.constant 16 : i32
        %mul3A_807 = arith.muli %scan3A_91, %mul3A_806 : i32
        %add3A_808 = arith.constant 15 : i32
        %add3A_809 = arith.addi %mul3A_807, %add3A_808 : i32
        %get3A_810 = arith.index_cast %add3A_809 : i32 to index
        %get3A_811 = arith.constant 64 : index
        %get3A_812 = tpu.vector_load %arg8[%get3A_810, %get3A_811] {strides = array<i32>} : memref<128x128xf32, #tpu.memory_space<vmem>>, vector<1x16xf32>,
        %get3A_813 = vector.shape_cast %get3A_812 : vector<1x16xf32> to vector<16xf32>
        %max3A_814 = arith.maximumf %max3A_805, %get3A_813 : vector<16xf32>
        %swap3A_815 = arith.index_cast %scan3A_91 : i32 to index
        %swap3A_816 = arith.constant 64 : index
        %swap3A_817 = tpu.vector_load %arg9[%swap3A_815, %swap3A_816] {strides = array<i32>} : memref<8x128xf32, #tpu.memory_space<vmem>>, vector<1x16xf32>,
        %swap3A_818 = vector.shape_cast %swap3A_817 : vector<1x16xf32> to vector<16xf32>
        %swap3A_819 = vector.shape_cast %max3A_814 : vector<16xf32> to vector<1x16xf32>
        tpu.vector_store %arg9[%swap3A_815, %swap3A_816], %swap3A_819 {strides = array<i32>} : memref<8x128xf32, #tpu.memory_space<vmem>>, vector<1x16xf32>,
        %mul3A_820 = arith.constant 16 : i32
        %mul3A_821 = arith.muli %scan3A_91, %mul3A_820 : i32
        %get3A_822 = arith.index_cast %mul3A_821 : i32 to index
        %get3A_823 = arith.constant 80 : index
        %get3A_824 = tpu.vector_load %arg8[%get3A_822, %get3A_823] {strides = array<i32>} : memref<128x128xf32, #tpu.memory_space<vmem>>, vector<1x16xf32>,
        %get3A_825 = vector.shape_cast %get3A_824 : vector<1x16xf32> to vector<16xf32>
        %mul3A_826 = arith.constant 16 : i32
        %mul3A_827 = arith.muli %scan3A_91, %mul3A_826 : i32
        %add3A_828 = arith.constant 1 : i32
        %add3A_829 = arith.addi %mul3A_827, %add3A_828 : i32
        %get3A_830 = arith.index_cast %add3A_829 : i32 to index
        %get3A_831 = arith.constant 80 : index
        %get3A_832 = tpu.vector_load %arg8[%get3A_830, %get3A_831] {strides = array<i32>} : memref<128x128xf32, #tpu.memory_space<vmem>>, vector<1x16xf32>,
        %get3A_833 = vector.shape_cast %get3A_832 : vector<1x16xf32> to vector<16xf32>
        %max3A_834 = arith.maximumf %get3A_825, %get3A_833 : vector<16xf32>
        %mul3A_835 = arith.constant 16 : i32
        %mul3A_836 = arith.muli %scan3A_91, %mul3A_835 : i32
        %add3A_837 = arith.constant 2 : i32
        %add3A_838 = arith.addi %mul3A_836, %add3A_837 : i32
        %get3A_839 = arith.index_cast %add3A_838 : i32 to index
        %get3A_840 = arith.constant 80 : index
        %get3A_841 = tpu.vector_load %arg8[%get3A_839, %get3A_840] {strides = array<i32>} : memref<128x128xf32, #tpu.memory_space<vmem>>, vector<1x16xf32>,
        %get3A_842 = vector.shape_cast %get3A_841 : vector<1x16xf32> to vector<16xf32>
        %max3A_843 = arith.maximumf %max3A_834, %get3A_842 : vector<16xf32>
        %mul3A_844 = arith.constant 16 : i32
        %mul3A_845 = arith.muli %scan3A_91, %mul3A_844 : i32
        %add3A_846 = arith.constant 3 : i32
        %add3A_847 = arith.addi %mul3A_845, %add3A_846 : i32
        %get3A_848 = arith.index_cast %add3A_847 : i32 to index
        %get3A_849 = arith.constant 80 : index
        %get3A_850 = tpu.vector_load %arg8[%get3A_848, %get3A_849] {strides = array<i32>} : memref<128x128xf32, #tpu.memory_space<vmem>>, vector<1x16xf32>,
        %get3A_851 = vector.shape_cast %get3A_850 : vector<1x16xf32> to vector<16xf32>
        %max3A_852 = arith.maximumf %max3A_843, %get3A_851 : vector<16xf32>
        %mul3A_853 = arith.constant 16 : i32
        %mul3A_854 = arith.muli %scan3A_91, %mul3A_853 : i32
        %add3A_855 = arith.constant 4 : i32
        %add3A_856 = arith.addi %mul3A_854, %add3A_855 : i32
        %get3A_857 = arith.index_cast %add3A_856 : i32 to index
        %get3A_858 = arith.constant 80 : index
        %get3A_859 = tpu.vector_load %arg8[%get3A_857, %get3A_858] {strides = array<i32>} : memref<128x128xf32, #tpu.memory_space<vmem>>, vector<1x16xf32>,
        %get3A_860 = vector.shape_cast %get3A_859 : vector<1x16xf32> to vector<16xf32>
        %max3A_861 = arith.maximumf %max3A_852, %get3A_860 : vector<16xf32>
        %mul3A_862 = arith.constant 16 : i32
        %mul3A_863 = arith.muli %scan3A_91, %mul3A_862 : i32
        %add3A_864 = arith.constant 5 : i32
        %add3A_865 = arith.addi %mul3A_863, %add3A_864 : i32
        %get3A_866 = arith.index_cast %add3A_865 : i32 to index
        %get3A_867 = arith.constant 80 : index
        %get3A_868 = tpu.vector_load %arg8[%get3A_866, %get3A_867] {strides = array<i32>} : memref<128x128xf32, #tpu.memory_space<vmem>>, vector<1x16xf32>,
        %get3A_869 = vector.shape_cast %get3A_868 : vector<1x16xf32> to vector<16xf32>
        %max3A_870 = arith.maximumf %max3A_861, %get3A_869 : vector<16xf32>
        %mul3A_871 = arith.constant 16 : i32
        %mul3A_872 = arith.muli %scan3A_91, %mul3A_871 : i32
        %add3A_873 = arith.constant 6 : i32
        %add3A_874 = arith.addi %mul3A_872, %add3A_873 : i32
        %get3A_875 = arith.index_cast %add3A_874 : i32 to index
        %get3A_876 = arith.constant 80 : index
        %get3A_877 = tpu.vector_load %arg8[%get3A_875, %get3A_876] {strides = array<i32>} : memref<128x128xf32, #tpu.memory_space<vmem>>, vector<1x16xf32>,
        %get3A_878 = vector.shape_cast %get3A_877 : vector<1x16xf32> to vector<16xf32>
        %max3A_879 = arith.maximumf %max3A_870, %get3A_878 : vector<16xf32>
        %mul3A_880 = arith.constant 16 : i32
        %mul3A_881 = arith.muli %scan3A_91, %mul3A_880 : i32
        %add3A_882 = arith.constant 7 : i32
        %add3A_883 = arith.addi %mul3A_881, %add3A_882 : i32
        %get3A_884 = arith.index_cast %add3A_883 : i32 to index
        %get3A_885 = arith.constant 80 : index
        %get3A_886 = tpu.vector_load %arg8[%get3A_884, %get3A_885] {strides = array<i32>} : memref<128x128xf32, #tpu.memory_space<vmem>>, vector<1x16xf32>,
        %get3A_887 = vector.shape_cast %get3A_886 : vector<1x16xf32> to vector<16xf32>
        %max3A_888 = arith.maximumf %max3A_879, %get3A_887 : vector<16xf32>
        %mul3A_889 = arith.constant 16 : i32
        %mul3A_890 = arith.muli %scan3A_91, %mul3A_889 : i32
        %add3A_891 = arith.constant 8 : i32
        %add3A_892 = arith.addi %mul3A_890, %add3A_891 : i32
        %get3A_893 = arith.index_cast %add3A_892 : i32 to index
        %get3A_894 = arith.constant 80 : index
        %get3A_895 = tpu.vector_load %arg8[%get3A_893, %get3A_894] {strides = array<i32>} : memref<128x128xf32, #tpu.memory_space<vmem>>, vector<1x16xf32>,
        %get3A_896 = vector.shape_cast %get3A_895 : vector<1x16xf32> to vector<16xf32>
        %max3A_897 = arith.maximumf %max3A_888, %get3A_896 : vector<16xf32>
        %mul3A_898 = arith.constant 16 : i32
        %mul3A_899 = arith.muli %scan3A_91, %mul3A_898 : i32
        %add3A_900 = arith.constant 9 : i32
        %add3A_901 = arith.addi %mul3A_899, %add3A_900 : i32
        %get3A_902 = arith.index_cast %add3A_901 : i32 to index
        %get3A_903 = arith.constant 80 : index
        %get3A_904 = tpu.vector_load %arg8[%get3A_902, %get3A_903] {strides = array<i32>} : memref<128x128xf32, #tpu.memory_space<vmem>>, vector<1x16xf32>,
        %get3A_905 = vector.shape_cast %get3A_904 : vector<1x16xf32> to vector<16xf32>
        %max3A_906 = arith.maximumf %max3A_897, %get3A_905 : vector<16xf32>
        %mul3A_907 = arith.constant 16 : i32
        %mul3A_908 = arith.muli %scan3A_91, %mul3A_907 : i32
        %add3A_909 = arith.constant 10 : i32
        %add3A_910 = arith.addi %mul3A_908, %add3A_909 : i32
        %get3A_911 = arith.index_cast %add3A_910 : i32 to index
        %get3A_912 = arith.constant 80 : index
        %get3A_913 = tpu.vector_load %arg8[%get3A_911, %get3A_912] {strides = array<i32>} : memref<128x128xf32, #tpu.memory_space<vmem>>, vector<1x16xf32>,
        %get3A_914 = vector.shape_cast %get3A_913 : vector<1x16xf32> to vector<16xf32>
        %max3A_915 = arith.maximumf %max3A_906, %get3A_914 : vector<16xf32>
        %mul3A_916 = arith.constant 16 : i32
        %mul3A_917 = arith.muli %scan3A_91, %mul3A_916 : i32
        %add3A_918 = arith.constant 11 : i32
        %add3A_919 = arith.addi %mul3A_917, %add3A_918 : i32
        %get3A_920 = arith.index_cast %add3A_919 : i32 to index
        %get3A_921 = arith.constant 80 : index
        %get3A_922 = tpu.vector_load %arg8[%get3A_920, %get3A_921] {strides = array<i32>} : memref<128x128xf32, #tpu.memory_space<vmem>>, vector<1x16xf32>,
        %get3A_923 = vector.shape_cast %get3A_922 : vector<1x16xf32> to vector<16xf32>
        %max3A_924 = arith.maximumf %max3A_915, %get3A_923 : vector<16xf32>
        %mul3A_925 = arith.constant 16 : i32
        %mul3A_926 = arith.muli %scan3A_91, %mul3A_925 : i32
        %add3A_927 = arith.constant 12 : i32
        %add3A_928 = arith.addi %mul3A_926, %add3A_927 : i32
        %get3A_929 = arith.index_cast %add3A_928 : i32 to index
        %get3A_930 = arith.constant 80 : index
        %get3A_931 = tpu.vector_load %arg8[%get3A_929, %get3A_930] {strides = array<i32>} : memref<128x128xf32, #tpu.memory_space<vmem>>, vector<1x16xf32>,
        %get3A_932 = vector.shape_cast %get3A_931 : vector<1x16xf32> to vector<16xf32>
        %max3A_933 = arith.maximumf %max3A_924, %get3A_932 : vector<16xf32>
        %mul3A_934 = arith.constant 16 : i32
        %mul3A_935 = arith.muli %scan3A_91, %mul3A_934 : i32
        %add3A_936 = arith.constant 13 : i32
        %add3A_937 = arith.addi %mul3A_935, %add3A_936 : i32
        %get3A_938 = arith.index_cast %add3A_937 : i32 to index
        %get3A_939 = arith.constant 80 : index
        %get3A_940 = tpu.vector_load %arg8[%get3A_938, %get3A_939] {strides = array<i32>} : memref<128x128xf32, #tpu.memory_space<vmem>>, vector<1x16xf32>,
        %get3A_941 = vector.shape_cast %get3A_940 : vector<1x16xf32> to vector<16xf32>
        %max3A_942 = arith.maximumf %max3A_933, %get3A_941 : vector<16xf32>
        %mul3A_943 = arith.constant 16 : i32
        %mul3A_944 = arith.muli %scan3A_91, %mul3A_943 : i32
        %add3A_945 = arith.constant 14 : i32
        %add3A_946 = arith.addi %mul3A_944, %add3A_945 : i32
        %get3A_947 = arith.index_cast %add3A_946 : i32 to index
        %get3A_948 = arith.constant 80 : index
        %get3A_949 = tpu.vector_load %arg8[%get3A_947, %get3A_948] {strides = array<i32>} : memref<128x128xf32, #tpu.memory_space<vmem>>, vector<1x16xf32>,
        %get3A_950 = vector.shape_cast %get3A_949 : vector<1x16xf32> to vector<16xf32>
        %max3A_951 = arith.maximumf %max3A_942, %get3A_950 : vector<16xf32>
        %mul3A_952 = arith.constant 16 : i32
        %mul3A_953 = arith.muli %scan3A_91, %mul3A_952 : i32
        %add3A_954 = arith.constant 15 : i32
        %add3A_955 = arith.addi %mul3A_953, %add3A_954 : i32
        %get3A_956 = arith.index_cast %add3A_955 : i32 to index
        %get3A_957 = arith.constant 80 : index
        %get3A_958 = tpu.vector_load %arg8[%get3A_956, %get3A_957] {strides = array<i32>} : memref<128x128xf32, #tpu.memory_space<vmem>>, vector<1x16xf32>,
        %get3A_959 = vector.shape_cast %get3A_958 : vector<1x16xf32> to vector<16xf32>
        %max3A_960 = arith.maximumf %max3A_951, %get3A_959 : vector<16xf32>
        %swap3A_961 = arith.index_cast %scan3A_91 : i32 to index
        %swap3A_962 = arith.constant 80 : index
        %swap3A_963 = tpu.vector_load %arg9[%swap3A_961, %swap3A_962] {strides = array<i32>} : memref<8x128xf32, #tpu.memory_space<vmem>>, vector<1x16xf32>,
        %swap3A_964 = vector.shape_cast %swap3A_963 : vector<1x16xf32> to vector<16xf32>
        %swap3A_965 = vector.shape_cast %max3A_960 : vector<16xf32> to vector<1x16xf32>
        tpu.vector_store %arg9[%swap3A_961, %swap3A_962], %swap3A_965 {strides = array<i32>} : memref<8x128xf32, #tpu.memory_space<vmem>>, vector<1x16xf32>,
        %mul3A_966 = arith.constant 16 : i32
        %mul3A_967 = arith.muli %scan3A_91, %mul3A_966 : i32
        %get3A_968 = arith.index_cast %mul3A_967 : i32 to index
        %get3A_969 = arith.constant 96 : index
        %get3A_970 = tpu.vector_load %arg8[%get3A_968, %get3A_969] {strides = array<i32>} : memref<128x128xf32, #tpu.memory_space<vmem>>, vector<1x16xf32>,
        %get3A_971 = vector.shape_cast %get3A_970 : vector<1x16xf32> to vector<16xf32>
        %mul3A_972 = arith.constant 16 : i32
        %mul3A_973 = arith.muli %scan3A_91, %mul3A_972 : i32
        %add3A_974 = arith.constant 1 : i32
        %add3A_975 = arith.addi %mul3A_973, %add3A_974 : i32
        %get3A_976 = arith.index_cast %add3A_975 : i32 to index
        %get3A_977 = arith.constant 96 : index
        %get3A_978 = tpu.vector_load %arg8[%get3A_976, %get3A_977] {strides = array<i32>} : memref<128x128xf32, #tpu.memory_space<vmem>>, vector<1x16xf32>,
        %get3A_979 = vector.shape_cast %get3A_978 : vector<1x16xf32> to vector<16xf32>
        %max3A_980 = arith.maximumf %get3A_971, %get3A_979 : vector<16xf32>
        %mul3A_981 = arith.constant 16 : i32
        %mul3A_982 = arith.muli %scan3A_91, %mul3A_981 : i32
        %add3A_983 = arith.constant 2 : i32
        %add3A_984 = arith.addi %mul3A_982, %add3A_983 : i32
        %get3A_985 = arith.index_cast %add3A_984 : i32 to index
        %get3A_986 = arith.constant 96 : index
        %get3A_987 = tpu.vector_load %arg8[%get3A_985, %get3A_986] {strides = array<i32>} : memref<128x128xf32, #tpu.memory_space<vmem>>, vector<1x16xf32>,
        %get3A_988 = vector.shape_cast %get3A_987 : vector<1x16xf32> to vector<16xf32>
        %max3A_989 = arith.maximumf %max3A_980, %get3A_988 : vector<16xf32>
        %mul3A_990 = arith.constant 16 : i32
        %mul3A_991 = arith.muli %scan3A_91, %mul3A_990 : i32
        %add3A_992 = arith.constant 3 : i32
        %add3A_993 = arith.addi %mul3A_991, %add3A_992 : i32
        %get3A_994 = arith.index_cast %add3A_993 : i32 to index
        %get3A_995 = arith.constant 96 : index
        %get3A_996 = tpu.vector_load %arg8[%get3A_994, %get3A_995] {strides = array<i32>} : memref<128x128xf32, #tpu.memory_space<vmem>>, vector<1x16xf32>,
        %get3A_997 = vector.shape_cast %get3A_996 : vector<1x16xf32> to vector<16xf32>
        %max3A_998 = arith.maximumf %max3A_989, %get3A_997 : vector<16xf32>
        %mul3A_999 = arith.constant 16 : i32
        %mul3A_1000 = arith.muli %scan3A_91, %mul3A_999 : i32
        %add3A_1001 = arith.constant 4 : i32
        %add3A_1002 = arith.addi %mul3A_1000, %add3A_1001 : i32
        %get3A_1003 = arith.index_cast %add3A_1002 : i32 to index
        %get3A_1004 = arith.constant 96 : index
        %get3A_1005 = tpu.vector_load %arg8[%get3A_1003, %get3A_1004] {strides = array<i32>} : memref<128x128xf32, #tpu.memory_space<vmem>>, vector<1x16xf32>,
        %get3A_1006 = vector.shape_cast %get3A_1005 : vector<1x16xf32> to vector<16xf32>
        %max3A_1007 = arith.maximumf %max3A_998, %get3A_1006 : vector<16xf32>
        %mul3A_1008 = arith.constant 16 : i32
        %mul3A_1009 = arith.muli %scan3A_91, %mul3A_1008 : i32
        %add3A_1010 = arith.constant 5 : i32
        %add3A_1011 = arith.addi %mul3A_1009, %add3A_1010 : i32
        %get3A_1012 = arith.index_cast %add3A_1011 : i32 to index
        %get3A_1013 = arith.constant 96 : index
        %get3A_1014 = tpu.vector_load %arg8[%get3A_1012, %get3A_1013] {strides = array<i32>} : memref<128x128xf32, #tpu.memory_space<vmem>>, vector<1x16xf32>,
        %get3A_1015 = vector.shape_cast %get3A_1014 : vector<1x16xf32> to vector<16xf32>
        %max3A_1016 = arith.maximumf %max3A_1007, %get3A_1015 : vector<16xf32>
        %mul3A_1017 = arith.constant 16 : i32
        %mul3A_1018 = arith.muli %scan3A_91, %mul3A_1017 : i32
        %add3A_1019 = arith.constant 6 : i32
        %add3A_1020 = arith.addi %mul3A_1018, %add3A_1019 : i32
        %get3A_1021 = arith.index_cast %add3A_1020 : i32 to index
        %get3A_1022 = arith.constant 96 : index
        %get3A_1023 = tpu.vector_load %arg8[%get3A_1021, %get3A_1022] {strides = array<i32>} : memref<128x128xf32, #tpu.memory_space<vmem>>, vector<1x16xf32>,
        %get3A_1024 = vector.shape_cast %get3A_1023 : vector<1x16xf32> to vector<16xf32>
        %max3A_1025 = arith.maximumf %max3A_1016, %get3A_1024 : vector<16xf32>
        %mul3A_1026 = arith.constant 16 : i32
        %mul3A_1027 = arith.muli %scan3A_91, %mul3A_1026 : i32
        %add3A_1028 = arith.constant 7 : i32
        %add3A_1029 = arith.addi %mul3A_1027, %add3A_1028 : i32
        %get3A_1030 = arith.index_cast %add3A_1029 : i32 to index
        %get3A_1031 = arith.constant 96 : index
        %get3A_1032 = tpu.vector_load %arg8[%get3A_1030, %get3A_1031] {strides = array<i32>} : memref<128x128xf32, #tpu.memory_space<vmem>>, vector<1x16xf32>,
        %get3A_1033 = vector.shape_cast %get3A_1032 : vector<1x16xf32> to vector<16xf32>
        %max3A_1034 = arith.maximumf %max3A_1025, %get3A_1033 : vector<16xf32>
        %mul3A_1035 = arith.constant 16 : i32
        %mul3A_1036 = arith.muli %scan3A_91, %mul3A_1035 : i32
        %add3A_1037 = arith.constant 8 : i32
        %add3A_1038 = arith.addi %mul3A_1036, %add3A_1037 : i32
        %get3A_1039 = arith.index_cast %add3A_1038 : i32 to index
        %get3A_1040 = arith.constant 96 : index
        %get3A_1041 = tpu.vector_load %arg8[%get3A_1039, %get3A_1040] {strides = array<i32>} : memref<128x128xf32, #tpu.memory_space<vmem>>, vector<1x16xf32>,
        %get3A_1042 = vector.shape_cast %get3A_1041 : vector<1x16xf32> to vector<16xf32>
        %max3A_1043 = arith.maximumf %max3A_1034, %get3A_1042 : vector<16xf32>
        %mul3A_1044 = arith.constant 16 : i32
        %mul3A_1045 = arith.muli %scan3A_91, %mul3A_1044 : i32
        %add3A_1046 = arith.constant 9 : i32
        %add3A_1047 = arith.addi %mul3A_1045, %add3A_1046 : i32
        %get3A_1048 = arith.index_cast %add3A_1047 : i32 to index
        %get3A_1049 = arith.constant 96 : index
        %get3A_1050 = tpu.vector_load %arg8[%get3A_1048, %get3A_1049] {strides = array<i32>} : memref<128x128xf32, #tpu.memory_space<vmem>>, vector<1x16xf32>,
        %get3A_1051 = vector.shape_cast %get3A_1050 : vector<1x16xf32> to vector<16xf32>
        %max3A_1052 = arith.maximumf %max3A_1043, %get3A_1051 : vector<16xf32>
        %mul3A_1053 = arith.constant 16 : i32
        %mul3A_1054 = arith.muli %scan3A_91, %mul3A_1053 : i32
        %add3A_1055 = arith.constant 10 : i32
        %add3A_1056 = arith.addi %mul3A_1054, %add3A_1055 : i32
        %get3A_1057 = arith.index_cast %add3A_1056 : i32 to index
        %get3A_1058 = arith.constant 96 : index
        %get3A_1059 = tpu.vector_load %arg8[%get3A_1057, %get3A_1058] {strides = array<i32>} : memref<128x128xf32, #tpu.memory_space<vmem>>, vector<1x16xf32>,
        %get3A_1060 = vector.shape_cast %get3A_1059 : vector<1x16xf32> to vector<16xf32>
        %max3A_1061 = arith.maximumf %max3A_1052, %get3A_1060 : vector<16xf32>
        %mul3A_1062 = arith.constant 16 : i32
        %mul3A_1063 = arith.muli %scan3A_91, %mul3A_1062 : i32
        %add3A_1064 = arith.constant 11 : i32
        %add3A_1065 = arith.addi %mul3A_1063, %add3A_1064 : i32
        %get3A_1066 = arith.index_cast %add3A_1065 : i32 to index
        %get3A_1067 = arith.constant 96 : index
        %get3A_1068 = tpu.vector_load %arg8[%get3A_1066, %get3A_1067] {strides = array<i32>} : memref<128x128xf32, #tpu.memory_space<vmem>>, vector<1x16xf32>,
        %get3A_1069 = vector.shape_cast %get3A_1068 : vector<1x16xf32> to vector<16xf32>
        %max3A_1070 = arith.maximumf %max3A_1061, %get3A_1069 : vector<16xf32>
        %mul3A_1071 = arith.constant 16 : i32
        %mul3A_1072 = arith.muli %scan3A_91, %mul3A_1071 : i32
        %add3A_1073 = arith.constant 12 : i32
        %add3A_1074 = arith.addi %mul3A_1072, %add3A_1073 : i32
        %get3A_1075 = arith.index_cast %add3A_1074 : i32 to index
        %get3A_1076 = arith.constant 96 : index
        %get3A_1077 = tpu.vector_load %arg8[%get3A_1075, %get3A_1076] {strides = array<i32>} : memref<128x128xf32, #tpu.memory_space<vmem>>, vector<1x16xf32>,
        %get3A_1078 = vector.shape_cast %get3A_1077 : vector<1x16xf32> to vector<16xf32>
        %max3A_1079 = arith.maximumf %max3A_1070, %get3A_1078 : vector<16xf32>
        %mul3A_1080 = arith.constant 16 : i32
        %mul3A_1081 = arith.muli %scan3A_91, %mul3A_1080 : i32
        %add3A_1082 = arith.constant 13 : i32
        %add3A_1083 = arith.addi %mul3A_1081, %add3A_1082 : i32
        %get3A_1084 = arith.index_cast %add3A_1083 : i32 to index
        %get3A_1085 = arith.constant 96 : index
        %get3A_1086 = tpu.vector_load %arg8[%get3A_1084, %get3A_1085] {strides = array<i32>} : memref<128x128xf32, #tpu.memory_space<vmem>>, vector<1x16xf32>,
        %get3A_1087 = vector.shape_cast %get3A_1086 : vector<1x16xf32> to vector<16xf32>
        %max3A_1088 = arith.maximumf %max3A_1079, %get3A_1087 : vector<16xf32>
        %mul3A_1089 = arith.constant 16 : i32
        %mul3A_1090 = arith.muli %scan3A_91, %mul3A_1089 : i32
        %add3A_1091 = arith.constant 14 : i32
        %add3A_1092 = arith.addi %mul3A_1090, %add3A_1091 : i32
        %get3A_1093 = arith.index_cast %add3A_1092 : i32 to index
        %get3A_1094 = arith.constant 96 : index
        %get3A_1095 = tpu.vector_load %arg8[%get3A_1093, %get3A_1094] {strides = array<i32>} : memref<128x128xf32, #tpu.memory_space<vmem>>, vector<1x16xf32>,
        %get3A_1096 = vector.shape_cast %get3A_1095 : vector<1x16xf32> to vector<16xf32>
        %max3A_1097 = arith.maximumf %max3A_1088, %get3A_1096 : vector<16xf32>
        %mul3A_1098 = arith.constant 16 : i32
        %mul3A_1099 = arith.muli %scan3A_91, %mul3A_1098 : i32
        %add3A_1100 = arith.constant 15 : i32
        %add3A_1101 = arith.addi %mul3A_1099, %add3A_1100 : i32
        %get3A_1102 = arith.index_cast %add3A_1101 : i32 to index
        %get3A_1103 = arith.constant 96 : index
        %get3A_1104 = tpu.vector_load %arg8[%get3A_1102, %get3A_1103] {strides = array<i32>} : memref<128x128xf32, #tpu.memory_space<vmem>>, vector<1x16xf32>,
        %get3A_1105 = vector.shape_cast %get3A_1104 : vector<1x16xf32> to vector<16xf32>
        %max3A_1106 = arith.maximumf %max3A_1097, %get3A_1105 : vector<16xf32>
        %swap3A_1107 = arith.index_cast %scan3A_91 : i32 to index
        %swap3A_1108 = arith.constant 96 : index
        %swap3A_1109 = tpu.vector_load %arg9[%swap3A_1107, %swap3A_1108] {strides = array<i32>} : memref<8x128xf32, #tpu.memory_space<vmem>>, vector<1x16xf32>,
        %swap3A_1110 = vector.shape_cast %swap3A_1109 : vector<1x16xf32> to vector<16xf32>
        %swap3A_1111 = vector.shape_cast %max3A_1106 : vector<16xf32> to vector<1x16xf32>
        tpu.vector_store %arg9[%swap3A_1107, %swap3A_1108], %swap3A_1111 {strides = array<i32>} : memref<8x128xf32, #tpu.memory_space<vmem>>, vector<1x16xf32>,
        %mul3A_1112 = arith.constant 16 : i32
        %mul3A_1113 = arith.muli %scan3A_91, %mul3A_1112 : i32
        %get3A_1114 = arith.index_cast %mul3A_1113 : i32 to index
        %get3A_1115 = arith.constant 112 : index
        %get3A_1116 = tpu.vector_load %arg8[%get3A_1114, %get3A_1115] {strides = array<i32>} : memref<128x128xf32, #tpu.memory_space<vmem>>, vector<1x16xf32>,
        %get3A_1117 = vector.shape_cast %get3A_1116 : vector<1x16xf32> to vector<16xf32>
        %mul3A_1118 = arith.constant 16 : i32
        %mul3A_1119 = arith.muli %scan3A_91, %mul3A_1118 : i32
        %add3A_1120 = arith.constant 1 : i32
        %add3A_1121 = arith.addi %mul3A_1119, %add3A_1120 : i32
        %get3A_1122 = arith.index_cast %add3A_1121 : i32 to index
        %get3A_1123 = arith.constant 112 : index
        %get3A_1124 = tpu.vector_load %arg8[%get3A_1122, %get3A_1123] {strides = array<i32>} : memref<128x128xf32, #tpu.memory_space<vmem>>, vector<1x16xf32>,
        %get3A_1125 = vector.shape_cast %get3A_1124 : vector<1x16xf32> to vector<16xf32>
        %max3A_1126 = arith.maximumf %get3A_1117, %get3A_1125 : vector<16xf32>
        %mul3A_1127 = arith.constant 16 : i32
        %mul3A_1128 = arith.muli %scan3A_91, %mul3A_1127 : i32
        %add3A_1129 = arith.constant 2 : i32
        %add3A_1130 = arith.addi %mul3A_1128, %add3A_1129 : i32
        %get3A_1131 = arith.index_cast %add3A_1130 : i32 to index
        %get3A_1132 = arith.constant 112 : index
        %get3A_1133 = tpu.vector_load %arg8[%get3A_1131, %get3A_1132] {strides = array<i32>} : memref<128x128xf32, #tpu.memory_space<vmem>>, vector<1x16xf32>,
        %get3A_1134 = vector.shape_cast %get3A_1133 : vector<1x16xf32> to vector<16xf32>
        %max3A_1135 = arith.maximumf %max3A_1126, %get3A_1134 : vector<16xf32>
        %mul3A_1136 = arith.constant 16 : i32
        %mul3A_1137 = arith.muli %scan3A_91, %mul3A_1136 : i32
        %add3A_1138 = arith.constant 3 : i32
        %add3A_1139 = arith.addi %mul3A_1137, %add3A_1138 : i32
        %get3A_1140 = arith.index_cast %add3A_1139 : i32 to index
        %get3A_1141 = arith.constant 112 : index
        %get3A_1142 = tpu.vector_load %arg8[%get3A_1140, %get3A_1141] {strides = array<i32>} : memref<128x128xf32, #tpu.memory_space<vmem>>, vector<1x16xf32>,
        %get3A_1143 = vector.shape_cast %get3A_1142 : vector<1x16xf32> to vector<16xf32>
        %max3A_1144 = arith.maximumf %max3A_1135, %get3A_1143 : vector<16xf32>
        %mul3A_1145 = arith.constant 16 : i32
        %mul3A_1146 = arith.muli %scan3A_91, %mul3A_1145 : i32
        %add3A_1147 = arith.constant 4 : i32
        %add3A_1148 = arith.addi %mul3A_1146, %add3A_1147 : i32
        %get3A_1149 = arith.index_cast %add3A_1148 : i32 to index
        %get3A_1150 = arith.constant 112 : index
        %get3A_1151 = tpu.vector_load %arg8[%get3A_1149, %get3A_1150] {strides = array<i32>} : memref<128x128xf32, #tpu.memory_space<vmem>>, vector<1x16xf32>,
        %get3A_1152 = vector.shape_cast %get3A_1151 : vector<1x16xf32> to vector<16xf32>
        %max3A_1153 = arith.maximumf %max3A_1144, %get3A_1152 : vector<16xf32>
        %mul3A_1154 = arith.constant 16 : i32
        %mul3A_1155 = arith.muli %scan3A_91, %mul3A_1154 : i32
        %add3A_1156 = arith.constant 5 : i32
        %add3A_1157 = arith.addi %mul3A_1155, %add3A_1156 : i32
        %get3A_1158 = arith.index_cast %add3A_1157 : i32 to index
        %get3A_1159 = arith.constant 112 : index
        %get3A_1160 = tpu.vector_load %arg8[%get3A_1158, %get3A_1159] {strides = array<i32>} : memref<128x128xf32, #tpu.memory_space<vmem>>, vector<1x16xf32>,
        %get3A_1161 = vector.shape_cast %get3A_1160 : vector<1x16xf32> to vector<16xf32>
        %max3A_1162 = arith.maximumf %max3A_1153, %get3A_1161 : vector<16xf32>
        %mul3A_1163 = arith.constant 16 : i32
        %mul3A_1164 = arith.muli %scan3A_91, %mul3A_1163 : i32
        %add3A_1165 = arith.constant 6 : i32
        %add3A_1166 = arith.addi %mul3A_1164, %add3A_1165 : i32
        %get3A_1167 = arith.index_cast %add3A_1166 : i32 to index
        %get3A_1168 = arith.constant 112 : index
        %get3A_1169 = tpu.vector_load %arg8[%get3A_1167, %get3A_1168] {strides = array<i32>} : memref<128x128xf32, #tpu.memory_space<vmem>>, vector<1x16xf32>,
        %get3A_1170 = vector.shape_cast %get3A_1169 : vector<1x16xf32> to vector<16xf32>
        %max3A_1171 = arith.maximumf %max3A_1162, %get3A_1170 : vector<16xf32>
        %mul3A_1172 = arith.constant 16 : i32
        %mul3A_1173 = arith.muli %scan3A_91, %mul3A_1172 : i32
        %add3A_1174 = arith.constant 7 : i32
        %add3A_1175 = arith.addi %mul3A_1173, %add3A_1174 : i32
        %get3A_1176 = arith.index_cast %add3A_1175 : i32 to index
        %get3A_1177 = arith.constant 112 : index
        %get3A_1178 = tpu.vector_load %arg8[%get3A_1176, %get3A_1177] {strides = array<i32>} : memref<128x128xf32, #tpu.memory_space<vmem>>, vector<1x16xf32>,
        %get3A_1179 = vector.shape_cast %get3A_1178 : vector<1x16xf32> to vector<16xf32>
        %max3A_1180 = arith.maximumf %max3A_1171, %get3A_1179 : vector<16xf32>
        %mul3A_1181 = arith.constant 16 : i32
        %mul3A_1182 = arith.muli %scan3A_91, %mul3A_1181 : i32
        %add3A_1183 = arith.constant 8 : i32
        %add3A_1184 = arith.addi %mul3A_1182, %add3A_1183 : i32
        %get3A_1185 = arith.index_cast %add3A_1184 : i32 to index
        %get3A_1186 = arith.constant 112 : index
        %get3A_1187 = tpu.vector_load %arg8[%get3A_1185, %get3A_1186] {strides = array<i32>} : memref<128x128xf32, #tpu.memory_space<vmem>>, vector<1x16xf32>,
        %get3A_1188 = vector.shape_cast %get3A_1187 : vector<1x16xf32> to vector<16xf32>
        %max3A_1189 = arith.maximumf %max3A_1180, %get3A_1188 : vector<16xf32>
        %mul3A_1190 = arith.constant 16 : i32
        %mul3A_1191 = arith.muli %scan3A_91, %mul3A_1190 : i32
        %add3A_1192 = arith.constant 9 : i32
        %add3A_1193 = arith.addi %mul3A_1191, %add3A_1192 : i32
        %get3A_1194 = arith.index_cast %add3A_1193 : i32 to index
        %get3A_1195 = arith.constant 112 : index
        %get3A_1196 = tpu.vector_load %arg8[%get3A_1194, %get3A_1195] {strides = array<i32>} : memref<128x128xf32, #tpu.memory_space<vmem>>, vector<1x16xf32>,
        %get3A_1197 = vector.shape_cast %get3A_1196 : vector<1x16xf32> to vector<16xf32>
        %max3A_1198 = arith.maximumf %max3A_1189, %get3A_1197 : vector<16xf32>
        %mul3A_1199 = arith.constant 16 : i32
        %mul3A_1200 = arith.muli %scan3A_91, %mul3A_1199 : i32
        %add3A_1201 = arith.constant 10 : i32
        %add3A_1202 = arith.addi %mul3A_1200, %add3A_1201 : i32
        %get3A_1203 = arith.index_cast %add3A_1202 : i32 to index
        %get3A_1204 = arith.constant 112 : index
        %get3A_1205 = tpu.vector_load %arg8[%get3A_1203, %get3A_1204] {strides = array<i32>} : memref<128x128xf32, #tpu.memory_space<vmem>>, vector<1x16xf32>,
        %get3A_1206 = vector.shape_cast %get3A_1205 : vector<1x16xf32> to vector<16xf32>
        %max3A_1207 = arith.maximumf %max3A_1198, %get3A_1206 : vector<16xf32>
        %mul3A_1208 = arith.constant 16 : i32
        %mul3A_1209 = arith.muli %scan3A_91, %mul3A_1208 : i32
        %add3A_1210 = arith.constant 11 : i32
        %add3A_1211 = arith.addi %mul3A_1209, %add3A_1210 : i32
        %get3A_1212 = arith.index_cast %add3A_1211 : i32 to index
        %get3A_1213 = arith.constant 112 : index
        %get3A_1214 = tpu.vector_load %arg8[%get3A_1212, %get3A_1213] {strides = array<i32>} : memref<128x128xf32, #tpu.memory_space<vmem>>, vector<1x16xf32>,
        %get3A_1215 = vector.shape_cast %get3A_1214 : vector<1x16xf32> to vector<16xf32>
        %max3A_1216 = arith.maximumf %max3A_1207, %get3A_1215 : vector<16xf32>
        %mul3A_1217 = arith.constant 16 : i32
        %mul3A_1218 = arith.muli %scan3A_91, %mul3A_1217 : i32
        %add3A_1219 = arith.constant 12 : i32
        %add3A_1220 = arith.addi %mul3A_1218, %add3A_1219 : i32
        %get3A_1221 = arith.index_cast %add3A_1220 : i32 to index
        %get3A_1222 = arith.constant 112 : index
        %get3A_1223 = tpu.vector_load %arg8[%get3A_1221, %get3A_1222] {strides = array<i32>} : memref<128x128xf32, #tpu.memory_space<vmem>>, vector<1x16xf32>,
        %get3A_1224 = vector.shape_cast %get3A_1223 : vector<1x16xf32> to vector<16xf32>
        %max3A_1225 = arith.maximumf %max3A_1216, %get3A_1224 : vector<16xf32>
        %mul3A_1226 = arith.constant 16 : i32
        %mul3A_1227 = arith.muli %scan3A_91, %mul3A_1226 : i32
        %add3A_1228 = arith.constant 13 : i32
        %add3A_1229 = arith.addi %mul3A_1227, %add3A_1228 : i32
        %get3A_1230 = arith.index_cast %add3A_1229 : i32 to index
        %get3A_1231 = arith.constant 112 : index
        %get3A_1232 = tpu.vector_load %arg8[%get3A_1230, %get3A_1231] {strides = array<i32>} : memref<128x128xf32, #tpu.memory_space<vmem>>, vector<1x16xf32>,
        %get3A_1233 = vector.shape_cast %get3A_1232 : vector<1x16xf32> to vector<16xf32>
        %max3A_1234 = arith.maximumf %max3A_1225, %get3A_1233 : vector<16xf32>
        %mul3A_1235 = arith.constant 16 : i32
        %mul3A_1236 = arith.muli %scan3A_91, %mul3A_1235 : i32
        %add3A_1237 = arith.constant 14 : i32
        %add3A_1238 = arith.addi %mul3A_1236, %add3A_1237 : i32
        %get3A_1239 = arith.index_cast %add3A_1238 : i32 to index
        %get3A_1240 = arith.constant 112 : index
        %get3A_1241 = tpu.vector_load %arg8[%get3A_1239, %get3A_1240] {strides = array<i32>} : memref<128x128xf32, #tpu.memory_space<vmem>>, vector<1x16xf32>,
        %get3A_1242 = vector.shape_cast %get3A_1241 : vector<1x16xf32> to vector<16xf32>
        %max3A_1243 = arith.maximumf %max3A_1234, %get3A_1242 : vector<16xf32>
        %mul3A_1244 = arith.constant 16 : i32
        %mul3A_1245 = arith.muli %scan3A_91, %mul3A_1244 : i32
        %add3A_1246 = arith.constant 15 : i32
        %add3A_1247 = arith.addi %mul3A_1245, %add3A_1246 : i32
        %get3A_1248 = arith.index_cast %add3A_1247 : i32 to index
        %get3A_1249 = arith.constant 112 : index
        %get3A_1250 = tpu.vector_load %arg8[%get3A_1248, %get3A_1249] {strides = array<i32>} : memref<128x128xf32, #tpu.memory_space<vmem>>, vector<1x16xf32>,
        %get3A_1251 = vector.shape_cast %get3A_1250 : vector<1x16xf32> to vector<16xf32>
        %max3A_1252 = arith.maximumf %max3A_1243, %get3A_1251 : vector<16xf32>
        %swap3A_1253 = arith.index_cast %scan3A_91 : i32 to index
        %swap3A_1254 = arith.constant 112 : index
        %swap3A_1255 = tpu.vector_load %arg9[%swap3A_1253, %swap3A_1254] {strides = array<i32>} : memref<8x128xf32, #tpu.memory_space<vmem>>, vector<1x16xf32>,
        %swap3A_1256 = vector.shape_cast %swap3A_1255 : vector<1x16xf32> to vector<16xf32>
        %swap3A_1257 = vector.shape_cast %max3A_1252 : vector<16xf32> to vector<1x16xf32>
        tpu.vector_store %arg9[%swap3A_1253, %swap3A_1254], %swap3A_1257 {strides = array<i32>} : memref<8x128xf32, #tpu.memory_space<vmem>>, vector<1x16xf32>,
        %scan3A_1258 = arith.constant 0 : i32
        scf.yield %scan3A_1258 : i32
      }
      %scan3A_71 = arith.constant 8 : i32
      %mul3A_72 = arith.constant 8 : i32
      %mul3A_73 = arith.muli %add3A_61, %mul3A_72 : i32
      %add3A_74 = arith.addi %mul3A_2, %mul3A_73 : i32
      "tpu.region"() ({
        %run_scoped3A = tpu.sem_alloc : memref<!tpu.dma_semaphore, #tpu.memory_space<semaphore_mem>>
        %dma_start3A_91 = arith.constant 0 : i32
        %dma_start3A_92 = tpu.memref_slice %arg4[%add3A_74, %dma_start3A_91] : memref<5120x128xf32, #tpu.memory_space<hbm>> -> memref<8x128xf32, #tpu.memory_space<hbm>>
        %dma_start3A_93 = arith.constant 0 : i32
        %dma_start3A_94 = tpu.memref_slice %arg4[%add3A_74, %dma_start3A_93] : memref<5120x128xf32, #tpu.memory_space<hbm>> -> memref<8x128xf32, #tpu.memory_space<hbm>>
        tpu.enqueue_dma source(%arg9 : memref<8x128xf32, #tpu.memory_space<vmem>>) target(%dma_start3A_94 : memref<8x128xf32, #tpu.memory_space<hbm>>) target_semaphore(%run_scoped3A : memref<!tpu.dma_semaphore, #tpu.memory_space<semaphore_mem>>)
        %dma_wait3A_95 = arith.constant 0 : i32
        %dma_wait3A_96 = tpu.memref_slice %arg4[%add3A_74, %dma_wait3A_95] : memref<5120x128xf32, #tpu.memory_space<hbm>> -> memref<8x128xf32, #tpu.memory_space<hbm>>
        %dma_wait3A_97 = arith.constant 0 : i32
        %dma_wait3A_98 = tpu.memref_slice %arg4[%add3A_74, %dma_wait3A_97] : memref<5120x128xf32, #tpu.memory_space<hbm>> -> memref<8x128xf32, #tpu.memory_space<hbm>>
        tpu.wait_dma2 semaphore(%run_scoped3A : memref<!tpu.dma_semaphore, #tpu.memory_space<semaphore_mem>>) src(%arg9 : memref<8x128xf32, #tpu.memory_space<vmem>>) dst(%dma_wait3A_98 : memref<8x128xf32, #tpu.memory_space<hbm>>)
        tpu.yield
      }) : () -> ()
      %add3A_75 = arith.constant 2 : i32
      %add3A_76 = arith.addi %add3A_61, %add3A_75 : i32
      %lt3A_77 = arith.constant 20 : i32
      %lt3A_78 = arith.cmpi slt, %add3A_76, %lt3A_77 : i32
      %sub3A_79 = arith.constant 20 : i32
      %sub3A_80 = arith.subi %add3A_76, %sub3A_79 : i32
      %select_n3A_81 = arith.select %lt3A_78, %add3A_76, %sub3A_80 : i32
      %mul3A_82 = arith.constant 8 : i32
      %mul3A_83 = arith.muli %select_n3A_81, %mul3A_82 : i32
      %add3A_84 = arith.addi %mul3A_2, %mul3A_83 : i32
      %mul3A_85 = arith.constant 16 : i32
      %mul3A_86 = arith.muli %add3A_84, %mul3A_85 : i32
      "tpu.region"() ({
        %run_scoped3A = tpu.sem_alloc : memref<!tpu.dma_semaphore, #tpu.memory_space<semaphore_mem>>
        %dma_start3A_91 = tpu.memref_slice %arg3[%mul3A_86] : memref<81920xi32, #tpu.memory_space<hbm>> -> memref<128xi32, #tpu.memory_space<hbm>>
        %dma_start3A_92 = tpu.memref_slice %arg3[%mul3A_86] : memref<81920xi32, #tpu.memory_space<hbm>> -> memref<128xi32, #tpu.memory_space<hbm>>
        tpu.enqueue_dma source(%dma_start3A_92 : memref<128xi32, #tpu.memory_space<hbm>>) target(%arg6 : memref<128xi32, #tpu.memory_space<vmem>>) target_semaphore(%run_scoped3A : memref<!tpu.dma_semaphore, #tpu.memory_space<semaphore_mem>>)
        %dma_wait3A_93 = tpu.memref_slice %arg3[%mul3A_86] : memref<81920xi32, #tpu.memory_space<hbm>> -> memref<128xi32, #tpu.memory_space<hbm>>
        %dma_wait3A_94 = tpu.memref_slice %arg3[%mul3A_86] : memref<81920xi32, #tpu.memory_space<hbm>> -> memref<128xi32, #tpu.memory_space<hbm>>
        tpu.wait_dma2 semaphore(%run_scoped3A : memref<!tpu.dma_semaphore, #tpu.memory_space<semaphore_mem>>) src(%dma_wait3A_94 : memref<128xi32, #tpu.memory_space<hbm>>) dst(%arg6 : memref<128xi32, #tpu.memory_space<vmem>>)
        tpu.yield
      }) : () -> ()
      %dma_start3A_87 = arith.constant 0 : i32
      %dma_start3A_88 = arith.constant 0 : i32
      %dma_start3A_89 = tpu.memref_slice %arg2[%dma_start3A_87, %dma_start3A_88] : memref<1280x128xf32, #tpu.memory_space<hbm>> -> memref<1280x128xf32, #tpu.memory_space<hbm>>
      tpu.enqueue_indirect_dma source(%dma_start3A_89 : memref<1280x128xf32, #tpu.memory_space<hbm>>) target(%arg8 : memref<128x128xf32, #tpu.memory_space<vmem>>) offsets(%arg6 : memref<128xi32, #tpu.memory_space<vmem>>) semaphore(%arg11 : memref<!tpu.dma_semaphore, #tpu.memory_space<semaphore_mem>>)
      %scan3A_90 = arith.constant 0 : i32
      scf.yield %scan3A_90 : i32
    }
    %scan3A_21 = arith.constant 10 : i32
    %dma_wait3A = arith.constant 0 : i32
    %dma_wait3A_22 = arith.constant 0 : i32
    %dma_wait3A_23 = tpu.memref_slice %arg2[%dma_wait3A, %dma_wait3A_22] : memref<1280x128xf32, #tpu.memory_space<hbm>> -> memref<1280x128xf32, #tpu.memory_space<hbm>>
    tpu.wait_indirect_dma semaphore(%arg10 : memref<!tpu.dma_semaphore, #tpu.memory_space<semaphore_mem>>) src(%dma_wait3A_23 : memref<1280x128xf32, #tpu.memory_space<hbm>>) dst(%arg7 : memref<128x128xf32, #tpu.memory_space<vmem>>)
    %dma_wait3A_24 = arith.constant 0 : i32
    %dma_wait3A_25 = arith.constant 0 : i32
    %dma_wait3A_26 = tpu.memref_slice %arg2[%dma_wait3A_24, %dma_wait3A_25] : memref<1280x128xf32, #tpu.memory_space<hbm>> -> memref<1280x128xf32, #tpu.memory_space<hbm>>
    tpu.wait_indirect_dma semaphore(%arg11 : memref<!tpu.dma_semaphore, #tpu.memory_space<semaphore_mem>>) src(%dma_wait3A_26 : memref<1280x128xf32, #tpu.memory_space<hbm>>) dst(%arg8 : memref<128x128xf32, #tpu.memory_space<vmem>>)
    return
  }
}

#map = affine_map<(d0, d1) -> (0, 0)>
#map1 = affine_map<(d0, d1) -> (0)>
module attributes {stable_mosaic.version = 14 : i64} {
  func.func @gather_max(%arg0: i32, %arg1: i32, %arg2: memref<5120x64xf32, #tpu.memory_space<hbm>>, %arg3: memref<327680xi32, #tpu.memory_space<hbm>>, %arg4: memref<20480x64xf32, #tpu.memory_space<hbm>>, %arg5: memref<128xi32, #tpu.memory_space<vmem>>, %arg6: memref<128xi32, #tpu.memory_space<vmem>>, %arg7: memref<128x64xf32, #tpu.memory_space<vmem>>, %arg8: memref<128x64xf32, #tpu.memory_space<vmem>>, %arg9: memref<8x64xf32, #tpu.memory_space<vmem>>, %arg10: memref<!tpu.dma_semaphore, #tpu.memory_space<semaphore_mem>>, %arg11: memref<!tpu.dma_semaphore, #tpu.memory_space<semaphore_mem>>) attributes {dimension_semantics = [#tpu.dimension_semantics<core_parallel>, #tpu.dimension_semantics<subcore_parallel>], iteration_bounds = array<i64: 2, 16>, scalar_prefetch = 0 : i64, scratch_operands = 7 : i64, tpu.core_type = #tpu.core_type<sc_vector_subcore>, window_params = [{transform_indices = #map}, {transform_indices = #map1}, {transform_indices = #map}]} {
    %mul3A = arith.constant 2 : i32
    %mul3A_0 = arith.muli %arg1, %mul3A : i32
    %add3A = arith.addi %mul3A_0, %arg0 : i32
    %mul3A_1 = arith.constant 640 : i32
    %mul3A_2 = arith.muli %add3A, %mul3A_1 : i32
    %add3A_3 = arith.constant 0 : i32
    %add3A_4 = arith.addi %mul3A_2, %add3A_3 : i32
    %mul3A_5 = arith.constant 16 : i32
    %mul3A_6 = arith.muli %add3A_4, %mul3A_5 : i32
    "tpu.region"() ({
      %run_scoped3A = tpu.sem_alloc : memref<!tpu.dma_semaphore, #tpu.memory_space<semaphore_mem>>
      %dma_start3A_27 = tpu.memref_slice %arg3[%mul3A_6] : memref<327680xi32, #tpu.memory_space<hbm>> -> memref<128xi32, #tpu.memory_space<hbm>>
      %dma_start3A_28 = tpu.memref_slice %arg3[%mul3A_6] : memref<327680xi32, #tpu.memory_space<hbm>> -> memref<128xi32, #tpu.memory_space<hbm>>
      tpu.enqueue_dma source(%dma_start3A_28 : memref<128xi32, #tpu.memory_space<hbm>>) target(%arg5 : memref<128xi32, #tpu.memory_space<vmem>>) target_semaphore(%run_scoped3A : memref<!tpu.dma_semaphore, #tpu.memory_space<semaphore_mem>>)
      %dma_wait3A_29 = tpu.memref_slice %arg3[%mul3A_6] : memref<327680xi32, #tpu.memory_space<hbm>> -> memref<128xi32, #tpu.memory_space<hbm>>
      %dma_wait3A_30 = tpu.memref_slice %arg3[%mul3A_6] : memref<327680xi32, #tpu.memory_space<hbm>> -> memref<128xi32, #tpu.memory_space<hbm>>
      tpu.wait_dma2 semaphore(%run_scoped3A : memref<!tpu.dma_semaphore, #tpu.memory_space<semaphore_mem>>) src(%dma_wait3A_30 : memref<128xi32, #tpu.memory_space<hbm>>) dst(%arg5 : memref<128xi32, #tpu.memory_space<vmem>>)
      tpu.yield
    }) : () -> ()
    %dma_start3A = arith.constant 0 : i32
    %dma_start3A_7 = arith.constant 0 : i32
    %dma_start3A_8 = tpu.memref_slice %arg2[%dma_start3A, %dma_start3A_7] : memref<5120x64xf32, #tpu.memory_space<hbm>> -> memref<5120x64xf32, #tpu.memory_space<hbm>>
    tpu.enqueue_indirect_dma source(%dma_start3A_8 : memref<5120x64xf32, #tpu.memory_space<hbm>>) target(%arg7 : memref<128x64xf32, #tpu.memory_space<vmem>>) offsets(%arg5 : memref<128xi32, #tpu.memory_space<vmem>>) semaphore(%arg10 : memref<!tpu.dma_semaphore, #tpu.memory_space<semaphore_mem>>)
    %add3A_9 = arith.constant 8 : i32
    %add3A_10 = arith.addi %mul3A_2, %add3A_9 : i32
    %mul3A_11 = arith.constant 16 : i32
    %mul3A_12 = arith.muli %add3A_10, %mul3A_11 : i32
    "tpu.region"() ({
      %run_scoped3A = tpu.sem_alloc : memref<!tpu.dma_semaphore, #tpu.memory_space<semaphore_mem>>
      %dma_start3A_27 = tpu.memref_slice %arg3[%mul3A_12] : memref<327680xi32, #tpu.memory_space<hbm>> -> memref<128xi32, #tpu.memory_space<hbm>>
      %dma_start3A_28 = tpu.memref_slice %arg3[%mul3A_12] : memref<327680xi32, #tpu.memory_space<hbm>> -> memref<128xi32, #tpu.memory_space<hbm>>
      tpu.enqueue_dma source(%dma_start3A_28 : memref<128xi32, #tpu.memory_space<hbm>>) target(%arg6 : memref<128xi32, #tpu.memory_space<vmem>>) target_semaphore(%run_scoped3A : memref<!tpu.dma_semaphore, #tpu.memory_space<semaphore_mem>>)
      %dma_wait3A_29 = tpu.memref_slice %arg3[%mul3A_12] : memref<327680xi32, #tpu.memory_space<hbm>> -> memref<128xi32, #tpu.memory_space<hbm>>
      %dma_wait3A_30 = tpu.memref_slice %arg3[%mul3A_12] : memref<327680xi32, #tpu.memory_space<hbm>> -> memref<128xi32, #tpu.memory_space<hbm>>
      tpu.wait_dma2 semaphore(%run_scoped3A : memref<!tpu.dma_semaphore, #tpu.memory_space<semaphore_mem>>) src(%dma_wait3A_30 : memref<128xi32, #tpu.memory_space<hbm>>) dst(%arg6 : memref<128xi32, #tpu.memory_space<vmem>>)
      tpu.yield
    }) : () -> ()
    %dma_start3A_13 = arith.constant 0 : i32
    %dma_start3A_14 = arith.constant 0 : i32
    %dma_start3A_15 = tpu.memref_slice %arg2[%dma_start3A_13, %dma_start3A_14] : memref<5120x64xf32, #tpu.memory_space<hbm>> -> memref<5120x64xf32, #tpu.memory_space<hbm>>
    tpu.enqueue_indirect_dma source(%dma_start3A_15 : memref<5120x64xf32, #tpu.memory_space<hbm>>) target(%arg8 : memref<128x64xf32, #tpu.memory_space<vmem>>) offsets(%arg6 : memref<128xi32, #tpu.memory_space<vmem>>) semaphore(%arg11 : memref<!tpu.dma_semaphore, #tpu.memory_space<semaphore_mem>>)
    %scan3A = arith.constant 0 : i32
    %scan3A_16 = arith.constant 0 : i32
    %scan3A_17 = arith.constant 40 : i32
    %scan3A_18 = arith.addi %scan3A_16, %scan3A_17 : i32
    %scan3A_19 = arith.constant 1 : i32
    %scan3A_20 = scf.for %scan3A_27 = %scan3A_16 to %scan3A_18 step %scan3A_19 iter_args(%scan3A_28 = %scan3A) -> (i32)  : i32 {
      %mul3A_29 = arith.constant 2 : i32
      %mul3A_30 = arith.muli %scan3A_27, %mul3A_29 : i32
      %add3A_31 = arith.constant 0 : i32
      %add3A_32 = arith.addi %mul3A_30, %add3A_31 : i32
      %dma_wait3A_33 = arith.constant 0 : i32
      %dma_wait3A_34 = arith.constant 0 : i32
      %dma_wait3A_35 = tpu.memref_slice %arg2[%dma_wait3A_33, %dma_wait3A_34] : memref<5120x64xf32, #tpu.memory_space<hbm>> -> memref<5120x64xf32, #tpu.memory_space<hbm>>
      tpu.wait_indirect_dma semaphore(%arg10 : memref<!tpu.dma_semaphore, #tpu.memory_space<semaphore_mem>>) src(%dma_wait3A_35 : memref<5120x64xf32, #tpu.memory_space<hbm>>) dst(%arg7 : memref<128x64xf32, #tpu.memory_space<vmem>>)
      %scan3A_36 = arith.constant 0 : i32
      %scan3A_37 = arith.constant 0 : i32
      %scan3A_38 = arith.constant 8 : i32
      %scan3A_39 = arith.addi %scan3A_37, %scan3A_38 : i32
      %scan3A_40 = arith.constant 1 : i32
      %scan3A_41 = scf.for %scan3A_91 = %scan3A_37 to %scan3A_39 step %scan3A_40 iter_args(%scan3A_92 = %scan3A_36) -> (i32)  : i32 {
        %mul3A_93 = arith.constant 16 : i32
        %mul3A_94 = arith.muli %scan3A_91, %mul3A_93 : i32
        %get3A = arith.index_cast %mul3A_94 : i32 to index
        %get3A_95 = arith.constant 0 : index
        %get3A_96 = tpu.vector_load %arg7[%get3A, %get3A_95] {strides = array<i32>} : memref<128x64xf32, #tpu.memory_space<vmem>>, vector<1x16xf32>,
        %get3A_97 = vector.shape_cast %get3A_96 : vector<1x16xf32> to vector<16xf32>
        %mul3A_98 = arith.constant 16 : i32
        %mul3A_99 = arith.muli %scan3A_91, %mul3A_98 : i32
        %add3A_100 = arith.constant 1 : i32
        %add3A_101 = arith.addi %mul3A_99, %add3A_100 : i32
        %get3A_102 = arith.index_cast %add3A_101 : i32 to index
        %get3A_103 = arith.constant 0 : index
        %get3A_104 = tpu.vector_load %arg7[%get3A_102, %get3A_103] {strides = array<i32>} : memref<128x64xf32, #tpu.memory_space<vmem>>, vector<1x16xf32>,
        %get3A_105 = vector.shape_cast %get3A_104 : vector<1x16xf32> to vector<16xf32>
        %max3A = arith.maximumf %get3A_97, %get3A_105 : vector<16xf32>
        %mul3A_106 = arith.constant 16 : i32
        %mul3A_107 = arith.muli %scan3A_91, %mul3A_106 : i32
        %add3A_108 = arith.constant 2 : i32
        %add3A_109 = arith.addi %mul3A_107, %add3A_108 : i32
        %get3A_110 = arith.index_cast %add3A_109 : i32 to index
        %get3A_111 = arith.constant 0 : index
        %get3A_112 = tpu.vector_load %arg7[%get3A_110, %get3A_111] {strides = array<i32>} : memref<128x64xf32, #tpu.memory_space<vmem>>, vector<1x16xf32>,
        %get3A_113 = vector.shape_cast %get3A_112 : vector<1x16xf32> to vector<16xf32>
        %max3A_114 = arith.maximumf %max3A, %get3A_113 : vector<16xf32>
        %mul3A_115 = arith.constant 16 : i32
        %mul3A_116 = arith.muli %scan3A_91, %mul3A_115 : i32
        %add3A_117 = arith.constant 3 : i32
        %add3A_118 = arith.addi %mul3A_116, %add3A_117 : i32
        %get3A_119 = arith.index_cast %add3A_118 : i32 to index
        %get3A_120 = arith.constant 0 : index
        %get3A_121 = tpu.vector_load %arg7[%get3A_119, %get3A_120] {strides = array<i32>} : memref<128x64xf32, #tpu.memory_space<vmem>>, vector<1x16xf32>,
        %get3A_122 = vector.shape_cast %get3A_121 : vector<1x16xf32> to vector<16xf32>
        %max3A_123 = arith.maximumf %max3A_114, %get3A_122 : vector<16xf32>
        %mul3A_124 = arith.constant 16 : i32
        %mul3A_125 = arith.muli %scan3A_91, %mul3A_124 : i32
        %add3A_126 = arith.constant 4 : i32
        %add3A_127 = arith.addi %mul3A_125, %add3A_126 : i32
        %get3A_128 = arith.index_cast %add3A_127 : i32 to index
        %get3A_129 = arith.constant 0 : index
        %get3A_130 = tpu.vector_load %arg7[%get3A_128, %get3A_129] {strides = array<i32>} : memref<128x64xf32, #tpu.memory_space<vmem>>, vector<1x16xf32>,
        %get3A_131 = vector.shape_cast %get3A_130 : vector<1x16xf32> to vector<16xf32>
        %max3A_132 = arith.maximumf %max3A_123, %get3A_131 : vector<16xf32>
        %mul3A_133 = arith.constant 16 : i32
        %mul3A_134 = arith.muli %scan3A_91, %mul3A_133 : i32
        %add3A_135 = arith.constant 5 : i32
        %add3A_136 = arith.addi %mul3A_134, %add3A_135 : i32
        %get3A_137 = arith.index_cast %add3A_136 : i32 to index
        %get3A_138 = arith.constant 0 : index
        %get3A_139 = tpu.vector_load %arg7[%get3A_137, %get3A_138] {strides = array<i32>} : memref<128x64xf32, #tpu.memory_space<vmem>>, vector<1x16xf32>,
        %get3A_140 = vector.shape_cast %get3A_139 : vector<1x16xf32> to vector<16xf32>
        %max3A_141 = arith.maximumf %max3A_132, %get3A_140 : vector<16xf32>
        %mul3A_142 = arith.constant 16 : i32
        %mul3A_143 = arith.muli %scan3A_91, %mul3A_142 : i32
        %add3A_144 = arith.constant 6 : i32
        %add3A_145 = arith.addi %mul3A_143, %add3A_144 : i32
        %get3A_146 = arith.index_cast %add3A_145 : i32 to index
        %get3A_147 = arith.constant 0 : index
        %get3A_148 = tpu.vector_load %arg7[%get3A_146, %get3A_147] {strides = array<i32>} : memref<128x64xf32, #tpu.memory_space<vmem>>, vector<1x16xf32>,
        %get3A_149 = vector.shape_cast %get3A_148 : vector<1x16xf32> to vector<16xf32>
        %max3A_150 = arith.maximumf %max3A_141, %get3A_149 : vector<16xf32>
        %mul3A_151 = arith.constant 16 : i32
        %mul3A_152 = arith.muli %scan3A_91, %mul3A_151 : i32
        %add3A_153 = arith.constant 7 : i32
        %add3A_154 = arith.addi %mul3A_152, %add3A_153 : i32
        %get3A_155 = arith.index_cast %add3A_154 : i32 to index
        %get3A_156 = arith.constant 0 : index
        %get3A_157 = tpu.vector_load %arg7[%get3A_155, %get3A_156] {strides = array<i32>} : memref<128x64xf32, #tpu.memory_space<vmem>>, vector<1x16xf32>,
        %get3A_158 = vector.shape_cast %get3A_157 : vector<1x16xf32> to vector<16xf32>
        %max3A_159 = arith.maximumf %max3A_150, %get3A_158 : vector<16xf32>
        %mul3A_160 = arith.constant 16 : i32
        %mul3A_161 = arith.muli %scan3A_91, %mul3A_160 : i32
        %add3A_162 = arith.constant 8 : i32
        %add3A_163 = arith.addi %mul3A_161, %add3A_162 : i32
        %get3A_164 = arith.index_cast %add3A_163 : i32 to index
        %get3A_165 = arith.constant 0 : index
        %get3A_166 = tpu.vector_load %arg7[%get3A_164, %get3A_165] {strides = array<i32>} : memref<128x64xf32, #tpu.memory_space<vmem>>, vector<1x16xf32>,
        %get3A_167 = vector.shape_cast %get3A_166 : vector<1x16xf32> to vector<16xf32>
        %max3A_168 = arith.maximumf %max3A_159, %get3A_167 : vector<16xf32>
        %mul3A_169 = arith.constant 16 : i32
        %mul3A_170 = arith.muli %scan3A_91, %mul3A_169 : i32
        %add3A_171 = arith.constant 9 : i32
        %add3A_172 = arith.addi %mul3A_170, %add3A_171 : i32
        %get3A_173 = arith.index_cast %add3A_172 : i32 to index
        %get3A_174 = arith.constant 0 : index
        %get3A_175 = tpu.vector_load %arg7[%get3A_173, %get3A_174] {strides = array<i32>} : memref<128x64xf32, #tpu.memory_space<vmem>>, vector<1x16xf32>,
        %get3A_176 = vector.shape_cast %get3A_175 : vector<1x16xf32> to vector<16xf32>
        %max3A_177 = arith.maximumf %max3A_168, %get3A_176 : vector<16xf32>
        %mul3A_178 = arith.constant 16 : i32
        %mul3A_179 = arith.muli %scan3A_91, %mul3A_178 : i32
        %add3A_180 = arith.constant 10 : i32
        %add3A_181 = arith.addi %mul3A_179, %add3A_180 : i32
        %get3A_182 = arith.index_cast %add3A_181 : i32 to index
        %get3A_183 = arith.constant 0 : index
        %get3A_184 = tpu.vector_load %arg7[%get3A_182, %get3A_183] {strides = array<i32>} : memref<128x64xf32, #tpu.memory_space<vmem>>, vector<1x16xf32>,
        %get3A_185 = vector.shape_cast %get3A_184 : vector<1x16xf32> to vector<16xf32>
        %max3A_186 = arith.maximumf %max3A_177, %get3A_185 : vector<16xf32>
        %mul3A_187 = arith.constant 16 : i32
        %mul3A_188 = arith.muli %scan3A_91, %mul3A_187 : i32
        %add3A_189 = arith.constant 11 : i32
        %add3A_190 = arith.addi %mul3A_188, %add3A_189 : i32
        %get3A_191 = arith.index_cast %add3A_190 : i32 to index
        %get3A_192 = arith.constant 0 : index
        %get3A_193 = tpu.vector_load %arg7[%get3A_191, %get3A_192] {strides = array<i32>} : memref<128x64xf32, #tpu.memory_space<vmem>>, vector<1x16xf32>,
        %get3A_194 = vector.shape_cast %get3A_193 : vector<1x16xf32> to vector<16xf32>
        %max3A_195 = arith.maximumf %max3A_186, %get3A_194 : vector<16xf32>
        %mul3A_196 = arith.constant 16 : i32
        %mul3A_197 = arith.muli %scan3A_91, %mul3A_196 : i32
        %add3A_198 = arith.constant 12 : i32
        %add3A_199 = arith.addi %mul3A_197, %add3A_198 : i32
        %get3A_200 = arith.index_cast %add3A_199 : i32 to index
        %get3A_201 = arith.constant 0 : index
        %get3A_202 = tpu.vector_load %arg7[%get3A_200, %get3A_201] {strides = array<i32>} : memref<128x64xf32, #tpu.memory_space<vmem>>, vector<1x16xf32>,
        %get3A_203 = vector.shape_cast %get3A_202 : vector<1x16xf32> to vector<16xf32>
        %max3A_204 = arith.maximumf %max3A_195, %get3A_203 : vector<16xf32>
        %mul3A_205 = arith.constant 16 : i32
        %mul3A_206 = arith.muli %scan3A_91, %mul3A_205 : i32
        %add3A_207 = arith.constant 13 : i32
        %add3A_208 = arith.addi %mul3A_206, %add3A_207 : i32
        %get3A_209 = arith.index_cast %add3A_208 : i32 to index
        %get3A_210 = arith.constant 0 : index
        %get3A_211 = tpu.vector_load %arg7[%get3A_209, %get3A_210] {strides = array<i32>} : memref<128x64xf32, #tpu.memory_space<vmem>>, vector<1x16xf32>,
        %get3A_212 = vector.shape_cast %get3A_211 : vector<1x16xf32> to vector<16xf32>
        %max3A_213 = arith.maximumf %max3A_204, %get3A_212 : vector<16xf32>
        %mul3A_214 = arith.constant 16 : i32
        %mul3A_215 = arith.muli %scan3A_91, %mul3A_214 : i32
        %add3A_216 = arith.constant 14 : i32
        %add3A_217 = arith.addi %mul3A_215, %add3A_216 : i32
        %get3A_218 = arith.index_cast %add3A_217 : i32 to index
        %get3A_219 = arith.constant 0 : index
        %get3A_220 = tpu.vector_load %arg7[%get3A_218, %get3A_219] {strides = array<i32>} : memref<128x64xf32, #tpu.memory_space<vmem>>, vector<1x16xf32>,
        %get3A_221 = vector.shape_cast %get3A_220 : vector<1x16xf32> to vector<16xf32>
        %max3A_222 = arith.maximumf %max3A_213, %get3A_221 : vector<16xf32>
        %mul3A_223 = arith.constant 16 : i32
        %mul3A_224 = arith.muli %scan3A_91, %mul3A_223 : i32
        %add3A_225 = arith.constant 15 : i32
        %add3A_226 = arith.addi %mul3A_224, %add3A_225 : i32
        %get3A_227 = arith.index_cast %add3A_226 : i32 to index
        %get3A_228 = arith.constant 0 : index
        %get3A_229 = tpu.vector_load %arg7[%get3A_227, %get3A_228] {strides = array<i32>} : memref<128x64xf32, #tpu.memory_space<vmem>>, vector<1x16xf32>,
        %get3A_230 = vector.shape_cast %get3A_229 : vector<1x16xf32> to vector<16xf32>
        %max3A_231 = arith.maximumf %max3A_222, %get3A_230 : vector<16xf32>
        %swap3A = arith.index_cast %scan3A_91 : i32 to index
        %swap3A_232 = arith.constant 0 : index
        %swap3A_233 = tpu.vector_load %arg9[%swap3A, %swap3A_232] {strides = array<i32>} : memref<8x64xf32, #tpu.memory_space<vmem>>, vector<1x16xf32>,
        %swap3A_234 = vector.shape_cast %swap3A_233 : vector<1x16xf32> to vector<16xf32>
        %swap3A_235 = vector.shape_cast %max3A_231 : vector<16xf32> to vector<1x16xf32>
        tpu.vector_store %arg9[%swap3A, %swap3A_232], %swap3A_235 {strides = array<i32>} : memref<8x64xf32, #tpu.memory_space<vmem>>, vector<1x16xf32>,
        %mul3A_236 = arith.constant 16 : i32
        %mul3A_237 = arith.muli %scan3A_91, %mul3A_236 : i32
        %get3A_238 = arith.index_cast %mul3A_237 : i32 to index
        %get3A_239 = arith.constant 16 : index
        %get3A_240 = tpu.vector_load %arg7[%get3A_238, %get3A_239] {strides = array<i32>} : memref<128x64xf32, #tpu.memory_space<vmem>>, vector<1x16xf32>,
        %get3A_241 = vector.shape_cast %get3A_240 : vector<1x16xf32> to vector<16xf32>
        %mul3A_242 = arith.constant 16 : i32
        %mul3A_243 = arith.muli %scan3A_91, %mul3A_242 : i32
        %add3A_244 = arith.constant 1 : i32
        %add3A_245 = arith.addi %mul3A_243, %add3A_244 : i32
        %get3A_246 = arith.index_cast %add3A_245 : i32 to index
        %get3A_247 = arith.constant 16 : index
        %get3A_248 = tpu.vector_load %arg7[%get3A_246, %get3A_247] {strides = array<i32>} : memref<128x64xf32, #tpu.memory_space<vmem>>, vector<1x16xf32>,
        %get3A_249 = vector.shape_cast %get3A_248 : vector<1x16xf32> to vector<16xf32>
        %max3A_250 = arith.maximumf %get3A_241, %get3A_249 : vector<16xf32>
        %mul3A_251 = arith.constant 16 : i32
        %mul3A_252 = arith.muli %scan3A_91, %mul3A_251 : i32
        %add3A_253 = arith.constant 2 : i32
        %add3A_254 = arith.addi %mul3A_252, %add3A_253 : i32
        %get3A_255 = arith.index_cast %add3A_254 : i32 to index
        %get3A_256 = arith.constant 16 : index
        %get3A_257 = tpu.vector_load %arg7[%get3A_255, %get3A_256] {strides = array<i32>} : memref<128x64xf32, #tpu.memory_space<vmem>>, vector<1x16xf32>,
        %get3A_258 = vector.shape_cast %get3A_257 : vector<1x16xf32> to vector<16xf32>
        %max3A_259 = arith.maximumf %max3A_250, %get3A_258 : vector<16xf32>
        %mul3A_260 = arith.constant 16 : i32
        %mul3A_261 = arith.muli %scan3A_91, %mul3A_260 : i32
        %add3A_262 = arith.constant 3 : i32
        %add3A_263 = arith.addi %mul3A_261, %add3A_262 : i32
        %get3A_264 = arith.index_cast %add3A_263 : i32 to index
        %get3A_265 = arith.constant 16 : index
        %get3A_266 = tpu.vector_load %arg7[%get3A_264, %get3A_265] {strides = array<i32>} : memref<128x64xf32, #tpu.memory_space<vmem>>, vector<1x16xf32>,
        %get3A_267 = vector.shape_cast %get3A_266 : vector<1x16xf32> to vector<16xf32>
        %max3A_268 = arith.maximumf %max3A_259, %get3A_267 : vector<16xf32>
        %mul3A_269 = arith.constant 16 : i32
        %mul3A_270 = arith.muli %scan3A_91, %mul3A_269 : i32
        %add3A_271 = arith.constant 4 : i32
        %add3A_272 = arith.addi %mul3A_270, %add3A_271 : i32
        %get3A_273 = arith.index_cast %add3A_272 : i32 to index
        %get3A_274 = arith.constant 16 : index
        %get3A_275 = tpu.vector_load %arg7[%get3A_273, %get3A_274] {strides = array<i32>} : memref<128x64xf32, #tpu.memory_space<vmem>>, vector<1x16xf32>,
        %get3A_276 = vector.shape_cast %get3A_275 : vector<1x16xf32> to vector<16xf32>
        %max3A_277 = arith.maximumf %max3A_268, %get3A_276 : vector<16xf32>
        %mul3A_278 = arith.constant 16 : i32
        %mul3A_279 = arith.muli %scan3A_91, %mul3A_278 : i32
        %add3A_280 = arith.constant 5 : i32
        %add3A_281 = arith.addi %mul3A_279, %add3A_280 : i32
        %get3A_282 = arith.index_cast %add3A_281 : i32 to index
        %get3A_283 = arith.constant 16 : index
        %get3A_284 = tpu.vector_load %arg7[%get3A_282, %get3A_283] {strides = array<i32>} : memref<128x64xf32, #tpu.memory_space<vmem>>, vector<1x16xf32>,
        %get3A_285 = vector.shape_cast %get3A_284 : vector<1x16xf32> to vector<16xf32>
        %max3A_286 = arith.maximumf %max3A_277, %get3A_285 : vector<16xf32>
        %mul3A_287 = arith.constant 16 : i32
        %mul3A_288 = arith.muli %scan3A_91, %mul3A_287 : i32
        %add3A_289 = arith.constant 6 : i32
        %add3A_290 = arith.addi %mul3A_288, %add3A_289 : i32
        %get3A_291 = arith.index_cast %add3A_290 : i32 to index
        %get3A_292 = arith.constant 16 : index
        %get3A_293 = tpu.vector_load %arg7[%get3A_291, %get3A_292] {strides = array<i32>} : memref<128x64xf32, #tpu.memory_space<vmem>>, vector<1x16xf32>,
        %get3A_294 = vector.shape_cast %get3A_293 : vector<1x16xf32> to vector<16xf32>
        %max3A_295 = arith.maximumf %max3A_286, %get3A_294 : vector<16xf32>
        %mul3A_296 = arith.constant 16 : i32
        %mul3A_297 = arith.muli %scan3A_91, %mul3A_296 : i32
        %add3A_298 = arith.constant 7 : i32
        %add3A_299 = arith.addi %mul3A_297, %add3A_298 : i32
        %get3A_300 = arith.index_cast %add3A_299 : i32 to index
        %get3A_301 = arith.constant 16 : index
        %get3A_302 = tpu.vector_load %arg7[%get3A_300, %get3A_301] {strides = array<i32>} : memref<128x64xf32, #tpu.memory_space<vmem>>, vector<1x16xf32>,
        %get3A_303 = vector.shape_cast %get3A_302 : vector<1x16xf32> to vector<16xf32>
        %max3A_304 = arith.maximumf %max3A_295, %get3A_303 : vector<16xf32>
        %mul3A_305 = arith.constant 16 : i32
        %mul3A_306 = arith.muli %scan3A_91, %mul3A_305 : i32
        %add3A_307 = arith.constant 8 : i32
        %add3A_308 = arith.addi %mul3A_306, %add3A_307 : i32
        %get3A_309 = arith.index_cast %add3A_308 : i32 to index
        %get3A_310 = arith.constant 16 : index
        %get3A_311 = tpu.vector_load %arg7[%get3A_309, %get3A_310] {strides = array<i32>} : memref<128x64xf32, #tpu.memory_space<vmem>>, vector<1x16xf32>,
        %get3A_312 = vector.shape_cast %get3A_311 : vector<1x16xf32> to vector<16xf32>
        %max3A_313 = arith.maximumf %max3A_304, %get3A_312 : vector<16xf32>
        %mul3A_314 = arith.constant 16 : i32
        %mul3A_315 = arith.muli %scan3A_91, %mul3A_314 : i32
        %add3A_316 = arith.constant 9 : i32
        %add3A_317 = arith.addi %mul3A_315, %add3A_316 : i32
        %get3A_318 = arith.index_cast %add3A_317 : i32 to index
        %get3A_319 = arith.constant 16 : index
        %get3A_320 = tpu.vector_load %arg7[%get3A_318, %get3A_319] {strides = array<i32>} : memref<128x64xf32, #tpu.memory_space<vmem>>, vector<1x16xf32>,
        %get3A_321 = vector.shape_cast %get3A_320 : vector<1x16xf32> to vector<16xf32>
        %max3A_322 = arith.maximumf %max3A_313, %get3A_321 : vector<16xf32>
        %mul3A_323 = arith.constant 16 : i32
        %mul3A_324 = arith.muli %scan3A_91, %mul3A_323 : i32
        %add3A_325 = arith.constant 10 : i32
        %add3A_326 = arith.addi %mul3A_324, %add3A_325 : i32
        %get3A_327 = arith.index_cast %add3A_326 : i32 to index
        %get3A_328 = arith.constant 16 : index
        %get3A_329 = tpu.vector_load %arg7[%get3A_327, %get3A_328] {strides = array<i32>} : memref<128x64xf32, #tpu.memory_space<vmem>>, vector<1x16xf32>,
        %get3A_330 = vector.shape_cast %get3A_329 : vector<1x16xf32> to vector<16xf32>
        %max3A_331 = arith.maximumf %max3A_322, %get3A_330 : vector<16xf32>
        %mul3A_332 = arith.constant 16 : i32
        %mul3A_333 = arith.muli %scan3A_91, %mul3A_332 : i32
        %add3A_334 = arith.constant 11 : i32
        %add3A_335 = arith.addi %mul3A_333, %add3A_334 : i32
        %get3A_336 = arith.index_cast %add3A_335 : i32 to index
        %get3A_337 = arith.constant 16 : index
        %get3A_338 = tpu.vector_load %arg7[%get3A_336, %get3A_337] {strides = array<i32>} : memref<128x64xf32, #tpu.memory_space<vmem>>, vector<1x16xf32>,
        %get3A_339 = vector.shape_cast %get3A_338 : vector<1x16xf32> to vector<16xf32>
        %max3A_340 = arith.maximumf %max3A_331, %get3A_339 : vector<16xf32>
        %mul3A_341 = arith.constant 16 : i32
        %mul3A_342 = arith.muli %scan3A_91, %mul3A_341 : i32
        %add3A_343 = arith.constant 12 : i32
        %add3A_344 = arith.addi %mul3A_342, %add3A_343 : i32
        %get3A_345 = arith.index_cast %add3A_344 : i32 to index
        %get3A_346 = arith.constant 16 : index
        %get3A_347 = tpu.vector_load %arg7[%get3A_345, %get3A_346] {strides = array<i32>} : memref<128x64xf32, #tpu.memory_space<vmem>>, vector<1x16xf32>,
        %get3A_348 = vector.shape_cast %get3A_347 : vector<1x16xf32> to vector<16xf32>
        %max3A_349 = arith.maximumf %max3A_340, %get3A_348 : vector<16xf32>
        %mul3A_350 = arith.constant 16 : i32
        %mul3A_351 = arith.muli %scan3A_91, %mul3A_350 : i32
        %add3A_352 = arith.constant 13 : i32
        %add3A_353 = arith.addi %mul3A_351, %add3A_352 : i32
        %get3A_354 = arith.index_cast %add3A_353 : i32 to index
        %get3A_355 = arith.constant 16 : index
        %get3A_356 = tpu.vector_load %arg7[%get3A_354, %get3A_355] {strides = array<i32>} : memref<128x64xf32, #tpu.memory_space<vmem>>, vector<1x16xf32>,
        %get3A_357 = vector.shape_cast %get3A_356 : vector<1x16xf32> to vector<16xf32>
        %max3A_358 = arith.maximumf %max3A_349, %get3A_357 : vector<16xf32>
        %mul3A_359 = arith.constant 16 : i32
        %mul3A_360 = arith.muli %scan3A_91, %mul3A_359 : i32
        %add3A_361 = arith.constant 14 : i32
        %add3A_362 = arith.addi %mul3A_360, %add3A_361 : i32
        %get3A_363 = arith.index_cast %add3A_362 : i32 to index
        %get3A_364 = arith.constant 16 : index
        %get3A_365 = tpu.vector_load %arg7[%get3A_363, %get3A_364] {strides = array<i32>} : memref<128x64xf32, #tpu.memory_space<vmem>>, vector<1x16xf32>,
        %get3A_366 = vector.shape_cast %get3A_365 : vector<1x16xf32> to vector<16xf32>
        %max3A_367 = arith.maximumf %max3A_358, %get3A_366 : vector<16xf32>
        %mul3A_368 = arith.constant 16 : i32
        %mul3A_369 = arith.muli %scan3A_91, %mul3A_368 : i32
        %add3A_370 = arith.constant 15 : i32
        %add3A_371 = arith.addi %mul3A_369, %add3A_370 : i32
        %get3A_372 = arith.index_cast %add3A_371 : i32 to index
        %get3A_373 = arith.constant 16 : index
        %get3A_374 = tpu.vector_load %arg7[%get3A_372, %get3A_373] {strides = array<i32>} : memref<128x64xf32, #tpu.memory_space<vmem>>, vector<1x16xf32>,
        %get3A_375 = vector.shape_cast %get3A_374 : vector<1x16xf32> to vector<16xf32>
        %max3A_376 = arith.maximumf %max3A_367, %get3A_375 : vector<16xf32>
        %swap3A_377 = arith.index_cast %scan3A_91 : i32 to index
        %swap3A_378 = arith.constant 16 : index
        %swap3A_379 = tpu.vector_load %arg9[%swap3A_377, %swap3A_378] {strides = array<i32>} : memref<8x64xf32, #tpu.memory_space<vmem>>, vector<1x16xf32>,
        %swap3A_380 = vector.shape_cast %swap3A_379 : vector<1x16xf32> to vector<16xf32>
        %swap3A_381 = vector.shape_cast %max3A_376 : vector<16xf32> to vector<1x16xf32>
        tpu.vector_store %arg9[%swap3A_377, %swap3A_378], %swap3A_381 {strides = array<i32>} : memref<8x64xf32, #tpu.memory_space<vmem>>, vector<1x16xf32>,
        %mul3A_382 = arith.constant 16 : i32
        %mul3A_383 = arith.muli %scan3A_91, %mul3A_382 : i32
        %get3A_384 = arith.index_cast %mul3A_383 : i32 to index
        %get3A_385 = arith.constant 32 : index
        %get3A_386 = tpu.vector_load %arg7[%get3A_384, %get3A_385] {strides = array<i32>} : memref<128x64xf32, #tpu.memory_space<vmem>>, vector<1x16xf32>,
        %get3A_387 = vector.shape_cast %get3A_386 : vector<1x16xf32> to vector<16xf32>
        %mul3A_388 = arith.constant 16 : i32
        %mul3A_389 = arith.muli %scan3A_91, %mul3A_388 : i32
        %add3A_390 = arith.constant 1 : i32
        %add3A_391 = arith.addi %mul3A_389, %add3A_390 : i32
        %get3A_392 = arith.index_cast %add3A_391 : i32 to index
        %get3A_393 = arith.constant 32 : index
        %get3A_394 = tpu.vector_load %arg7[%get3A_392, %get3A_393] {strides = array<i32>} : memref<128x64xf32, #tpu.memory_space<vmem>>, vector<1x16xf32>,
        %get3A_395 = vector.shape_cast %get3A_394 : vector<1x16xf32> to vector<16xf32>
        %max3A_396 = arith.maximumf %get3A_387, %get3A_395 : vector<16xf32>
        %mul3A_397 = arith.constant 16 : i32
        %mul3A_398 = arith.muli %scan3A_91, %mul3A_397 : i32
        %add3A_399 = arith.constant 2 : i32
        %add3A_400 = arith.addi %mul3A_398, %add3A_399 : i32
        %get3A_401 = arith.index_cast %add3A_400 : i32 to index
        %get3A_402 = arith.constant 32 : index
        %get3A_403 = tpu.vector_load %arg7[%get3A_401, %get3A_402] {strides = array<i32>} : memref<128x64xf32, #tpu.memory_space<vmem>>, vector<1x16xf32>,
        %get3A_404 = vector.shape_cast %get3A_403 : vector<1x16xf32> to vector<16xf32>
        %max3A_405 = arith.maximumf %max3A_396, %get3A_404 : vector<16xf32>
        %mul3A_406 = arith.constant 16 : i32
        %mul3A_407 = arith.muli %scan3A_91, %mul3A_406 : i32
        %add3A_408 = arith.constant 3 : i32
        %add3A_409 = arith.addi %mul3A_407, %add3A_408 : i32
        %get3A_410 = arith.index_cast %add3A_409 : i32 to index
        %get3A_411 = arith.constant 32 : index
        %get3A_412 = tpu.vector_load %arg7[%get3A_410, %get3A_411] {strides = array<i32>} : memref<128x64xf32, #tpu.memory_space<vmem>>, vector<1x16xf32>,
        %get3A_413 = vector.shape_cast %get3A_412 : vector<1x16xf32> to vector<16xf32>
        %max3A_414 = arith.maximumf %max3A_405, %get3A_413 : vector<16xf32>
        %mul3A_415 = arith.constant 16 : i32
        %mul3A_416 = arith.muli %scan3A_91, %mul3A_415 : i32
        %add3A_417 = arith.constant 4 : i32
        %add3A_418 = arith.addi %mul3A_416, %add3A_417 : i32
        %get3A_419 = arith.index_cast %add3A_418 : i32 to index
        %get3A_420 = arith.constant 32 : index
        %get3A_421 = tpu.vector_load %arg7[%get3A_419, %get3A_420] {strides = array<i32>} : memref<128x64xf32, #tpu.memory_space<vmem>>, vector<1x16xf32>,
        %get3A_422 = vector.shape_cast %get3A_421 : vector<1x16xf32> to vector<16xf32>
        %max3A_423 = arith.maximumf %max3A_414, %get3A_422 : vector<16xf32>
        %mul3A_424 = arith.constant 16 : i32
        %mul3A_425 = arith.muli %scan3A_91, %mul3A_424 : i32
        %add3A_426 = arith.constant 5 : i32
        %add3A_427 = arith.addi %mul3A_425, %add3A_426 : i32
        %get3A_428 = arith.index_cast %add3A_427 : i32 to index
        %get3A_429 = arith.constant 32 : index
        %get3A_430 = tpu.vector_load %arg7[%get3A_428, %get3A_429] {strides = array<i32>} : memref<128x64xf32, #tpu.memory_space<vmem>>, vector<1x16xf32>,
        %get3A_431 = vector.shape_cast %get3A_430 : vector<1x16xf32> to vector<16xf32>
        %max3A_432 = arith.maximumf %max3A_423, %get3A_431 : vector<16xf32>
        %mul3A_433 = arith.constant 16 : i32
        %mul3A_434 = arith.muli %scan3A_91, %mul3A_433 : i32
        %add3A_435 = arith.constant 6 : i32
        %add3A_436 = arith.addi %mul3A_434, %add3A_435 : i32
        %get3A_437 = arith.index_cast %add3A_436 : i32 to index
        %get3A_438 = arith.constant 32 : index
        %get3A_439 = tpu.vector_load %arg7[%get3A_437, %get3A_438] {strides = array<i32>} : memref<128x64xf32, #tpu.memory_space<vmem>>, vector<1x16xf32>,
        %get3A_440 = vector.shape_cast %get3A_439 : vector<1x16xf32> to vector<16xf32>
        %max3A_441 = arith.maximumf %max3A_432, %get3A_440 : vector<16xf32>
        %mul3A_442 = arith.constant 16 : i32
        %mul3A_443 = arith.muli %scan3A_91, %mul3A_442 : i32
        %add3A_444 = arith.constant 7 : i32
        %add3A_445 = arith.addi %mul3A_443, %add3A_444 : i32
        %get3A_446 = arith.index_cast %add3A_445 : i32 to index
        %get3A_447 = arith.constant 32 : index
        %get3A_448 = tpu.vector_load %arg7[%get3A_446, %get3A_447] {strides = array<i32>} : memref<128x64xf32, #tpu.memory_space<vmem>>, vector<1x16xf32>,
        %get3A_449 = vector.shape_cast %get3A_448 : vector<1x16xf32> to vector<16xf32>
        %max3A_450 = arith.maximumf %max3A_441, %get3A_449 : vector<16xf32>
        %mul3A_451 = arith.constant 16 : i32
        %mul3A_452 = arith.muli %scan3A_91, %mul3A_451 : i32
        %add3A_453 = arith.constant 8 : i32
        %add3A_454 = arith.addi %mul3A_452, %add3A_453 : i32
        %get3A_455 = arith.index_cast %add3A_454 : i32 to index
        %get3A_456 = arith.constant 32 : index
        %get3A_457 = tpu.vector_load %arg7[%get3A_455, %get3A_456] {strides = array<i32>} : memref<128x64xf32, #tpu.memory_space<vmem>>, vector<1x16xf32>,
        %get3A_458 = vector.shape_cast %get3A_457 : vector<1x16xf32> to vector<16xf32>
        %max3A_459 = arith.maximumf %max3A_450, %get3A_458 : vector<16xf32>
        %mul3A_460 = arith.constant 16 : i32
        %mul3A_461 = arith.muli %scan3A_91, %mul3A_460 : i32
        %add3A_462 = arith.constant 9 : i32
        %add3A_463 = arith.addi %mul3A_461, %add3A_462 : i32
        %get3A_464 = arith.index_cast %add3A_463 : i32 to index
        %get3A_465 = arith.constant 32 : index
        %get3A_466 = tpu.vector_load %arg7[%get3A_464, %get3A_465] {strides = array<i32>} : memref<128x64xf32, #tpu.memory_space<vmem>>, vector<1x16xf32>,
        %get3A_467 = vector.shape_cast %get3A_466 : vector<1x16xf32> to vector<16xf32>
        %max3A_468 = arith.maximumf %max3A_459, %get3A_467 : vector<16xf32>
        %mul3A_469 = arith.constant 16 : i32
        %mul3A_470 = arith.muli %scan3A_91, %mul3A_469 : i32
        %add3A_471 = arith.constant 10 : i32
        %add3A_472 = arith.addi %mul3A_470, %add3A_471 : i32
        %get3A_473 = arith.index_cast %add3A_472 : i32 to index
        %get3A_474 = arith.constant 32 : index
        %get3A_475 = tpu.vector_load %arg7[%get3A_473, %get3A_474] {strides = array<i32>} : memref<128x64xf32, #tpu.memory_space<vmem>>, vector<1x16xf32>,
        %get3A_476 = vector.shape_cast %get3A_475 : vector<1x16xf32> to vector<16xf32>
        %max3A_477 = arith.maximumf %max3A_468, %get3A_476 : vector<16xf32>
        %mul3A_478 = arith.constant 16 : i32
        %mul3A_479 = arith.muli %scan3A_91, %mul3A_478 : i32
        %add3A_480 = arith.constant 11 : i32
        %add3A_481 = arith.addi %mul3A_479, %add3A_480 : i32
        %get3A_482 = arith.index_cast %add3A_481 : i32 to index
        %get3A_483 = arith.constant 32 : index
        %get3A_484 = tpu.vector_load %arg7[%get3A_482, %get3A_483] {strides = array<i32>} : memref<128x64xf32, #tpu.memory_space<vmem>>, vector<1x16xf32>,
        %get3A_485 = vector.shape_cast %get3A_484 : vector<1x16xf32> to vector<16xf32>
        %max3A_486 = arith.maximumf %max3A_477, %get3A_485 : vector<16xf32>
        %mul3A_487 = arith.constant 16 : i32
        %mul3A_488 = arith.muli %scan3A_91, %mul3A_487 : i32
        %add3A_489 = arith.constant 12 : i32
        %add3A_490 = arith.addi %mul3A_488, %add3A_489 : i32
        %get3A_491 = arith.index_cast %add3A_490 : i32 to index
        %get3A_492 = arith.constant 32 : index
        %get3A_493 = tpu.vector_load %arg7[%get3A_491, %get3A_492] {strides = array<i32>} : memref<128x64xf32, #tpu.memory_space<vmem>>, vector<1x16xf32>,
        %get3A_494 = vector.shape_cast %get3A_493 : vector<1x16xf32> to vector<16xf32>
        %max3A_495 = arith.maximumf %max3A_486, %get3A_494 : vector<16xf32>
        %mul3A_496 = arith.constant 16 : i32
        %mul3A_497 = arith.muli %scan3A_91, %mul3A_496 : i32
        %add3A_498 = arith.constant 13 : i32
        %add3A_499 = arith.addi %mul3A_497, %add3A_498 : i32
        %get3A_500 = arith.index_cast %add3A_499 : i32 to index
        %get3A_501 = arith.constant 32 : index
        %get3A_502 = tpu.vector_load %arg7[%get3A_500, %get3A_501] {strides = array<i32>} : memref<128x64xf32, #tpu.memory_space<vmem>>, vector<1x16xf32>,
        %get3A_503 = vector.shape_cast %get3A_502 : vector<1x16xf32> to vector<16xf32>
        %max3A_504 = arith.maximumf %max3A_495, %get3A_503 : vector<16xf32>
        %mul3A_505 = arith.constant 16 : i32
        %mul3A_506 = arith.muli %scan3A_91, %mul3A_505 : i32
        %add3A_507 = arith.constant 14 : i32
        %add3A_508 = arith.addi %mul3A_506, %add3A_507 : i32
        %get3A_509 = arith.index_cast %add3A_508 : i32 to index
        %get3A_510 = arith.constant 32 : index
        %get3A_511 = tpu.vector_load %arg7[%get3A_509, %get3A_510] {strides = array<i32>} : memref<128x64xf32, #tpu.memory_space<vmem>>, vector<1x16xf32>,
        %get3A_512 = vector.shape_cast %get3A_511 : vector<1x16xf32> to vector<16xf32>
        %max3A_513 = arith.maximumf %max3A_504, %get3A_512 : vector<16xf32>
        %mul3A_514 = arith.constant 16 : i32
        %mul3A_515 = arith.muli %scan3A_91, %mul3A_514 : i32
        %add3A_516 = arith.constant 15 : i32
        %add3A_517 = arith.addi %mul3A_515, %add3A_516 : i32
        %get3A_518 = arith.index_cast %add3A_517 : i32 to index
        %get3A_519 = arith.constant 32 : index
        %get3A_520 = tpu.vector_load %arg7[%get3A_518, %get3A_519] {strides = array<i32>} : memref<128x64xf32, #tpu.memory_space<vmem>>, vector<1x16xf32>,
        %get3A_521 = vector.shape_cast %get3A_520 : vector<1x16xf32> to vector<16xf32>
        %max3A_522 = arith.maximumf %max3A_513, %get3A_521 : vector<16xf32>
        %swap3A_523 = arith.index_cast %scan3A_91 : i32 to index
        %swap3A_524 = arith.constant 32 : index
        %swap3A_525 = tpu.vector_load %arg9[%swap3A_523, %swap3A_524] {strides = array<i32>} : memref<8x64xf32, #tpu.memory_space<vmem>>, vector<1x16xf32>,
        %swap3A_526 = vector.shape_cast %swap3A_525 : vector<1x16xf32> to vector<16xf32>
        %swap3A_527 = vector.shape_cast %max3A_522 : vector<16xf32> to vector<1x16xf32>
        tpu.vector_store %arg9[%swap3A_523, %swap3A_524], %swap3A_527 {strides = array<i32>} : memref<8x64xf32, #tpu.memory_space<vmem>>, vector<1x16xf32>,
        %mul3A_528 = arith.constant 16 : i32
        %mul3A_529 = arith.muli %scan3A_91, %mul3A_528 : i32
        %get3A_530 = arith.index_cast %mul3A_529 : i32 to index
        %get3A_531 = arith.constant 48 : index
        %get3A_532 = tpu.vector_load %arg7[%get3A_530, %get3A_531] {strides = array<i32>} : memref<128x64xf32, #tpu.memory_space<vmem>>, vector<1x16xf32>,
        %get3A_533 = vector.shape_cast %get3A_532 : vector<1x16xf32> to vector<16xf32>
        %mul3A_534 = arith.constant 16 : i32
        %mul3A_535 = arith.muli %scan3A_91, %mul3A_534 : i32
        %add3A_536 = arith.constant 1 : i32
        %add3A_537 = arith.addi %mul3A_535, %add3A_536 : i32
        %get3A_538 = arith.index_cast %add3A_537 : i32 to index
        %get3A_539 = arith.constant 48 : index
        %get3A_540 = tpu.vector_load %arg7[%get3A_538, %get3A_539] {strides = array<i32>} : memref<128x64xf32, #tpu.memory_space<vmem>>, vector<1x16xf32>,
        %get3A_541 = vector.shape_cast %get3A_540 : vector<1x16xf32> to vector<16xf32>
        %max3A_542 = arith.maximumf %get3A_533, %get3A_541 : vector<16xf32>
        %mul3A_543 = arith.constant 16 : i32
        %mul3A_544 = arith.muli %scan3A_91, %mul3A_543 : i32
        %add3A_545 = arith.constant 2 : i32
        %add3A_546 = arith.addi %mul3A_544, %add3A_545 : i32
        %get3A_547 = arith.index_cast %add3A_546 : i32 to index
        %get3A_548 = arith.constant 48 : index
        %get3A_549 = tpu.vector_load %arg7[%get3A_547, %get3A_548] {strides = array<i32>} : memref<128x64xf32, #tpu.memory_space<vmem>>, vector<1x16xf32>,
        %get3A_550 = vector.shape_cast %get3A_549 : vector<1x16xf32> to vector<16xf32>
        %max3A_551 = arith.maximumf %max3A_542, %get3A_550 : vector<16xf32>
        %mul3A_552 = arith.constant 16 : i32
        %mul3A_553 = arith.muli %scan3A_91, %mul3A_552 : i32
        %add3A_554 = arith.constant 3 : i32
        %add3A_555 = arith.addi %mul3A_553, %add3A_554 : i32
        %get3A_556 = arith.index_cast %add3A_555 : i32 to index
        %get3A_557 = arith.constant 48 : index
        %get3A_558 = tpu.vector_load %arg7[%get3A_556, %get3A_557] {strides = array<i32>} : memref<128x64xf32, #tpu.memory_space<vmem>>, vector<1x16xf32>,
        %get3A_559 = vector.shape_cast %get3A_558 : vector<1x16xf32> to vector<16xf32>
        %max3A_560 = arith.maximumf %max3A_551, %get3A_559 : vector<16xf32>
        %mul3A_561 = arith.constant 16 : i32
        %mul3A_562 = arith.muli %scan3A_91, %mul3A_561 : i32
        %add3A_563 = arith.constant 4 : i32
        %add3A_564 = arith.addi %mul3A_562, %add3A_563 : i32
        %get3A_565 = arith.index_cast %add3A_564 : i32 to index
        %get3A_566 = arith.constant 48 : index
        %get3A_567 = tpu.vector_load %arg7[%get3A_565, %get3A_566] {strides = array<i32>} : memref<128x64xf32, #tpu.memory_space<vmem>>, vector<1x16xf32>,
        %get3A_568 = vector.shape_cast %get3A_567 : vector<1x16xf32> to vector<16xf32>
        %max3A_569 = arith.maximumf %max3A_560, %get3A_568 : vector<16xf32>
        %mul3A_570 = arith.constant 16 : i32
        %mul3A_571 = arith.muli %scan3A_91, %mul3A_570 : i32
        %add3A_572 = arith.constant 5 : i32
        %add3A_573 = arith.addi %mul3A_571, %add3A_572 : i32
        %get3A_574 = arith.index_cast %add3A_573 : i32 to index
        %get3A_575 = arith.constant 48 : index
        %get3A_576 = tpu.vector_load %arg7[%get3A_574, %get3A_575] {strides = array<i32>} : memref<128x64xf32, #tpu.memory_space<vmem>>, vector<1x16xf32>,
        %get3A_577 = vector.shape_cast %get3A_576 : vector<1x16xf32> to vector<16xf32>
        %max3A_578 = arith.maximumf %max3A_569, %get3A_577 : vector<16xf32>
        %mul3A_579 = arith.constant 16 : i32
        %mul3A_580 = arith.muli %scan3A_91, %mul3A_579 : i32
        %add3A_581 = arith.constant 6 : i32
        %add3A_582 = arith.addi %mul3A_580, %add3A_581 : i32
        %get3A_583 = arith.index_cast %add3A_582 : i32 to index
        %get3A_584 = arith.constant 48 : index
        %get3A_585 = tpu.vector_load %arg7[%get3A_583, %get3A_584] {strides = array<i32>} : memref<128x64xf32, #tpu.memory_space<vmem>>, vector<1x16xf32>,
        %get3A_586 = vector.shape_cast %get3A_585 : vector<1x16xf32> to vector<16xf32>
        %max3A_587 = arith.maximumf %max3A_578, %get3A_586 : vector<16xf32>
        %mul3A_588 = arith.constant 16 : i32
        %mul3A_589 = arith.muli %scan3A_91, %mul3A_588 : i32
        %add3A_590 = arith.constant 7 : i32
        %add3A_591 = arith.addi %mul3A_589, %add3A_590 : i32
        %get3A_592 = arith.index_cast %add3A_591 : i32 to index
        %get3A_593 = arith.constant 48 : index
        %get3A_594 = tpu.vector_load %arg7[%get3A_592, %get3A_593] {strides = array<i32>} : memref<128x64xf32, #tpu.memory_space<vmem>>, vector<1x16xf32>,
        %get3A_595 = vector.shape_cast %get3A_594 : vector<1x16xf32> to vector<16xf32>
        %max3A_596 = arith.maximumf %max3A_587, %get3A_595 : vector<16xf32>
        %mul3A_597 = arith.constant 16 : i32
        %mul3A_598 = arith.muli %scan3A_91, %mul3A_597 : i32
        %add3A_599 = arith.constant 8 : i32
        %add3A_600 = arith.addi %mul3A_598, %add3A_599 : i32
        %get3A_601 = arith.index_cast %add3A_600 : i32 to index
        %get3A_602 = arith.constant 48 : index
        %get3A_603 = tpu.vector_load %arg7[%get3A_601, %get3A_602] {strides = array<i32>} : memref<128x64xf32, #tpu.memory_space<vmem>>, vector<1x16xf32>,
        %get3A_604 = vector.shape_cast %get3A_603 : vector<1x16xf32> to vector<16xf32>
        %max3A_605 = arith.maximumf %max3A_596, %get3A_604 : vector<16xf32>
        %mul3A_606 = arith.constant 16 : i32
        %mul3A_607 = arith.muli %scan3A_91, %mul3A_606 : i32
        %add3A_608 = arith.constant 9 : i32
        %add3A_609 = arith.addi %mul3A_607, %add3A_608 : i32
        %get3A_610 = arith.index_cast %add3A_609 : i32 to index
        %get3A_611 = arith.constant 48 : index
        %get3A_612 = tpu.vector_load %arg7[%get3A_610, %get3A_611] {strides = array<i32>} : memref<128x64xf32, #tpu.memory_space<vmem>>, vector<1x16xf32>,
        %get3A_613 = vector.shape_cast %get3A_612 : vector<1x16xf32> to vector<16xf32>
        %max3A_614 = arith.maximumf %max3A_605, %get3A_613 : vector<16xf32>
        %mul3A_615 = arith.constant 16 : i32
        %mul3A_616 = arith.muli %scan3A_91, %mul3A_615 : i32
        %add3A_617 = arith.constant 10 : i32
        %add3A_618 = arith.addi %mul3A_616, %add3A_617 : i32
        %get3A_619 = arith.index_cast %add3A_618 : i32 to index
        %get3A_620 = arith.constant 48 : index
        %get3A_621 = tpu.vector_load %arg7[%get3A_619, %get3A_620] {strides = array<i32>} : memref<128x64xf32, #tpu.memory_space<vmem>>, vector<1x16xf32>,
        %get3A_622 = vector.shape_cast %get3A_621 : vector<1x16xf32> to vector<16xf32>
        %max3A_623 = arith.maximumf %max3A_614, %get3A_622 : vector<16xf32>
        %mul3A_624 = arith.constant 16 : i32
        %mul3A_625 = arith.muli %scan3A_91, %mul3A_624 : i32
        %add3A_626 = arith.constant 11 : i32
        %add3A_627 = arith.addi %mul3A_625, %add3A_626 : i32
        %get3A_628 = arith.index_cast %add3A_627 : i32 to index
        %get3A_629 = arith.constant 48 : index
        %get3A_630 = tpu.vector_load %arg7[%get3A_628, %get3A_629] {strides = array<i32>} : memref<128x64xf32, #tpu.memory_space<vmem>>, vector<1x16xf32>,
        %get3A_631 = vector.shape_cast %get3A_630 : vector<1x16xf32> to vector<16xf32>
        %max3A_632 = arith.maximumf %max3A_623, %get3A_631 : vector<16xf32>
        %mul3A_633 = arith.constant 16 : i32
        %mul3A_634 = arith.muli %scan3A_91, %mul3A_633 : i32
        %add3A_635 = arith.constant 12 : i32
        %add3A_636 = arith.addi %mul3A_634, %add3A_635 : i32
        %get3A_637 = arith.index_cast %add3A_636 : i32 to index
        %get3A_638 = arith.constant 48 : index
        %get3A_639 = tpu.vector_load %arg7[%get3A_637, %get3A_638] {strides = array<i32>} : memref<128x64xf32, #tpu.memory_space<vmem>>, vector<1x16xf32>,
        %get3A_640 = vector.shape_cast %get3A_639 : vector<1x16xf32> to vector<16xf32>
        %max3A_641 = arith.maximumf %max3A_632, %get3A_640 : vector<16xf32>
        %mul3A_642 = arith.constant 16 : i32
        %mul3A_643 = arith.muli %scan3A_91, %mul3A_642 : i32
        %add3A_644 = arith.constant 13 : i32
        %add3A_645 = arith.addi %mul3A_643, %add3A_644 : i32
        %get3A_646 = arith.index_cast %add3A_645 : i32 to index
        %get3A_647 = arith.constant 48 : index
        %get3A_648 = tpu.vector_load %arg7[%get3A_646, %get3A_647] {strides = array<i32>} : memref<128x64xf32, #tpu.memory_space<vmem>>, vector<1x16xf32>,
        %get3A_649 = vector.shape_cast %get3A_648 : vector<1x16xf32> to vector<16xf32>
        %max3A_650 = arith.maximumf %max3A_641, %get3A_649 : vector<16xf32>
        %mul3A_651 = arith.constant 16 : i32
        %mul3A_652 = arith.muli %scan3A_91, %mul3A_651 : i32
        %add3A_653 = arith.constant 14 : i32
        %add3A_654 = arith.addi %mul3A_652, %add3A_653 : i32
        %get3A_655 = arith.index_cast %add3A_654 : i32 to index
        %get3A_656 = arith.constant 48 : index
        %get3A_657 = tpu.vector_load %arg7[%get3A_655, %get3A_656] {strides = array<i32>} : memref<128x64xf32, #tpu.memory_space<vmem>>, vector<1x16xf32>,
        %get3A_658 = vector.shape_cast %get3A_657 : vector<1x16xf32> to vector<16xf32>
        %max3A_659 = arith.maximumf %max3A_650, %get3A_658 : vector<16xf32>
        %mul3A_660 = arith.constant 16 : i32
        %mul3A_661 = arith.muli %scan3A_91, %mul3A_660 : i32
        %add3A_662 = arith.constant 15 : i32
        %add3A_663 = arith.addi %mul3A_661, %add3A_662 : i32
        %get3A_664 = arith.index_cast %add3A_663 : i32 to index
        %get3A_665 = arith.constant 48 : index
        %get3A_666 = tpu.vector_load %arg7[%get3A_664, %get3A_665] {strides = array<i32>} : memref<128x64xf32, #tpu.memory_space<vmem>>, vector<1x16xf32>,
        %get3A_667 = vector.shape_cast %get3A_666 : vector<1x16xf32> to vector<16xf32>
        %max3A_668 = arith.maximumf %max3A_659, %get3A_667 : vector<16xf32>
        %swap3A_669 = arith.index_cast %scan3A_91 : i32 to index
        %swap3A_670 = arith.constant 48 : index
        %swap3A_671 = tpu.vector_load %arg9[%swap3A_669, %swap3A_670] {strides = array<i32>} : memref<8x64xf32, #tpu.memory_space<vmem>>, vector<1x16xf32>,
        %swap3A_672 = vector.shape_cast %swap3A_671 : vector<1x16xf32> to vector<16xf32>
        %swap3A_673 = vector.shape_cast %max3A_668 : vector<16xf32> to vector<1x16xf32>
        tpu.vector_store %arg9[%swap3A_669, %swap3A_670], %swap3A_673 {strides = array<i32>} : memref<8x64xf32, #tpu.memory_space<vmem>>, vector<1x16xf32>,
        %scan3A_674 = arith.constant 0 : i32
        scf.yield %scan3A_674 : i32
      }
      %scan3A_42 = arith.constant 8 : i32
      %mul3A_43 = arith.constant 8 : i32
      %mul3A_44 = arith.muli %add3A_32, %mul3A_43 : i32
      %add3A_45 = arith.addi %mul3A_2, %mul3A_44 : i32
      "tpu.region"() ({
        %run_scoped3A = tpu.sem_alloc : memref<!tpu.dma_semaphore, #tpu.memory_space<semaphore_mem>>
        %dma_start3A_91 = arith.constant 0 : i32
        %dma_start3A_92 = tpu.memref_slice %arg4[%add3A_45, %dma_start3A_91] : memref<20480x64xf32, #tpu.memory_space<hbm>> -> memref<8x64xf32, #tpu.memory_space<hbm>>
        %dma_start3A_93 = arith.constant 0 : i32
        %dma_start3A_94 = tpu.memref_slice %arg4[%add3A_45, %dma_start3A_93] : memref<20480x64xf32, #tpu.memory_space<hbm>> -> memref<8x64xf32, #tpu.memory_space<hbm>>
        tpu.enqueue_dma source(%arg9 : memref<8x64xf32, #tpu.memory_space<vmem>>) target(%dma_start3A_94 : memref<8x64xf32, #tpu.memory_space<hbm>>) target_semaphore(%run_scoped3A : memref<!tpu.dma_semaphore, #tpu.memory_space<semaphore_mem>>)
        %dma_wait3A_95 = arith.constant 0 : i32
        %dma_wait3A_96 = tpu.memref_slice %arg4[%add3A_45, %dma_wait3A_95] : memref<20480x64xf32, #tpu.memory_space<hbm>> -> memref<8x64xf32, #tpu.memory_space<hbm>>
        %dma_wait3A_97 = arith.constant 0 : i32
        %dma_wait3A_98 = tpu.memref_slice %arg4[%add3A_45, %dma_wait3A_97] : memref<20480x64xf32, #tpu.memory_space<hbm>> -> memref<8x64xf32, #tpu.memory_space<hbm>>
        tpu.wait_dma2 semaphore(%run_scoped3A : memref<!tpu.dma_semaphore, #tpu.memory_space<semaphore_mem>>) src(%arg9 : memref<8x64xf32, #tpu.memory_space<vmem>>) dst(%dma_wait3A_98 : memref<8x64xf32, #tpu.memory_space<hbm>>)
        tpu.yield
      }) : () -> ()
      %add3A_46 = arith.constant 2 : i32
      %add3A_47 = arith.addi %add3A_32, %add3A_46 : i32
      %lt3A = arith.constant 80 : i32
      %lt3A_48 = arith.cmpi slt, %add3A_47, %lt3A : i32
      %sub3A = arith.constant 80 : i32
      %sub3A_49 = arith.subi %add3A_47, %sub3A : i32
      %select_n3A = arith.select %lt3A_48, %add3A_47, %sub3A_49 : i32
      %mul3A_50 = arith.constant 8 : i32
      %mul3A_51 = arith.muli %select_n3A, %mul3A_50 : i32
      %add3A_52 = arith.addi %mul3A_2, %mul3A_51 : i32
      %mul3A_53 = arith.constant 16 : i32
      %mul3A_54 = arith.muli %add3A_52, %mul3A_53 : i32
      "tpu.region"() ({
        %run_scoped3A = tpu.sem_alloc : memref<!tpu.dma_semaphore, #tpu.memory_space<semaphore_mem>>
        %dma_start3A_91 = tpu.memref_slice %arg3[%mul3A_54] : memref<327680xi32, #tpu.memory_space<hbm>> -> memref<128xi32, #tpu.memory_space<hbm>>
        %dma_start3A_92 = tpu.memref_slice %arg3[%mul3A_54] : memref<327680xi32, #tpu.memory_space<hbm>> -> memref<128xi32, #tpu.memory_space<hbm>>
        tpu.enqueue_dma source(%dma_start3A_92 : memref<128xi32, #tpu.memory_space<hbm>>) target(%arg5 : memref<128xi32, #tpu.memory_space<vmem>>) target_semaphore(%run_scoped3A : memref<!tpu.dma_semaphore, #tpu.memory_space<semaphore_mem>>)
        %dma_wait3A_93 = tpu.memref_slice %arg3[%mul3A_54] : memref<327680xi32, #tpu.memory_space<hbm>> -> memref<128xi32, #tpu.memory_space<hbm>>
        %dma_wait3A_94 = tpu.memref_slice %arg3[%mul3A_54] : memref<327680xi32, #tpu.memory_space<hbm>> -> memref<128xi32, #tpu.memory_space<hbm>>
        tpu.wait_dma2 semaphore(%run_scoped3A : memref<!tpu.dma_semaphore, #tpu.memory_space<semaphore_mem>>) src(%dma_wait3A_94 : memref<128xi32, #tpu.memory_space<hbm>>) dst(%arg5 : memref<128xi32, #tpu.memory_space<vmem>>)
        tpu.yield
      }) : () -> ()
      %dma_start3A_55 = arith.constant 0 : i32
      %dma_start3A_56 = arith.constant 0 : i32
      %dma_start3A_57 = tpu.memref_slice %arg2[%dma_start3A_55, %dma_start3A_56] : memref<5120x64xf32, #tpu.memory_space<hbm>> -> memref<5120x64xf32, #tpu.memory_space<hbm>>
      tpu.enqueue_indirect_dma source(%dma_start3A_57 : memref<5120x64xf32, #tpu.memory_space<hbm>>) target(%arg7 : memref<128x64xf32, #tpu.memory_space<vmem>>) offsets(%arg5 : memref<128xi32, #tpu.memory_space<vmem>>) semaphore(%arg10 : memref<!tpu.dma_semaphore, #tpu.memory_space<semaphore_mem>>)
      %mul3A_58 = arith.constant 2 : i32
      %mul3A_59 = arith.muli %scan3A_27, %mul3A_58 : i32
      %add3A_60 = arith.constant 1 : i32
      %add3A_61 = arith.addi %mul3A_59, %add3A_60 : i32
      %dma_wait3A_62 = arith.constant 0 : i32
      %dma_wait3A_63 = arith.constant 0 : i32
      %dma_wait3A_64 = tpu.memref_slice %arg2[%dma_wait3A_62, %dma_wait3A_63] : memref<5120x64xf32, #tpu.memory_space<hbm>> -> memref<5120x64xf32, #tpu.memory_space<hbm>>
      tpu.wait_indirect_dma semaphore(%arg11 : memref<!tpu.dma_semaphore, #tpu.memory_space<semaphore_mem>>) src(%dma_wait3A_64 : memref<5120x64xf32, #tpu.memory_space<hbm>>) dst(%arg8 : memref<128x64xf32, #tpu.memory_space<vmem>>)
      %scan3A_65 = arith.constant 0 : i32
      %scan3A_66 = arith.constant 0 : i32
      %scan3A_67 = arith.constant 8 : i32
      %scan3A_68 = arith.addi %scan3A_66, %scan3A_67 : i32
      %scan3A_69 = arith.constant 1 : i32
      %scan3A_70 = scf.for %scan3A_91 = %scan3A_66 to %scan3A_68 step %scan3A_69 iter_args(%scan3A_92 = %scan3A_65) -> (i32)  : i32 {
        %mul3A_93 = arith.constant 16 : i32
        %mul3A_94 = arith.muli %scan3A_91, %mul3A_93 : i32
        %get3A = arith.index_cast %mul3A_94 : i32 to index
        %get3A_95 = arith.constant 0 : index
        %get3A_96 = tpu.vector_load %arg8[%get3A, %get3A_95] {strides = array<i32>} : memref<128x64xf32, #tpu.memory_space<vmem>>, vector<1x16xf32>,
        %get3A_97 = vector.shape_cast %get3A_96 : vector<1x16xf32> to vector<16xf32>
        %mul3A_98 = arith.constant 16 : i32
        %mul3A_99 = arith.muli %scan3A_91, %mul3A_98 : i32
        %add3A_100 = arith.constant 1 : i32
        %add3A_101 = arith.addi %mul3A_99, %add3A_100 : i32
        %get3A_102 = arith.index_cast %add3A_101 : i32 to index
        %get3A_103 = arith.constant 0 : index
        %get3A_104 = tpu.vector_load %arg8[%get3A_102, %get3A_103] {strides = array<i32>} : memref<128x64xf32, #tpu.memory_space<vmem>>, vector<1x16xf32>,
        %get3A_105 = vector.shape_cast %get3A_104 : vector<1x16xf32> to vector<16xf32>
        %max3A = arith.maximumf %get3A_97, %get3A_105 : vector<16xf32>
        %mul3A_106 = arith.constant 16 : i32
        %mul3A_107 = arith.muli %scan3A_91, %mul3A_106 : i32
        %add3A_108 = arith.constant 2 : i32
        %add3A_109 = arith.addi %mul3A_107, %add3A_108 : i32
        %get3A_110 = arith.index_cast %add3A_109 : i32 to index
        %get3A_111 = arith.constant 0 : index
        %get3A_112 = tpu.vector_load %arg8[%get3A_110, %get3A_111] {strides = array<i32>} : memref<128x64xf32, #tpu.memory_space<vmem>>, vector<1x16xf32>,
        %get3A_113 = vector.shape_cast %get3A_112 : vector<1x16xf32> to vector<16xf32>
        %max3A_114 = arith.maximumf %max3A, %get3A_113 : vector<16xf32>
        %mul3A_115 = arith.constant 16 : i32
        %mul3A_116 = arith.muli %scan3A_91, %mul3A_115 : i32
        %add3A_117 = arith.constant 3 : i32
        %add3A_118 = arith.addi %mul3A_116, %add3A_117 : i32
        %get3A_119 = arith.index_cast %add3A_118 : i32 to index
        %get3A_120 = arith.constant 0 : index
        %get3A_121 = tpu.vector_load %arg8[%get3A_119, %get3A_120] {strides = array<i32>} : memref<128x64xf32, #tpu.memory_space<vmem>>, vector<1x16xf32>,
        %get3A_122 = vector.shape_cast %get3A_121 : vector<1x16xf32> to vector<16xf32>
        %max3A_123 = arith.maximumf %max3A_114, %get3A_122 : vector<16xf32>
        %mul3A_124 = arith.constant 16 : i32
        %mul3A_125 = arith.muli %scan3A_91, %mul3A_124 : i32
        %add3A_126 = arith.constant 4 : i32
        %add3A_127 = arith.addi %mul3A_125, %add3A_126 : i32
        %get3A_128 = arith.index_cast %add3A_127 : i32 to index
        %get3A_129 = arith.constant 0 : index
        %get3A_130 = tpu.vector_load %arg8[%get3A_128, %get3A_129] {strides = array<i32>} : memref<128x64xf32, #tpu.memory_space<vmem>>, vector<1x16xf32>,
        %get3A_131 = vector.shape_cast %get3A_130 : vector<1x16xf32> to vector<16xf32>
        %max3A_132 = arith.maximumf %max3A_123, %get3A_131 : vector<16xf32>
        %mul3A_133 = arith.constant 16 : i32
        %mul3A_134 = arith.muli %scan3A_91, %mul3A_133 : i32
        %add3A_135 = arith.constant 5 : i32
        %add3A_136 = arith.addi %mul3A_134, %add3A_135 : i32
        %get3A_137 = arith.index_cast %add3A_136 : i32 to index
        %get3A_138 = arith.constant 0 : index
        %get3A_139 = tpu.vector_load %arg8[%get3A_137, %get3A_138] {strides = array<i32>} : memref<128x64xf32, #tpu.memory_space<vmem>>, vector<1x16xf32>,
        %get3A_140 = vector.shape_cast %get3A_139 : vector<1x16xf32> to vector<16xf32>
        %max3A_141 = arith.maximumf %max3A_132, %get3A_140 : vector<16xf32>
        %mul3A_142 = arith.constant 16 : i32
        %mul3A_143 = arith.muli %scan3A_91, %mul3A_142 : i32
        %add3A_144 = arith.constant 6 : i32
        %add3A_145 = arith.addi %mul3A_143, %add3A_144 : i32
        %get3A_146 = arith.index_cast %add3A_145 : i32 to index
        %get3A_147 = arith.constant 0 : index
        %get3A_148 = tpu.vector_load %arg8[%get3A_146, %get3A_147] {strides = array<i32>} : memref<128x64xf32, #tpu.memory_space<vmem>>, vector<1x16xf32>,
        %get3A_149 = vector.shape_cast %get3A_148 : vector<1x16xf32> to vector<16xf32>
        %max3A_150 = arith.maximumf %max3A_141, %get3A_149 : vector<16xf32>
        %mul3A_151 = arith.constant 16 : i32
        %mul3A_152 = arith.muli %scan3A_91, %mul3A_151 : i32
        %add3A_153 = arith.constant 7 : i32
        %add3A_154 = arith.addi %mul3A_152, %add3A_153 : i32
        %get3A_155 = arith.index_cast %add3A_154 : i32 to index
        %get3A_156 = arith.constant 0 : index
        %get3A_157 = tpu.vector_load %arg8[%get3A_155, %get3A_156] {strides = array<i32>} : memref<128x64xf32, #tpu.memory_space<vmem>>, vector<1x16xf32>,
        %get3A_158 = vector.shape_cast %get3A_157 : vector<1x16xf32> to vector<16xf32>
        %max3A_159 = arith.maximumf %max3A_150, %get3A_158 : vector<16xf32>
        %mul3A_160 = arith.constant 16 : i32
        %mul3A_161 = arith.muli %scan3A_91, %mul3A_160 : i32
        %add3A_162 = arith.constant 8 : i32
        %add3A_163 = arith.addi %mul3A_161, %add3A_162 : i32
        %get3A_164 = arith.index_cast %add3A_163 : i32 to index
        %get3A_165 = arith.constant 0 : index
        %get3A_166 = tpu.vector_load %arg8[%get3A_164, %get3A_165] {strides = array<i32>} : memref<128x64xf32, #tpu.memory_space<vmem>>, vector<1x16xf32>,
        %get3A_167 = vector.shape_cast %get3A_166 : vector<1x16xf32> to vector<16xf32>
        %max3A_168 = arith.maximumf %max3A_159, %get3A_167 : vector<16xf32>
        %mul3A_169 = arith.constant 16 : i32
        %mul3A_170 = arith.muli %scan3A_91, %mul3A_169 : i32
        %add3A_171 = arith.constant 9 : i32
        %add3A_172 = arith.addi %mul3A_170, %add3A_171 : i32
        %get3A_173 = arith.index_cast %add3A_172 : i32 to index
        %get3A_174 = arith.constant 0 : index
        %get3A_175 = tpu.vector_load %arg8[%get3A_173, %get3A_174] {strides = array<i32>} : memref<128x64xf32, #tpu.memory_space<vmem>>, vector<1x16xf32>,
        %get3A_176 = vector.shape_cast %get3A_175 : vector<1x16xf32> to vector<16xf32>
        %max3A_177 = arith.maximumf %max3A_168, %get3A_176 : vector<16xf32>
        %mul3A_178 = arith.constant 16 : i32
        %mul3A_179 = arith.muli %scan3A_91, %mul3A_178 : i32
        %add3A_180 = arith.constant 10 : i32
        %add3A_181 = arith.addi %mul3A_179, %add3A_180 : i32
        %get3A_182 = arith.index_cast %add3A_181 : i32 to index
        %get3A_183 = arith.constant 0 : index
        %get3A_184 = tpu.vector_load %arg8[%get3A_182, %get3A_183] {strides = array<i32>} : memref<128x64xf32, #tpu.memory_space<vmem>>, vector<1x16xf32>,
        %get3A_185 = vector.shape_cast %get3A_184 : vector<1x16xf32> to vector<16xf32>
        %max3A_186 = arith.maximumf %max3A_177, %get3A_185 : vector<16xf32>
        %mul3A_187 = arith.constant 16 : i32
        %mul3A_188 = arith.muli %scan3A_91, %mul3A_187 : i32
        %add3A_189 = arith.constant 11 : i32
        %add3A_190 = arith.addi %mul3A_188, %add3A_189 : i32
        %get3A_191 = arith.index_cast %add3A_190 : i32 to index
        %get3A_192 = arith.constant 0 : index
        %get3A_193 = tpu.vector_load %arg8[%get3A_191, %get3A_192] {strides = array<i32>} : memref<128x64xf32, #tpu.memory_space<vmem>>, vector<1x16xf32>,
        %get3A_194 = vector.shape_cast %get3A_193 : vector<1x16xf32> to vector<16xf32>
        %max3A_195 = arith.maximumf %max3A_186, %get3A_194 : vector<16xf32>
        %mul3A_196 = arith.constant 16 : i32
        %mul3A_197 = arith.muli %scan3A_91, %mul3A_196 : i32
        %add3A_198 = arith.constant 12 : i32
        %add3A_199 = arith.addi %mul3A_197, %add3A_198 : i32
        %get3A_200 = arith.index_cast %add3A_199 : i32 to index
        %get3A_201 = arith.constant 0 : index
        %get3A_202 = tpu.vector_load %arg8[%get3A_200, %get3A_201] {strides = array<i32>} : memref<128x64xf32, #tpu.memory_space<vmem>>, vector<1x16xf32>,
        %get3A_203 = vector.shape_cast %get3A_202 : vector<1x16xf32> to vector<16xf32>
        %max3A_204 = arith.maximumf %max3A_195, %get3A_203 : vector<16xf32>
        %mul3A_205 = arith.constant 16 : i32
        %mul3A_206 = arith.muli %scan3A_91, %mul3A_205 : i32
        %add3A_207 = arith.constant 13 : i32
        %add3A_208 = arith.addi %mul3A_206, %add3A_207 : i32
        %get3A_209 = arith.index_cast %add3A_208 : i32 to index
        %get3A_210 = arith.constant 0 : index
        %get3A_211 = tpu.vector_load %arg8[%get3A_209, %get3A_210] {strides = array<i32>} : memref<128x64xf32, #tpu.memory_space<vmem>>, vector<1x16xf32>,
        %get3A_212 = vector.shape_cast %get3A_211 : vector<1x16xf32> to vector<16xf32>
        %max3A_213 = arith.maximumf %max3A_204, %get3A_212 : vector<16xf32>
        %mul3A_214 = arith.constant 16 : i32
        %mul3A_215 = arith.muli %scan3A_91, %mul3A_214 : i32
        %add3A_216 = arith.constant 14 : i32
        %add3A_217 = arith.addi %mul3A_215, %add3A_216 : i32
        %get3A_218 = arith.index_cast %add3A_217 : i32 to index
        %get3A_219 = arith.constant 0 : index
        %get3A_220 = tpu.vector_load %arg8[%get3A_218, %get3A_219] {strides = array<i32>} : memref<128x64xf32, #tpu.memory_space<vmem>>, vector<1x16xf32>,
        %get3A_221 = vector.shape_cast %get3A_220 : vector<1x16xf32> to vector<16xf32>
        %max3A_222 = arith.maximumf %max3A_213, %get3A_221 : vector<16xf32>
        %mul3A_223 = arith.constant 16 : i32
        %mul3A_224 = arith.muli %scan3A_91, %mul3A_223 : i32
        %add3A_225 = arith.constant 15 : i32
        %add3A_226 = arith.addi %mul3A_224, %add3A_225 : i32
        %get3A_227 = arith.index_cast %add3A_226 : i32 to index
        %get3A_228 = arith.constant 0 : index
        %get3A_229 = tpu.vector_load %arg8[%get3A_227, %get3A_228] {strides = array<i32>} : memref<128x64xf32, #tpu.memory_space<vmem>>, vector<1x16xf32>,
        %get3A_230 = vector.shape_cast %get3A_229 : vector<1x16xf32> to vector<16xf32>
        %max3A_231 = arith.maximumf %max3A_222, %get3A_230 : vector<16xf32>
        %swap3A = arith.index_cast %scan3A_91 : i32 to index
        %swap3A_232 = arith.constant 0 : index
        %swap3A_233 = tpu.vector_load %arg9[%swap3A, %swap3A_232] {strides = array<i32>} : memref<8x64xf32, #tpu.memory_space<vmem>>, vector<1x16xf32>,
        %swap3A_234 = vector.shape_cast %swap3A_233 : vector<1x16xf32> to vector<16xf32>
        %swap3A_235 = vector.shape_cast %max3A_231 : vector<16xf32> to vector<1x16xf32>
        tpu.vector_store %arg9[%swap3A, %swap3A_232], %swap3A_235 {strides = array<i32>} : memref<8x64xf32, #tpu.memory_space<vmem>>, vector<1x16xf32>,
        %mul3A_236 = arith.constant 16 : i32
        %mul3A_237 = arith.muli %scan3A_91, %mul3A_236 : i32
        %get3A_238 = arith.index_cast %mul3A_237 : i32 to index
        %get3A_239 = arith.constant 16 : index
        %get3A_240 = tpu.vector_load %arg8[%get3A_238, %get3A_239] {strides = array<i32>} : memref<128x64xf32, #tpu.memory_space<vmem>>, vector<1x16xf32>,
        %get3A_241 = vector.shape_cast %get3A_240 : vector<1x16xf32> to vector<16xf32>
        %mul3A_242 = arith.constant 16 : i32
        %mul3A_243 = arith.muli %scan3A_91, %mul3A_242 : i32
        %add3A_244 = arith.constant 1 : i32
        %add3A_245 = arith.addi %mul3A_243, %add3A_244 : i32
        %get3A_246 = arith.index_cast %add3A_245 : i32 to index
        %get3A_247 = arith.constant 16 : index
        %get3A_248 = tpu.vector_load %arg8[%get3A_246, %get3A_247] {strides = array<i32>} : memref<128x64xf32, #tpu.memory_space<vmem>>, vector<1x16xf32>,
        %get3A_249 = vector.shape_cast %get3A_248 : vector<1x16xf32> to vector<16xf32>
        %max3A_250 = arith.maximumf %get3A_241, %get3A_249 : vector<16xf32>
        %mul3A_251 = arith.constant 16 : i32
        %mul3A_252 = arith.muli %scan3A_91, %mul3A_251 : i32
        %add3A_253 = arith.constant 2 : i32
        %add3A_254 = arith.addi %mul3A_252, %add3A_253 : i32
        %get3A_255 = arith.index_cast %add3A_254 : i32 to index
        %get3A_256 = arith.constant 16 : index
        %get3A_257 = tpu.vector_load %arg8[%get3A_255, %get3A_256] {strides = array<i32>} : memref<128x64xf32, #tpu.memory_space<vmem>>, vector<1x16xf32>,
        %get3A_258 = vector.shape_cast %get3A_257 : vector<1x16xf32> to vector<16xf32>
        %max3A_259 = arith.maximumf %max3A_250, %get3A_258 : vector<16xf32>
        %mul3A_260 = arith.constant 16 : i32
        %mul3A_261 = arith.muli %scan3A_91, %mul3A_260 : i32
        %add3A_262 = arith.constant 3 : i32
        %add3A_263 = arith.addi %mul3A_261, %add3A_262 : i32
        %get3A_264 = arith.index_cast %add3A_263 : i32 to index
        %get3A_265 = arith.constant 16 : index
        %get3A_266 = tpu.vector_load %arg8[%get3A_264, %get3A_265] {strides = array<i32>} : memref<128x64xf32, #tpu.memory_space<vmem>>, vector<1x16xf32>,
        %get3A_267 = vector.shape_cast %get3A_266 : vector<1x16xf32> to vector<16xf32>
        %max3A_268 = arith.maximumf %max3A_259, %get3A_267 : vector<16xf32>
        %mul3A_269 = arith.constant 16 : i32
        %mul3A_270 = arith.muli %scan3A_91, %mul3A_269 : i32
        %add3A_271 = arith.constant 4 : i32
        %add3A_272 = arith.addi %mul3A_270, %add3A_271 : i32
        %get3A_273 = arith.index_cast %add3A_272 : i32 to index
        %get3A_274 = arith.constant 16 : index
        %get3A_275 = tpu.vector_load %arg8[%get3A_273, %get3A_274] {strides = array<i32>} : memref<128x64xf32, #tpu.memory_space<vmem>>, vector<1x16xf32>,
        %get3A_276 = vector.shape_cast %get3A_275 : vector<1x16xf32> to vector<16xf32>
        %max3A_277 = arith.maximumf %max3A_268, %get3A_276 : vector<16xf32>
        %mul3A_278 = arith.constant 16 : i32
        %mul3A_279 = arith.muli %scan3A_91, %mul3A_278 : i32
        %add3A_280 = arith.constant 5 : i32
        %add3A_281 = arith.addi %mul3A_279, %add3A_280 : i32
        %get3A_282 = arith.index_cast %add3A_281 : i32 to index
        %get3A_283 = arith.constant 16 : index
        %get3A_284 = tpu.vector_load %arg8[%get3A_282, %get3A_283] {strides = array<i32>} : memref<128x64xf32, #tpu.memory_space<vmem>>, vector<1x16xf32>,
        %get3A_285 = vector.shape_cast %get3A_284 : vector<1x16xf32> to vector<16xf32>
        %max3A_286 = arith.maximumf %max3A_277, %get3A_285 : vector<16xf32>
        %mul3A_287 = arith.constant 16 : i32
        %mul3A_288 = arith.muli %scan3A_91, %mul3A_287 : i32
        %add3A_289 = arith.constant 6 : i32
        %add3A_290 = arith.addi %mul3A_288, %add3A_289 : i32
        %get3A_291 = arith.index_cast %add3A_290 : i32 to index
        %get3A_292 = arith.constant 16 : index
        %get3A_293 = tpu.vector_load %arg8[%get3A_291, %get3A_292] {strides = array<i32>} : memref<128x64xf32, #tpu.memory_space<vmem>>, vector<1x16xf32>,
        %get3A_294 = vector.shape_cast %get3A_293 : vector<1x16xf32> to vector<16xf32>
        %max3A_295 = arith.maximumf %max3A_286, %get3A_294 : vector<16xf32>
        %mul3A_296 = arith.constant 16 : i32
        %mul3A_297 = arith.muli %scan3A_91, %mul3A_296 : i32
        %add3A_298 = arith.constant 7 : i32
        %add3A_299 = arith.addi %mul3A_297, %add3A_298 : i32
        %get3A_300 = arith.index_cast %add3A_299 : i32 to index
        %get3A_301 = arith.constant 16 : index
        %get3A_302 = tpu.vector_load %arg8[%get3A_300, %get3A_301] {strides = array<i32>} : memref<128x64xf32, #tpu.memory_space<vmem>>, vector<1x16xf32>,
        %get3A_303 = vector.shape_cast %get3A_302 : vector<1x16xf32> to vector<16xf32>
        %max3A_304 = arith.maximumf %max3A_295, %get3A_303 : vector<16xf32>
        %mul3A_305 = arith.constant 16 : i32
        %mul3A_306 = arith.muli %scan3A_91, %mul3A_305 : i32
        %add3A_307 = arith.constant 8 : i32
        %add3A_308 = arith.addi %mul3A_306, %add3A_307 : i32
        %get3A_309 = arith.index_cast %add3A_308 : i32 to index
        %get3A_310 = arith.constant 16 : index
        %get3A_311 = tpu.vector_load %arg8[%get3A_309, %get3A_310] {strides = array<i32>} : memref<128x64xf32, #tpu.memory_space<vmem>>, vector<1x16xf32>,
        %get3A_312 = vector.shape_cast %get3A_311 : vector<1x16xf32> to vector<16xf32>
        %max3A_313 = arith.maximumf %max3A_304, %get3A_312 : vector<16xf32>
        %mul3A_314 = arith.constant 16 : i32
        %mul3A_315 = arith.muli %scan3A_91, %mul3A_314 : i32
        %add3A_316 = arith.constant 9 : i32
        %add3A_317 = arith.addi %mul3A_315, %add3A_316 : i32
        %get3A_318 = arith.index_cast %add3A_317 : i32 to index
        %get3A_319 = arith.constant 16 : index
        %get3A_320 = tpu.vector_load %arg8[%get3A_318, %get3A_319] {strides = array<i32>} : memref<128x64xf32, #tpu.memory_space<vmem>>, vector<1x16xf32>,
        %get3A_321 = vector.shape_cast %get3A_320 : vector<1x16xf32> to vector<16xf32>
        %max3A_322 = arith.maximumf %max3A_313, %get3A_321 : vector<16xf32>
        %mul3A_323 = arith.constant 16 : i32
        %mul3A_324 = arith.muli %scan3A_91, %mul3A_323 : i32
        %add3A_325 = arith.constant 10 : i32
        %add3A_326 = arith.addi %mul3A_324, %add3A_325 : i32
        %get3A_327 = arith.index_cast %add3A_326 : i32 to index
        %get3A_328 = arith.constant 16 : index
        %get3A_329 = tpu.vector_load %arg8[%get3A_327, %get3A_328] {strides = array<i32>} : memref<128x64xf32, #tpu.memory_space<vmem>>, vector<1x16xf32>,
        %get3A_330 = vector.shape_cast %get3A_329 : vector<1x16xf32> to vector<16xf32>
        %max3A_331 = arith.maximumf %max3A_322, %get3A_330 : vector<16xf32>
        %mul3A_332 = arith.constant 16 : i32
        %mul3A_333 = arith.muli %scan3A_91, %mul3A_332 : i32
        %add3A_334 = arith.constant 11 : i32
        %add3A_335 = arith.addi %mul3A_333, %add3A_334 : i32
        %get3A_336 = arith.index_cast %add3A_335 : i32 to index
        %get3A_337 = arith.constant 16 : index
        %get3A_338 = tpu.vector_load %arg8[%get3A_336, %get3A_337] {strides = array<i32>} : memref<128x64xf32, #tpu.memory_space<vmem>>, vector<1x16xf32>,
        %get3A_339 = vector.shape_cast %get3A_338 : vector<1x16xf32> to vector<16xf32>
        %max3A_340 = arith.maximumf %max3A_331, %get3A_339 : vector<16xf32>
        %mul3A_341 = arith.constant 16 : i32
        %mul3A_342 = arith.muli %scan3A_91, %mul3A_341 : i32
        %add3A_343 = arith.constant 12 : i32
        %add3A_344 = arith.addi %mul3A_342, %add3A_343 : i32
        %get3A_345 = arith.index_cast %add3A_344 : i32 to index
        %get3A_346 = arith.constant 16 : index
        %get3A_347 = tpu.vector_load %arg8[%get3A_345, %get3A_346] {strides = array<i32>} : memref<128x64xf32, #tpu.memory_space<vmem>>, vector<1x16xf32>,
        %get3A_348 = vector.shape_cast %get3A_347 : vector<1x16xf32> to vector<16xf32>
        %max3A_349 = arith.maximumf %max3A_340, %get3A_348 : vector<16xf32>
        %mul3A_350 = arith.constant 16 : i32
        %mul3A_351 = arith.muli %scan3A_91, %mul3A_350 : i32
        %add3A_352 = arith.constant 13 : i32
        %add3A_353 = arith.addi %mul3A_351, %add3A_352 : i32
        %get3A_354 = arith.index_cast %add3A_353 : i32 to index
        %get3A_355 = arith.constant 16 : index
        %get3A_356 = tpu.vector_load %arg8[%get3A_354, %get3A_355] {strides = array<i32>} : memref<128x64xf32, #tpu.memory_space<vmem>>, vector<1x16xf32>,
        %get3A_357 = vector.shape_cast %get3A_356 : vector<1x16xf32> to vector<16xf32>
        %max3A_358 = arith.maximumf %max3A_349, %get3A_357 : vector<16xf32>
        %mul3A_359 = arith.constant 16 : i32
        %mul3A_360 = arith.muli %scan3A_91, %mul3A_359 : i32
        %add3A_361 = arith.constant 14 : i32
        %add3A_362 = arith.addi %mul3A_360, %add3A_361 : i32
        %get3A_363 = arith.index_cast %add3A_362 : i32 to index
        %get3A_364 = arith.constant 16 : index
        %get3A_365 = tpu.vector_load %arg8[%get3A_363, %get3A_364] {strides = array<i32>} : memref<128x64xf32, #tpu.memory_space<vmem>>, vector<1x16xf32>,
        %get3A_366 = vector.shape_cast %get3A_365 : vector<1x16xf32> to vector<16xf32>
        %max3A_367 = arith.maximumf %max3A_358, %get3A_366 : vector<16xf32>
        %mul3A_368 = arith.constant 16 : i32
        %mul3A_369 = arith.muli %scan3A_91, %mul3A_368 : i32
        %add3A_370 = arith.constant 15 : i32
        %add3A_371 = arith.addi %mul3A_369, %add3A_370 : i32
        %get3A_372 = arith.index_cast %add3A_371 : i32 to index
        %get3A_373 = arith.constant 16 : index
        %get3A_374 = tpu.vector_load %arg8[%get3A_372, %get3A_373] {strides = array<i32>} : memref<128x64xf32, #tpu.memory_space<vmem>>, vector<1x16xf32>,
        %get3A_375 = vector.shape_cast %get3A_374 : vector<1x16xf32> to vector<16xf32>
        %max3A_376 = arith.maximumf %max3A_367, %get3A_375 : vector<16xf32>
        %swap3A_377 = arith.index_cast %scan3A_91 : i32 to index
        %swap3A_378 = arith.constant 16 : index
        %swap3A_379 = tpu.vector_load %arg9[%swap3A_377, %swap3A_378] {strides = array<i32>} : memref<8x64xf32, #tpu.memory_space<vmem>>, vector<1x16xf32>,
        %swap3A_380 = vector.shape_cast %swap3A_379 : vector<1x16xf32> to vector<16xf32>
        %swap3A_381 = vector.shape_cast %max3A_376 : vector<16xf32> to vector<1x16xf32>
        tpu.vector_store %arg9[%swap3A_377, %swap3A_378], %swap3A_381 {strides = array<i32>} : memref<8x64xf32, #tpu.memory_space<vmem>>, vector<1x16xf32>,
        %mul3A_382 = arith.constant 16 : i32
        %mul3A_383 = arith.muli %scan3A_91, %mul3A_382 : i32
        %get3A_384 = arith.index_cast %mul3A_383 : i32 to index
        %get3A_385 = arith.constant 32 : index
        %get3A_386 = tpu.vector_load %arg8[%get3A_384, %get3A_385] {strides = array<i32>} : memref<128x64xf32, #tpu.memory_space<vmem>>, vector<1x16xf32>,
        %get3A_387 = vector.shape_cast %get3A_386 : vector<1x16xf32> to vector<16xf32>
        %mul3A_388 = arith.constant 16 : i32
        %mul3A_389 = arith.muli %scan3A_91, %mul3A_388 : i32
        %add3A_390 = arith.constant 1 : i32
        %add3A_391 = arith.addi %mul3A_389, %add3A_390 : i32
        %get3A_392 = arith.index_cast %add3A_391 : i32 to index
        %get3A_393 = arith.constant 32 : index
        %get3A_394 = tpu.vector_load %arg8[%get3A_392, %get3A_393] {strides = array<i32>} : memref<128x64xf32, #tpu.memory_space<vmem>>, vector<1x16xf32>,
        %get3A_395 = vector.shape_cast %get3A_394 : vector<1x16xf32> to vector<16xf32>
        %max3A_396 = arith.maximumf %get3A_387, %get3A_395 : vector<16xf32>
        %mul3A_397 = arith.constant 16 : i32
        %mul3A_398 = arith.muli %scan3A_91, %mul3A_397 : i32
        %add3A_399 = arith.constant 2 : i32
        %add3A_400 = arith.addi %mul3A_398, %add3A_399 : i32
        %get3A_401 = arith.index_cast %add3A_400 : i32 to index
        %get3A_402 = arith.constant 32 : index
        %get3A_403 = tpu.vector_load %arg8[%get3A_401, %get3A_402] {strides = array<i32>} : memref<128x64xf32, #tpu.memory_space<vmem>>, vector<1x16xf32>,
        %get3A_404 = vector.shape_cast %get3A_403 : vector<1x16xf32> to vector<16xf32>
        %max3A_405 = arith.maximumf %max3A_396, %get3A_404 : vector<16xf32>
        %mul3A_406 = arith.constant 16 : i32
        %mul3A_407 = arith.muli %scan3A_91, %mul3A_406 : i32
        %add3A_408 = arith.constant 3 : i32
        %add3A_409 = arith.addi %mul3A_407, %add3A_408 : i32
        %get3A_410 = arith.index_cast %add3A_409 : i32 to index
        %get3A_411 = arith.constant 32 : index
        %get3A_412 = tpu.vector_load %arg8[%get3A_410, %get3A_411] {strides = array<i32>} : memref<128x64xf32, #tpu.memory_space<vmem>>, vector<1x16xf32>,
        %get3A_413 = vector.shape_cast %get3A_412 : vector<1x16xf32> to vector<16xf32>
        %max3A_414 = arith.maximumf %max3A_405, %get3A_413 : vector<16xf32>
        %mul3A_415 = arith.constant 16 : i32
        %mul3A_416 = arith.muli %scan3A_91, %mul3A_415 : i32
        %add3A_417 = arith.constant 4 : i32
        %add3A_418 = arith.addi %mul3A_416, %add3A_417 : i32
        %get3A_419 = arith.index_cast %add3A_418 : i32 to index
        %get3A_420 = arith.constant 32 : index
        %get3A_421 = tpu.vector_load %arg8[%get3A_419, %get3A_420] {strides = array<i32>} : memref<128x64xf32, #tpu.memory_space<vmem>>, vector<1x16xf32>,
        %get3A_422 = vector.shape_cast %get3A_421 : vector<1x16xf32> to vector<16xf32>
        %max3A_423 = arith.maximumf %max3A_414, %get3A_422 : vector<16xf32>
        %mul3A_424 = arith.constant 16 : i32
        %mul3A_425 = arith.muli %scan3A_91, %mul3A_424 : i32
        %add3A_426 = arith.constant 5 : i32
        %add3A_427 = arith.addi %mul3A_425, %add3A_426 : i32
        %get3A_428 = arith.index_cast %add3A_427 : i32 to index
        %get3A_429 = arith.constant 32 : index
        %get3A_430 = tpu.vector_load %arg8[%get3A_428, %get3A_429] {strides = array<i32>} : memref<128x64xf32, #tpu.memory_space<vmem>>, vector<1x16xf32>,
        %get3A_431 = vector.shape_cast %get3A_430 : vector<1x16xf32> to vector<16xf32>
        %max3A_432 = arith.maximumf %max3A_423, %get3A_431 : vector<16xf32>
        %mul3A_433 = arith.constant 16 : i32
        %mul3A_434 = arith.muli %scan3A_91, %mul3A_433 : i32
        %add3A_435 = arith.constant 6 : i32
        %add3A_436 = arith.addi %mul3A_434, %add3A_435 : i32
        %get3A_437 = arith.index_cast %add3A_436 : i32 to index
        %get3A_438 = arith.constant 32 : index
        %get3A_439 = tpu.vector_load %arg8[%get3A_437, %get3A_438] {strides = array<i32>} : memref<128x64xf32, #tpu.memory_space<vmem>>, vector<1x16xf32>,
        %get3A_440 = vector.shape_cast %get3A_439 : vector<1x16xf32> to vector<16xf32>
        %max3A_441 = arith.maximumf %max3A_432, %get3A_440 : vector<16xf32>
        %mul3A_442 = arith.constant 16 : i32
        %mul3A_443 = arith.muli %scan3A_91, %mul3A_442 : i32
        %add3A_444 = arith.constant 7 : i32
        %add3A_445 = arith.addi %mul3A_443, %add3A_444 : i32
        %get3A_446 = arith.index_cast %add3A_445 : i32 to index
        %get3A_447 = arith.constant 32 : index
        %get3A_448 = tpu.vector_load %arg8[%get3A_446, %get3A_447] {strides = array<i32>} : memref<128x64xf32, #tpu.memory_space<vmem>>, vector<1x16xf32>,
        %get3A_449 = vector.shape_cast %get3A_448 : vector<1x16xf32> to vector<16xf32>
        %max3A_450 = arith.maximumf %max3A_441, %get3A_449 : vector<16xf32>
        %mul3A_451 = arith.constant 16 : i32
        %mul3A_452 = arith.muli %scan3A_91, %mul3A_451 : i32
        %add3A_453 = arith.constant 8 : i32
        %add3A_454 = arith.addi %mul3A_452, %add3A_453 : i32
        %get3A_455 = arith.index_cast %add3A_454 : i32 to index
        %get3A_456 = arith.constant 32 : index
        %get3A_457 = tpu.vector_load %arg8[%get3A_455, %get3A_456] {strides = array<i32>} : memref<128x64xf32, #tpu.memory_space<vmem>>, vector<1x16xf32>,
        %get3A_458 = vector.shape_cast %get3A_457 : vector<1x16xf32> to vector<16xf32>
        %max3A_459 = arith.maximumf %max3A_450, %get3A_458 : vector<16xf32>
        %mul3A_460 = arith.constant 16 : i32
        %mul3A_461 = arith.muli %scan3A_91, %mul3A_460 : i32
        %add3A_462 = arith.constant 9 : i32
        %add3A_463 = arith.addi %mul3A_461, %add3A_462 : i32
        %get3A_464 = arith.index_cast %add3A_463 : i32 to index
        %get3A_465 = arith.constant 32 : index
        %get3A_466 = tpu.vector_load %arg8[%get3A_464, %get3A_465] {strides = array<i32>} : memref<128x64xf32, #tpu.memory_space<vmem>>, vector<1x16xf32>,
        %get3A_467 = vector.shape_cast %get3A_466 : vector<1x16xf32> to vector<16xf32>
        %max3A_468 = arith.maximumf %max3A_459, %get3A_467 : vector<16xf32>
        %mul3A_469 = arith.constant 16 : i32
        %mul3A_470 = arith.muli %scan3A_91, %mul3A_469 : i32
        %add3A_471 = arith.constant 10 : i32
        %add3A_472 = arith.addi %mul3A_470, %add3A_471 : i32
        %get3A_473 = arith.index_cast %add3A_472 : i32 to index
        %get3A_474 = arith.constant 32 : index
        %get3A_475 = tpu.vector_load %arg8[%get3A_473, %get3A_474] {strides = array<i32>} : memref<128x64xf32, #tpu.memory_space<vmem>>, vector<1x16xf32>,
        %get3A_476 = vector.shape_cast %get3A_475 : vector<1x16xf32> to vector<16xf32>
        %max3A_477 = arith.maximumf %max3A_468, %get3A_476 : vector<16xf32>
        %mul3A_478 = arith.constant 16 : i32
        %mul3A_479 = arith.muli %scan3A_91, %mul3A_478 : i32
        %add3A_480 = arith.constant 11 : i32
        %add3A_481 = arith.addi %mul3A_479, %add3A_480 : i32
        %get3A_482 = arith.index_cast %add3A_481 : i32 to index
        %get3A_483 = arith.constant 32 : index
        %get3A_484 = tpu.vector_load %arg8[%get3A_482, %get3A_483] {strides = array<i32>} : memref<128x64xf32, #tpu.memory_space<vmem>>, vector<1x16xf32>,
        %get3A_485 = vector.shape_cast %get3A_484 : vector<1x16xf32> to vector<16xf32>
        %max3A_486 = arith.maximumf %max3A_477, %get3A_485 : vector<16xf32>
        %mul3A_487 = arith.constant 16 : i32
        %mul3A_488 = arith.muli %scan3A_91, %mul3A_487 : i32
        %add3A_489 = arith.constant 12 : i32
        %add3A_490 = arith.addi %mul3A_488, %add3A_489 : i32
        %get3A_491 = arith.index_cast %add3A_490 : i32 to index
        %get3A_492 = arith.constant 32 : index
        %get3A_493 = tpu.vector_load %arg8[%get3A_491, %get3A_492] {strides = array<i32>} : memref<128x64xf32, #tpu.memory_space<vmem>>, vector<1x16xf32>,
        %get3A_494 = vector.shape_cast %get3A_493 : vector<1x16xf32> to vector<16xf32>
        %max3A_495 = arith.maximumf %max3A_486, %get3A_494 : vector<16xf32>
        %mul3A_496 = arith.constant 16 : i32
        %mul3A_497 = arith.muli %scan3A_91, %mul3A_496 : i32
        %add3A_498 = arith.constant 13 : i32
        %add3A_499 = arith.addi %mul3A_497, %add3A_498 : i32
        %get3A_500 = arith.index_cast %add3A_499 : i32 to index
        %get3A_501 = arith.constant 32 : index
        %get3A_502 = tpu.vector_load %arg8[%get3A_500, %get3A_501] {strides = array<i32>} : memref<128x64xf32, #tpu.memory_space<vmem>>, vector<1x16xf32>,
        %get3A_503 = vector.shape_cast %get3A_502 : vector<1x16xf32> to vector<16xf32>
        %max3A_504 = arith.maximumf %max3A_495, %get3A_503 : vector<16xf32>
        %mul3A_505 = arith.constant 16 : i32
        %mul3A_506 = arith.muli %scan3A_91, %mul3A_505 : i32
        %add3A_507 = arith.constant 14 : i32
        %add3A_508 = arith.addi %mul3A_506, %add3A_507 : i32
        %get3A_509 = arith.index_cast %add3A_508 : i32 to index
        %get3A_510 = arith.constant 32 : index
        %get3A_511 = tpu.vector_load %arg8[%get3A_509, %get3A_510] {strides = array<i32>} : memref<128x64xf32, #tpu.memory_space<vmem>>, vector<1x16xf32>,
        %get3A_512 = vector.shape_cast %get3A_511 : vector<1x16xf32> to vector<16xf32>
        %max3A_513 = arith.maximumf %max3A_504, %get3A_512 : vector<16xf32>
        %mul3A_514 = arith.constant 16 : i32
        %mul3A_515 = arith.muli %scan3A_91, %mul3A_514 : i32
        %add3A_516 = arith.constant 15 : i32
        %add3A_517 = arith.addi %mul3A_515, %add3A_516 : i32
        %get3A_518 = arith.index_cast %add3A_517 : i32 to index
        %get3A_519 = arith.constant 32 : index
        %get3A_520 = tpu.vector_load %arg8[%get3A_518, %get3A_519] {strides = array<i32>} : memref<128x64xf32, #tpu.memory_space<vmem>>, vector<1x16xf32>,
        %get3A_521 = vector.shape_cast %get3A_520 : vector<1x16xf32> to vector<16xf32>
        %max3A_522 = arith.maximumf %max3A_513, %get3A_521 : vector<16xf32>
        %swap3A_523 = arith.index_cast %scan3A_91 : i32 to index
        %swap3A_524 = arith.constant 32 : index
        %swap3A_525 = tpu.vector_load %arg9[%swap3A_523, %swap3A_524] {strides = array<i32>} : memref<8x64xf32, #tpu.memory_space<vmem>>, vector<1x16xf32>,
        %swap3A_526 = vector.shape_cast %swap3A_525 : vector<1x16xf32> to vector<16xf32>
        %swap3A_527 = vector.shape_cast %max3A_522 : vector<16xf32> to vector<1x16xf32>
        tpu.vector_store %arg9[%swap3A_523, %swap3A_524], %swap3A_527 {strides = array<i32>} : memref<8x64xf32, #tpu.memory_space<vmem>>, vector<1x16xf32>,
        %mul3A_528 = arith.constant 16 : i32
        %mul3A_529 = arith.muli %scan3A_91, %mul3A_528 : i32
        %get3A_530 = arith.index_cast %mul3A_529 : i32 to index
        %get3A_531 = arith.constant 48 : index
        %get3A_532 = tpu.vector_load %arg8[%get3A_530, %get3A_531] {strides = array<i32>} : memref<128x64xf32, #tpu.memory_space<vmem>>, vector<1x16xf32>,
        %get3A_533 = vector.shape_cast %get3A_532 : vector<1x16xf32> to vector<16xf32>
        %mul3A_534 = arith.constant 16 : i32
        %mul3A_535 = arith.muli %scan3A_91, %mul3A_534 : i32
        %add3A_536 = arith.constant 1 : i32
        %add3A_537 = arith.addi %mul3A_535, %add3A_536 : i32
        %get3A_538 = arith.index_cast %add3A_537 : i32 to index
        %get3A_539 = arith.constant 48 : index
        %get3A_540 = tpu.vector_load %arg8[%get3A_538, %get3A_539] {strides = array<i32>} : memref<128x64xf32, #tpu.memory_space<vmem>>, vector<1x16xf32>,
        %get3A_541 = vector.shape_cast %get3A_540 : vector<1x16xf32> to vector<16xf32>
        %max3A_542 = arith.maximumf %get3A_533, %get3A_541 : vector<16xf32>
        %mul3A_543 = arith.constant 16 : i32
        %mul3A_544 = arith.muli %scan3A_91, %mul3A_543 : i32
        %add3A_545 = arith.constant 2 : i32
        %add3A_546 = arith.addi %mul3A_544, %add3A_545 : i32
        %get3A_547 = arith.index_cast %add3A_546 : i32 to index
        %get3A_548 = arith.constant 48 : index
        %get3A_549 = tpu.vector_load %arg8[%get3A_547, %get3A_548] {strides = array<i32>} : memref<128x64xf32, #tpu.memory_space<vmem>>, vector<1x16xf32>,
        %get3A_550 = vector.shape_cast %get3A_549 : vector<1x16xf32> to vector<16xf32>
        %max3A_551 = arith.maximumf %max3A_542, %get3A_550 : vector<16xf32>
        %mul3A_552 = arith.constant 16 : i32
        %mul3A_553 = arith.muli %scan3A_91, %mul3A_552 : i32
        %add3A_554 = arith.constant 3 : i32
        %add3A_555 = arith.addi %mul3A_553, %add3A_554 : i32
        %get3A_556 = arith.index_cast %add3A_555 : i32 to index
        %get3A_557 = arith.constant 48 : index
        %get3A_558 = tpu.vector_load %arg8[%get3A_556, %get3A_557] {strides = array<i32>} : memref<128x64xf32, #tpu.memory_space<vmem>>, vector<1x16xf32>,
        %get3A_559 = vector.shape_cast %get3A_558 : vector<1x16xf32> to vector<16xf32>
        %max3A_560 = arith.maximumf %max3A_551, %get3A_559 : vector<16xf32>
        %mul3A_561 = arith.constant 16 : i32
        %mul3A_562 = arith.muli %scan3A_91, %mul3A_561 : i32
        %add3A_563 = arith.constant 4 : i32
        %add3A_564 = arith.addi %mul3A_562, %add3A_563 : i32
        %get3A_565 = arith.index_cast %add3A_564 : i32 to index
        %get3A_566 = arith.constant 48 : index
        %get3A_567 = tpu.vector_load %arg8[%get3A_565, %get3A_566] {strides = array<i32>} : memref<128x64xf32, #tpu.memory_space<vmem>>, vector<1x16xf32>,
        %get3A_568 = vector.shape_cast %get3A_567 : vector<1x16xf32> to vector<16xf32>
        %max3A_569 = arith.maximumf %max3A_560, %get3A_568 : vector<16xf32>
        %mul3A_570 = arith.constant 16 : i32
        %mul3A_571 = arith.muli %scan3A_91, %mul3A_570 : i32
        %add3A_572 = arith.constant 5 : i32
        %add3A_573 = arith.addi %mul3A_571, %add3A_572 : i32
        %get3A_574 = arith.index_cast %add3A_573 : i32 to index
        %get3A_575 = arith.constant 48 : index
        %get3A_576 = tpu.vector_load %arg8[%get3A_574, %get3A_575] {strides = array<i32>} : memref<128x64xf32, #tpu.memory_space<vmem>>, vector<1x16xf32>,
        %get3A_577 = vector.shape_cast %get3A_576 : vector<1x16xf32> to vector<16xf32>
        %max3A_578 = arith.maximumf %max3A_569, %get3A_577 : vector<16xf32>
        %mul3A_579 = arith.constant 16 : i32
        %mul3A_580 = arith.muli %scan3A_91, %mul3A_579 : i32
        %add3A_581 = arith.constant 6 : i32
        %add3A_582 = arith.addi %mul3A_580, %add3A_581 : i32
        %get3A_583 = arith.index_cast %add3A_582 : i32 to index
        %get3A_584 = arith.constant 48 : index
        %get3A_585 = tpu.vector_load %arg8[%get3A_583, %get3A_584] {strides = array<i32>} : memref<128x64xf32, #tpu.memory_space<vmem>>, vector<1x16xf32>,
        %get3A_586 = vector.shape_cast %get3A_585 : vector<1x16xf32> to vector<16xf32>
        %max3A_587 = arith.maximumf %max3A_578, %get3A_586 : vector<16xf32>
        %mul3A_588 = arith.constant 16 : i32
        %mul3A_589 = arith.muli %scan3A_91, %mul3A_588 : i32
        %add3A_590 = arith.constant 7 : i32
        %add3A_591 = arith.addi %mul3A_589, %add3A_590 : i32
        %get3A_592 = arith.index_cast %add3A_591 : i32 to index
        %get3A_593 = arith.constant 48 : index
        %get3A_594 = tpu.vector_load %arg8[%get3A_592, %get3A_593] {strides = array<i32>} : memref<128x64xf32, #tpu.memory_space<vmem>>, vector<1x16xf32>,
        %get3A_595 = vector.shape_cast %get3A_594 : vector<1x16xf32> to vector<16xf32>
        %max3A_596 = arith.maximumf %max3A_587, %get3A_595 : vector<16xf32>
        %mul3A_597 = arith.constant 16 : i32
        %mul3A_598 = arith.muli %scan3A_91, %mul3A_597 : i32
        %add3A_599 = arith.constant 8 : i32
        %add3A_600 = arith.addi %mul3A_598, %add3A_599 : i32
        %get3A_601 = arith.index_cast %add3A_600 : i32 to index
        %get3A_602 = arith.constant 48 : index
        %get3A_603 = tpu.vector_load %arg8[%get3A_601, %get3A_602] {strides = array<i32>} : memref<128x64xf32, #tpu.memory_space<vmem>>, vector<1x16xf32>,
        %get3A_604 = vector.shape_cast %get3A_603 : vector<1x16xf32> to vector<16xf32>
        %max3A_605 = arith.maximumf %max3A_596, %get3A_604 : vector<16xf32>
        %mul3A_606 = arith.constant 16 : i32
        %mul3A_607 = arith.muli %scan3A_91, %mul3A_606 : i32
        %add3A_608 = arith.constant 9 : i32
        %add3A_609 = arith.addi %mul3A_607, %add3A_608 : i32
        %get3A_610 = arith.index_cast %add3A_609 : i32 to index
        %get3A_611 = arith.constant 48 : index
        %get3A_612 = tpu.vector_load %arg8[%get3A_610, %get3A_611] {strides = array<i32>} : memref<128x64xf32, #tpu.memory_space<vmem>>, vector<1x16xf32>,
        %get3A_613 = vector.shape_cast %get3A_612 : vector<1x16xf32> to vector<16xf32>
        %max3A_614 = arith.maximumf %max3A_605, %get3A_613 : vector<16xf32>
        %mul3A_615 = arith.constant 16 : i32
        %mul3A_616 = arith.muli %scan3A_91, %mul3A_615 : i32
        %add3A_617 = arith.constant 10 : i32
        %add3A_618 = arith.addi %mul3A_616, %add3A_617 : i32
        %get3A_619 = arith.index_cast %add3A_618 : i32 to index
        %get3A_620 = arith.constant 48 : index
        %get3A_621 = tpu.vector_load %arg8[%get3A_619, %get3A_620] {strides = array<i32>} : memref<128x64xf32, #tpu.memory_space<vmem>>, vector<1x16xf32>,
        %get3A_622 = vector.shape_cast %get3A_621 : vector<1x16xf32> to vector<16xf32>
        %max3A_623 = arith.maximumf %max3A_614, %get3A_622 : vector<16xf32>
        %mul3A_624 = arith.constant 16 : i32
        %mul3A_625 = arith.muli %scan3A_91, %mul3A_624 : i32
        %add3A_626 = arith.constant 11 : i32
        %add3A_627 = arith.addi %mul3A_625, %add3A_626 : i32
        %get3A_628 = arith.index_cast %add3A_627 : i32 to index
        %get3A_629 = arith.constant 48 : index
        %get3A_630 = tpu.vector_load %arg8[%get3A_628, %get3A_629] {strides = array<i32>} : memref<128x64xf32, #tpu.memory_space<vmem>>, vector<1x16xf32>,
        %get3A_631 = vector.shape_cast %get3A_630 : vector<1x16xf32> to vector<16xf32>
        %max3A_632 = arith.maximumf %max3A_623, %get3A_631 : vector<16xf32>
        %mul3A_633 = arith.constant 16 : i32
        %mul3A_634 = arith.muli %scan3A_91, %mul3A_633 : i32
        %add3A_635 = arith.constant 12 : i32
        %add3A_636 = arith.addi %mul3A_634, %add3A_635 : i32
        %get3A_637 = arith.index_cast %add3A_636 : i32 to index
        %get3A_638 = arith.constant 48 : index
        %get3A_639 = tpu.vector_load %arg8[%get3A_637, %get3A_638] {strides = array<i32>} : memref<128x64xf32, #tpu.memory_space<vmem>>, vector<1x16xf32>,
        %get3A_640 = vector.shape_cast %get3A_639 : vector<1x16xf32> to vector<16xf32>
        %max3A_641 = arith.maximumf %max3A_632, %get3A_640 : vector<16xf32>
        %mul3A_642 = arith.constant 16 : i32
        %mul3A_643 = arith.muli %scan3A_91, %mul3A_642 : i32
        %add3A_644 = arith.constant 13 : i32
        %add3A_645 = arith.addi %mul3A_643, %add3A_644 : i32
        %get3A_646 = arith.index_cast %add3A_645 : i32 to index
        %get3A_647 = arith.constant 48 : index
        %get3A_648 = tpu.vector_load %arg8[%get3A_646, %get3A_647] {strides = array<i32>} : memref<128x64xf32, #tpu.memory_space<vmem>>, vector<1x16xf32>,
        %get3A_649 = vector.shape_cast %get3A_648 : vector<1x16xf32> to vector<16xf32>
        %max3A_650 = arith.maximumf %max3A_641, %get3A_649 : vector<16xf32>
        %mul3A_651 = arith.constant 16 : i32
        %mul3A_652 = arith.muli %scan3A_91, %mul3A_651 : i32
        %add3A_653 = arith.constant 14 : i32
        %add3A_654 = arith.addi %mul3A_652, %add3A_653 : i32
        %get3A_655 = arith.index_cast %add3A_654 : i32 to index
        %get3A_656 = arith.constant 48 : index
        %get3A_657 = tpu.vector_load %arg8[%get3A_655, %get3A_656] {strides = array<i32>} : memref<128x64xf32, #tpu.memory_space<vmem>>, vector<1x16xf32>,
        %get3A_658 = vector.shape_cast %get3A_657 : vector<1x16xf32> to vector<16xf32>
        %max3A_659 = arith.maximumf %max3A_650, %get3A_658 : vector<16xf32>
        %mul3A_660 = arith.constant 16 : i32
        %mul3A_661 = arith.muli %scan3A_91, %mul3A_660 : i32
        %add3A_662 = arith.constant 15 : i32
        %add3A_663 = arith.addi %mul3A_661, %add3A_662 : i32
        %get3A_664 = arith.index_cast %add3A_663 : i32 to index
        %get3A_665 = arith.constant 48 : index
        %get3A_666 = tpu.vector_load %arg8[%get3A_664, %get3A_665] {strides = array<i32>} : memref<128x64xf32, #tpu.memory_space<vmem>>, vector<1x16xf32>,
        %get3A_667 = vector.shape_cast %get3A_666 : vector<1x16xf32> to vector<16xf32>
        %max3A_668 = arith.maximumf %max3A_659, %get3A_667 : vector<16xf32>
        %swap3A_669 = arith.index_cast %scan3A_91 : i32 to index
        %swap3A_670 = arith.constant 48 : index
        %swap3A_671 = tpu.vector_load %arg9[%swap3A_669, %swap3A_670] {strides = array<i32>} : memref<8x64xf32, #tpu.memory_space<vmem>>, vector<1x16xf32>,
        %swap3A_672 = vector.shape_cast %swap3A_671 : vector<1x16xf32> to vector<16xf32>
        %swap3A_673 = vector.shape_cast %max3A_668 : vector<16xf32> to vector<1x16xf32>
        tpu.vector_store %arg9[%swap3A_669, %swap3A_670], %swap3A_673 {strides = array<i32>} : memref<8x64xf32, #tpu.memory_space<vmem>>, vector<1x16xf32>,
        %scan3A_674 = arith.constant 0 : i32
        scf.yield %scan3A_674 : i32
      }
      %scan3A_71 = arith.constant 8 : i32
      %mul3A_72 = arith.constant 8 : i32
      %mul3A_73 = arith.muli %add3A_61, %mul3A_72 : i32
      %add3A_74 = arith.addi %mul3A_2, %mul3A_73 : i32
      "tpu.region"() ({
        %run_scoped3A = tpu.sem_alloc : memref<!tpu.dma_semaphore, #tpu.memory_space<semaphore_mem>>
        %dma_start3A_91 = arith.constant 0 : i32
        %dma_start3A_92 = tpu.memref_slice %arg4[%add3A_74, %dma_start3A_91] : memref<20480x64xf32, #tpu.memory_space<hbm>> -> memref<8x64xf32, #tpu.memory_space<hbm>>
        %dma_start3A_93 = arith.constant 0 : i32
        %dma_start3A_94 = tpu.memref_slice %arg4[%add3A_74, %dma_start3A_93] : memref<20480x64xf32, #tpu.memory_space<hbm>> -> memref<8x64xf32, #tpu.memory_space<hbm>>
        tpu.enqueue_dma source(%arg9 : memref<8x64xf32, #tpu.memory_space<vmem>>) target(%dma_start3A_94 : memref<8x64xf32, #tpu.memory_space<hbm>>) target_semaphore(%run_scoped3A : memref<!tpu.dma_semaphore, #tpu.memory_space<semaphore_mem>>)
        %dma_wait3A_95 = arith.constant 0 : i32
        %dma_wait3A_96 = tpu.memref_slice %arg4[%add3A_74, %dma_wait3A_95] : memref<20480x64xf32, #tpu.memory_space<hbm>> -> memref<8x64xf32, #tpu.memory_space<hbm>>
        %dma_wait3A_97 = arith.constant 0 : i32
        %dma_wait3A_98 = tpu.memref_slice %arg4[%add3A_74, %dma_wait3A_97] : memref<20480x64xf32, #tpu.memory_space<hbm>> -> memref<8x64xf32, #tpu.memory_space<hbm>>
        tpu.wait_dma2 semaphore(%run_scoped3A : memref<!tpu.dma_semaphore, #tpu.memory_space<semaphore_mem>>) src(%arg9 : memref<8x64xf32, #tpu.memory_space<vmem>>) dst(%dma_wait3A_98 : memref<8x64xf32, #tpu.memory_space<hbm>>)
        tpu.yield
      }) : () -> ()
      %add3A_75 = arith.constant 2 : i32
      %add3A_76 = arith.addi %add3A_61, %add3A_75 : i32
      %lt3A_77 = arith.constant 80 : i32
      %lt3A_78 = arith.cmpi slt, %add3A_76, %lt3A_77 : i32
      %sub3A_79 = arith.constant 80 : i32
      %sub3A_80 = arith.subi %add3A_76, %sub3A_79 : i32
      %select_n3A_81 = arith.select %lt3A_78, %add3A_76, %sub3A_80 : i32
      %mul3A_82 = arith.constant 8 : i32
      %mul3A_83 = arith.muli %select_n3A_81, %mul3A_82 : i32
      %add3A_84 = arith.addi %mul3A_2, %mul3A_83 : i32
      %mul3A_85 = arith.constant 16 : i32
      %mul3A_86 = arith.muli %add3A_84, %mul3A_85 : i32
      "tpu.region"() ({
        %run_scoped3A = tpu.sem_alloc : memref<!tpu.dma_semaphore, #tpu.memory_space<semaphore_mem>>
        %dma_start3A_91 = tpu.memref_slice %arg3[%mul3A_86] : memref<327680xi32, #tpu.memory_space<hbm>> -> memref<128xi32, #tpu.memory_space<hbm>>
        %dma_start3A_92 = tpu.memref_slice %arg3[%mul3A_86] : memref<327680xi32, #tpu.memory_space<hbm>> -> memref<128xi32, #tpu.memory_space<hbm>>
        tpu.enqueue_dma source(%dma_start3A_92 : memref<128xi32, #tpu.memory_space<hbm>>) target(%arg6 : memref<128xi32, #tpu.memory_space<vmem>>) target_semaphore(%run_scoped3A : memref<!tpu.dma_semaphore, #tpu.memory_space<semaphore_mem>>)
        %dma_wait3A_93 = tpu.memref_slice %arg3[%mul3A_86] : memref<327680xi32, #tpu.memory_space<hbm>> -> memref<128xi32, #tpu.memory_space<hbm>>
        %dma_wait3A_94 = tpu.memref_slice %arg3[%mul3A_86] : memref<327680xi32, #tpu.memory_space<hbm>> -> memref<128xi32, #tpu.memory_space<hbm>>
        tpu.wait_dma2 semaphore(%run_scoped3A : memref<!tpu.dma_semaphore, #tpu.memory_space<semaphore_mem>>) src(%dma_wait3A_94 : memref<128xi32, #tpu.memory_space<hbm>>) dst(%arg6 : memref<128xi32, #tpu.memory_space<vmem>>)
        tpu.yield
      }) : () -> ()
      %dma_start3A_87 = arith.constant 0 : i32
      %dma_start3A_88 = arith.constant 0 : i32
      %dma_start3A_89 = tpu.memref_slice %arg2[%dma_start3A_87, %dma_start3A_88] : memref<5120x64xf32, #tpu.memory_space<hbm>> -> memref<5120x64xf32, #tpu.memory_space<hbm>>
      tpu.enqueue_indirect_dma source(%dma_start3A_89 : memref<5120x64xf32, #tpu.memory_space<hbm>>) target(%arg8 : memref<128x64xf32, #tpu.memory_space<vmem>>) offsets(%arg6 : memref<128xi32, #tpu.memory_space<vmem>>) semaphore(%arg11 : memref<!tpu.dma_semaphore, #tpu.memory_space<semaphore_mem>>)
      %scan3A_90 = arith.constant 0 : i32
      scf.yield %scan3A_90 : i32
    }
    %scan3A_21 = arith.constant 40 : i32
    %dma_wait3A = arith.constant 0 : i32
    %dma_wait3A_22 = arith.constant 0 : i32
    %dma_wait3A_23 = tpu.memref_slice %arg2[%dma_wait3A, %dma_wait3A_22] : memref<5120x64xf32, #tpu.memory_space<hbm>> -> memref<5120x64xf32, #tpu.memory_space<hbm>>
    tpu.wait_indirect_dma semaphore(%arg10 : memref<!tpu.dma_semaphore, #tpu.memory_space<semaphore_mem>>) src(%dma_wait3A_23 : memref<5120x64xf32, #tpu.memory_space<hbm>>) dst(%arg7 : memref<128x64xf32, #tpu.memory_space<vmem>>)
    %dma_wait3A_24 = arith.constant 0 : i32
    %dma_wait3A_25 = arith.constant 0 : i32
    %dma_wait3A_26 = tpu.memref_slice %arg2[%dma_wait3A_24, %dma_wait3A_25] : memref<5120x64xf32, #tpu.memory_space<hbm>> -> memref<5120x64xf32, #tpu.memory_space<hbm>>
    tpu.wait_indirect_dma semaphore(%arg11 : memref<!tpu.dma_semaphore, #tpu.memory_space<semaphore_mem>>) src(%dma_wait3A_26 : memref<5120x64xf32, #tpu.memory_space<hbm>>) dst(%arg8 : memref<128x64xf32, #tpu.memory_space<vmem>>)
    return
  }
}

module attributes {stable_mosaic.version = 14 : i64} {
  func.func @_topk_kernel(%arg0: i32, %arg1: i32, %arg2: memref<1x512x3xf32, #tpu.memory_space<vmem>>, %arg3: memref<1x8x640xf32, #tpu.memory_space<vmem>>, %arg4: memref<1x512x16xi32, #tpu.memory_space<vmem>>) attributes {dimension_semantics = [#tpu.dimension_semantics<arbitrary>, #tpu.dimension_semantics<arbitrary>], iteration_bounds = array<i64: 2, 5>, scalar_prefetch = 0 : i64, scratch_operands = 0 : i64, tpu.core_type = #tpu.core_type<tc>, window_params = [{transform_indices = @transform_0, window_bounds = array<i64: 1, 512, 3>}, {transform_indices = @transform_1, window_bounds = array<i64: 1, 8, 640>}, {transform_indices = @transform_2, window_bounds = array<i64: 1, 512, 16>}]} {
    %get3A = arith.constant 0 : index
    %get3A_0 = arith.constant 0 : index
    %get3A_1 = arith.constant 0 : index
    %get3A_2 = vector.load %arg2[%get3A, %get3A_0, %get3A_1] : memref<1x512x3xf32, #tpu.memory_space<vmem>>, vector<1x512x1xf32>
    %get3A_3 = vector.shape_cast %get3A_2 : vector<1x512x1xf32> to vector<512x1xf32>
    %get3A_4 = arith.constant 0 : index
    %get3A_5 = arith.constant 0 : index
    %get3A_6 = arith.constant 1 : index
    %get3A_7 = vector.load %arg2[%get3A_4, %get3A_5, %get3A_6] : memref<1x512x3xf32, #tpu.memory_space<vmem>>, vector<1x512x1xf32>
    %get3A_8 = vector.shape_cast %get3A_7 : vector<1x512x1xf32> to vector<512x1xf32>
    %get3A_9 = arith.constant 0 : index
    %get3A_10 = arith.constant 0 : index
    %get3A_11 = arith.constant 2 : index
    %get3A_12 = vector.load %arg2[%get3A_9, %get3A_10, %get3A_11] : memref<1x512x3xf32, #tpu.memory_space<vmem>>, vector<1x512x1xf32>
    %get3A_13 = vector.shape_cast %get3A_12 : vector<1x512x1xf32> to vector<512x1xf32>
    %get3A_14 = arith.constant 0 : index
    %get3A_15 = arith.constant 0 : index
    %get3A_16 = arith.constant 0 : index
    %get3A_17 = vector.load %arg3[%get3A_14, %get3A_15, %get3A_16] : memref<1x8x640xf32, #tpu.memory_space<vmem>>, vector<1x1x640xf32>
    %get3A_18 = vector.shape_cast %get3A_17 : vector<1x1x640xf32> to vector<1x640xf32>
    %get3A_19 = arith.constant 0 : index
    %get3A_20 = arith.constant 1 : index
    %get3A_21 = arith.constant 0 : index
    %get3A_22 = vector.load %arg3[%get3A_19, %get3A_20, %get3A_21] : memref<1x8x640xf32, #tpu.memory_space<vmem>>, vector<1x1x640xf32>
    %get3A_23 = vector.shape_cast %get3A_22 : vector<1x1x640xf32> to vector<1x640xf32>
    %get3A_24 = arith.constant 0 : index
    %get3A_25 = arith.constant 2 : index
    %get3A_26 = arith.constant 0 : index
    %get3A_27 = vector.load %arg3[%get3A_24, %get3A_25, %get3A_26] : memref<1x8x640xf32, #tpu.memory_space<vmem>>, vector<1x1x640xf32>
    %get3A_28 = vector.shape_cast %get3A_27 : vector<1x1x640xf32> to vector<1x640xf32>
    %get3A_29 = arith.constant 0 : index
    %get3A_30 = arith.constant 0 : index
    %get3A_31 = arith.constant 0 : index
    %get3A_32 = vector.load %arg2[%get3A_29, %get3A_30, %get3A_31] : memref<1x512x3xf32, #tpu.memory_space<vmem>>, vector<1x512x3xf32>
    %get3A_33 = vector.shape_cast %get3A_32 : vector<1x512x3xf32> to vector<512x3xf32>
    %get3A_34 = arith.constant 0 : index
    %get3A_35 = arith.constant 0 : index
    %get3A_36 = arith.constant 0 : index
    %get3A_37 = vector.load %arg3[%get3A_34, %get3A_35, %get3A_36] : memref<1x8x640xf32, #tpu.memory_space<vmem>>, vector<1x3x640xf32>
    %get3A_38 = vector.shape_cast %get3A_37 : vector<1x3x640xf32> to vector<3x640xf32>
    %dot_general3A = arith.constant dense<0.000000e+00> : vector<512x640xf32>
    %dot_general3A_39 = tpu.matmul %get3A_33, %get3A_38, %dot_general3A {dimension_numbers = #tpu.dot_dimension_numbers<[1], [0], [0], [1], [0, 0, 1, 1], [], []>, transpose_lhs_hint = false} : vector<512x3xf32>, vector<3x640xf32>, vector<512x640xf32> -> vector<512x640xf32>
    %mul3A = arith.mulf %get3A_3, %get3A_3 : vector<512x1xf32>
    %mul3A_40 = arith.mulf %get3A_8, %get3A_8 : vector<512x1xf32>
    %add3A = arith.addf %mul3A, %mul3A_40 : vector<512x1xf32>
    %mul3A_41 = arith.mulf %get3A_13, %get3A_13 : vector<512x1xf32>
    %add3A_42 = arith.addf %add3A, %mul3A_41 : vector<512x1xf32>
    %mul3A_43 = arith.mulf %get3A_18, %get3A_18 : vector<1x640xf32>
    %mul3A_44 = arith.mulf %get3A_23, %get3A_23 : vector<1x640xf32>
    %add3A_45 = arith.addf %mul3A_43, %mul3A_44 : vector<1x640xf32>
    %mul3A_46 = arith.mulf %get3A_28, %get3A_28 : vector<1x640xf32>
    %add3A_47 = arith.addf %add3A_45, %mul3A_46 : vector<1x640xf32>
    %add3A_48 = vector.broadcast %add3A_42 : vector<512x1xf32> to vector<512x640xf32>
    %add3A_49 = vector.broadcast %add3A_47 : vector<1x640xf32> to vector<512x640xf32>
    %add3A_50 = arith.addf %add3A_48, %add3A_49 : vector<512x640xf32>
    %mul3A_51 = arith.constant 2.000000e+00 : f32
    %mul3A_52 = vector.broadcast %mul3A_51 : f32 to vector<512x640xf32>
    %mul3A_53 = arith.mulf %mul3A_52, %dot_general3A_39 : vector<512x640xf32>
    %sub3A = arith.subf %add3A_50, %mul3A_53 : vector<512x640xf32>
    %le3A = arith.constant 2.500000e-01 : f32
    %le3A_54 = vector.broadcast %le3A : f32 to vector<512x640xf32>
    %le3A_55 = arith.cmpf ole, %sub3A, %le3A_54 : vector<512x640xf32>
    %jit3A = arith.constant 1.000000e+30 : f32
    %broadcast_in_dim3A = vector.broadcast %jit3A : f32 to vector<512x640xf32>
    %select_n3A = arith.select %le3A_55, %sub3A, %broadcast_in_dim3A : vector<512x640xi1>, vector<512x640xf32>
    %iota3A = tpu.iota {dimensions = array<i32: 1>} : vector<512x640xi32>
    %convert_element_type3A = arith.sitofp %iota3A : vector<512x640xi32> to vector<512x640xf32>
    %reduce_min3A = arith.constant dense<0x7F800000> : vector<512xf32>
    %reduce_min3A_56 = vector.multi_reduction <minimumf>, %select_n3A, %reduce_min3A [1] : vector<512x640xf32> to vector<512xf32>
    %broadcast_in_dim3A_57 = vector.shape_cast %reduce_min3A_56 : vector<512xf32> to vector<512x1xf32>
    %eq3A = vector.broadcast %broadcast_in_dim3A_57 : vector<512x1xf32> to vector<512x640xf32>
    %eq3A_58 = arith.cmpf oeq, %select_n3A, %eq3A : vector<512x640xf32>
    %jit3A_59 = arith.constant 6.400000e+02 : f32
    %broadcast_in_dim3A_60 = vector.broadcast %jit3A_59 : f32 to vector<512x640xf32>
    %select_n3A_61 = arith.select %eq3A_58, %convert_element_type3A, %broadcast_in_dim3A_60 : vector<512x640xi1>, vector<512x640xf32>
    %reduce_min3A_62 = arith.constant dense<0x7F800000> : vector<512xf32>
    %reduce_min3A_63 = vector.multi_reduction <minimumf>, %select_n3A_61, %reduce_min3A_62 [1] : vector<512x640xf32> to vector<512xf32>
    %broadcast_in_dim3A_64 = vector.shape_cast %reduce_min3A_63 : vector<512xf32> to vector<512x1xf32>
    %eq3A_65 = vector.broadcast %broadcast_in_dim3A_64 : vector<512x1xf32> to vector<512x640xf32>
    %eq3A_66 = arith.cmpf oeq, %convert_element_type3A, %eq3A_65 : vector<512x640xf32>
    %jit3A_67 = arith.constant 1.000000e+30 : f32
    %broadcast_in_dim3A_68 = vector.broadcast %jit3A_67 : f32 to vector<512x640xf32>
    %select_n3A_69 = arith.select %eq3A_66, %broadcast_in_dim3A_68, %select_n3A : vector<512x640xi1>, vector<512x640xf32>
    %lt3A = arith.constant 1.000000e+29 : f32
    %lt3A_70 = vector.broadcast %lt3A : f32 to vector<512x1xf32>
    %lt3A_71 = arith.cmpf olt, %broadcast_in_dim3A_57, %lt3A_70 : vector<512x1xf32>
    %jit3A_72 = arith.constant 6.250000e+02 : f32
    %broadcast_in_dim3A_73 = vector.broadcast %jit3A_72 : f32 to vector<512x1xf32>
    %select_n3A_74 = arith.select %lt3A_71, %broadcast_in_dim3A_64, %broadcast_in_dim3A_73 : vector<512x1xi1>, vector<512x1xf32>
    %reduce_min3A_75 = arith.constant dense<0x7F800000> : vector<512xf32>
    %reduce_min3A_76 = vector.multi_reduction <minimumf>, %select_n3A_69, %reduce_min3A_75 [1] : vector<512x640xf32> to vector<512xf32>
    %broadcast_in_dim3A_77 = vector.shape_cast %reduce_min3A_76 : vector<512xf32> to vector<512x1xf32>
    %eq3A_78 = vector.broadcast %broadcast_in_dim3A_77 : vector<512x1xf32> to vector<512x640xf32>
    %eq3A_79 = arith.cmpf oeq, %select_n3A_69, %eq3A_78 : vector<512x640xf32>
    %jit3A_80 = arith.constant 6.400000e+02 : f32
    %broadcast_in_dim3A_81 = vector.broadcast %jit3A_80 : f32 to vector<512x640xf32>
    %select_n3A_82 = arith.select %eq3A_79, %convert_element_type3A, %broadcast_in_dim3A_81 : vector<512x640xi1>, vector<512x640xf32>
    %reduce_min3A_83 = arith.constant dense<0x7F800000> : vector<512xf32>
    %reduce_min3A_84 = vector.multi_reduction <minimumf>, %select_n3A_82, %reduce_min3A_83 [1] : vector<512x640xf32> to vector<512xf32>
    %broadcast_in_dim3A_85 = vector.shape_cast %reduce_min3A_84 : vector<512xf32> to vector<512x1xf32>
    %eq3A_86 = vector.broadcast %broadcast_in_dim3A_85 : vector<512x1xf32> to vector<512x640xf32>
    %eq3A_87 = arith.cmpf oeq, %convert_element_type3A, %eq3A_86 : vector<512x640xf32>
    %jit3A_88 = arith.constant 1.000000e+30 : f32
    %broadcast_in_dim3A_89 = vector.broadcast %jit3A_88 : f32 to vector<512x640xf32>
    %select_n3A_90 = arith.select %eq3A_87, %broadcast_in_dim3A_89, %select_n3A_69 : vector<512x640xi1>, vector<512x640xf32>
    %lt3A_91 = arith.constant 1.000000e+29 : f32
    %lt3A_92 = vector.broadcast %lt3A_91 : f32 to vector<512x1xf32>
    %lt3A_93 = arith.cmpf olt, %broadcast_in_dim3A_77, %lt3A_92 : vector<512x1xf32>
    %jit3A_94 = arith.constant 6.250000e+02 : f32
    %broadcast_in_dim3A_95 = vector.broadcast %jit3A_94 : f32 to vector<512x1xf32>
    %select_n3A_96 = arith.select %lt3A_93, %broadcast_in_dim3A_85, %broadcast_in_dim3A_95 : vector<512x1xi1>, vector<512x1xf32>
    %reduce_min3A_97 = arith.constant dense<0x7F800000> : vector<512xf32>
    %reduce_min3A_98 = vector.multi_reduction <minimumf>, %select_n3A_90, %reduce_min3A_97 [1] : vector<512x640xf32> to vector<512xf32>
    %broadcast_in_dim3A_99 = vector.shape_cast %reduce_min3A_98 : vector<512xf32> to vector<512x1xf32>
    %eq3A_100 = vector.broadcast %broadcast_in_dim3A_99 : vector<512x1xf32> to vector<512x640xf32>
    %eq3A_101 = arith.cmpf oeq, %select_n3A_90, %eq3A_100 : vector<512x640xf32>
    %jit3A_102 = arith.constant 6.400000e+02 : f32
    %broadcast_in_dim3A_103 = vector.broadcast %jit3A_102 : f32 to vector<512x640xf32>
    %select_n3A_104 = arith.select %eq3A_101, %convert_element_type3A, %broadcast_in_dim3A_103 : vector<512x640xi1>, vector<512x640xf32>
    %reduce_min3A_105 = arith.constant dense<0x7F800000> : vector<512xf32>
    %reduce_min3A_106 = vector.multi_reduction <minimumf>, %select_n3A_104, %reduce_min3A_105 [1] : vector<512x640xf32> to vector<512xf32>
    %broadcast_in_dim3A_107 = vector.shape_cast %reduce_min3A_106 : vector<512xf32> to vector<512x1xf32>
    %eq3A_108 = vector.broadcast %broadcast_in_dim3A_107 : vector<512x1xf32> to vector<512x640xf32>
    %eq3A_109 = arith.cmpf oeq, %convert_element_type3A, %eq3A_108 : vector<512x640xf32>
    %jit3A_110 = arith.constant 1.000000e+30 : f32
    %broadcast_in_dim3A_111 = vector.broadcast %jit3A_110 : f32 to vector<512x640xf32>
    %select_n3A_112 = arith.select %eq3A_109, %broadcast_in_dim3A_111, %select_n3A_90 : vector<512x640xi1>, vector<512x640xf32>
    %lt3A_113 = arith.constant 1.000000e+29 : f32
    %lt3A_114 = vector.broadcast %lt3A_113 : f32 to vector<512x1xf32>
    %lt3A_115 = arith.cmpf olt, %broadcast_in_dim3A_99, %lt3A_114 : vector<512x1xf32>
    %jit3A_116 = arith.constant 6.250000e+02 : f32
    %broadcast_in_dim3A_117 = vector.broadcast %jit3A_116 : f32 to vector<512x1xf32>
    %select_n3A_118 = arith.select %lt3A_115, %broadcast_in_dim3A_107, %broadcast_in_dim3A_117 : vector<512x1xi1>, vector<512x1xf32>
    %reduce_min3A_119 = arith.constant dense<0x7F800000> : vector<512xf32>
    %reduce_min3A_120 = vector.multi_reduction <minimumf>, %select_n3A_112, %reduce_min3A_119 [1] : vector<512x640xf32> to vector<512xf32>
    %broadcast_in_dim3A_121 = vector.shape_cast %reduce_min3A_120 : vector<512xf32> to vector<512x1xf32>
    %eq3A_122 = vector.broadcast %broadcast_in_dim3A_121 : vector<512x1xf32> to vector<512x640xf32>
    %eq3A_123 = arith.cmpf oeq, %select_n3A_112, %eq3A_122 : vector<512x640xf32>
    %jit3A_124 = arith.constant 6.400000e+02 : f32
    %broadcast_in_dim3A_125 = vector.broadcast %jit3A_124 : f32 to vector<512x640xf32>
    %select_n3A_126 = arith.select %eq3A_123, %convert_element_type3A, %broadcast_in_dim3A_125 : vector<512x640xi1>, vector<512x640xf32>
    %reduce_min3A_127 = arith.constant dense<0x7F800000> : vector<512xf32>
    %reduce_min3A_128 = vector.multi_reduction <minimumf>, %select_n3A_126, %reduce_min3A_127 [1] : vector<512x640xf32> to vector<512xf32>
    %broadcast_in_dim3A_129 = vector.shape_cast %reduce_min3A_128 : vector<512xf32> to vector<512x1xf32>
    %eq3A_130 = vector.broadcast %broadcast_in_dim3A_129 : vector<512x1xf32> to vector<512x640xf32>
    %eq3A_131 = arith.cmpf oeq, %convert_element_type3A, %eq3A_130 : vector<512x640xf32>
    %jit3A_132 = arith.constant 1.000000e+30 : f32
    %broadcast_in_dim3A_133 = vector.broadcast %jit3A_132 : f32 to vector<512x640xf32>
    %select_n3A_134 = arith.select %eq3A_131, %broadcast_in_dim3A_133, %select_n3A_112 : vector<512x640xi1>, vector<512x640xf32>
    %lt3A_135 = arith.constant 1.000000e+29 : f32
    %lt3A_136 = vector.broadcast %lt3A_135 : f32 to vector<512x1xf32>
    %lt3A_137 = arith.cmpf olt, %broadcast_in_dim3A_121, %lt3A_136 : vector<512x1xf32>
    %jit3A_138 = arith.constant 6.250000e+02 : f32
    %broadcast_in_dim3A_139 = vector.broadcast %jit3A_138 : f32 to vector<512x1xf32>
    %select_n3A_140 = arith.select %lt3A_137, %broadcast_in_dim3A_129, %broadcast_in_dim3A_139 : vector<512x1xi1>, vector<512x1xf32>
    %reduce_min3A_141 = arith.constant dense<0x7F800000> : vector<512xf32>
    %reduce_min3A_142 = vector.multi_reduction <minimumf>, %select_n3A_134, %reduce_min3A_141 [1] : vector<512x640xf32> to vector<512xf32>
    %broadcast_in_dim3A_143 = vector.shape_cast %reduce_min3A_142 : vector<512xf32> to vector<512x1xf32>
    %eq3A_144 = vector.broadcast %broadcast_in_dim3A_143 : vector<512x1xf32> to vector<512x640xf32>
    %eq3A_145 = arith.cmpf oeq, %select_n3A_134, %eq3A_144 : vector<512x640xf32>
    %jit3A_146 = arith.constant 6.400000e+02 : f32
    %broadcast_in_dim3A_147 = vector.broadcast %jit3A_146 : f32 to vector<512x640xf32>
    %select_n3A_148 = arith.select %eq3A_145, %convert_element_type3A, %broadcast_in_dim3A_147 : vector<512x640xi1>, vector<512x640xf32>
    %reduce_min3A_149 = arith.constant dense<0x7F800000> : vector<512xf32>
    %reduce_min3A_150 = vector.multi_reduction <minimumf>, %select_n3A_148, %reduce_min3A_149 [1] : vector<512x640xf32> to vector<512xf32>
    %broadcast_in_dim3A_151 = vector.shape_cast %reduce_min3A_150 : vector<512xf32> to vector<512x1xf32>
    %eq3A_152 = vector.broadcast %broadcast_in_dim3A_151 : vector<512x1xf32> to vector<512x640xf32>
    %eq3A_153 = arith.cmpf oeq, %convert_element_type3A, %eq3A_152 : vector<512x640xf32>
    %jit3A_154 = arith.constant 1.000000e+30 : f32
    %broadcast_in_dim3A_155 = vector.broadcast %jit3A_154 : f32 to vector<512x640xf32>
    %select_n3A_156 = arith.select %eq3A_153, %broadcast_in_dim3A_155, %select_n3A_134 : vector<512x640xi1>, vector<512x640xf32>
    %lt3A_157 = arith.constant 1.000000e+29 : f32
    %lt3A_158 = vector.broadcast %lt3A_157 : f32 to vector<512x1xf32>
    %lt3A_159 = arith.cmpf olt, %broadcast_in_dim3A_143, %lt3A_158 : vector<512x1xf32>
    %jit3A_160 = arith.constant 6.250000e+02 : f32
    %broadcast_in_dim3A_161 = vector.broadcast %jit3A_160 : f32 to vector<512x1xf32>
    %select_n3A_162 = arith.select %lt3A_159, %broadcast_in_dim3A_151, %broadcast_in_dim3A_161 : vector<512x1xi1>, vector<512x1xf32>
    %reduce_min3A_163 = arith.constant dense<0x7F800000> : vector<512xf32>
    %reduce_min3A_164 = vector.multi_reduction <minimumf>, %select_n3A_156, %reduce_min3A_163 [1] : vector<512x640xf32> to vector<512xf32>
    %broadcast_in_dim3A_165 = vector.shape_cast %reduce_min3A_164 : vector<512xf32> to vector<512x1xf32>
    %eq3A_166 = vector.broadcast %broadcast_in_dim3A_165 : vector<512x1xf32> to vector<512x640xf32>
    %eq3A_167 = arith.cmpf oeq, %select_n3A_156, %eq3A_166 : vector<512x640xf32>
    %jit3A_168 = arith.constant 6.400000e+02 : f32
    %broadcast_in_dim3A_169 = vector.broadcast %jit3A_168 : f32 to vector<512x640xf32>
    %select_n3A_170 = arith.select %eq3A_167, %convert_element_type3A, %broadcast_in_dim3A_169 : vector<512x640xi1>, vector<512x640xf32>
    %reduce_min3A_171 = arith.constant dense<0x7F800000> : vector<512xf32>
    %reduce_min3A_172 = vector.multi_reduction <minimumf>, %select_n3A_170, %reduce_min3A_171 [1] : vector<512x640xf32> to vector<512xf32>
    %broadcast_in_dim3A_173 = vector.shape_cast %reduce_min3A_172 : vector<512xf32> to vector<512x1xf32>
    %eq3A_174 = vector.broadcast %broadcast_in_dim3A_173 : vector<512x1xf32> to vector<512x640xf32>
    %eq3A_175 = arith.cmpf oeq, %convert_element_type3A, %eq3A_174 : vector<512x640xf32>
    %jit3A_176 = arith.constant 1.000000e+30 : f32
    %broadcast_in_dim3A_177 = vector.broadcast %jit3A_176 : f32 to vector<512x640xf32>
    %select_n3A_178 = arith.select %eq3A_175, %broadcast_in_dim3A_177, %select_n3A_156 : vector<512x640xi1>, vector<512x640xf32>
    %lt3A_179 = arith.constant 1.000000e+29 : f32
    %lt3A_180 = vector.broadcast %lt3A_179 : f32 to vector<512x1xf32>
    %lt3A_181 = arith.cmpf olt, %broadcast_in_dim3A_165, %lt3A_180 : vector<512x1xf32>
    %jit3A_182 = arith.constant 6.250000e+02 : f32
    %broadcast_in_dim3A_183 = vector.broadcast %jit3A_182 : f32 to vector<512x1xf32>
    %select_n3A_184 = arith.select %lt3A_181, %broadcast_in_dim3A_173, %broadcast_in_dim3A_183 : vector<512x1xi1>, vector<512x1xf32>
    %reduce_min3A_185 = arith.constant dense<0x7F800000> : vector<512xf32>
    %reduce_min3A_186 = vector.multi_reduction <minimumf>, %select_n3A_178, %reduce_min3A_185 [1] : vector<512x640xf32> to vector<512xf32>
    %broadcast_in_dim3A_187 = vector.shape_cast %reduce_min3A_186 : vector<512xf32> to vector<512x1xf32>
    %eq3A_188 = vector.broadcast %broadcast_in_dim3A_187 : vector<512x1xf32> to vector<512x640xf32>
    %eq3A_189 = arith.cmpf oeq, %select_n3A_178, %eq3A_188 : vector<512x640xf32>
    %jit3A_190 = arith.constant 6.400000e+02 : f32
    %broadcast_in_dim3A_191 = vector.broadcast %jit3A_190 : f32 to vector<512x640xf32>
    %select_n3A_192 = arith.select %eq3A_189, %convert_element_type3A, %broadcast_in_dim3A_191 : vector<512x640xi1>, vector<512x640xf32>
    %reduce_min3A_193 = arith.constant dense<0x7F800000> : vector<512xf32>
    %reduce_min3A_194 = vector.multi_reduction <minimumf>, %select_n3A_192, %reduce_min3A_193 [1] : vector<512x640xf32> to vector<512xf32>
    %broadcast_in_dim3A_195 = vector.shape_cast %reduce_min3A_194 : vector<512xf32> to vector<512x1xf32>
    %eq3A_196 = vector.broadcast %broadcast_in_dim3A_195 : vector<512x1xf32> to vector<512x640xf32>
    %eq3A_197 = arith.cmpf oeq, %convert_element_type3A, %eq3A_196 : vector<512x640xf32>
    %jit3A_198 = arith.constant 1.000000e+30 : f32
    %broadcast_in_dim3A_199 = vector.broadcast %jit3A_198 : f32 to vector<512x640xf32>
    %select_n3A_200 = arith.select %eq3A_197, %broadcast_in_dim3A_199, %select_n3A_178 : vector<512x640xi1>, vector<512x640xf32>
    %lt3A_201 = arith.constant 1.000000e+29 : f32
    %lt3A_202 = vector.broadcast %lt3A_201 : f32 to vector<512x1xf32>
    %lt3A_203 = arith.cmpf olt, %broadcast_in_dim3A_187, %lt3A_202 : vector<512x1xf32>
    %jit3A_204 = arith.constant 6.250000e+02 : f32
    %broadcast_in_dim3A_205 = vector.broadcast %jit3A_204 : f32 to vector<512x1xf32>
    %select_n3A_206 = arith.select %lt3A_203, %broadcast_in_dim3A_195, %broadcast_in_dim3A_205 : vector<512x1xi1>, vector<512x1xf32>
    %reduce_min3A_207 = arith.constant dense<0x7F800000> : vector<512xf32>
    %reduce_min3A_208 = vector.multi_reduction <minimumf>, %select_n3A_200, %reduce_min3A_207 [1] : vector<512x640xf32> to vector<512xf32>
    %broadcast_in_dim3A_209 = vector.shape_cast %reduce_min3A_208 : vector<512xf32> to vector<512x1xf32>
    %eq3A_210 = vector.broadcast %broadcast_in_dim3A_209 : vector<512x1xf32> to vector<512x640xf32>
    %eq3A_211 = arith.cmpf oeq, %select_n3A_200, %eq3A_210 : vector<512x640xf32>
    %jit3A_212 = arith.constant 6.400000e+02 : f32
    %broadcast_in_dim3A_213 = vector.broadcast %jit3A_212 : f32 to vector<512x640xf32>
    %select_n3A_214 = arith.select %eq3A_211, %convert_element_type3A, %broadcast_in_dim3A_213 : vector<512x640xi1>, vector<512x640xf32>
    %reduce_min3A_215 = arith.constant dense<0x7F800000> : vector<512xf32>
    %reduce_min3A_216 = vector.multi_reduction <minimumf>, %select_n3A_214, %reduce_min3A_215 [1] : vector<512x640xf32> to vector<512xf32>
    %broadcast_in_dim3A_217 = vector.shape_cast %reduce_min3A_216 : vector<512xf32> to vector<512x1xf32>
    %eq3A_218 = vector.broadcast %broadcast_in_dim3A_217 : vector<512x1xf32> to vector<512x640xf32>
    %eq3A_219 = arith.cmpf oeq, %convert_element_type3A, %eq3A_218 : vector<512x640xf32>
    %jit3A_220 = arith.constant 1.000000e+30 : f32
    %broadcast_in_dim3A_221 = vector.broadcast %jit3A_220 : f32 to vector<512x640xf32>
    %select_n3A_222 = arith.select %eq3A_219, %broadcast_in_dim3A_221, %select_n3A_200 : vector<512x640xi1>, vector<512x640xf32>
    %lt3A_223 = arith.constant 1.000000e+29 : f32
    %lt3A_224 = vector.broadcast %lt3A_223 : f32 to vector<512x1xf32>
    %lt3A_225 = arith.cmpf olt, %broadcast_in_dim3A_209, %lt3A_224 : vector<512x1xf32>
    %jit3A_226 = arith.constant 6.250000e+02 : f32
    %broadcast_in_dim3A_227 = vector.broadcast %jit3A_226 : f32 to vector<512x1xf32>
    %select_n3A_228 = arith.select %lt3A_225, %broadcast_in_dim3A_217, %broadcast_in_dim3A_227 : vector<512x1xi1>, vector<512x1xf32>
    %reduce_min3A_229 = arith.constant dense<0x7F800000> : vector<512xf32>
    %reduce_min3A_230 = vector.multi_reduction <minimumf>, %select_n3A_222, %reduce_min3A_229 [1] : vector<512x640xf32> to vector<512xf32>
    %broadcast_in_dim3A_231 = vector.shape_cast %reduce_min3A_230 : vector<512xf32> to vector<512x1xf32>
    %eq3A_232 = vector.broadcast %broadcast_in_dim3A_231 : vector<512x1xf32> to vector<512x640xf32>
    %eq3A_233 = arith.cmpf oeq, %select_n3A_222, %eq3A_232 : vector<512x640xf32>
    %jit3A_234 = arith.constant 6.400000e+02 : f32
    %broadcast_in_dim3A_235 = vector.broadcast %jit3A_234 : f32 to vector<512x640xf32>
    %select_n3A_236 = arith.select %eq3A_233, %convert_element_type3A, %broadcast_in_dim3A_235 : vector<512x640xi1>, vector<512x640xf32>
    %reduce_min3A_237 = arith.constant dense<0x7F800000> : vector<512xf32>
    %reduce_min3A_238 = vector.multi_reduction <minimumf>, %select_n3A_236, %reduce_min3A_237 [1] : vector<512x640xf32> to vector<512xf32>
    %broadcast_in_dim3A_239 = vector.shape_cast %reduce_min3A_238 : vector<512xf32> to vector<512x1xf32>
    %eq3A_240 = vector.broadcast %broadcast_in_dim3A_239 : vector<512x1xf32> to vector<512x640xf32>
    %eq3A_241 = arith.cmpf oeq, %convert_element_type3A, %eq3A_240 : vector<512x640xf32>
    %jit3A_242 = arith.constant 1.000000e+30 : f32
    %broadcast_in_dim3A_243 = vector.broadcast %jit3A_242 : f32 to vector<512x640xf32>
    %select_n3A_244 = arith.select %eq3A_241, %broadcast_in_dim3A_243, %select_n3A_222 : vector<512x640xi1>, vector<512x640xf32>
    %lt3A_245 = arith.constant 1.000000e+29 : f32
    %lt3A_246 = vector.broadcast %lt3A_245 : f32 to vector<512x1xf32>
    %lt3A_247 = arith.cmpf olt, %broadcast_in_dim3A_231, %lt3A_246 : vector<512x1xf32>
    %jit3A_248 = arith.constant 6.250000e+02 : f32
    %broadcast_in_dim3A_249 = vector.broadcast %jit3A_248 : f32 to vector<512x1xf32>
    %select_n3A_250 = arith.select %lt3A_247, %broadcast_in_dim3A_239, %broadcast_in_dim3A_249 : vector<512x1xi1>, vector<512x1xf32>
    %reduce_min3A_251 = arith.constant dense<0x7F800000> : vector<512xf32>
    %reduce_min3A_252 = vector.multi_reduction <minimumf>, %select_n3A_244, %reduce_min3A_251 [1] : vector<512x640xf32> to vector<512xf32>
    %broadcast_in_dim3A_253 = vector.shape_cast %reduce_min3A_252 : vector<512xf32> to vector<512x1xf32>
    %eq3A_254 = vector.broadcast %broadcast_in_dim3A_253 : vector<512x1xf32> to vector<512x640xf32>
    %eq3A_255 = arith.cmpf oeq, %select_n3A_244, %eq3A_254 : vector<512x640xf32>
    %jit3A_256 = arith.constant 6.400000e+02 : f32
    %broadcast_in_dim3A_257 = vector.broadcast %jit3A_256 : f32 to vector<512x640xf32>
    %select_n3A_258 = arith.select %eq3A_255, %convert_element_type3A, %broadcast_in_dim3A_257 : vector<512x640xi1>, vector<512x640xf32>
    %reduce_min3A_259 = arith.constant dense<0x7F800000> : vector<512xf32>
    %reduce_min3A_260 = vector.multi_reduction <minimumf>, %select_n3A_258, %reduce_min3A_259 [1] : vector<512x640xf32> to vector<512xf32>
    %broadcast_in_dim3A_261 = vector.shape_cast %reduce_min3A_260 : vector<512xf32> to vector<512x1xf32>
    %eq3A_262 = vector.broadcast %broadcast_in_dim3A_261 : vector<512x1xf32> to vector<512x640xf32>
    %eq3A_263 = arith.cmpf oeq, %convert_element_type3A, %eq3A_262 : vector<512x640xf32>
    %jit3A_264 = arith.constant 1.000000e+30 : f32
    %broadcast_in_dim3A_265 = vector.broadcast %jit3A_264 : f32 to vector<512x640xf32>
    %select_n3A_266 = arith.select %eq3A_263, %broadcast_in_dim3A_265, %select_n3A_244 : vector<512x640xi1>, vector<512x640xf32>
    %lt3A_267 = arith.constant 1.000000e+29 : f32
    %lt3A_268 = vector.broadcast %lt3A_267 : f32 to vector<512x1xf32>
    %lt3A_269 = arith.cmpf olt, %broadcast_in_dim3A_253, %lt3A_268 : vector<512x1xf32>
    %jit3A_270 = arith.constant 6.250000e+02 : f32
    %broadcast_in_dim3A_271 = vector.broadcast %jit3A_270 : f32 to vector<512x1xf32>
    %select_n3A_272 = arith.select %lt3A_269, %broadcast_in_dim3A_261, %broadcast_in_dim3A_271 : vector<512x1xi1>, vector<512x1xf32>
    %reduce_min3A_273 = arith.constant dense<0x7F800000> : vector<512xf32>
    %reduce_min3A_274 = vector.multi_reduction <minimumf>, %select_n3A_266, %reduce_min3A_273 [1] : vector<512x640xf32> to vector<512xf32>
    %broadcast_in_dim3A_275 = vector.shape_cast %reduce_min3A_274 : vector<512xf32> to vector<512x1xf32>
    %eq3A_276 = vector.broadcast %broadcast_in_dim3A_275 : vector<512x1xf32> to vector<512x640xf32>
    %eq3A_277 = arith.cmpf oeq, %select_n3A_266, %eq3A_276 : vector<512x640xf32>
    %jit3A_278 = arith.constant 6.400000e+02 : f32
    %broadcast_in_dim3A_279 = vector.broadcast %jit3A_278 : f32 to vector<512x640xf32>
    %select_n3A_280 = arith.select %eq3A_277, %convert_element_type3A, %broadcast_in_dim3A_279 : vector<512x640xi1>, vector<512x640xf32>
    %reduce_min3A_281 = arith.constant dense<0x7F800000> : vector<512xf32>
    %reduce_min3A_282 = vector.multi_reduction <minimumf>, %select_n3A_280, %reduce_min3A_281 [1] : vector<512x640xf32> to vector<512xf32>
    %broadcast_in_dim3A_283 = vector.shape_cast %reduce_min3A_282 : vector<512xf32> to vector<512x1xf32>
    %eq3A_284 = vector.broadcast %broadcast_in_dim3A_283 : vector<512x1xf32> to vector<512x640xf32>
    %eq3A_285 = arith.cmpf oeq, %convert_element_type3A, %eq3A_284 : vector<512x640xf32>
    %jit3A_286 = arith.constant 1.000000e+30 : f32
    %broadcast_in_dim3A_287 = vector.broadcast %jit3A_286 : f32 to vector<512x640xf32>
    %select_n3A_288 = arith.select %eq3A_285, %broadcast_in_dim3A_287, %select_n3A_266 : vector<512x640xi1>, vector<512x640xf32>
    %lt3A_289 = arith.constant 1.000000e+29 : f32
    %lt3A_290 = vector.broadcast %lt3A_289 : f32 to vector<512x1xf32>
    %lt3A_291 = arith.cmpf olt, %broadcast_in_dim3A_275, %lt3A_290 : vector<512x1xf32>
    %jit3A_292 = arith.constant 6.250000e+02 : f32
    %broadcast_in_dim3A_293 = vector.broadcast %jit3A_292 : f32 to vector<512x1xf32>
    %select_n3A_294 = arith.select %lt3A_291, %broadcast_in_dim3A_283, %broadcast_in_dim3A_293 : vector<512x1xi1>, vector<512x1xf32>
    %reduce_min3A_295 = arith.constant dense<0x7F800000> : vector<512xf32>
    %reduce_min3A_296 = vector.multi_reduction <minimumf>, %select_n3A_288, %reduce_min3A_295 [1] : vector<512x640xf32> to vector<512xf32>
    %broadcast_in_dim3A_297 = vector.shape_cast %reduce_min3A_296 : vector<512xf32> to vector<512x1xf32>
    %eq3A_298 = vector.broadcast %broadcast_in_dim3A_297 : vector<512x1xf32> to vector<512x640xf32>
    %eq3A_299 = arith.cmpf oeq, %select_n3A_288, %eq3A_298 : vector<512x640xf32>
    %jit3A_300 = arith.constant 6.400000e+02 : f32
    %broadcast_in_dim3A_301 = vector.broadcast %jit3A_300 : f32 to vector<512x640xf32>
    %select_n3A_302 = arith.select %eq3A_299, %convert_element_type3A, %broadcast_in_dim3A_301 : vector<512x640xi1>, vector<512x640xf32>
    %reduce_min3A_303 = arith.constant dense<0x7F800000> : vector<512xf32>
    %reduce_min3A_304 = vector.multi_reduction <minimumf>, %select_n3A_302, %reduce_min3A_303 [1] : vector<512x640xf32> to vector<512xf32>
    %broadcast_in_dim3A_305 = vector.shape_cast %reduce_min3A_304 : vector<512xf32> to vector<512x1xf32>
    %eq3A_306 = vector.broadcast %broadcast_in_dim3A_305 : vector<512x1xf32> to vector<512x640xf32>
    %eq3A_307 = arith.cmpf oeq, %convert_element_type3A, %eq3A_306 : vector<512x640xf32>
    %jit3A_308 = arith.constant 1.000000e+30 : f32
    %broadcast_in_dim3A_309 = vector.broadcast %jit3A_308 : f32 to vector<512x640xf32>
    %select_n3A_310 = arith.select %eq3A_307, %broadcast_in_dim3A_309, %select_n3A_288 : vector<512x640xi1>, vector<512x640xf32>
    %lt3A_311 = arith.constant 1.000000e+29 : f32
    %lt3A_312 = vector.broadcast %lt3A_311 : f32 to vector<512x1xf32>
    %lt3A_313 = arith.cmpf olt, %broadcast_in_dim3A_297, %lt3A_312 : vector<512x1xf32>
    %jit3A_314 = arith.constant 6.250000e+02 : f32
    %broadcast_in_dim3A_315 = vector.broadcast %jit3A_314 : f32 to vector<512x1xf32>
    %select_n3A_316 = arith.select %lt3A_313, %broadcast_in_dim3A_305, %broadcast_in_dim3A_315 : vector<512x1xi1>, vector<512x1xf32>
    %reduce_min3A_317 = arith.constant dense<0x7F800000> : vector<512xf32>
    %reduce_min3A_318 = vector.multi_reduction <minimumf>, %select_n3A_310, %reduce_min3A_317 [1] : vector<512x640xf32> to vector<512xf32>
    %broadcast_in_dim3A_319 = vector.shape_cast %reduce_min3A_318 : vector<512xf32> to vector<512x1xf32>
    %eq3A_320 = vector.broadcast %broadcast_in_dim3A_319 : vector<512x1xf32> to vector<512x640xf32>
    %eq3A_321 = arith.cmpf oeq, %select_n3A_310, %eq3A_320 : vector<512x640xf32>
    %jit3A_322 = arith.constant 6.400000e+02 : f32
    %broadcast_in_dim3A_323 = vector.broadcast %jit3A_322 : f32 to vector<512x640xf32>
    %select_n3A_324 = arith.select %eq3A_321, %convert_element_type3A, %broadcast_in_dim3A_323 : vector<512x640xi1>, vector<512x640xf32>
    %reduce_min3A_325 = arith.constant dense<0x7F800000> : vector<512xf32>
    %reduce_min3A_326 = vector.multi_reduction <minimumf>, %select_n3A_324, %reduce_min3A_325 [1] : vector<512x640xf32> to vector<512xf32>
    %broadcast_in_dim3A_327 = vector.shape_cast %reduce_min3A_326 : vector<512xf32> to vector<512x1xf32>
    %eq3A_328 = vector.broadcast %broadcast_in_dim3A_327 : vector<512x1xf32> to vector<512x640xf32>
    %eq3A_329 = arith.cmpf oeq, %convert_element_type3A, %eq3A_328 : vector<512x640xf32>
    %jit3A_330 = arith.constant 1.000000e+30 : f32
    %broadcast_in_dim3A_331 = vector.broadcast %jit3A_330 : f32 to vector<512x640xf32>
    %select_n3A_332 = arith.select %eq3A_329, %broadcast_in_dim3A_331, %select_n3A_310 : vector<512x640xi1>, vector<512x640xf32>
    %lt3A_333 = arith.constant 1.000000e+29 : f32
    %lt3A_334 = vector.broadcast %lt3A_333 : f32 to vector<512x1xf32>
    %lt3A_335 = arith.cmpf olt, %broadcast_in_dim3A_319, %lt3A_334 : vector<512x1xf32>
    %jit3A_336 = arith.constant 6.250000e+02 : f32
    %broadcast_in_dim3A_337 = vector.broadcast %jit3A_336 : f32 to vector<512x1xf32>
    %select_n3A_338 = arith.select %lt3A_335, %broadcast_in_dim3A_327, %broadcast_in_dim3A_337 : vector<512x1xi1>, vector<512x1xf32>
    %reduce_min3A_339 = arith.constant dense<0x7F800000> : vector<512xf32>
    %reduce_min3A_340 = vector.multi_reduction <minimumf>, %select_n3A_332, %reduce_min3A_339 [1] : vector<512x640xf32> to vector<512xf32>
    %broadcast_in_dim3A_341 = vector.shape_cast %reduce_min3A_340 : vector<512xf32> to vector<512x1xf32>
    %eq3A_342 = vector.broadcast %broadcast_in_dim3A_341 : vector<512x1xf32> to vector<512x640xf32>
    %eq3A_343 = arith.cmpf oeq, %select_n3A_332, %eq3A_342 : vector<512x640xf32>
    %jit3A_344 = arith.constant 6.400000e+02 : f32
    %broadcast_in_dim3A_345 = vector.broadcast %jit3A_344 : f32 to vector<512x640xf32>
    %select_n3A_346 = arith.select %eq3A_343, %convert_element_type3A, %broadcast_in_dim3A_345 : vector<512x640xi1>, vector<512x640xf32>
    %reduce_min3A_347 = arith.constant dense<0x7F800000> : vector<512xf32>
    %reduce_min3A_348 = vector.multi_reduction <minimumf>, %select_n3A_346, %reduce_min3A_347 [1] : vector<512x640xf32> to vector<512xf32>
    %broadcast_in_dim3A_349 = vector.shape_cast %reduce_min3A_348 : vector<512xf32> to vector<512x1xf32>
    %eq3A_350 = vector.broadcast %broadcast_in_dim3A_349 : vector<512x1xf32> to vector<512x640xf32>
    %eq3A_351 = arith.cmpf oeq, %convert_element_type3A, %eq3A_350 : vector<512x640xf32>
    %jit3A_352 = arith.constant 1.000000e+30 : f32
    %broadcast_in_dim3A_353 = vector.broadcast %jit3A_352 : f32 to vector<512x640xf32>
    %select_n3A_354 = arith.select %eq3A_351, %broadcast_in_dim3A_353, %select_n3A_332 : vector<512x640xi1>, vector<512x640xf32>
    %lt3A_355 = arith.constant 1.000000e+29 : f32
    %lt3A_356 = vector.broadcast %lt3A_355 : f32 to vector<512x1xf32>
    %lt3A_357 = arith.cmpf olt, %broadcast_in_dim3A_341, %lt3A_356 : vector<512x1xf32>
    %jit3A_358 = arith.constant 6.250000e+02 : f32
    %broadcast_in_dim3A_359 = vector.broadcast %jit3A_358 : f32 to vector<512x1xf32>
    %select_n3A_360 = arith.select %lt3A_357, %broadcast_in_dim3A_349, %broadcast_in_dim3A_359 : vector<512x1xi1>, vector<512x1xf32>
    %reduce_min3A_361 = arith.constant dense<0x7F800000> : vector<512xf32>
    %reduce_min3A_362 = vector.multi_reduction <minimumf>, %select_n3A_354, %reduce_min3A_361 [1] : vector<512x640xf32> to vector<512xf32>
    %broadcast_in_dim3A_363 = vector.shape_cast %reduce_min3A_362 : vector<512xf32> to vector<512x1xf32>
    %eq3A_364 = vector.broadcast %broadcast_in_dim3A_363 : vector<512x1xf32> to vector<512x640xf32>
    %eq3A_365 = arith.cmpf oeq, %select_n3A_354, %eq3A_364 : vector<512x640xf32>
    %jit3A_366 = arith.constant 6.400000e+02 : f32
    %broadcast_in_dim3A_367 = vector.broadcast %jit3A_366 : f32 to vector<512x640xf32>
    %select_n3A_368 = arith.select %eq3A_365, %convert_element_type3A, %broadcast_in_dim3A_367 : vector<512x640xi1>, vector<512x640xf32>
    %reduce_min3A_369 = arith.constant dense<0x7F800000> : vector<512xf32>
    %reduce_min3A_370 = vector.multi_reduction <minimumf>, %select_n3A_368, %reduce_min3A_369 [1] : vector<512x640xf32> to vector<512xf32>
    %broadcast_in_dim3A_371 = vector.shape_cast %reduce_min3A_370 : vector<512xf32> to vector<512x1xf32>
    %eq3A_372 = vector.broadcast %broadcast_in_dim3A_371 : vector<512x1xf32> to vector<512x640xf32>
    %eq3A_373 = arith.cmpf oeq, %convert_element_type3A, %eq3A_372 : vector<512x640xf32>
    %jit3A_374 = arith.constant 1.000000e+30 : f32
    %broadcast_in_dim3A_375 = vector.broadcast %jit3A_374 : f32 to vector<512x640xf32>
    %select_n3A_376 = arith.select %eq3A_373, %broadcast_in_dim3A_375, %select_n3A_354 : vector<512x640xi1>, vector<512x640xf32>
    %lt3A_377 = arith.constant 1.000000e+29 : f32
    %lt3A_378 = vector.broadcast %lt3A_377 : f32 to vector<512x1xf32>
    %lt3A_379 = arith.cmpf olt, %broadcast_in_dim3A_363, %lt3A_378 : vector<512x1xf32>
    %jit3A_380 = arith.constant 6.250000e+02 : f32
    %broadcast_in_dim3A_381 = vector.broadcast %jit3A_380 : f32 to vector<512x1xf32>
    %select_n3A_382 = arith.select %lt3A_379, %broadcast_in_dim3A_371, %broadcast_in_dim3A_381 : vector<512x1xi1>, vector<512x1xf32>
    %reduce_min3A_383 = arith.constant dense<0x7F800000> : vector<512xf32>
    %reduce_min3A_384 = vector.multi_reduction <minimumf>, %select_n3A_376, %reduce_min3A_383 [1] : vector<512x640xf32> to vector<512xf32>
    %broadcast_in_dim3A_385 = vector.shape_cast %reduce_min3A_384 : vector<512xf32> to vector<512x1xf32>
    %eq3A_386 = vector.broadcast %broadcast_in_dim3A_385 : vector<512x1xf32> to vector<512x640xf32>
    %eq3A_387 = arith.cmpf oeq, %select_n3A_376, %eq3A_386 : vector<512x640xf32>
    %jit3A_388 = arith.constant 6.400000e+02 : f32
    %broadcast_in_dim3A_389 = vector.broadcast %jit3A_388 : f32 to vector<512x640xf32>
    %select_n3A_390 = arith.select %eq3A_387, %convert_element_type3A, %broadcast_in_dim3A_389 : vector<512x640xi1>, vector<512x640xf32>
    %reduce_min3A_391 = arith.constant dense<0x7F800000> : vector<512xf32>
    %reduce_min3A_392 = vector.multi_reduction <minimumf>, %select_n3A_390, %reduce_min3A_391 [1] : vector<512x640xf32> to vector<512xf32>
    %broadcast_in_dim3A_393 = vector.shape_cast %reduce_min3A_392 : vector<512xf32> to vector<512x1xf32>
    %lt3A_394 = arith.constant 1.000000e+29 : f32
    %lt3A_395 = vector.broadcast %lt3A_394 : f32 to vector<512x1xf32>
    %lt3A_396 = arith.cmpf olt, %broadcast_in_dim3A_385, %lt3A_395 : vector<512x1xf32>
    %jit3A_397 = arith.constant 6.250000e+02 : f32
    %broadcast_in_dim3A_398 = vector.broadcast %jit3A_397 : f32 to vector<512x1xf32>
    %select_n3A_399 = arith.select %lt3A_396, %broadcast_in_dim3A_393, %broadcast_in_dim3A_398 : vector<512x1xi1>, vector<512x1xf32>
    %concatenate3A = tpu.concatenate %select_n3A_74, %select_n3A_96, %select_n3A_118, %select_n3A_140, %select_n3A_162, %select_n3A_184, %select_n3A_206, %select_n3A_228, %select_n3A_250, %select_n3A_272, %select_n3A_294, %select_n3A_316, %select_n3A_338, %select_n3A_360, %select_n3A_382, %select_n3A_399 in 1 : vector<512x1xf32>, vector<512x1xf32>, vector<512x1xf32>, vector<512x1xf32>, vector<512x1xf32>, vector<512x1xf32>, vector<512x1xf32>, vector<512x1xf32>, vector<512x1xf32>, vector<512x1xf32>, vector<512x1xf32>, vector<512x1xf32>, vector<512x1xf32>, vector<512x1xf32>, vector<512x1xf32>, vector<512x1xf32> -> vector<512x16xf32>
    %convert_element_type3A_400 = arith.fptosi %concatenate3A : vector<512x16xf32> to vector<512x16xi32>
    %mul3A_401 = arith.constant 640 : i32
    %mul3A_402 = arith.muli %arg0, %mul3A_401 : i32
    %add3A_403 = vector.broadcast %mul3A_402 : i32 to vector<512x16xi32>
    %add3A_404 = arith.addi %convert_element_type3A_400, %add3A_403 : vector<512x16xi32>
    %swap3A = arith.constant 0 : index
    %swap3A_405 = arith.constant 0 : index
    %swap3A_406 = arith.constant 0 : index
    %swap3A_407 = vector.load %arg4[%swap3A, %swap3A_405, %swap3A_406] : memref<1x512x16xi32, #tpu.memory_space<vmem>>, vector<1x512x16xi32>
    %swap3A_408 = vector.shape_cast %swap3A_407 : vector<1x512x16xi32> to vector<512x16xi32>
    %swap3A_409 = vector.shape_cast %add3A_404 : vector<512x16xi32> to vector<1x512x16xi32>
    tpu.vector_store %arg4[%swap3A, %swap3A_405, %swap3A_406], %swap3A_409 {strides = array<i32>} : memref<1x512x16xi32, #tpu.memory_space<vmem>>, vector<1x512x16xi32>,
    return
  }
  func.func @transform_0(%arg0: i32, %arg1: i32) -> (i32, i32, i32) {
    %c0_i32 = arith.constant 0 : i32
    %c0_i32_0 = arith.constant 0 : i32
    return %arg0, %arg1, %c0_i32 : i32, i32, i32
  }
  func.func @transform_1(%arg0: i32, %arg1: i32) -> (i32, i32, i32) {
    %c0_i32 = arith.constant 0 : i32
    %c0_i32_0 = arith.constant 0 : i32
    %c0_i32_1 = arith.constant 0 : i32
    return %arg0, %c0_i32, %c0_i32_0 : i32, i32, i32
  }
  func.func @transform_2(%arg0: i32, %arg1: i32) -> (i32, i32, i32) {
    %c0_i32 = arith.constant 0 : i32
    %c0_i32_0 = arith.constant 0 : i32
    return %arg0, %arg1, %c0_i32 : i32, i32, i32
  }
}

module attributes {stable_mosaic.version = 14 : i64} {
  func.func @_prep1_kernel(%arg0: i32, %arg1: memref<1x640x256xf32, #tpu.memory_space<vmem>>, %arg2: memref<1x640x8xf32, #tpu.memory_space<vmem>>, %arg3: memref<256x128xf32, #tpu.memory_space<vmem>>, %arg4: memref<8x128xf32, #tpu.memory_space<vmem>>, %arg5: memref<1x128xf32, #tpu.memory_space<vmem>>, %arg6: memref<1x640x128xf32, #tpu.memory_space<vmem>>) attributes {dimension_semantics = [#tpu.dimension_semantics<arbitrary>], iteration_bounds = array<i64: 2>, scalar_prefetch = 0 : i64, scratch_operands = 0 : i64, tpu.core_type = #tpu.core_type<tc>, window_params = [{transform_indices = @transform_0, window_bounds = array<i64: 1, 640, 256>}, {transform_indices = @transform_1, window_bounds = array<i64: 1, 640, 8>}, {pipeline_mode = #tpu.pipeline_mode<synchronous>, transform_indices = @transform_2, window_bounds = array<i64: 256, 128>}, {pipeline_mode = #tpu.pipeline_mode<synchronous>, transform_indices = @transform_3, window_bounds = array<i64: 8, 128>}, {pipeline_mode = #tpu.pipeline_mode<synchronous>, transform_indices = @transform_4, window_bounds = array<i64: 1, 128>}, {transform_indices = @transform_5, window_bounds = array<i64: 1, 640, 128>}]} {
    %get3A = arith.constant 0 : index
    %get3A_0 = arith.constant 0 : index
    %get3A_1 = arith.constant 0 : index
    %get3A_2 = vector.load %arg1[%get3A, %get3A_0, %get3A_1] : memref<1x640x256xf32, #tpu.memory_space<vmem>>, vector<1x640x256xf32>
    %get3A_3 = vector.shape_cast %get3A_2 : vector<1x640x256xf32> to vector<640x256xf32>
    %get3A_4 = arith.constant 0 : index
    %get3A_5 = arith.constant 0 : index
    %get3A_6 = vector.load %arg3[%get3A_4, %get3A_5] : memref<256x128xf32, #tpu.memory_space<vmem>>, vector<256x128xf32>
    %dot_general3A = arith.constant dense<0.000000e+00> : vector<640x128xf32>
    %dot_general3A_7 = tpu.matmul %get3A_3, %get3A_6, %dot_general3A {dimension_numbers = #tpu.dot_dimension_numbers<[1], [0], [0], [1], [0, 0, 1, 1], [], []>, transpose_lhs_hint = false} : vector<640x256xf32>, vector<256x128xf32>, vector<640x128xf32> -> vector<640x128xf32>
    %get3A_8 = arith.constant 0 : index
    %get3A_9 = arith.constant 0 : index
    %get3A_10 = arith.constant 0 : index
    %get3A_11 = vector.load %arg2[%get3A_8, %get3A_9, %get3A_10] : memref<1x640x8xf32, #tpu.memory_space<vmem>>, vector<1x640x8xf32>
    %get3A_12 = vector.shape_cast %get3A_11 : vector<1x640x8xf32> to vector<640x8xf32>
    %get3A_13 = arith.constant 0 : index
    %get3A_14 = arith.constant 0 : index
    %get3A_15 = vector.load %arg4[%get3A_13, %get3A_14] : memref<8x128xf32, #tpu.memory_space<vmem>>, vector<8x128xf32>
    %dot_general3A_16 = arith.constant dense<0.000000e+00> : vector<640x128xf32>
    %dot_general3A_17 = tpu.matmul %get3A_12, %get3A_15, %dot_general3A_16 {dimension_numbers = #tpu.dot_dimension_numbers<[1], [0], [0], [1], [0, 0, 1, 1], [], []>, transpose_lhs_hint = false} : vector<640x8xf32>, vector<8x128xf32>, vector<640x128xf32> -> vector<640x128xf32>
    %add3A = arith.addf %dot_general3A_7, %dot_general3A_17 : vector<640x128xf32>
    %get3A_18 = arith.constant 0 : index
    %get3A_19 = arith.constant 0 : index
    %get3A_20 = vector.load %arg5[%get3A_18, %get3A_19] : memref<1x128xf32, #tpu.memory_space<vmem>>, vector<1x128xf32>
    %add3A_21 = vector.broadcast %get3A_20 : vector<1x128xf32> to vector<640x128xf32>
    %add3A_22 = arith.addf %add3A, %add3A_21 : vector<640x128xf32>
    %iota3A = tpu.iota {dimensions = array<i32: 0>} : vector<640x128xi32>
    %lt3A = arith.constant 625 : i32
    %lt3A_23 = vector.broadcast %lt3A : i32 to vector<640x128xi32>
    %lt3A_24 = arith.cmpi slt, %iota3A, %lt3A_23 : vector<640x128xi32>
    %jit3A = arith.constant -1.000000e+09 : f32
    %broadcast_in_dim3A = vector.broadcast %jit3A : f32 to vector<640x128xf32>
    %select_n3A = arith.select %lt3A_24, %add3A_22, %broadcast_in_dim3A : vector<640x128xi1>, vector<640x128xf32>
    %swap3A = arith.constant 0 : index
    %swap3A_25 = arith.constant 0 : index
    %swap3A_26 = arith.constant 0 : index
    %swap3A_27 = vector.load %arg6[%swap3A, %swap3A_25, %swap3A_26] : memref<1x640x128xf32, #tpu.memory_space<vmem>>, vector<1x640x128xf32>
    %swap3A_28 = vector.shape_cast %swap3A_27 : vector<1x640x128xf32> to vector<640x128xf32>
    %swap3A_29 = vector.shape_cast %select_n3A : vector<640x128xf32> to vector<1x640x128xf32>
    tpu.vector_store %arg6[%swap3A, %swap3A_25, %swap3A_26], %swap3A_29 {strides = array<i32>} : memref<1x640x128xf32, #tpu.memory_space<vmem>>, vector<1x640x128xf32>,
    return
  }
  func.func @transform_0(%arg0: i32) -> (i32, i32, i32) {
    %c0_i32 = arith.constant 0 : i32
    %c0_i32_0 = arith.constant 0 : i32
    %c0_i32_1 = arith.constant 0 : i32
    return %arg0, %c0_i32, %c0_i32_0 : i32, i32, i32
  }
  func.func @transform_1(%arg0: i32) -> (i32, i32, i32) {
    %c0_i32 = arith.constant 0 : i32
    %c0_i32_0 = arith.constant 0 : i32
    %c0_i32_1 = arith.constant 0 : i32
    return %arg0, %c0_i32, %c0_i32_0 : i32, i32, i32
  }
  func.func @transform_2(%arg0: i32) -> (i32, i32) {
    %c0_i32 = arith.constant 0 : i32
    %c0_i32_0 = arith.constant 0 : i32
    %c0_i32_1 = arith.constant 0 : i32
    return %c0_i32, %c0_i32_0 : i32, i32
  }
  func.func @transform_3(%arg0: i32) -> (i32, i32) {
    %c0_i32 = arith.constant 0 : i32
    %c0_i32_0 = arith.constant 0 : i32
    %c0_i32_1 = arith.constant 0 : i32
    return %c0_i32, %c0_i32_0 : i32, i32
  }
  func.func @transform_4(%arg0: i32) -> (i32, i32) {
    %c0_i32 = arith.constant 0 : i32
    %c0_i32_0 = arith.constant 0 : i32
    %c0_i32_1 = arith.constant 0 : i32
    return %c0_i32, %c0_i32_0 : i32, i32
  }
  func.func @transform_5(%arg0: i32) -> (i32, i32, i32) {
    %c0_i32 = arith.constant 0 : i32
    %c0_i32_0 = arith.constant 0 : i32
    %c0_i32_1 = arith.constant 0 : i32
    return %arg0, %c0_i32, %c0_i32_0 : i32, i32, i32
  }
}

module attributes {stable_mosaic.version = 14 : i64} {
  func.func @_topk_kernel(%arg0: i32, %arg1: i32, %arg2: memref<1x512x3xf32, #tpu.memory_space<vmem>>, %arg3: memref<1x8x2560xf32, #tpu.memory_space<vmem>>, %arg4: memref<1x512x16xi32, #tpu.memory_space<vmem>>) attributes {dimension_semantics = [#tpu.dimension_semantics<arbitrary>, #tpu.dimension_semantics<arbitrary>], iteration_bounds = array<i64: 2, 20>, scalar_prefetch = 0 : i64, scratch_operands = 0 : i64, tpu.core_type = #tpu.core_type<tc>, window_params = [{transform_indices = @transform_0, window_bounds = array<i64: 1, 512, 3>}, {transform_indices = @transform_1, window_bounds = array<i64: 1, 8, 2560>}, {transform_indices = @transform_2, window_bounds = array<i64: 1, 512, 16>}]} {
    %get3A = arith.constant 0 : index
    %get3A_0 = arith.constant 0 : index
    %get3A_1 = arith.constant 0 : index
    %get3A_2 = vector.load %arg2[%get3A, %get3A_0, %get3A_1] : memref<1x512x3xf32, #tpu.memory_space<vmem>>, vector<1x512x1xf32>
    %get3A_3 = vector.shape_cast %get3A_2 : vector<1x512x1xf32> to vector<512x1xf32>
    %get3A_4 = arith.constant 0 : index
    %get3A_5 = arith.constant 0 : index
    %get3A_6 = arith.constant 1 : index
    %get3A_7 = vector.load %arg2[%get3A_4, %get3A_5, %get3A_6] : memref<1x512x3xf32, #tpu.memory_space<vmem>>, vector<1x512x1xf32>
    %get3A_8 = vector.shape_cast %get3A_7 : vector<1x512x1xf32> to vector<512x1xf32>
    %get3A_9 = arith.constant 0 : index
    %get3A_10 = arith.constant 0 : index
    %get3A_11 = arith.constant 2 : index
    %get3A_12 = vector.load %arg2[%get3A_9, %get3A_10, %get3A_11] : memref<1x512x3xf32, #tpu.memory_space<vmem>>, vector<1x512x1xf32>
    %get3A_13 = vector.shape_cast %get3A_12 : vector<1x512x1xf32> to vector<512x1xf32>
    %get3A_14 = arith.constant 0 : index
    %get3A_15 = arith.constant 0 : index
    %get3A_16 = arith.constant 0 : index
    %get3A_17 = vector.load %arg3[%get3A_14, %get3A_15, %get3A_16] : memref<1x8x2560xf32, #tpu.memory_space<vmem>>, vector<1x1x2560xf32>
    %get3A_18 = vector.shape_cast %get3A_17 : vector<1x1x2560xf32> to vector<1x2560xf32>
    %get3A_19 = arith.constant 0 : index
    %get3A_20 = arith.constant 1 : index
    %get3A_21 = arith.constant 0 : index
    %get3A_22 = vector.load %arg3[%get3A_19, %get3A_20, %get3A_21] : memref<1x8x2560xf32, #tpu.memory_space<vmem>>, vector<1x1x2560xf32>
    %get3A_23 = vector.shape_cast %get3A_22 : vector<1x1x2560xf32> to vector<1x2560xf32>
    %get3A_24 = arith.constant 0 : index
    %get3A_25 = arith.constant 2 : index
    %get3A_26 = arith.constant 0 : index
    %get3A_27 = vector.load %arg3[%get3A_24, %get3A_25, %get3A_26] : memref<1x8x2560xf32, #tpu.memory_space<vmem>>, vector<1x1x2560xf32>
    %get3A_28 = vector.shape_cast %get3A_27 : vector<1x1x2560xf32> to vector<1x2560xf32>
    %get3A_29 = arith.constant 0 : index
    %get3A_30 = arith.constant 0 : index
    %get3A_31 = arith.constant 0 : index
    %get3A_32 = vector.load %arg2[%get3A_29, %get3A_30, %get3A_31] : memref<1x512x3xf32, #tpu.memory_space<vmem>>, vector<1x512x3xf32>
    %get3A_33 = vector.shape_cast %get3A_32 : vector<1x512x3xf32> to vector<512x3xf32>
    %get3A_34 = arith.constant 0 : index
    %get3A_35 = arith.constant 0 : index
    %get3A_36 = arith.constant 0 : index
    %get3A_37 = vector.load %arg3[%get3A_34, %get3A_35, %get3A_36] : memref<1x8x2560xf32, #tpu.memory_space<vmem>>, vector<1x3x2560xf32>
    %get3A_38 = vector.shape_cast %get3A_37 : vector<1x3x2560xf32> to vector<3x2560xf32>
    %dot_general3A = arith.constant dense<0.000000e+00> : vector<512x2560xf32>
    %dot_general3A_39 = tpu.matmul %get3A_33, %get3A_38, %dot_general3A {dimension_numbers = #tpu.dot_dimension_numbers<[1], [0], [0], [1], [0, 0, 1, 1], [], []>, transpose_lhs_hint = false} : vector<512x3xf32>, vector<3x2560xf32>, vector<512x2560xf32> -> vector<512x2560xf32>
    %mul3A = arith.mulf %get3A_3, %get3A_3 : vector<512x1xf32>
    %mul3A_40 = arith.mulf %get3A_8, %get3A_8 : vector<512x1xf32>
    %add3A = arith.addf %mul3A, %mul3A_40 : vector<512x1xf32>
    %mul3A_41 = arith.mulf %get3A_13, %get3A_13 : vector<512x1xf32>
    %add3A_42 = arith.addf %add3A, %mul3A_41 : vector<512x1xf32>
    %mul3A_43 = arith.mulf %get3A_18, %get3A_18 : vector<1x2560xf32>
    %mul3A_44 = arith.mulf %get3A_23, %get3A_23 : vector<1x2560xf32>
    %add3A_45 = arith.addf %mul3A_43, %mul3A_44 : vector<1x2560xf32>
    %mul3A_46 = arith.mulf %get3A_28, %get3A_28 : vector<1x2560xf32>
    %add3A_47 = arith.addf %add3A_45, %mul3A_46 : vector<1x2560xf32>
    %add3A_48 = vector.broadcast %add3A_42 : vector<512x1xf32> to vector<512x2560xf32>
    %add3A_49 = vector.broadcast %add3A_47 : vector<1x2560xf32> to vector<512x2560xf32>
    %add3A_50 = arith.addf %add3A_48, %add3A_49 : vector<512x2560xf32>
    %mul3A_51 = arith.constant 2.000000e+00 : f32
    %mul3A_52 = vector.broadcast %mul3A_51 : f32 to vector<512x2560xf32>
    %mul3A_53 = arith.mulf %mul3A_52, %dot_general3A_39 : vector<512x2560xf32>
    %sub3A = arith.subf %add3A_50, %mul3A_53 : vector<512x2560xf32>
    %le3A = arith.constant 1.225000e-01 : f32
    %le3A_54 = vector.broadcast %le3A : f32 to vector<512x2560xf32>
    %le3A_55 = arith.cmpf ole, %sub3A, %le3A_54 : vector<512x2560xf32>
    %jit3A = arith.constant 1.000000e+30 : f32
    %broadcast_in_dim3A = vector.broadcast %jit3A : f32 to vector<512x2560xf32>
    %select_n3A = arith.select %le3A_55, %sub3A, %broadcast_in_dim3A : vector<512x2560xi1>, vector<512x2560xf32>
    %iota3A = tpu.iota {dimensions = array<i32: 1>} : vector<512x2560xi32>
    %convert_element_type3A = arith.sitofp %iota3A : vector<512x2560xi32> to vector<512x2560xf32>
    %reduce_min3A = arith.constant dense<0x7F800000> : vector<512xf32>
    %reduce_min3A_56 = vector.multi_reduction <minimumf>, %select_n3A, %reduce_min3A [1] : vector<512x2560xf32> to vector<512xf32>
    %broadcast_in_dim3A_57 = vector.shape_cast %reduce_min3A_56 : vector<512xf32> to vector<512x1xf32>
    %eq3A = vector.broadcast %broadcast_in_dim3A_57 : vector<512x1xf32> to vector<512x2560xf32>
    %eq3A_58 = arith.cmpf oeq, %select_n3A, %eq3A : vector<512x2560xf32>
    %jit3A_59 = arith.constant 2.560000e+03 : f32
    %broadcast_in_dim3A_60 = vector.broadcast %jit3A_59 : f32 to vector<512x2560xf32>
    %select_n3A_61 = arith.select %eq3A_58, %convert_element_type3A, %broadcast_in_dim3A_60 : vector<512x2560xi1>, vector<512x2560xf32>
    %reduce_min3A_62 = arith.constant dense<0x7F800000> : vector<512xf32>
    %reduce_min3A_63 = vector.multi_reduction <minimumf>, %select_n3A_61, %reduce_min3A_62 [1] : vector<512x2560xf32> to vector<512xf32>
    %broadcast_in_dim3A_64 = vector.shape_cast %reduce_min3A_63 : vector<512xf32> to vector<512x1xf32>
    %eq3A_65 = vector.broadcast %broadcast_in_dim3A_64 : vector<512x1xf32> to vector<512x2560xf32>
    %eq3A_66 = arith.cmpf oeq, %convert_element_type3A, %eq3A_65 : vector<512x2560xf32>
    %jit3A_67 = arith.constant 1.000000e+30 : f32
    %broadcast_in_dim3A_68 = vector.broadcast %jit3A_67 : f32 to vector<512x2560xf32>
    %select_n3A_69 = arith.select %eq3A_66, %broadcast_in_dim3A_68, %select_n3A : vector<512x2560xi1>, vector<512x2560xf32>
    %lt3A = arith.constant 1.000000e+29 : f32
    %lt3A_70 = vector.broadcast %lt3A : f32 to vector<512x1xf32>
    %lt3A_71 = arith.cmpf olt, %broadcast_in_dim3A_57, %lt3A_70 : vector<512x1xf32>
    %jit3A_72 = arith.constant 2.500000e+03 : f32
    %broadcast_in_dim3A_73 = vector.broadcast %jit3A_72 : f32 to vector<512x1xf32>
    %select_n3A_74 = arith.select %lt3A_71, %broadcast_in_dim3A_64, %broadcast_in_dim3A_73 : vector<512x1xi1>, vector<512x1xf32>
    %reduce_min3A_75 = arith.constant dense<0x7F800000> : vector<512xf32>
    %reduce_min3A_76 = vector.multi_reduction <minimumf>, %select_n3A_69, %reduce_min3A_75 [1] : vector<512x2560xf32> to vector<512xf32>
    %broadcast_in_dim3A_77 = vector.shape_cast %reduce_min3A_76 : vector<512xf32> to vector<512x1xf32>
    %eq3A_78 = vector.broadcast %broadcast_in_dim3A_77 : vector<512x1xf32> to vector<512x2560xf32>
    %eq3A_79 = arith.cmpf oeq, %select_n3A_69, %eq3A_78 : vector<512x2560xf32>
    %jit3A_80 = arith.constant 2.560000e+03 : f32
    %broadcast_in_dim3A_81 = vector.broadcast %jit3A_80 : f32 to vector<512x2560xf32>
    %select_n3A_82 = arith.select %eq3A_79, %convert_element_type3A, %broadcast_in_dim3A_81 : vector<512x2560xi1>, vector<512x2560xf32>
    %reduce_min3A_83 = arith.constant dense<0x7F800000> : vector<512xf32>
    %reduce_min3A_84 = vector.multi_reduction <minimumf>, %select_n3A_82, %reduce_min3A_83 [1] : vector<512x2560xf32> to vector<512xf32>
    %broadcast_in_dim3A_85 = vector.shape_cast %reduce_min3A_84 : vector<512xf32> to vector<512x1xf32>
    %eq3A_86 = vector.broadcast %broadcast_in_dim3A_85 : vector<512x1xf32> to vector<512x2560xf32>
    %eq3A_87 = arith.cmpf oeq, %convert_element_type3A, %eq3A_86 : vector<512x2560xf32>
    %jit3A_88 = arith.constant 1.000000e+30 : f32
    %broadcast_in_dim3A_89 = vector.broadcast %jit3A_88 : f32 to vector<512x2560xf32>
    %select_n3A_90 = arith.select %eq3A_87, %broadcast_in_dim3A_89, %select_n3A_69 : vector<512x2560xi1>, vector<512x2560xf32>
    %lt3A_91 = arith.constant 1.000000e+29 : f32
    %lt3A_92 = vector.broadcast %lt3A_91 : f32 to vector<512x1xf32>
    %lt3A_93 = arith.cmpf olt, %broadcast_in_dim3A_77, %lt3A_92 : vector<512x1xf32>
    %jit3A_94 = arith.constant 2.500000e+03 : f32
    %broadcast_in_dim3A_95 = vector.broadcast %jit3A_94 : f32 to vector<512x1xf32>
    %select_n3A_96 = arith.select %lt3A_93, %broadcast_in_dim3A_85, %broadcast_in_dim3A_95 : vector<512x1xi1>, vector<512x1xf32>
    %reduce_min3A_97 = arith.constant dense<0x7F800000> : vector<512xf32>
    %reduce_min3A_98 = vector.multi_reduction <minimumf>, %select_n3A_90, %reduce_min3A_97 [1] : vector<512x2560xf32> to vector<512xf32>
    %broadcast_in_dim3A_99 = vector.shape_cast %reduce_min3A_98 : vector<512xf32> to vector<512x1xf32>
    %eq3A_100 = vector.broadcast %broadcast_in_dim3A_99 : vector<512x1xf32> to vector<512x2560xf32>
    %eq3A_101 = arith.cmpf oeq, %select_n3A_90, %eq3A_100 : vector<512x2560xf32>
    %jit3A_102 = arith.constant 2.560000e+03 : f32
    %broadcast_in_dim3A_103 = vector.broadcast %jit3A_102 : f32 to vector<512x2560xf32>
    %select_n3A_104 = arith.select %eq3A_101, %convert_element_type3A, %broadcast_in_dim3A_103 : vector<512x2560xi1>, vector<512x2560xf32>
    %reduce_min3A_105 = arith.constant dense<0x7F800000> : vector<512xf32>
    %reduce_min3A_106 = vector.multi_reduction <minimumf>, %select_n3A_104, %reduce_min3A_105 [1] : vector<512x2560xf32> to vector<512xf32>
    %broadcast_in_dim3A_107 = vector.shape_cast %reduce_min3A_106 : vector<512xf32> to vector<512x1xf32>
    %eq3A_108 = vector.broadcast %broadcast_in_dim3A_107 : vector<512x1xf32> to vector<512x2560xf32>
    %eq3A_109 = arith.cmpf oeq, %convert_element_type3A, %eq3A_108 : vector<512x2560xf32>
    %jit3A_110 = arith.constant 1.000000e+30 : f32
    %broadcast_in_dim3A_111 = vector.broadcast %jit3A_110 : f32 to vector<512x2560xf32>
    %select_n3A_112 = arith.select %eq3A_109, %broadcast_in_dim3A_111, %select_n3A_90 : vector<512x2560xi1>, vector<512x2560xf32>
    %lt3A_113 = arith.constant 1.000000e+29 : f32
    %lt3A_114 = vector.broadcast %lt3A_113 : f32 to vector<512x1xf32>
    %lt3A_115 = arith.cmpf olt, %broadcast_in_dim3A_99, %lt3A_114 : vector<512x1xf32>
    %jit3A_116 = arith.constant 2.500000e+03 : f32
    %broadcast_in_dim3A_117 = vector.broadcast %jit3A_116 : f32 to vector<512x1xf32>
    %select_n3A_118 = arith.select %lt3A_115, %broadcast_in_dim3A_107, %broadcast_in_dim3A_117 : vector<512x1xi1>, vector<512x1xf32>
    %reduce_min3A_119 = arith.constant dense<0x7F800000> : vector<512xf32>
    %reduce_min3A_120 = vector.multi_reduction <minimumf>, %select_n3A_112, %reduce_min3A_119 [1] : vector<512x2560xf32> to vector<512xf32>
    %broadcast_in_dim3A_121 = vector.shape_cast %reduce_min3A_120 : vector<512xf32> to vector<512x1xf32>
    %eq3A_122 = vector.broadcast %broadcast_in_dim3A_121 : vector<512x1xf32> to vector<512x2560xf32>
    %eq3A_123 = arith.cmpf oeq, %select_n3A_112, %eq3A_122 : vector<512x2560xf32>
    %jit3A_124 = arith.constant 2.560000e+03 : f32
    %broadcast_in_dim3A_125 = vector.broadcast %jit3A_124 : f32 to vector<512x2560xf32>
    %select_n3A_126 = arith.select %eq3A_123, %convert_element_type3A, %broadcast_in_dim3A_125 : vector<512x2560xi1>, vector<512x2560xf32>
    %reduce_min3A_127 = arith.constant dense<0x7F800000> : vector<512xf32>
    %reduce_min3A_128 = vector.multi_reduction <minimumf>, %select_n3A_126, %reduce_min3A_127 [1] : vector<512x2560xf32> to vector<512xf32>
    %broadcast_in_dim3A_129 = vector.shape_cast %reduce_min3A_128 : vector<512xf32> to vector<512x1xf32>
    %eq3A_130 = vector.broadcast %broadcast_in_dim3A_129 : vector<512x1xf32> to vector<512x2560xf32>
    %eq3A_131 = arith.cmpf oeq, %convert_element_type3A, %eq3A_130 : vector<512x2560xf32>
    %jit3A_132 = arith.constant 1.000000e+30 : f32
    %broadcast_in_dim3A_133 = vector.broadcast %jit3A_132 : f32 to vector<512x2560xf32>
    %select_n3A_134 = arith.select %eq3A_131, %broadcast_in_dim3A_133, %select_n3A_112 : vector<512x2560xi1>, vector<512x2560xf32>
    %lt3A_135 = arith.constant 1.000000e+29 : f32
    %lt3A_136 = vector.broadcast %lt3A_135 : f32 to vector<512x1xf32>
    %lt3A_137 = arith.cmpf olt, %broadcast_in_dim3A_121, %lt3A_136 : vector<512x1xf32>
    %jit3A_138 = arith.constant 2.500000e+03 : f32
    %broadcast_in_dim3A_139 = vector.broadcast %jit3A_138 : f32 to vector<512x1xf32>
    %select_n3A_140 = arith.select %lt3A_137, %broadcast_in_dim3A_129, %broadcast_in_dim3A_139 : vector<512x1xi1>, vector<512x1xf32>
    %reduce_min3A_141 = arith.constant dense<0x7F800000> : vector<512xf32>
    %reduce_min3A_142 = vector.multi_reduction <minimumf>, %select_n3A_134, %reduce_min3A_141 [1] : vector<512x2560xf32> to vector<512xf32>
    %broadcast_in_dim3A_143 = vector.shape_cast %reduce_min3A_142 : vector<512xf32> to vector<512x1xf32>
    %eq3A_144 = vector.broadcast %broadcast_in_dim3A_143 : vector<512x1xf32> to vector<512x2560xf32>
    %eq3A_145 = arith.cmpf oeq, %select_n3A_134, %eq3A_144 : vector<512x2560xf32>
    %jit3A_146 = arith.constant 2.560000e+03 : f32
    %broadcast_in_dim3A_147 = vector.broadcast %jit3A_146 : f32 to vector<512x2560xf32>
    %select_n3A_148 = arith.select %eq3A_145, %convert_element_type3A, %broadcast_in_dim3A_147 : vector<512x2560xi1>, vector<512x2560xf32>
    %reduce_min3A_149 = arith.constant dense<0x7F800000> : vector<512xf32>
    %reduce_min3A_150 = vector.multi_reduction <minimumf>, %select_n3A_148, %reduce_min3A_149 [1] : vector<512x2560xf32> to vector<512xf32>
    %broadcast_in_dim3A_151 = vector.shape_cast %reduce_min3A_150 : vector<512xf32> to vector<512x1xf32>
    %eq3A_152 = vector.broadcast %broadcast_in_dim3A_151 : vector<512x1xf32> to vector<512x2560xf32>
    %eq3A_153 = arith.cmpf oeq, %convert_element_type3A, %eq3A_152 : vector<512x2560xf32>
    %jit3A_154 = arith.constant 1.000000e+30 : f32
    %broadcast_in_dim3A_155 = vector.broadcast %jit3A_154 : f32 to vector<512x2560xf32>
    %select_n3A_156 = arith.select %eq3A_153, %broadcast_in_dim3A_155, %select_n3A_134 : vector<512x2560xi1>, vector<512x2560xf32>
    %lt3A_157 = arith.constant 1.000000e+29 : f32
    %lt3A_158 = vector.broadcast %lt3A_157 : f32 to vector<512x1xf32>
    %lt3A_159 = arith.cmpf olt, %broadcast_in_dim3A_143, %lt3A_158 : vector<512x1xf32>
    %jit3A_160 = arith.constant 2.500000e+03 : f32
    %broadcast_in_dim3A_161 = vector.broadcast %jit3A_160 : f32 to vector<512x1xf32>
    %select_n3A_162 = arith.select %lt3A_159, %broadcast_in_dim3A_151, %broadcast_in_dim3A_161 : vector<512x1xi1>, vector<512x1xf32>
    %reduce_min3A_163 = arith.constant dense<0x7F800000> : vector<512xf32>
    %reduce_min3A_164 = vector.multi_reduction <minimumf>, %select_n3A_156, %reduce_min3A_163 [1] : vector<512x2560xf32> to vector<512xf32>
    %broadcast_in_dim3A_165 = vector.shape_cast %reduce_min3A_164 : vector<512xf32> to vector<512x1xf32>
    %eq3A_166 = vector.broadcast %broadcast_in_dim3A_165 : vector<512x1xf32> to vector<512x2560xf32>
    %eq3A_167 = arith.cmpf oeq, %select_n3A_156, %eq3A_166 : vector<512x2560xf32>
    %jit3A_168 = arith.constant 2.560000e+03 : f32
    %broadcast_in_dim3A_169 = vector.broadcast %jit3A_168 : f32 to vector<512x2560xf32>
    %select_n3A_170 = arith.select %eq3A_167, %convert_element_type3A, %broadcast_in_dim3A_169 : vector<512x2560xi1>, vector<512x2560xf32>
    %reduce_min3A_171 = arith.constant dense<0x7F800000> : vector<512xf32>
    %reduce_min3A_172 = vector.multi_reduction <minimumf>, %select_n3A_170, %reduce_min3A_171 [1] : vector<512x2560xf32> to vector<512xf32>
    %broadcast_in_dim3A_173 = vector.shape_cast %reduce_min3A_172 : vector<512xf32> to vector<512x1xf32>
    %eq3A_174 = vector.broadcast %broadcast_in_dim3A_173 : vector<512x1xf32> to vector<512x2560xf32>
    %eq3A_175 = arith.cmpf oeq, %convert_element_type3A, %eq3A_174 : vector<512x2560xf32>
    %jit3A_176 = arith.constant 1.000000e+30 : f32
    %broadcast_in_dim3A_177 = vector.broadcast %jit3A_176 : f32 to vector<512x2560xf32>
    %select_n3A_178 = arith.select %eq3A_175, %broadcast_in_dim3A_177, %select_n3A_156 : vector<512x2560xi1>, vector<512x2560xf32>
    %lt3A_179 = arith.constant 1.000000e+29 : f32
    %lt3A_180 = vector.broadcast %lt3A_179 : f32 to vector<512x1xf32>
    %lt3A_181 = arith.cmpf olt, %broadcast_in_dim3A_165, %lt3A_180 : vector<512x1xf32>
    %jit3A_182 = arith.constant 2.500000e+03 : f32
    %broadcast_in_dim3A_183 = vector.broadcast %jit3A_182 : f32 to vector<512x1xf32>
    %select_n3A_184 = arith.select %lt3A_181, %broadcast_in_dim3A_173, %broadcast_in_dim3A_183 : vector<512x1xi1>, vector<512x1xf32>
    %reduce_min3A_185 = arith.constant dense<0x7F800000> : vector<512xf32>
    %reduce_min3A_186 = vector.multi_reduction <minimumf>, %select_n3A_178, %reduce_min3A_185 [1] : vector<512x2560xf32> to vector<512xf32>
    %broadcast_in_dim3A_187 = vector.shape_cast %reduce_min3A_186 : vector<512xf32> to vector<512x1xf32>
    %eq3A_188 = vector.broadcast %broadcast_in_dim3A_187 : vector<512x1xf32> to vector<512x2560xf32>
    %eq3A_189 = arith.cmpf oeq, %select_n3A_178, %eq3A_188 : vector<512x2560xf32>
    %jit3A_190 = arith.constant 2.560000e+03 : f32
    %broadcast_in_dim3A_191 = vector.broadcast %jit3A_190 : f32 to vector<512x2560xf32>
    %select_n3A_192 = arith.select %eq3A_189, %convert_element_type3A, %broadcast_in_dim3A_191 : vector<512x2560xi1>, vector<512x2560xf32>
    %reduce_min3A_193 = arith.constant dense<0x7F800000> : vector<512xf32>
    %reduce_min3A_194 = vector.multi_reduction <minimumf>, %select_n3A_192, %reduce_min3A_193 [1] : vector<512x2560xf32> to vector<512xf32>
    %broadcast_in_dim3A_195 = vector.shape_cast %reduce_min3A_194 : vector<512xf32> to vector<512x1xf32>
    %eq3A_196 = vector.broadcast %broadcast_in_dim3A_195 : vector<512x1xf32> to vector<512x2560xf32>
    %eq3A_197 = arith.cmpf oeq, %convert_element_type3A, %eq3A_196 : vector<512x2560xf32>
    %jit3A_198 = arith.constant 1.000000e+30 : f32
    %broadcast_in_dim3A_199 = vector.broadcast %jit3A_198 : f32 to vector<512x2560xf32>
    %select_n3A_200 = arith.select %eq3A_197, %broadcast_in_dim3A_199, %select_n3A_178 : vector<512x2560xi1>, vector<512x2560xf32>
    %lt3A_201 = arith.constant 1.000000e+29 : f32
    %lt3A_202 = vector.broadcast %lt3A_201 : f32 to vector<512x1xf32>
    %lt3A_203 = arith.cmpf olt, %broadcast_in_dim3A_187, %lt3A_202 : vector<512x1xf32>
    %jit3A_204 = arith.constant 2.500000e+03 : f32
    %broadcast_in_dim3A_205 = vector.broadcast %jit3A_204 : f32 to vector<512x1xf32>
    %select_n3A_206 = arith.select %lt3A_203, %broadcast_in_dim3A_195, %broadcast_in_dim3A_205 : vector<512x1xi1>, vector<512x1xf32>
    %reduce_min3A_207 = arith.constant dense<0x7F800000> : vector<512xf32>
    %reduce_min3A_208 = vector.multi_reduction <minimumf>, %select_n3A_200, %reduce_min3A_207 [1] : vector<512x2560xf32> to vector<512xf32>
    %broadcast_in_dim3A_209 = vector.shape_cast %reduce_min3A_208 : vector<512xf32> to vector<512x1xf32>
    %eq3A_210 = vector.broadcast %broadcast_in_dim3A_209 : vector<512x1xf32> to vector<512x2560xf32>
    %eq3A_211 = arith.cmpf oeq, %select_n3A_200, %eq3A_210 : vector<512x2560xf32>
    %jit3A_212 = arith.constant 2.560000e+03 : f32
    %broadcast_in_dim3A_213 = vector.broadcast %jit3A_212 : f32 to vector<512x2560xf32>
    %select_n3A_214 = arith.select %eq3A_211, %convert_element_type3A, %broadcast_in_dim3A_213 : vector<512x2560xi1>, vector<512x2560xf32>
    %reduce_min3A_215 = arith.constant dense<0x7F800000> : vector<512xf32>
    %reduce_min3A_216 = vector.multi_reduction <minimumf>, %select_n3A_214, %reduce_min3A_215 [1] : vector<512x2560xf32> to vector<512xf32>
    %broadcast_in_dim3A_217 = vector.shape_cast %reduce_min3A_216 : vector<512xf32> to vector<512x1xf32>
    %eq3A_218 = vector.broadcast %broadcast_in_dim3A_217 : vector<512x1xf32> to vector<512x2560xf32>
    %eq3A_219 = arith.cmpf oeq, %convert_element_type3A, %eq3A_218 : vector<512x2560xf32>
    %jit3A_220 = arith.constant 1.000000e+30 : f32
    %broadcast_in_dim3A_221 = vector.broadcast %jit3A_220 : f32 to vector<512x2560xf32>
    %select_n3A_222 = arith.select %eq3A_219, %broadcast_in_dim3A_221, %select_n3A_200 : vector<512x2560xi1>, vector<512x2560xf32>
    %lt3A_223 = arith.constant 1.000000e+29 : f32
    %lt3A_224 = vector.broadcast %lt3A_223 : f32 to vector<512x1xf32>
    %lt3A_225 = arith.cmpf olt, %broadcast_in_dim3A_209, %lt3A_224 : vector<512x1xf32>
    %jit3A_226 = arith.constant 2.500000e+03 : f32
    %broadcast_in_dim3A_227 = vector.broadcast %jit3A_226 : f32 to vector<512x1xf32>
    %select_n3A_228 = arith.select %lt3A_225, %broadcast_in_dim3A_217, %broadcast_in_dim3A_227 : vector<512x1xi1>, vector<512x1xf32>
    %reduce_min3A_229 = arith.constant dense<0x7F800000> : vector<512xf32>
    %reduce_min3A_230 = vector.multi_reduction <minimumf>, %select_n3A_222, %reduce_min3A_229 [1] : vector<512x2560xf32> to vector<512xf32>
    %broadcast_in_dim3A_231 = vector.shape_cast %reduce_min3A_230 : vector<512xf32> to vector<512x1xf32>
    %eq3A_232 = vector.broadcast %broadcast_in_dim3A_231 : vector<512x1xf32> to vector<512x2560xf32>
    %eq3A_233 = arith.cmpf oeq, %select_n3A_222, %eq3A_232 : vector<512x2560xf32>
    %jit3A_234 = arith.constant 2.560000e+03 : f32
    %broadcast_in_dim3A_235 = vector.broadcast %jit3A_234 : f32 to vector<512x2560xf32>
    %select_n3A_236 = arith.select %eq3A_233, %convert_element_type3A, %broadcast_in_dim3A_235 : vector<512x2560xi1>, vector<512x2560xf32>
    %reduce_min3A_237 = arith.constant dense<0x7F800000> : vector<512xf32>
    %reduce_min3A_238 = vector.multi_reduction <minimumf>, %select_n3A_236, %reduce_min3A_237 [1] : vector<512x2560xf32> to vector<512xf32>
    %broadcast_in_dim3A_239 = vector.shape_cast %reduce_min3A_238 : vector<512xf32> to vector<512x1xf32>
    %eq3A_240 = vector.broadcast %broadcast_in_dim3A_239 : vector<512x1xf32> to vector<512x2560xf32>
    %eq3A_241 = arith.cmpf oeq, %convert_element_type3A, %eq3A_240 : vector<512x2560xf32>
    %jit3A_242 = arith.constant 1.000000e+30 : f32
    %broadcast_in_dim3A_243 = vector.broadcast %jit3A_242 : f32 to vector<512x2560xf32>
    %select_n3A_244 = arith.select %eq3A_241, %broadcast_in_dim3A_243, %select_n3A_222 : vector<512x2560xi1>, vector<512x2560xf32>
    %lt3A_245 = arith.constant 1.000000e+29 : f32
    %lt3A_246 = vector.broadcast %lt3A_245 : f32 to vector<512x1xf32>
    %lt3A_247 = arith.cmpf olt, %broadcast_in_dim3A_231, %lt3A_246 : vector<512x1xf32>
    %jit3A_248 = arith.constant 2.500000e+03 : f32
    %broadcast_in_dim3A_249 = vector.broadcast %jit3A_248 : f32 to vector<512x1xf32>
    %select_n3A_250 = arith.select %lt3A_247, %broadcast_in_dim3A_239, %broadcast_in_dim3A_249 : vector<512x1xi1>, vector<512x1xf32>
    %reduce_min3A_251 = arith.constant dense<0x7F800000> : vector<512xf32>
    %reduce_min3A_252 = vector.multi_reduction <minimumf>, %select_n3A_244, %reduce_min3A_251 [1] : vector<512x2560xf32> to vector<512xf32>
    %broadcast_in_dim3A_253 = vector.shape_cast %reduce_min3A_252 : vector<512xf32> to vector<512x1xf32>
    %eq3A_254 = vector.broadcast %broadcast_in_dim3A_253 : vector<512x1xf32> to vector<512x2560xf32>
    %eq3A_255 = arith.cmpf oeq, %select_n3A_244, %eq3A_254 : vector<512x2560xf32>
    %jit3A_256 = arith.constant 2.560000e+03 : f32
    %broadcast_in_dim3A_257 = vector.broadcast %jit3A_256 : f32 to vector<512x2560xf32>
    %select_n3A_258 = arith.select %eq3A_255, %convert_element_type3A, %broadcast_in_dim3A_257 : vector<512x2560xi1>, vector<512x2560xf32>
    %reduce_min3A_259 = arith.constant dense<0x7F800000> : vector<512xf32>
    %reduce_min3A_260 = vector.multi_reduction <minimumf>, %select_n3A_258, %reduce_min3A_259 [1] : vector<512x2560xf32> to vector<512xf32>
    %broadcast_in_dim3A_261 = vector.shape_cast %reduce_min3A_260 : vector<512xf32> to vector<512x1xf32>
    %eq3A_262 = vector.broadcast %broadcast_in_dim3A_261 : vector<512x1xf32> to vector<512x2560xf32>
    %eq3A_263 = arith.cmpf oeq, %convert_element_type3A, %eq3A_262 : vector<512x2560xf32>
    %jit3A_264 = arith.constant 1.000000e+30 : f32
    %broadcast_in_dim3A_265 = vector.broadcast %jit3A_264 : f32 to vector<512x2560xf32>
    %select_n3A_266 = arith.select %eq3A_263, %broadcast_in_dim3A_265, %select_n3A_244 : vector<512x2560xi1>, vector<512x2560xf32>
    %lt3A_267 = arith.constant 1.000000e+29 : f32
    %lt3A_268 = vector.broadcast %lt3A_267 : f32 to vector<512x1xf32>
    %lt3A_269 = arith.cmpf olt, %broadcast_in_dim3A_253, %lt3A_268 : vector<512x1xf32>
    %jit3A_270 = arith.constant 2.500000e+03 : f32
    %broadcast_in_dim3A_271 = vector.broadcast %jit3A_270 : f32 to vector<512x1xf32>
    %select_n3A_272 = arith.select %lt3A_269, %broadcast_in_dim3A_261, %broadcast_in_dim3A_271 : vector<512x1xi1>, vector<512x1xf32>
    %reduce_min3A_273 = arith.constant dense<0x7F800000> : vector<512xf32>
    %reduce_min3A_274 = vector.multi_reduction <minimumf>, %select_n3A_266, %reduce_min3A_273 [1] : vector<512x2560xf32> to vector<512xf32>
    %broadcast_in_dim3A_275 = vector.shape_cast %reduce_min3A_274 : vector<512xf32> to vector<512x1xf32>
    %eq3A_276 = vector.broadcast %broadcast_in_dim3A_275 : vector<512x1xf32> to vector<512x2560xf32>
    %eq3A_277 = arith.cmpf oeq, %select_n3A_266, %eq3A_276 : vector<512x2560xf32>
    %jit3A_278 = arith.constant 2.560000e+03 : f32
    %broadcast_in_dim3A_279 = vector.broadcast %jit3A_278 : f32 to vector<512x2560xf32>
    %select_n3A_280 = arith.select %eq3A_277, %convert_element_type3A, %broadcast_in_dim3A_279 : vector<512x2560xi1>, vector<512x2560xf32>
    %reduce_min3A_281 = arith.constant dense<0x7F800000> : vector<512xf32>
    %reduce_min3A_282 = vector.multi_reduction <minimumf>, %select_n3A_280, %reduce_min3A_281 [1] : vector<512x2560xf32> to vector<512xf32>
    %broadcast_in_dim3A_283 = vector.shape_cast %reduce_min3A_282 : vector<512xf32> to vector<512x1xf32>
    %eq3A_284 = vector.broadcast %broadcast_in_dim3A_283 : vector<512x1xf32> to vector<512x2560xf32>
    %eq3A_285 = arith.cmpf oeq, %convert_element_type3A, %eq3A_284 : vector<512x2560xf32>
    %jit3A_286 = arith.constant 1.000000e+30 : f32
    %broadcast_in_dim3A_287 = vector.broadcast %jit3A_286 : f32 to vector<512x2560xf32>
    %select_n3A_288 = arith.select %eq3A_285, %broadcast_in_dim3A_287, %select_n3A_266 : vector<512x2560xi1>, vector<512x2560xf32>
    %lt3A_289 = arith.constant 1.000000e+29 : f32
    %lt3A_290 = vector.broadcast %lt3A_289 : f32 to vector<512x1xf32>
    %lt3A_291 = arith.cmpf olt, %broadcast_in_dim3A_275, %lt3A_290 : vector<512x1xf32>
    %jit3A_292 = arith.constant 2.500000e+03 : f32
    %broadcast_in_dim3A_293 = vector.broadcast %jit3A_292 : f32 to vector<512x1xf32>
    %select_n3A_294 = arith.select %lt3A_291, %broadcast_in_dim3A_283, %broadcast_in_dim3A_293 : vector<512x1xi1>, vector<512x1xf32>
    %reduce_min3A_295 = arith.constant dense<0x7F800000> : vector<512xf32>
    %reduce_min3A_296 = vector.multi_reduction <minimumf>, %select_n3A_288, %reduce_min3A_295 [1] : vector<512x2560xf32> to vector<512xf32>
    %broadcast_in_dim3A_297 = vector.shape_cast %reduce_min3A_296 : vector<512xf32> to vector<512x1xf32>
    %eq3A_298 = vector.broadcast %broadcast_in_dim3A_297 : vector<512x1xf32> to vector<512x2560xf32>
    %eq3A_299 = arith.cmpf oeq, %select_n3A_288, %eq3A_298 : vector<512x2560xf32>
    %jit3A_300 = arith.constant 2.560000e+03 : f32
    %broadcast_in_dim3A_301 = vector.broadcast %jit3A_300 : f32 to vector<512x2560xf32>
    %select_n3A_302 = arith.select %eq3A_299, %convert_element_type3A, %broadcast_in_dim3A_301 : vector<512x2560xi1>, vector<512x2560xf32>
    %reduce_min3A_303 = arith.constant dense<0x7F800000> : vector<512xf32>
    %reduce_min3A_304 = vector.multi_reduction <minimumf>, %select_n3A_302, %reduce_min3A_303 [1] : vector<512x2560xf32> to vector<512xf32>
    %broadcast_in_dim3A_305 = vector.shape_cast %reduce_min3A_304 : vector<512xf32> to vector<512x1xf32>
    %eq3A_306 = vector.broadcast %broadcast_in_dim3A_305 : vector<512x1xf32> to vector<512x2560xf32>
    %eq3A_307 = arith.cmpf oeq, %convert_element_type3A, %eq3A_306 : vector<512x2560xf32>
    %jit3A_308 = arith.constant 1.000000e+30 : f32
    %broadcast_in_dim3A_309 = vector.broadcast %jit3A_308 : f32 to vector<512x2560xf32>
    %select_n3A_310 = arith.select %eq3A_307, %broadcast_in_dim3A_309, %select_n3A_288 : vector<512x2560xi1>, vector<512x2560xf32>
    %lt3A_311 = arith.constant 1.000000e+29 : f32
    %lt3A_312 = vector.broadcast %lt3A_311 : f32 to vector<512x1xf32>
    %lt3A_313 = arith.cmpf olt, %broadcast_in_dim3A_297, %lt3A_312 : vector<512x1xf32>
    %jit3A_314 = arith.constant 2.500000e+03 : f32
    %broadcast_in_dim3A_315 = vector.broadcast %jit3A_314 : f32 to vector<512x1xf32>
    %select_n3A_316 = arith.select %lt3A_313, %broadcast_in_dim3A_305, %broadcast_in_dim3A_315 : vector<512x1xi1>, vector<512x1xf32>
    %reduce_min3A_317 = arith.constant dense<0x7F800000> : vector<512xf32>
    %reduce_min3A_318 = vector.multi_reduction <minimumf>, %select_n3A_310, %reduce_min3A_317 [1] : vector<512x2560xf32> to vector<512xf32>
    %broadcast_in_dim3A_319 = vector.shape_cast %reduce_min3A_318 : vector<512xf32> to vector<512x1xf32>
    %eq3A_320 = vector.broadcast %broadcast_in_dim3A_319 : vector<512x1xf32> to vector<512x2560xf32>
    %eq3A_321 = arith.cmpf oeq, %select_n3A_310, %eq3A_320 : vector<512x2560xf32>
    %jit3A_322 = arith.constant 2.560000e+03 : f32
    %broadcast_in_dim3A_323 = vector.broadcast %jit3A_322 : f32 to vector<512x2560xf32>
    %select_n3A_324 = arith.select %eq3A_321, %convert_element_type3A, %broadcast_in_dim3A_323 : vector<512x2560xi1>, vector<512x2560xf32>
    %reduce_min3A_325 = arith.constant dense<0x7F800000> : vector<512xf32>
    %reduce_min3A_326 = vector.multi_reduction <minimumf>, %select_n3A_324, %reduce_min3A_325 [1] : vector<512x2560xf32> to vector<512xf32>
    %broadcast_in_dim3A_327 = vector.shape_cast %reduce_min3A_326 : vector<512xf32> to vector<512x1xf32>
    %eq3A_328 = vector.broadcast %broadcast_in_dim3A_327 : vector<512x1xf32> to vector<512x2560xf32>
    %eq3A_329 = arith.cmpf oeq, %convert_element_type3A, %eq3A_328 : vector<512x2560xf32>
    %jit3A_330 = arith.constant 1.000000e+30 : f32
    %broadcast_in_dim3A_331 = vector.broadcast %jit3A_330 : f32 to vector<512x2560xf32>
    %select_n3A_332 = arith.select %eq3A_329, %broadcast_in_dim3A_331, %select_n3A_310 : vector<512x2560xi1>, vector<512x2560xf32>
    %lt3A_333 = arith.constant 1.000000e+29 : f32
    %lt3A_334 = vector.broadcast %lt3A_333 : f32 to vector<512x1xf32>
    %lt3A_335 = arith.cmpf olt, %broadcast_in_dim3A_319, %lt3A_334 : vector<512x1xf32>
    %jit3A_336 = arith.constant 2.500000e+03 : f32
    %broadcast_in_dim3A_337 = vector.broadcast %jit3A_336 : f32 to vector<512x1xf32>
    %select_n3A_338 = arith.select %lt3A_335, %broadcast_in_dim3A_327, %broadcast_in_dim3A_337 : vector<512x1xi1>, vector<512x1xf32>
    %reduce_min3A_339 = arith.constant dense<0x7F800000> : vector<512xf32>
    %reduce_min3A_340 = vector.multi_reduction <minimumf>, %select_n3A_332, %reduce_min3A_339 [1] : vector<512x2560xf32> to vector<512xf32>
    %broadcast_in_dim3A_341 = vector.shape_cast %reduce_min3A_340 : vector<512xf32> to vector<512x1xf32>
    %eq3A_342 = vector.broadcast %broadcast_in_dim3A_341 : vector<512x1xf32> to vector<512x2560xf32>
    %eq3A_343 = arith.cmpf oeq, %select_n3A_332, %eq3A_342 : vector<512x2560xf32>
    %jit3A_344 = arith.constant 2.560000e+03 : f32
    %broadcast_in_dim3A_345 = vector.broadcast %jit3A_344 : f32 to vector<512x2560xf32>
    %select_n3A_346 = arith.select %eq3A_343, %convert_element_type3A, %broadcast_in_dim3A_345 : vector<512x2560xi1>, vector<512x2560xf32>
    %reduce_min3A_347 = arith.constant dense<0x7F800000> : vector<512xf32>
    %reduce_min3A_348 = vector.multi_reduction <minimumf>, %select_n3A_346, %reduce_min3A_347 [1] : vector<512x2560xf32> to vector<512xf32>
    %broadcast_in_dim3A_349 = vector.shape_cast %reduce_min3A_348 : vector<512xf32> to vector<512x1xf32>
    %eq3A_350 = vector.broadcast %broadcast_in_dim3A_349 : vector<512x1xf32> to vector<512x2560xf32>
    %eq3A_351 = arith.cmpf oeq, %convert_element_type3A, %eq3A_350 : vector<512x2560xf32>
    %jit3A_352 = arith.constant 1.000000e+30 : f32
    %broadcast_in_dim3A_353 = vector.broadcast %jit3A_352 : f32 to vector<512x2560xf32>
    %select_n3A_354 = arith.select %eq3A_351, %broadcast_in_dim3A_353, %select_n3A_332 : vector<512x2560xi1>, vector<512x2560xf32>
    %lt3A_355 = arith.constant 1.000000e+29 : f32
    %lt3A_356 = vector.broadcast %lt3A_355 : f32 to vector<512x1xf32>
    %lt3A_357 = arith.cmpf olt, %broadcast_in_dim3A_341, %lt3A_356 : vector<512x1xf32>
    %jit3A_358 = arith.constant 2.500000e+03 : f32
    %broadcast_in_dim3A_359 = vector.broadcast %jit3A_358 : f32 to vector<512x1xf32>
    %select_n3A_360 = arith.select %lt3A_357, %broadcast_in_dim3A_349, %broadcast_in_dim3A_359 : vector<512x1xi1>, vector<512x1xf32>
    %reduce_min3A_361 = arith.constant dense<0x7F800000> : vector<512xf32>
    %reduce_min3A_362 = vector.multi_reduction <minimumf>, %select_n3A_354, %reduce_min3A_361 [1] : vector<512x2560xf32> to vector<512xf32>
    %broadcast_in_dim3A_363 = vector.shape_cast %reduce_min3A_362 : vector<512xf32> to vector<512x1xf32>
    %eq3A_364 = vector.broadcast %broadcast_in_dim3A_363 : vector<512x1xf32> to vector<512x2560xf32>
    %eq3A_365 = arith.cmpf oeq, %select_n3A_354, %eq3A_364 : vector<512x2560xf32>
    %jit3A_366 = arith.constant 2.560000e+03 : f32
    %broadcast_in_dim3A_367 = vector.broadcast %jit3A_366 : f32 to vector<512x2560xf32>
    %select_n3A_368 = arith.select %eq3A_365, %convert_element_type3A, %broadcast_in_dim3A_367 : vector<512x2560xi1>, vector<512x2560xf32>
    %reduce_min3A_369 = arith.constant dense<0x7F800000> : vector<512xf32>
    %reduce_min3A_370 = vector.multi_reduction <minimumf>, %select_n3A_368, %reduce_min3A_369 [1] : vector<512x2560xf32> to vector<512xf32>
    %broadcast_in_dim3A_371 = vector.shape_cast %reduce_min3A_370 : vector<512xf32> to vector<512x1xf32>
    %eq3A_372 = vector.broadcast %broadcast_in_dim3A_371 : vector<512x1xf32> to vector<512x2560xf32>
    %eq3A_373 = arith.cmpf oeq, %convert_element_type3A, %eq3A_372 : vector<512x2560xf32>
    %jit3A_374 = arith.constant 1.000000e+30 : f32
    %broadcast_in_dim3A_375 = vector.broadcast %jit3A_374 : f32 to vector<512x2560xf32>
    %select_n3A_376 = arith.select %eq3A_373, %broadcast_in_dim3A_375, %select_n3A_354 : vector<512x2560xi1>, vector<512x2560xf32>
    %lt3A_377 = arith.constant 1.000000e+29 : f32
    %lt3A_378 = vector.broadcast %lt3A_377 : f32 to vector<512x1xf32>
    %lt3A_379 = arith.cmpf olt, %broadcast_in_dim3A_363, %lt3A_378 : vector<512x1xf32>
    %jit3A_380 = arith.constant 2.500000e+03 : f32
    %broadcast_in_dim3A_381 = vector.broadcast %jit3A_380 : f32 to vector<512x1xf32>
    %select_n3A_382 = arith.select %lt3A_379, %broadcast_in_dim3A_371, %broadcast_in_dim3A_381 : vector<512x1xi1>, vector<512x1xf32>
    %reduce_min3A_383 = arith.constant dense<0x7F800000> : vector<512xf32>
    %reduce_min3A_384 = vector.multi_reduction <minimumf>, %select_n3A_376, %reduce_min3A_383 [1] : vector<512x2560xf32> to vector<512xf32>
    %broadcast_in_dim3A_385 = vector.shape_cast %reduce_min3A_384 : vector<512xf32> to vector<512x1xf32>
    %eq3A_386 = vector.broadcast %broadcast_in_dim3A_385 : vector<512x1xf32> to vector<512x2560xf32>
    %eq3A_387 = arith.cmpf oeq, %select_n3A_376, %eq3A_386 : vector<512x2560xf32>
    %jit3A_388 = arith.constant 2.560000e+03 : f32
    %broadcast_in_dim3A_389 = vector.broadcast %jit3A_388 : f32 to vector<512x2560xf32>
    %select_n3A_390 = arith.select %eq3A_387, %convert_element_type3A, %broadcast_in_dim3A_389 : vector<512x2560xi1>, vector<512x2560xf32>
    %reduce_min3A_391 = arith.constant dense<0x7F800000> : vector<512xf32>
    %reduce_min3A_392 = vector.multi_reduction <minimumf>, %select_n3A_390, %reduce_min3A_391 [1] : vector<512x2560xf32> to vector<512xf32>
    %broadcast_in_dim3A_393 = vector.shape_cast %reduce_min3A_392 : vector<512xf32> to vector<512x1xf32>
    %lt3A_394 = arith.constant 1.000000e+29 : f32
    %lt3A_395 = vector.broadcast %lt3A_394 : f32 to vector<512x1xf32>
    %lt3A_396 = arith.cmpf olt, %broadcast_in_dim3A_385, %lt3A_395 : vector<512x1xf32>
    %jit3A_397 = arith.constant 2.500000e+03 : f32
    %broadcast_in_dim3A_398 = vector.broadcast %jit3A_397 : f32 to vector<512x1xf32>
    %select_n3A_399 = arith.select %lt3A_396, %broadcast_in_dim3A_393, %broadcast_in_dim3A_398 : vector<512x1xi1>, vector<512x1xf32>
    %concatenate3A = tpu.concatenate %select_n3A_74, %select_n3A_96, %select_n3A_118, %select_n3A_140, %select_n3A_162, %select_n3A_184, %select_n3A_206, %select_n3A_228, %select_n3A_250, %select_n3A_272, %select_n3A_294, %select_n3A_316, %select_n3A_338, %select_n3A_360, %select_n3A_382, %select_n3A_399 in 1 : vector<512x1xf32>, vector<512x1xf32>, vector<512x1xf32>, vector<512x1xf32>, vector<512x1xf32>, vector<512x1xf32>, vector<512x1xf32>, vector<512x1xf32>, vector<512x1xf32>, vector<512x1xf32>, vector<512x1xf32>, vector<512x1xf32>, vector<512x1xf32>, vector<512x1xf32>, vector<512x1xf32>, vector<512x1xf32> -> vector<512x16xf32>
    %convert_element_type3A_400 = arith.fptosi %concatenate3A : vector<512x16xf32> to vector<512x16xi32>
    %mul3A_401 = arith.constant 2560 : i32
    %mul3A_402 = arith.muli %arg0, %mul3A_401 : i32
    %add3A_403 = vector.broadcast %mul3A_402 : i32 to vector<512x16xi32>
    %add3A_404 = arith.addi %convert_element_type3A_400, %add3A_403 : vector<512x16xi32>
    %swap3A = arith.constant 0 : index
    %swap3A_405 = arith.constant 0 : index
    %swap3A_406 = arith.constant 0 : index
    %swap3A_407 = vector.load %arg4[%swap3A, %swap3A_405, %swap3A_406] : memref<1x512x16xi32, #tpu.memory_space<vmem>>, vector<1x512x16xi32>
    %swap3A_408 = vector.shape_cast %swap3A_407 : vector<1x512x16xi32> to vector<512x16xi32>
    %swap3A_409 = vector.shape_cast %add3A_404 : vector<512x16xi32> to vector<1x512x16xi32>
    tpu.vector_store %arg4[%swap3A, %swap3A_405, %swap3A_406], %swap3A_409 {strides = array<i32>} : memref<1x512x16xi32, #tpu.memory_space<vmem>>, vector<1x512x16xi32>,
    return
  }
  func.func @transform_0(%arg0: i32, %arg1: i32) -> (i32, i32, i32) {
    %c0_i32 = arith.constant 0 : i32
    %c0_i32_0 = arith.constant 0 : i32
    return %arg0, %arg1, %c0_i32 : i32, i32, i32
  }
  func.func @transform_1(%arg0: i32, %arg1: i32) -> (i32, i32, i32) {
    %c0_i32 = arith.constant 0 : i32
    %c0_i32_0 = arith.constant 0 : i32
    %c0_i32_1 = arith.constant 0 : i32
    return %arg0, %c0_i32, %c0_i32_0 : i32, i32, i32
  }
  func.func @transform_2(%arg0: i32, %arg1: i32) -> (i32, i32, i32) {
    %c0_i32 = arith.constant 0 : i32
    %c0_i32_0 = arith.constant 0 : i32
    return %arg0, %arg1, %c0_i32 : i32, i32, i32
  }
}

module attributes {stable_mosaic.version = 14 : i64} {
  func.func @_mid_kernel(%arg0: i32, %arg1: memref<1x1280x256xf32, #tpu.memory_space<vmem>>, %arg2: memref<1x1280x16xf32, #tpu.memory_space<vmem>>, %arg3: memref<16x256xf32, #tpu.memory_space<vmem>>, %arg4: memref<256x128xf32, #tpu.memory_space<vmem>>, %arg5: memref<16x128xf32, #tpu.memory_space<vmem>>, %arg6: memref<1x128xf32, #tpu.memory_space<vmem>>, %arg7: memref<1x1280x128xf32, #tpu.memory_space<vmem>>) attributes {dimension_semantics = [#tpu.dimension_semantics<arbitrary>], iteration_bounds = array<i64: 2>, scalar_prefetch = 0 : i64, scratch_operands = 0 : i64, tpu.core_type = #tpu.core_type<tc>, window_params = [{transform_indices = @transform_0, window_bounds = array<i64: 1, 1280, 256>}, {transform_indices = @transform_1, window_bounds = array<i64: 1, 1280, 16>}, {pipeline_mode = #tpu.pipeline_mode<synchronous>, transform_indices = @transform_2, window_bounds = array<i64: 16, 256>}, {pipeline_mode = #tpu.pipeline_mode<synchronous>, transform_indices = @transform_3, window_bounds = array<i64: 256, 128>}, {pipeline_mode = #tpu.pipeline_mode<synchronous>, transform_indices = @transform_4, window_bounds = array<i64: 16, 128>}, {pipeline_mode = #tpu.pipeline_mode<synchronous>, transform_indices = @transform_5, window_bounds = array<i64: 1, 128>}, {transform_indices = @transform_6, window_bounds = array<i64: 1, 1280, 128>}]} {
    %get3A = arith.constant 0 : index
    %get3A_0 = arith.constant 0 : index
    %get3A_1 = arith.constant 0 : index
    %get3A_2 = vector.load %arg2[%get3A, %get3A_0, %get3A_1] : memref<1x1280x16xf32, #tpu.memory_space<vmem>>, vector<1x1280x16xf32>
    %get3A_3 = vector.shape_cast %get3A_2 : vector<1x1280x16xf32> to vector<1280x16xf32>
    %get3A_4 = arith.constant 0 : index
    %get3A_5 = arith.constant 0 : index
    %get3A_6 = vector.load %arg3[%get3A_4, %get3A_5] : memref<16x256xf32, #tpu.memory_space<vmem>>, vector<16x256xf32>
    %dot_general3A = arith.constant dense<0.000000e+00> : vector<1280x256xf32>
    %dot_general3A_7 = tpu.matmul %get3A_3, %get3A_6, %dot_general3A {dimension_numbers = #tpu.dot_dimension_numbers<[1], [0], [0], [1], [0, 0, 1, 1], [], []>, transpose_lhs_hint = false} : vector<1280x16xf32>, vector<16x256xf32>, vector<1280x256xf32> -> vector<1280x256xf32>
    %get3A_8 = arith.constant 0 : index
    %get3A_9 = arith.constant 0 : index
    %get3A_10 = arith.constant 0 : index
    %get3A_11 = vector.load %arg1[%get3A_8, %get3A_9, %get3A_10] : memref<1x1280x256xf32, #tpu.memory_space<vmem>>, vector<1x1280x256xf32>
    %get3A_12 = vector.shape_cast %get3A_11 : vector<1x1280x256xf32> to vector<1280x256xf32>
    %sub3A = arith.subf %get3A_12, %dot_general3A_7 : vector<1280x256xf32>
    %max3A = arith.constant 0.000000e+00 : f32
    %max3A_13 = vector.broadcast %max3A : f32 to vector<1280x256xf32>
    %max3A_14 = arith.maximumf %sub3A, %max3A_13 : vector<1280x256xf32>
    %get3A_15 = arith.constant 0 : index
    %get3A_16 = arith.constant 0 : index
    %get3A_17 = vector.load %arg4[%get3A_15, %get3A_16] : memref<256x128xf32, #tpu.memory_space<vmem>>, vector<256x128xf32>
    %dot_general3A_18 = arith.constant dense<0.000000e+00> : vector<1280x128xf32>
    %dot_general3A_19 = tpu.matmul %max3A_14, %get3A_17, %dot_general3A_18 {dimension_numbers = #tpu.dot_dimension_numbers<[1], [0], [0], [1], [0, 0, 1, 1], [], []>, transpose_lhs_hint = false} : vector<1280x256xf32>, vector<256x128xf32>, vector<1280x128xf32> -> vector<1280x128xf32>
    %get3A_20 = arith.constant 0 : index
    %get3A_21 = arith.constant 0 : index
    %get3A_22 = arith.constant 0 : index
    %get3A_23 = vector.load %arg2[%get3A_20, %get3A_21, %get3A_22] : memref<1x1280x16xf32, #tpu.memory_space<vmem>>, vector<1x1280x16xf32>
    %get3A_24 = vector.shape_cast %get3A_23 : vector<1x1280x16xf32> to vector<1280x16xf32>
    %get3A_25 = arith.constant 0 : index
    %get3A_26 = arith.constant 0 : index
    %get3A_27 = vector.load %arg5[%get3A_25, %get3A_26] : memref<16x128xf32, #tpu.memory_space<vmem>>, vector<16x128xf32>
    %dot_general3A_28 = arith.constant dense<0.000000e+00> : vector<1280x128xf32>
    %dot_general3A_29 = tpu.matmul %get3A_24, %get3A_27, %dot_general3A_28 {dimension_numbers = #tpu.dot_dimension_numbers<[1], [0], [0], [1], [0, 0, 1, 1], [], []>, transpose_lhs_hint = false} : vector<1280x16xf32>, vector<16x128xf32>, vector<1280x128xf32> -> vector<1280x128xf32>
    %add3A = arith.addf %dot_general3A_19, %dot_general3A_29 : vector<1280x128xf32>
    %get3A_30 = arith.constant 0 : index
    %get3A_31 = arith.constant 0 : index
    %get3A_32 = vector.load %arg6[%get3A_30, %get3A_31] : memref<1x128xf32, #tpu.memory_space<vmem>>, vector<1x128xf32>
    %add3A_33 = vector.broadcast %get3A_32 : vector<1x128xf32> to vector<1280x128xf32>
    %add3A_34 = arith.addf %add3A, %add3A_33 : vector<1280x128xf32>
    %iota3A = tpu.iota {dimensions = array<i32: 0>} : vector<1280x128xi32>
    %iota3A_35 = tpu.iota {dimensions = array<i32: 1>} : vector<1280x128xi32>
    %mul3A = arith.constant 2 : i32
    %mul3A_36 = vector.broadcast %mul3A : i32 to vector<1280x128xi32>
    %mul3A_37 = arith.muli %iota3A, %mul3A_36 : vector<1280x128xi32>
    %ge3A = arith.constant 64 : i32
    %ge3A_38 = vector.broadcast %ge3A : i32 to vector<1280x128xi32>
    %ge3A_39 = arith.cmpi sge, %iota3A_35, %ge3A_38 : vector<1280x128xi32>
    %jit3A = arith.constant 1 : i32
    %jit3A_40 = arith.constant 0 : i32
    %broadcast_in_dim3A = vector.broadcast %jit3A : i32 to vector<1280x128xi32>
    %broadcast_in_dim3A_41 = vector.broadcast %jit3A_40 : i32 to vector<1280x128xi32>
    %select_n3A = arith.select %ge3A_39, %broadcast_in_dim3A, %broadcast_in_dim3A_41 : vector<1280x128xi1>, vector<1280x128xi32>
    %add3A_42 = arith.addi %mul3A_37, %select_n3A : vector<1280x128xi32>
    %lt3A = arith.constant 2500 : i32
    %lt3A_43 = vector.broadcast %lt3A : i32 to vector<1280x128xi32>
    %lt3A_44 = arith.cmpi slt, %add3A_42, %lt3A_43 : vector<1280x128xi32>
    %jit3A_45 = arith.constant -1.000000e+09 : f32
    %broadcast_in_dim3A_46 = vector.broadcast %jit3A_45 : f32 to vector<1280x128xf32>
    %select_n3A_47 = arith.select %lt3A_44, %add3A_34, %broadcast_in_dim3A_46 : vector<1280x128xi1>, vector<1280x128xf32>
    %swap3A = arith.constant 0 : index
    %swap3A_48 = arith.constant 0 : index
    %swap3A_49 = arith.constant 0 : index
    %swap3A_50 = vector.load %arg7[%swap3A, %swap3A_48, %swap3A_49] : memref<1x1280x128xf32, #tpu.memory_space<vmem>>, vector<1x1280x128xf32>
    %swap3A_51 = vector.shape_cast %swap3A_50 : vector<1x1280x128xf32> to vector<1280x128xf32>
    %swap3A_52 = vector.shape_cast %select_n3A_47 : vector<1280x128xf32> to vector<1x1280x128xf32>
    tpu.vector_store %arg7[%swap3A, %swap3A_48, %swap3A_49], %swap3A_52 {strides = array<i32>} : memref<1x1280x128xf32, #tpu.memory_space<vmem>>, vector<1x1280x128xf32>,
    return
  }
  func.func @transform_0(%arg0: i32) -> (i32, i32, i32) {
    %c0_i32 = arith.constant 0 : i32
    %c0_i32_0 = arith.constant 0 : i32
    %c0_i32_1 = arith.constant 0 : i32
    return %arg0, %c0_i32, %c0_i32_0 : i32, i32, i32
  }
  func.func @transform_1(%arg0: i32) -> (i32, i32, i32) {
    %c0_i32 = arith.constant 0 : i32
    %c0_i32_0 = arith.constant 0 : i32
    %c0_i32_1 = arith.constant 0 : i32
    return %arg0, %c0_i32, %c0_i32_0 : i32, i32, i32
  }
  func.func @transform_2(%arg0: i32) -> (i32, i32) {
    %c0_i32 = arith.constant 0 : i32
    %c0_i32_0 = arith.constant 0 : i32
    %c0_i32_1 = arith.constant 0 : i32
    return %c0_i32, %c0_i32_0 : i32, i32
  }
  func.func @transform_3(%arg0: i32) -> (i32, i32) {
    %c0_i32 = arith.constant 0 : i32
    %c0_i32_0 = arith.constant 0 : i32
    %c0_i32_1 = arith.constant 0 : i32
    return %c0_i32, %c0_i32_0 : i32, i32
  }
  func.func @transform_4(%arg0: i32) -> (i32, i32) {
    %c0_i32 = arith.constant 0 : i32
    %c0_i32_0 = arith.constant 0 : i32
    %c0_i32_1 = arith.constant 0 : i32
    return %c0_i32, %c0_i32_0 : i32, i32
  }
  func.func @transform_5(%arg0: i32) -> (i32, i32) {
    %c0_i32 = arith.constant 0 : i32
    %c0_i32_0 = arith.constant 0 : i32
    %c0_i32_1 = arith.constant 0 : i32
    return %c0_i32, %c0_i32_0 : i32, i32
  }
  func.func @transform_6(%arg0: i32) -> (i32, i32, i32) {
    %c0_i32 = arith.constant 0 : i32
    %c0_i32_0 = arith.constant 0 : i32
    %c0_i32_1 = arith.constant 0 : i32
    return %arg0, %c0_i32, %c0_i32_0 : i32, i32, i32
  }
}

module attributes {stable_mosaic.version = 14 : i64} {
  func.func @_finish_kernel(%arg0: i32, %arg1: memref<1x5120x128xf32, #tpu.memory_space<vmem>>, %arg2: memref<1x5120x16xf32, #tpu.memory_space<vmem>>, %arg3: memref<16x128xf32, #tpu.memory_space<vmem>>, %arg4: memref<128x6xf32, #tpu.memory_space<vmem>>, %arg5: memref<1x6xf32, #tpu.memory_space<vmem>>, %arg6: memref<1x5120x6xf32, #tpu.memory_space<vmem>>) attributes {dimension_semantics = [#tpu.dimension_semantics<arbitrary>], iteration_bounds = array<i64: 2>, scalar_prefetch = 0 : i64, scratch_operands = 0 : i64, tpu.core_type = #tpu.core_type<tc>, window_params = [{transform_indices = @transform_0, window_bounds = array<i64: 1, 5120, 128>}, {transform_indices = @transform_1, window_bounds = array<i64: 1, 5120, 16>}, {pipeline_mode = #tpu.pipeline_mode<synchronous>, transform_indices = @transform_2, window_bounds = array<i64: 16, 128>}, {pipeline_mode = #tpu.pipeline_mode<synchronous>, transform_indices = @transform_3, window_bounds = array<i64: 128, 6>}, {pipeline_mode = #tpu.pipeline_mode<synchronous>, transform_indices = @transform_4, window_bounds = array<i64: 1, 6>}, {transform_indices = @transform_5, window_bounds = array<i64: 1, 5120, 6>}]} {
    %get3A = arith.constant 0 : index
    %get3A_0 = arith.constant 0 : index
    %get3A_1 = arith.constant 0 : index
    %get3A_2 = vector.load %arg2[%get3A, %get3A_0, %get3A_1] : memref<1x5120x16xf32, #tpu.memory_space<vmem>>, vector<1x5120x16xf32>
    %get3A_3 = vector.shape_cast %get3A_2 : vector<1x5120x16xf32> to vector<5120x16xf32>
    %get3A_4 = arith.constant 0 : index
    %get3A_5 = arith.constant 0 : index
    %get3A_6 = vector.load %arg3[%get3A_4, %get3A_5] : memref<16x128xf32, #tpu.memory_space<vmem>>, vector<16x128xf32>
    %dot_general3A = arith.constant dense<0.000000e+00> : vector<5120x128xf32>
    %dot_general3A_7 = tpu.matmul %get3A_3, %get3A_6, %dot_general3A {dimension_numbers = #tpu.dot_dimension_numbers<[1], [0], [0], [1], [0, 0, 1, 1], [], []>, transpose_lhs_hint = false} : vector<5120x16xf32>, vector<16x128xf32>, vector<5120x128xf32> -> vector<5120x128xf32>
    %get3A_8 = arith.constant 0 : index
    %get3A_9 = arith.constant 0 : index
    %get3A_10 = arith.constant 0 : index
    %get3A_11 = vector.load %arg1[%get3A_8, %get3A_9, %get3A_10] : memref<1x5120x128xf32, #tpu.memory_space<vmem>>, vector<1x5120x128xf32>
    %get3A_12 = vector.shape_cast %get3A_11 : vector<1x5120x128xf32> to vector<5120x128xf32>
    %sub3A = arith.subf %get3A_12, %dot_general3A_7 : vector<5120x128xf32>
    %max3A = arith.constant 0.000000e+00 : f32
    %max3A_13 = vector.broadcast %max3A : f32 to vector<5120x128xf32>
    %max3A_14 = arith.maximumf %sub3A, %max3A_13 : vector<5120x128xf32>
    %get3A_15 = arith.constant 0 : index
    %get3A_16 = arith.constant 0 : index
    %get3A_17 = vector.load %arg4[%get3A_15, %get3A_16] : memref<128x6xf32, #tpu.memory_space<vmem>>, vector<128x6xf32>
    %dot_general3A_18 = arith.constant dense<0.000000e+00> : vector<5120x6xf32>
    %dot_general3A_19 = tpu.matmul %max3A_14, %get3A_17, %dot_general3A_18 {dimension_numbers = #tpu.dot_dimension_numbers<[1], [0], [0], [1], [0, 0, 1, 1], [], []>, transpose_lhs_hint = false} : vector<5120x128xf32>, vector<128x6xf32>, vector<5120x6xf32> -> vector<5120x6xf32>
    %get3A_20 = arith.constant 0 : index
    %get3A_21 = arith.constant 0 : index
    %get3A_22 = vector.load %arg5[%get3A_20, %get3A_21] : memref<1x6xf32, #tpu.memory_space<vmem>>, vector<1x6xf32>
    %add3A = vector.broadcast %get3A_22 : vector<1x6xf32> to vector<5120x6xf32>
    %add3A_23 = arith.addf %dot_general3A_19, %add3A : vector<5120x6xf32>
    %swap3A = arith.constant 0 : index
    %swap3A_24 = arith.constant 0 : index
    %swap3A_25 = arith.constant 0 : index
    %swap3A_26 = vector.load %arg6[%swap3A, %swap3A_24, %swap3A_25] : memref<1x5120x6xf32, #tpu.memory_space<vmem>>, vector<1x5120x6xf32>
    %swap3A_27 = vector.shape_cast %swap3A_26 : vector<1x5120x6xf32> to vector<5120x6xf32>
    %swap3A_28 = vector.shape_cast %add3A_23 : vector<5120x6xf32> to vector<1x5120x6xf32>
    tpu.vector_store %arg6[%swap3A, %swap3A_24, %swap3A_25], %swap3A_28 {strides = array<i32>} : memref<1x5120x6xf32, #tpu.memory_space<vmem>>, vector<1x5120x6xf32>,
    return
  }
  func.func @transform_0(%arg0: i32) -> (i32, i32, i32) {
    %c0_i32 = arith.constant 0 : i32
    %c0_i32_0 = arith.constant 0 : i32
    %c0_i32_1 = arith.constant 0 : i32
    return %arg0, %c0_i32, %c0_i32_0 : i32, i32, i32
  }
  func.func @transform_1(%arg0: i32) -> (i32, i32, i32) {
    %c0_i32 = arith.constant 0 : i32
    %c0_i32_0 = arith.constant 0 : i32
    %c0_i32_1 = arith.constant 0 : i32
    return %arg0, %c0_i32, %c0_i32_0 : i32, i32, i32
  }
  func.func @transform_2(%arg0: i32) -> (i32, i32) {
    %c0_i32 = arith.constant 0 : i32
    %c0_i32_0 = arith.constant 0 : i32
    %c0_i32_1 = arith.constant 0 : i32
    return %c0_i32, %c0_i32_0 : i32, i32
  }
  func.func @transform_3(%arg0: i32) -> (i32, i32) {
    %c0_i32 = arith.constant 0 : i32
    %c0_i32_0 = arith.constant 0 : i32
    %c0_i32_1 = arith.constant 0 : i32
    return %c0_i32, %c0_i32_0 : i32, i32
  }
  func.func @transform_4(%arg0: i32) -> (i32, i32) {
    %c0_i32 = arith.constant 0 : i32
    %c0_i32_0 = arith.constant 0 : i32
    %c0_i32_1 = arith.constant 0 : i32
    return %c0_i32, %c0_i32_0 : i32, i32
  }
  func.func @transform_5(%arg0: i32) -> (i32, i32, i32) {
    %c0_i32 = arith.constant 0 : i32
    %c0_i32_0 = arith.constant 0 : i32
    %c0_i32_1 = arith.constant 0 : i32
    return %arg0, %c0_i32, %c0_i32_0 : i32, i32, i32
  }
}

</mosaic_0001>

<sc_bundles>
// kernel: kernel.12.cloned.1.call-start
scs
__scs_entry_jumppad:
0x0: {  	(pc) =	sbr.rel $0x88, $3  }
0x1: {  	(tag) =	ssettag $0x0;
	lr =	simm.s32 $0x1  }
0x2: {  	[smem:$0x3F97] =	sst lr;
	_ =	strace $0xD0000000  }
0x3: {  	_ = 	snop  }
0x4: {  	_ = 	snop  }
0x5: {  	_ = 	snop  }
0x6: {  	_ = 	snop  }
0x7: {  	_ = 	snop  }
__scs_overlays_trampoline_lowered:
0x8: {  	[smem:$0x3FA6] =	sst s0  }
0x9: {  	[smem:$0x3FA7] =	sst s1  }
0xa: {  	[smem:$0x3FA8] =	sst s2  }
0xb: {  	[smem:$0x3FA9] =	sst s3  }
0xc: {  	[smem:$0x3FAA] =	sst s4  }
0xd: {  	[smem:$0x3FAB] =	sst s5  }
0xe: {  	[smem:$0x3FAC] =	sst s6  }
0xf: {  	[smem:$0x3FAD] =	sst s7  }
0x10: {  	[smem:$0x3FAE] =	sst s8  }
0x11: {  	[smem:$0x3FAF] =	sst s9;
	s0 =	simm.s32 @!p0 $0x0  }
0x12: {  	s1 =	sld [smem:$0x3F95];
	s0 =	simm.s32 @p0 $0x1  }
0x13: {  	[smem:$0x3FB0] =	sst s0;
	s0 =	simm.s32 @!p1 $0x0  }
0x14: {  	s2 =	sld [smem:$0x3F94];
	s0 =	simm.s32 @p1 $0x1  }
0x15: {  	[smem:$0x3FB1] =	sst s0;
	s0 =	simm.s32 @!p2 $0x0  }
0x16: {  	s3 =	sld [smem:$0x3FDB];
	s0 =	simm.s32 @p2 $0x1  }
0x17: {  	s4 =	simm.s32 $0x1BF5;
	[smem:$0x3FB3] =	sst s0  }
0x18: {  	s0 =	sld [smem:$0x3F96];
	_ =	swait.ge [sflag:s4], $0x0  }
0x19: {  	s7 =	sld [smem:$0x3F97]  }
0x1a: {  	s8 =	sadd.s32 $0xFFFFE003, lr  }
0x1b: {  	s9 =	sadd.s32 $0xFFFFFEF7, lr;
	s5 =	simm.s32 $0xFFFFFFFF;
	p2 =	slt.u32 s8, $0xFFFFF086  }
0x1c: {  	p1 =	slt.u32 s9, $0xF7A;
	s5 =	simm.s32 @!p2 $0x0  }
0x1d: {  	s5 =	simm.s32 @p1 $0x1;
	p0 =	seq.s32 s7, s2  }
0x1e: {  	s7 =	smul.u32 @!p0 $0xF7A, s2;
	p2 =	seq.s32 @!p0 s5, $0x0  }
0x1f: {  	s9 =	smul.u32 $0xF7A, s1;
	s8 =	simm.s32 @!p0 $0x1BF5;
	p2 =	por !p2, p0  }
0x20: {  	[sflag:s8] =	ssyncset.s32 @!p0 $0xFFFFF086;
	s6 =	sadd.s32 @!p0 s3, s7;
	s7 =	simm.s32 @!p0 $0x108  }
0x21: {  	s3 =	sadd.s32 s3, s9;
	s6 =	sadd.s32 @!p0 $0x88, s6;
	s7 =	simm.s32 @p2 $0x1082  }
0x22: {  	[simem:s7], [sflag:s8] =	dma.local @!p0 [hbm:s6], $0xF7A  }
0x23: {  	s9 =	sor.u32 $0xD0000000, s2;
	s6 =	simm.s32 $0x108;
	_ =	swait.ge @!p0 [sflag:s8], $0x0  }
0x24: {  	s3 =	sadd.s32 $0x88, s3;
	s6 =	simm.s32 @!p1 $0x1082;
	[sflag:s4] =	ssyncset.s32 $0xFFFFF086  }
0x25: {  	[simem:s6], [sflag:s4] =	dma.local [hbm:s3], $0xF7A  }
0x26: {  	[smem:$0x3F97] =	sst s1;
	(tag) =	ssettag s2;
	_ =	strace s9  }
0x27: {  	s1 =	sld [smem:$0x3FA7]  }
0x28: {  	s2 =	sld [smem:$0x3FA8]  }
0x29: {  	s4 =	sld [smem:$0x3FAA]  }
0x2a: {  	p0 =	seq.s32 s5, $0x0;
	s5 =	sld [smem:$0x3FAB]  }
0x2b: {  	s6 =	sld [smem:$0x3FAC]  }
0x2c: {  	s7 =	sld [smem:$0x3FAD]  }
0x2d: {  	s3 =	simm.s32 $0x108;
	s8 =	sld [smem:$0x3FAE]  }
0x2e: {  	s3 =	simm.s32 @!p0 $0x1082;
	s9 =	sld [smem:$0x3FAF]  }
0x2f: {  	lr =	sadd.s32 s0, s3;
	s0 =	sld [smem:$0x3FA6]  }
0x30: {  	s3 =	sld [smem:$0x3FA9]  }
0x31: {  	[smem:$0x3FB2] =	sst s10  }
0x32: {  	s10 =	sld [smem:$0x3FB0];
	_ =	sdelay $0x3  }
0x33: {  	p0 =	seq.s32 s10, $0x1;
	s10 =	sld [smem:$0x3FB2];
	_ =	sdelay $0x3  }
0x34: {  	[smem:$0x3FB2] =	sst s10  }
0x35: {  	s10 =	sld [smem:$0x3FB1];
	_ =	sdelay $0x3  }
0x36: {  	p1 =	seq.s32 s10, $0x1;
	s10 =	sld [smem:$0x3FB2];
	_ =	sdelay $0x3  }
0x37: {  	[smem:$0x3FB2] =	sst s10  }
0x38: {  	s10 =	sld [smem:$0x3FB3]  }
0x39: {  	_ = 	snop;
	(pc) =	sbr.ind lr, $3  }
0x3a: {  	_ = 	snop  }
0x3b: {  	_ = 	snop  }
0x3c: {  	p2 =	seq.s32 s10, $0x1;
	s10 =	sld [smem:$0x3FB2]  }
0x3d: {  	_ =	shalt  }
0x3e: {  	_ =	shalt  }
0x3f: {  	_ =	shalt  }
0x40: {  	_ =	shalt  }
0x41: {  	_ =	shalt  }
0x42: {  	_ =	shalt  }
0x43: {  	_ =	shalt  }
0x44: {  	_ =	shalt  }
0x45: {  	_ =	shalt  }
0x46: {  	_ =	shalt  }
0x47: {  	_ =	shalt  }
0x48: {  	_ =	shalt  }
0x49: {  	_ =	shalt  }
0x4a: {  	_ =	shalt  }
0x4b: {  	_ =	shalt  }
0x4c: {  	_ =	shalt  }
0x4d: {  	_ =	shalt  }
0x4e: {  	_ =	shalt  }
0x4f: {  	_ =	shalt  }
0x50: {  	_ =	shalt  }
0x51: {  	_ =	shalt  }
0x52: {  	_ =	shalt  }
0x53: {  	_ =	shalt  }
0x54: {  	_ =	shalt  }
0x55: {  	_ =	shalt  }
0x56: {  	_ =	shalt  }
0x57: {  	_ =	shalt  }
0x58: {  	_ =	shalt  }
0x59: {  	_ =	shalt  }
0x5a: {  	_ =	shalt  }
0x5b: {  	_ =	shalt  }
0x5c: {  	_ =	shalt  }
0x5d: {  	_ =	shalt  }
0x5e: {  	_ =	shalt  }
0x5f: {  	_ =	shalt  }
0x60: {  	_ =	shalt  }
0x61: {  	_ =	shalt  }
0x62: {  	_ =	shalt  }
0x63: {  	_ =	shalt  }
0x64: {  	_ =	shalt  }
0x65: {  	_ =	shalt  }
0x66: {  	_ =	shalt  }
0x67: {  	_ =	shalt  }
0x68: {  	_ =	shalt  }
0x69: {  	_ =	shalt  }
0x6a: {  	_ =	shalt  }
0x6b: {  	_ =	shalt  }
0x6c: {  	_ =	shalt  }
0x6d: {  	_ =	shalt  }
0x6e: {  	_ =	shalt  }
0x6f: {  	_ =	shalt  }
0x70: {  	_ =	shalt  }
0x71: {  	_ =	shalt  }
0x72: {  	_ =	shalt  }
0x73: {  	_ =	shalt  }
0x74: {  	_ =	shalt  }
0x75: {  	_ =	shalt  }
0x76: {  	_ =	shalt  }
0x77: {  	_ =	shalt  }
0x78: {  	_ =	shalt  }
0x79: {  	_ =	shalt  }
0x7a: {  	_ =	shalt  }
0x7b: {  	_ =	shalt  }
0x7c: {  	_ =	shalt  }
0x7d: {  	_ =	shalt  }
0x7e: {  	_ =	shalt  }
0x7f: {  	_ =	shalt  }
0x80: {  	_ =	shalt  }
0x81: {  	_ =	shalt  }
0x82: {  	_ =	shalt  }
0x83: {  	_ =	shalt  }
0x84: {  	_ =	shalt  }
0x85: {  	_ =	shalt  }
0x86: {  	_ =	shalt  }
0x87: {  	_ =	shalt  }
.Lfunc_end0:
.L_simem_size_0:
called_computation.1_lowered:
.L_overlay_start_0:
0x88: {  	s2 =	sld [smem:$0x3FD9]  }
0x89: {  	s3 =	sld [smem:$0x3FFE];
	_ =	sdelay $0x1  }
0x8a: {  	s1 =	srdreg.scid  }
0x8b: {  	s0 =	sand.u32 $0x1, s1  }
0x8c: {  	s16 =	sshll.u32 s0, $0xA;
	s2 =	sadd.s32 s3, s2  }
0x8d: {  	s2 =	sadd.s32 s2, s16  }
0x8e: {  	[smem:$0x3FBE] =	sst s2  }
0x8f: {  	_ = 	snop  }
0x90: {  	(tm) =	ssettm $0x1  }
0x91: {  	s17 =	sld [smem:$0x3FFB];
	_ =	sdelay $0x3  }
0x92: {  	_ =	strace s17  }
0x93: {  	s2 =	sld [smem:$0x3FFC];
	_ =	sdelay $0x3  }
0x94: {  	_ =	strace s2  }
0x95: {  	s2 =	sld [smem:$0x3FFD];
	_ =	sdelay $0x3  }
0x96: {  	_ =	strace s2  }
0x97: {  	_ =	strace $0x8FFFFFFF  }
0x98: {  	s18 =	sld [smem:$0x3FDB];
	_ =	sdelay $0x1  }
0x99: {  	s19 =	simm.s32 $_scs_section_size  }
0x9a: {  	s4 =	simm.s32 $_size__tile_overlayer_lowered;
	s5 =	simm.s32 $_tile_overlayer_lowered  }
0x9b: {  	s22 =	simm.s32 $0x1BFF;
	s21 =	sshll.u32 s5, $0x1;
	s2 =	sadd.s32 s19, s18  }
0x9c: {  	s6 =	simm.s32 $0x0;
	s20 =	sshll.u32 s4, $0x1;
	s4 =	sadd.s32 s21, s2  }
0x9d: {  	[timem:s6], [sflag:s22] =	dma.local [hbm:s4], s20  }
0x9e: {  	_ =	swait.ge [sflag:s22], s20  }
0x9f: {  	s3 =	ssub.s32 $0x0, s20;
	[sflag:s22] =	ssyncset.done $0x0  }
0xa0: {  	[sflag:s22] =	ssyncadd.s32 s3;
	_ =	sdelay $0x1  }
0xa1: {  	s23 =	simm.s32 $0x1B8B  }
0xa2: {  	_ =	swait.ge [sflag:s23], $0x1  }
0xa3: {  	[sflag:s23] =	ssyncset.done $0x0  }
0xa4: {  	s25 =	simm.s32 $0x1B8E;
	s24 =	sld [smem:$0x3FFE];
	[sflag:s23] =	ssyncadd.s32 $0xFFFFFFFF  }
0xa5: {  	s26 =	simm.s32 $execute0_lowered;
	[smem:$0x3FD2] =	sst s25  }
0xa6: {  	s4 =	sshll.u32 s26, $0x1;
	_ =	strace $0x80000049;
	[dreg:$0x1] =	wrdreg $0xFFFFFFFF  }
0xa7: {  	s28 =	simm.s32 $_size_execute0_lowered;
	s2 =	sadd.s32 s2, s4;
	[dreg:$0x0] =	wrdreg $0x0  }
0xa8: {  	s4 =	sshll.u32 s28, $0x1;
	[dreg:$0x2] =	wrdreg s2  }
0xa9: {  	[dreg:$0x3] =	wrdreg s4  }
0xaa: {  	[dreg:$0x4] =	wrdreg $0xC0  }
0xab: {  	_ =	task [dreg:s6], $0x5FFFF  }
0xac: {  	[dreg:$0x1] =	wrdreg $0xFFFFFFFF  }
0xad: {  	[dreg:$0x0] =	wrdreg $0x60  }
0xae: {  	[dreg:$0x2] =	wrdreg s24  }
0xaf: {  	[dreg:$0x3] =	wrdreg $0x9  }
0xb0: {  	_ =	task.clear_ibuf [dreg:s6], $0x4FFFF;
	_ =	strace $0x90000049  }
0xb1: {  	s29 =	simm.s32 $0x9;
	_ =	strace $0x8000004B  }
0xb2: {  	_ =	swait.ge [sflag:s29], $0x1  }
0xb3: {  	[sflag:s29] =	ssyncadd.s32 $0xFFFFFFFF  }
0xb4: {  	_ =	strace $0x9000004B  }
0xb5: {  	_ =	sfence  }
0xb6: {  	s30 =	sld [smem:$0x0];
	_ =	sdelay $0x2  }
0xb7: {  	s31 =	sshll.u32 s1, $0xD;
	s1 =	sshrl.u32 s1, $0x2  }
0xb8: {  	s3 =	sand.u32 $0x4000, s31;
	s1 =	sadd.s32 s1, s30  }
0xb9: {  	s0 =	sor.u32 s3, s0;
	s1 =	sshll.u32 s1, $0x11  }
0xba: {  	s0 =	sor.u32 s1, s0  }
0xbb: {  	s0 =	sadd.s32 $0x8F2B, s0  }
0xbc: {  	[sflag:s0] =	ssyncadd.remote.s32 $0x1  }
0xbd: {  	_ =	sfence.sel $0xFFFF  }
0xbe: {  	[dreg:$0x0] =	wrdreg $0xFFFFFFFF;
	(pc) =	sbr.abs _section_cstart, $3  }
0xbf: {  	[dreg:$0x1] =	wrdreg $0xFFFFFFFF  }
0xc0: {  	_ =	task.clear_ibuf [dreg:s6], $0x2FFFF;
	_ =	strace $0x9FFFFFFF  }
0xc1: {  	(tm) =	ssettm $0x7FFFFFFF  }
tec
execute0_lowered:
.L_overlay_start_1:
0x0: {  	(tag) =	ssettag $0x1  }
0x1: {  	s5 =	rddreg [dreg:$0x0]  }
0x2: {  	s0 =	rddreg [dreg:$0x1];
	s3 =	srdreg.scid  }
0x3: {  	s1 =	stileid.u32;
	s2 =	simm.s32 $0x0;
	s12 =	simm.s32 $0x3  }
0x4: {  	s13 =	simm.s32 $0x80;
	s14 =	simm.s32 $0x100;
	s15 =	simm.s32 $0x2100  }
0x5: {  	s16 =	simm.s32 $0x1;
	s17 =	simm.s32 $0x4100;
	s18 =	simm.s32 $0x2  }
0x6: {  	s19 =	simm.s32 $0x0;
	s6 =	sand.u32 $0x1, s3;
	s31 =	sshll.u32 s1, $0x1  }
0x7: {  	[smem:$0x7FF] =	sst s2;
	s3 =	sadd.s32 $0x2200, s5;
	s9 =	sor.u32 s6, s31  }
0x8: {  	s4 =	sadd.s32 $0x1DA00, s5;
	s8 =	ssub.s32 $0x2, s6;
	s7 =	smul.u32 $0x500, s9  }
0x9: {  	s5 =	sadd.s32 $0x27A00, s5;
	s10 =	sshrl.u32 s8, $0x1;
	s11 =	smul.u32 $0x1400, s9  }
0xa: {  	_ =	strace $0x8000004A;
	s10 =	ssub.s32 s8, s10;
	s8 =	smul.u32 $0xA000, s9  }
0xb: {  	s9 =	smul.u32 $0x2800, s9;
	s6 =	sadd.s32 s4, s7;
	s11 =	sadd.s32 s11, s5  }
0xc: {  	s10 =	smax.u32 s10, $0x1;
	s7 =	sadd.s32 $0x10, s6;
	s11 =	sadd.s32 $0x40, s11  }
.LBB2_1:
0xd: {  	[tilespmem:s2], [sflag:$0x3] =	stream.linear.gather [hbm4b:s6+s2], $0x80, $0x38;
	[tilespmem:$0x4300] =	vst v63  }
0xe: {  	_ =	swait.ge [sflag:s12], $0x80  }
0xf: {  	[sflag:s12] =	ssyncset.done $0x0  }
0x10: {  	[sflag:s12] =	ssyncadd.s32 $0xFFFFFF80  }
0x11: {  	[tilespmem:s14], [sflag:$0x1] =	stream.indirect.gather [hbm4b:s3+s13], $0x40, s2, s13, $0xb8;
	[tilespmem:$0x4300] =	vst v63  }
0x12: {  	_ = 	snop  }
0x13: {  	[tilespmem:s13], [sflag:$0x3] =	stream.linear.gather [hbm4b:s7+s2], $0x80, $0x38;
	[tilespmem:$0x4300] =	vst v63  }
0x14: {  	_ =	swait.ge [sflag:s12], $0x80  }
0x15: {  	[sflag:s12] =	ssyncset.done $0x0  }
0x16: {  	s20 =	simm.s32 $0x0;
	[sflag:s12] =	ssyncadd.s32 $0xFFFFFF80  }
0x17: {  	[tilespmem:s15], [sflag:$0x2] =	stream.indirect.gather [hbm4b:s3+s13], $0x40, s13, s13, $0xb8;
	[tilespmem:$0x4300] =	vst v63  }
.LBB2_2:
0x18: {  	_ =	swait.ge [sflag:s16], $0x2000  }
0x19: {  	[sflag:s16] =	ssyncset.done $0x0  }
0x1a: {  	s21 =	simm.s32 $0x300;
	[sflag:s16] =	ssyncadd.s32 $0xFFFFE000  }
0x1b: {  	v0 =	vld [tilespmem:s21+$0xFFFFFE40]  }
0x1c: {  	v1 =	vld [tilespmem:s21+$0xFFFFFE00]  }
0x1d: {  	v2 =	vld [tilespmem:s21+$0xFFFFFE80]  }
0x1e: {  	v3 =	vld [tilespmem:s21+$0xFFFFFEC0]  }
0x1f: {  	v4 =	vld [tilespmem:s21+$0xFFFFFF00]  }
0x20: {  	v5 =	vld [tilespmem:s21+$0xFFFFFF40]  }
0x21: {  	v0 =	vmax.f32 v1, v0;
	v1 =	vld [tilespmem:s21+$0xFFFFFF80]  }
0x22: {  	v0 =	vmax.f32 v0, v2;
	v2 =	vld [tilespmem:s21+$0xFFFFFFC0]  }
0x23: {  	v0 =	vmax.f32 v0, v3;
	v3 =	vld [tilespmem:s21+$0x0]  }
0x24: {  	v0 =	vmax.f32 v0, v4;
	v4 =	vld [tilespmem:s21+$0x40]  }
0x25: {  	v0 =	vmax.f32 v0, v5;
	v5 =	vld [tilespmem:s21+$0x80]  }
0x26: {  	v0 =	vmax.f32 v0, v1;
	v1 =	vld [tilespmem:s21+$0xC0]  }
0x27: {  	v0 =	vmax.f32 v0, v2;
	v2 =	vld [tilespmem:s21+$0x100]  }
0x28: {  	v0 =	vmax.f32 v0, v3;
	v3 =	vld [tilespmem:s21+$0x140]  }
0x29: {  	v0 =	vmax.f32 v0, v4;
	v4 =	vld [tilespmem:s21+$0x180]  }
0x2a: {  	v0 =	vmax.f32 v0, v5;
	v5 =	vld [tilespmem:s21+$0x1C0]  }
0x2b: {  	v0 =	vmax.f32 v0, v1  }
0x2c: {  	v0 =	vmax.f32 v0, v2  }
0x2d: {  	v0 =	vmax.f32 v0, v3  }
0x2e: {  	v0 =	vmax.f32 v0, v4  }
0x2f: {  	s22 =	simm.s32 $0x0;
	v0 =	vmax.f32 v0, v5  }
0x30: {  	[tilespmem:s22+$0x4100] =	vst v0  }
0x31: {  	v0 =	vld [tilespmem:s21+$0xFFFFFE10]  }
0x32: {  	v1 =	vld [tilespmem:s21+$0xFFFFFE50]  }
0x33: {  	v2 =	vld [tilespmem:s21+$0xFFFFFE90]  }
0x34: {  	v3 =	vld [tilespmem:s21+$0xFFFFFED0]  }
0x35: {  	v4 =	vld [tilespmem:s21+$0xFFFFFF10]  }
0x36: {  	v5 =	vld [tilespmem:s21+$0xFFFFFF50]  }
0x37: {  	v0 =	vmax.f32 v0, v1;
	v1 =	vld [tilespmem:s21+$0xFFFFFF90]  }
0x38: {  	v0 =	vmax.f32 v0, v2;
	v2 =	vld [tilespmem:s21+$0xFFFFFFD0]  }
0x39: {  	v0 =	vmax.f32 v0, v3;
	v3 =	vld [tilespmem:s21+$0x10]  }
0x3a: {  	v0 =	vmax.f32 v0, v4;
	v4 =	vld [tilespmem:s21+$0x50]  }
0x3b: {  	v0 =	vmax.f32 v0, v5;
	v5 =	vld [tilespmem:s21+$0x90]  }
0x3c: {  	v0 =	vmax.f32 v0, v1;
	v1 =	vld [tilespmem:s21+$0xD0]  }
0x3d: {  	v0 =	vmax.f32 v0, v2;
	v2 =	vld [tilespmem:s21+$0x110]  }
0x3e: {  	v0 =	vmax.f32 v0, v3;
	v3 =	vld [tilespmem:s21+$0x150]  }
0x3f: {  	v0 =	vmax.f32 v0, v4;
	v4 =	vld [tilespmem:s21+$0x190]  }
0x40: {  	v0 =	vmax.f32 v0, v5;
	v5 =	vld [tilespmem:s21+$0x1D0]  }
0x41: {  	v0 =	vmax.f32 v0, v1  }
0x42: {  	v0 =	vmax.f32 v0, v2  }
0x43: {  	v0 =	vmax.f32 v0, v3  }
0x44: {  	v0 =	vmax.f32 v0, v4  }
0x45: {  	v0 =	vmax.f32 v0, v5  }
0x46: {  	[tilespmem:s22+$0x4110] =	vst v0  }
0x47: {  	v0 =	vld [tilespmem:s21+$0xFFFFFE20]  }
0x48: {  	v1 =	vld [tilespmem:s21+$0xFFFFFE60]  }
0x49: {  	v2 =	vld [tilespmem:s21+$0xFFFFFEA0]  }
0x4a: {  	v3 =	vld [tilespmem:s21+$0xFFFFFEE0]  }
0x4b: {  	v4 =	vld [tilespmem:s21+$0xFFFFFF20]  }
0x4c: {  	v5 =	vld [tilespmem:s21+$0xFFFFFF60]  }
0x4d: {  	v0 =	vmax.f32 v0, v1;
	v1 =	vld [tilespmem:s21+$0xFFFFFFA0]  }
0x4e: {  	v0 =	vmax.f32 v0, v2;
	v2 =	vld [tilespmem:s21+$0xFFFFFFE0]  }
0x4f: {  	v0 =	vmax.f32 v0, v3;
	v3 =	vld [tilespmem:s21+$0x20]  }
0x50: {  	v0 =	vmax.f32 v0, v4;
	v4 =	vld [tilespmem:s21+$0x60]  }
0x51: {  	v0 =	vmax.f32 v0, v5;
	v5 =	vld [tilespmem:s21+$0xA0]  }
0x52: {  	v0 =	vmax.f32 v0, v1;
	v1 =	vld [tilespmem:s21+$0xE0]  }
0x53: {  	v0 =	vmax.f32 v0, v2;
	v2 =	vld [tilespmem:s21+$0x120]  }
0x54: {  	v0 =	vmax.f32 v0, v3;
	v3 =	vld [tilespmem:s21+$0x160]  }
0x55: {  	v0 =	vmax.f32 v0, v4;
	v4 =	vld [tilespmem:s21+$0x1A0]  }
0x56: {  	v0 =	vmax.f32 v0, v5;
	v5 =	vld [tilespmem:s21+$0x1E0]  }
0x57: {  	v0 =	vmax.f32 v0, v1  }
0x58: {  	v0 =	vmax.f32 v0, v2  }
0x59: {  	v0 =	vmax.f32 v0, v3  }
0x5a: {  	v0 =	vmax.f32 v0, v4  }
0x5b: {  	v0 =	vmax.f32 v0, v5  }
0x5c: {  	[tilespmem:s22+$0x4120] =	vst v0  }
0x5d: {  	v0 =	vld [tilespmem:s21+$0xFFFFFE30]  }
0x5e: {  	v1 =	vld [tilespmem:s21+$0xFFFFFE70]  }
0x5f: {  	v2 =	vld [tilespmem:s21+$0xFFFFFEB0]  }
0x60: {  	v3 =	vld [tilespmem:s21+$0xFFFFFEF0]  }
0x61: {  	v4 =	vld [tilespmem:s21+$0xFFFFFF30]  }
0x62: {  	v5 =	vld [tilespmem:s21+$0xFFFFFF70]  }
0x63: {  	v0 =	vmax.f32 v0, v1;
	v1 =	vld [tilespmem:s21+$0xFFFFFFB0]  }
0x64: {  	v0 =	vmax.f32 v0, v2;
	v2 =	vld [tilespmem:s21+$0xFFFFFFF0]  }
0x65: {  	v0 =	vmax.f32 v0, v3;
	v3 =	vld [tilespmem:s21+$0x30]  }
0x66: {  	v0 =	vmax.f32 v0, v4;
	v4 =	vld [tilespmem:s21+$0x70]  }
0x67: {  	v0 =	vmax.f32 v0, v5;
	v5 =	vld [tilespmem:s21+$0xB0]  }
0x68: {  	v6 =	vld [tilespmem:s21+$0xF0];
	v0 =	vmax.f32 v0, v1  }
0x69: {  	v0 =	vmax.f32 v0, v2  }
0x6a: {  	v1 =	vld [tilespmem:s21+$0x130];
	v2 =	vmax.f32 v0, v3  }
0x6b: {  	v0 =	vld [tilespmem:s21+$0x170];
	v3 =	vmax.f32 v2, v4  }
0x6c: {  	v2 =	vld [tilespmem:s21+$0x1B0];
	v4 =	vmax.f32 v3, v5  }
0x6d: {  	s23 =	simm.s32 $0x100;
	v3 =	vld [tilespmem:s21+$0x1F0];
	v4 =	vmax.f32 v4, v6  }
.LBB2_3:
0x6e: {  	p0 =	sne.s32 s23, $0x700  }
0x6f: {  	v1 =	vmax.f32 v4, v1;
	s21 =	sadd.s32 $0x400, s21;
	s24 =	smov.u32 s23;
	s23 =	sadd.s32 $0x100, s23  }
0x70: {  	v0 =	vmax.f32 v1, v0  }
0x71: {  	v0 =	vmax.f32 v0, v2  }
0x72: {  	v0 =	vmax.f32 v0, v3  }
0x73: {  	[tilespmem:s22+$0x4130] =	vst v0;
	_ =	sdelay $0x1  }
0x74: {  	v0 =	vld [tilespmem:s21+$0xFFFFFE40]  }
0x75: {  	v1 =	vld [tilespmem:s21+$0xFFFFFE00]  }
0x76: {  	v2 =	vld [tilespmem:s21+$0xFFFFFE80]  }
0x77: {  	v3 =	vld [tilespmem:s21+$0xFFFFFEC0]  }
0x78: {  	v4 =	vld [tilespmem:s21+$0xFFFFFF00]  }
0x79: {  	v5 =	vld [tilespmem:s21+$0xFFFFFF40]  }
0x7a: {  	v0 =	vmax.f32 v1, v0;
	v1 =	vld [tilespmem:s21+$0xFFFFFF80]  }
0x7b: {  	v0 =	vmax.f32 v0, v2;
	v2 =	vld [tilespmem:s21+$0xFFFFFFC0]  }
0x7c: {  	v0 =	vmax.f32 v0, v3;
	v3 =	vld [tilespmem:s21+$0x0]  }
0x7d: {  	v0 =	vmax.f32 v0, v4;
	v4 =	vld [tilespmem:s21+$0x40]  }
0x7e: {  	v0 =	vmax.f32 v0, v5;
	v5 =	vld [tilespmem:s21+$0x80]  }
0x7f: {  	v0 =	vmax.f32 v0, v1;
	v1 =	vld [tilespmem:s21+$0xC0]  }
0x80: {  	v0 =	vmax.f32 v0, v2;
	v2 =	vld [tilespmem:s21+$0x100]  }
0x81: {  	v0 =	vmax.f32 v0, v3;
	v3 =	vld [tilespmem:s21+$0x140]  }
0x82: {  	v0 =	vmax.f32 v0, v4;
	v4 =	vld [tilespmem:s21+$0x180]  }
0x83: {  	v0 =	vmax.f32 v0, v5;
	v5 =	vld [tilespmem:s21+$0x1C0]  }
0x84: {  	v0 =	vmax.f32 v0, v1  }
0x85: {  	v0 =	vmax.f32 v0, v2  }
0x86: {  	v0 =	vmax.f32 v0, v3  }
0x87: {  	v0 =	vmax.f32 v0, v4  }
0x88: {  	s22 =	sshra.s32 s24, $0x2;
	v0 =	vmax.f32 v0, v5  }
0x89: {  	[tilespmem:s22+$0x4100] =	vst v0  }
0x8a: {  	v0 =	vld [tilespmem:s21+$0xFFFFFE10]  }
0x8b: {  	v1 =	vld [tilespmem:s21+$0xFFFFFE50]  }
0x8c: {  	v2 =	vld [tilespmem:s21+$0xFFFFFE90]  }
0x8d: {  	v3 =	vld [tilespmem:s21+$0xFFFFFED0]  }
0x8e: {  	v4 =	vld [tilespmem:s21+$0xFFFFFF10]  }
0x8f: {  	v5 =	vld [tilespmem:s21+$0xFFFFFF50]  }
0x90: {  	v0 =	vmax.f32 v0, v1;
	v1 =	vld [tilespmem:s21+$0xFFFFFF90]  }
0x91: {  	v0 =	vmax.f32 v0, v2;
	v2 =	vld [tilespmem:s21+$0xFFFFFFD0]  }
0x92: {  	v0 =	vmax.f32 v0, v3;
	v3 =	vld [tilespmem:s21+$0x10]  }
0x93: {  	v0 =	vmax.f32 v0, v4;
	v4 =	vld [tilespmem:s21+$0x50]  }
0x94: {  	v0 =	vmax.f32 v0, v5;
	v5 =	vld [tilespmem:s21+$0x90]  }
0x95: {  	v0 =	vmax.f32 v0, v1;
	v1 =	vld [tilespmem:s21+$0xD0]  }
0x96: {  	v0 =	vmax.f32 v0, v2;
	v2 =	vld [tilespmem:s21+$0x110]  }
0x97: {  	v0 =	vmax.f32 v0, v3;
	v3 =	vld [tilespmem:s21+$0x150]  }
0x98: {  	v0 =	vmax.f32 v0, v4;
	v4 =	vld [tilespmem:s21+$0x190]  }
0x99: {  	v0 =	vmax.f32 v0, v5;
	v5 =	vld [tilespmem:s21+$0x1D0]  }
0x9a: {  	v0 =	vmax.f32 v0, v1  }
0x9b: {  	v0 =	vmax.f32 v0, v2  }
0x9c: {  	v0 =	vmax.f32 v0, v3  }
0x9d: {  	v0 =	vmax.f32 v0, v4  }
0x9e: {  	v0 =	vmax.f32 v0, v5  }
0x9f: {  	[tilespmem:s22+$0x4110] =	vst v0  }
0xa0: {  	v0 =	vld [tilespmem:s21+$0xFFFFFE20]  }
0xa1: {  	v1 =	vld [tilespmem:s21+$0xFFFFFE60]  }
0xa2: {  	v2 =	vld [tilespmem:s21+$0xFFFFFEA0]  }
0xa3: {  	v3 =	vld [tilespmem:s21+$0xFFFFFEE0]  }
0xa4: {  	v4 =	vld [tilespmem:s21+$0xFFFFFF20]  }
0xa5: {  	v5 =	vld [tilespmem:s21+$0xFFFFFF60]  }
0xa6: {  	v0 =	vmax.f32 v0, v1;
	v1 =	vld [tilespmem:s21+$0xFFFFFFA0]  }
0xa7: {  	v0 =	vmax.f32 v0, v2;
	v2 =	vld [tilespmem:s21+$0xFFFFFFE0]  }
0xa8: {  	v0 =	vmax.f32 v0, v3;
	v3 =	vld [tilespmem:s21+$0x20]  }
0xa9: {  	v0 =	vmax.f32 v0, v4;
	v4 =	vld [tilespmem:s21+$0x60]  }
0xaa: {  	v0 =	vmax.f32 v0, v5;
	v5 =	vld [tilespmem:s21+$0xA0]  }
0xab: {  	v0 =	vmax.f32 v0, v1;
	v1 =	vld [tilespmem:s21+$0xE0]  }
0xac: {  	v0 =	vmax.f32 v0, v2;
	v2 =	vld [tilespmem:s21+$0x120]  }
0xad: {  	v0 =	vmax.f32 v0, v3;
	v3 =	vld [tilespmem:s21+$0x160]  }
0xae: {  	v0 =	vmax.f32 v0, v4;
	v4 =	vld [tilespmem:s21+$0x1A0]  }
0xaf: {  	v0 =	vmax.f32 v0, v5;
	v5 =	vld [tilespmem:s21+$0x1E0]  }
0xb0: {  	v0 =	vmax.f32 v0, v1  }
0xb1: {  	v0 =	vmax.f32 v0, v2  }
0xb2: {  	v0 =	vmax.f32 v0, v3  }
0xb3: {  	v0 =	vmax.f32 v0, v4  }
0xb4: {  	v0 =	vmax.f32 v0, v5  }
0xb5: {  	[tilespmem:s22+$0x4120] =	vst v0  }
0xb6: {  	v0 =	vld [tilespmem:s21+$0xFFFFFE30]  }
0xb7: {  	v1 =	vld [tilespmem:s21+$0xFFFFFE70]  }
0xb8: {  	v2 =	vld [tilespmem:s21+$0xFFFFFEB0]  }
0xb9: {  	v3 =	vld [tilespmem:s21+$0xFFFFFEF0]  }
0xba: {  	v4 =	vld [tilespmem:s21+$0xFFFFFF30]  }
0xbb: {  	v5 =	vld [tilespmem:s21+$0xFFFFFF70]  }
0xbc: {  	v0 =	vmax.f32 v0, v1;
	v1 =	vld [tilespmem:s21+$0xFFFFFFB0]  }
0xbd: {  	v0 =	vmax.f32 v0, v2;
	v2 =	vld [tilespmem:s21+$0xFFFFFFF0]  }
0xbe: {  	v0 =	vmax.f32 v0, v3;
	v3 =	vld [tilespmem:s21+$0x30]  }
0xbf: {  	v0 =	vmax.f32 v0, v4;
	v4 =	vld [tilespmem:s21+$0x70]  }
0xc0: {  	v0 =	vmax.f32 v0, v5;
	v5 =	vld [tilespmem:s21+$0xB0]  }
0xc1: {  	v0 =	vmax.f32 v0, v1;
	v6 =	vld [tilespmem:s21+$0xF0]  }
.Ltmp0:
0xc2: {  	v0 =	vmax.f32 v0, v2;
	v1 =	vld [tilespmem:s21+$0x130];
	(pc) =	sbr.rel @p0 .LBB2_3-.Ltmp0, $4  }
0xc3: {  	v2 =	vmax.f32 v0, v3;
	v0 =	vld [tilespmem:s21+$0x170]  }
0xc4: {  	v3 =	vmax.f32 v2, v4;
	v2 =	vld [tilespmem:s21+$0x1B0]  }
0xc5: {  	v4 =	vmax.f32 v3, v5;
	v3 =	vld [tilespmem:s21+$0x1F0]  }
0xc6: {  	v4 =	vmax.f32 v4, v6  }
0xc7: {  	v1 =	vmax.f32 v4, v1  }
0xc8: {  	s21 =	sshll.u32 s20, $0xA;
	v0 =	vmax.f32 v1, v0  }
0xc9: {  	s21 =	sadd.s32 s8, s21;
	v0 =	vmax.f32 v0, v2  }
0xca: {  	s31 =	simm.s32 $0x0;
	s23 =	sshrl.u32 s21, $0x3;
	s21 =	sshll.u32 s20, $0x8;
	v0 =	vmax.f32 v0, v3  }
0xcb: {  	p0 =	seq.s32 s20, $0x27;
	s30 =	sadd.s32 s5, s23;
	[tilespmem:s22+$0x4130] =	vst v0;
	s22 =	sadd.s32 $0x100, s21  }
0xcc: {  	[hbm4b:s30+s31] =	stream.linear.scatter [tilespmem:s17], [sflag:$0x3], $0x200, $0x38;
	[tilespmem:$0x4300] =	vst v63  }
0xcd: {  	s22 =	simm.s32 @p0 $0x0  }
0xce: {  	_ =	swait.ge [sflag:s12], $0x200;
	s22 =	sadd.s32 s9, s22  }
0xcf: {  	[sflag:s12] =	ssyncset.done $0x0;
	s22 =	sshrl.u32 s22, $0x3  }
0xd0: {  	[sflag:s12] =	ssyncadd.s32 $0xFFFFFE00;
	s22 =	sadd.s32 s4, s22  }
0xd1: {  	[tilespmem:s31], [sflag:$0x3] =	stream.linear.gather [hbm4b:s22+s31], $0x80, $0x38;
	[tilespmem:$0x4300] =	vst v63  }
0xd2: {  	_ =	swait.ge [sflag:s12], $0x80  }
0xd3: {  	[sflag:s12] =	ssyncset.done $0x0  }
0xd4: {  	[sflag:s12] =	ssyncadd.s32 $0xFFFFFF80  }
0xd5: {  	[tilespmem:s14], [sflag:$0x1] =	stream.indirect.gather [hbm4b:s3+s13], $0x40, s31, s13, $0xb8;
	[tilespmem:$0x4300] =	vst v63  }
0xd6: {  	_ =	swait.ge [sflag:s18], $0x2000  }
0xd7: {  	[sflag:s18] =	ssyncset.done $0x0  }
0xd8: {  	s22 =	simm.s32 $0x2300;
	[sflag:s18] =	ssyncadd.s32 $0xFFFFE000  }
0xd9: {  	v0 =	vld [tilespmem:s22+$0xFFFFFE40]  }
0xda: {  	v1 =	vld [tilespmem:s22+$0xFFFFFE00]  }
0xdb: {  	v2 =	vld [tilespmem:s22+$0xFFFFFE80]  }
0xdc: {  	v3 =	vld [tilespmem:s22+$0xFFFFFEC0]  }
0xdd: {  	v4 =	vld [tilespmem:s22+$0xFFFFFF00]  }
0xde: {  	v5 =	vld [tilespmem:s22+$0xFFFFFF40]  }
0xdf: {  	v0 =	vmax.f32 v1, v0;
	v1 =	vld [tilespmem:s22+$0xFFFFFF80]  }
0xe0: {  	v0 =	vmax.f32 v0, v2;
	v2 =	vld [tilespmem:s22+$0xFFFFFFC0]  }
0xe1: {  	v0 =	vmax.f32 v0, v3;
	v3 =	vld [tilespmem:s22+$0x0]  }
0xe2: {  	v0 =	vmax.f32 v0, v4;
	v4 =	vld [tilespmem:s22+$0x40]  }
0xe3: {  	v0 =	vmax.f32 v0, v5;
	v5 =	vld [tilespmem:s22+$0x80]  }
0xe4: {  	v0 =	vmax.f32 v0, v1;
	v1 =	vld [tilespmem:s22+$0xC0]  }
0xe5: {  	v0 =	vmax.f32 v0, v2;
	v2 =	vld [tilespmem:s22+$0x100]  }
0xe6: {  	v0 =	vmax.f32 v0, v3;
	v3 =	vld [tilespmem:s22+$0x140]  }
0xe7: {  	v0 =	vmax.f32 v0, v4;
	v4 =	vld [tilespmem:s22+$0x180]  }
0xe8: {  	v0 =	vmax.f32 v0, v5;
	v5 =	vld [tilespmem:s22+$0x1C0]  }
0xe9: {  	v0 =	vmax.f32 v0, v1  }
0xea: {  	v0 =	vmax.f32 v0, v2  }
0xeb: {  	v0 =	vmax.f32 v0, v3  }
0xec: {  	v0 =	vmax.f32 v0, v4  }
0xed: {  	s23 =	simm.s32 $0x0;
	v0 =	vmax.f32 v0, v5  }
0xee: {  	[tilespmem:s23+$0x4100] =	vst v0  }
0xef: {  	v0 =	vld [tilespmem:s22+$0xFFFFFE10]  }
0xf0: {  	v1 =	vld [tilespmem:s22+$0xFFFFFE50]  }
0xf1: {  	v2 =	vld [tilespmem:s22+$0xFFFFFE90]  }
0xf2: {  	v3 =	vld [tilespmem:s22+$0xFFFFFED0]  }
0xf3: {  	v4 =	vld [tilespmem:s22+$0xFFFFFF10]  }
0xf4: {  	v5 =	vld [tilespmem:s22+$0xFFFFFF50]  }
0xf5: {  	v0 =	vmax.f32 v0, v1;
	v1 =	vld [tilespmem:s22+$0xFFFFFF90]  }
0xf6: {  	v0 =	vmax.f32 v0, v2;
	v2 =	vld [tilespmem:s22+$0xFFFFFFD0]  }
0xf7: {  	v0 =	vmax.f32 v0, v3;
	v3 =	vld [tilespmem:s22+$0x10]  }
0xf8: {  	v0 =	vmax.f32 v0, v4;
	v4 =	vld [tilespmem:s22+$0x50]  }
0xf9: {  	v0 =	vmax.f32 v0, v5;
	v5 =	vld [tilespmem:s22+$0x90]  }
0xfa: {  	v0 =	vmax.f32 v0, v1;
	v1 =	vld [tilespmem:s22+$0xD0]  }
0xfb: {  	v0 =	vmax.f32 v0, v2;
	v2 =	vld [tilespmem:s22+$0x110]  }
0xfc: {  	v0 =	vmax.f32 v0, v3;
	v3 =	vld [tilespmem:s22+$0x150]  }
0xfd: {  	v0 =	vmax.f32 v0, v4;
	v4 =	vld [tilespmem:s22+$0x190]  }
0xfe: {  	v0 =	vmax.f32 v0, v5;
	v5 =	vld [tilespmem:s22+$0x1D0]  }
0xff: {  	v0 =	vmax.f32 v0, v1  }
0x100: {  	v0 =	vmax.f32 v0, v2  }
0x101: {  	v0 =	vmax.f32 v0, v3  }
0x102: {  	v0 =	vmax.f32 v0, v4  }
0x103: {  	v0 =	vmax.f32 v0, v5  }
0x104: {  	[tilespmem:s23+$0x4110] =	vst v0  }
0x105: {  	v0 =	vld [tilespmem:s22+$0xFFFFFE20]  }
0x106: {  	v1 =	vld [tilespmem:s22+$0xFFFFFE60]  }
0x107: {  	v2 =	vld [tilespmem:s22+$0xFFFFFEA0]  }
0x108: {  	v3 =	vld [tilespmem:s22+$0xFFFFFEE0]  }
0x109: {  	v4 =	vld [tilespmem:s22+$0xFFFFFF20]  }
0x10a: {  	v5 =	vld [tilespmem:s22+$0xFFFFFF60]  }
0x10b: {  	v0 =	vmax.f32 v0, v1;
	v1 =	vld [tilespmem:s22+$0xFFFFFFA0]  }
0x10c: {  	v0 =	vmax.f32 v0, v2;
	v2 =	vld [tilespmem:s22+$0xFFFFFFE0]  }
0x10d: {  	v0 =	vmax.f32 v0, v3;
	v3 =	vld [tilespmem:s22+$0x20]  }
0x10e: {  	v0 =	vmax.f32 v0, v4;
	v4 =	vld [tilespmem:s22+$0x60]  }
0x10f: {  	v0 =	vmax.f32 v0, v5;
	v5 =	vld [tilespmem:s22+$0xA0]  }
0x110: {  	v0 =	vmax.f32 v0, v1;
	v1 =	vld [tilespmem:s22+$0xE0]  }
0x111: {  	v0 =	vmax.f32 v0, v2;
	v2 =	vld [tilespmem:s22+$0x120]  }
0x112: {  	v0 =	vmax.f32 v0, v3;
	v3 =	vld [tilespmem:s22+$0x160]  }
0x113: {  	v0 =	vmax.f32 v0, v4;
	v4 =	vld [tilespmem:s22+$0x1A0]  }
0x114: {  	v0 =	vmax.f32 v0, v5;
	v5 =	vld [tilespmem:s22+$0x1E0]  }
0x115: {  	v0 =	vmax.f32 v0, v1  }
0x116: {  	v0 =	vmax.f32 v0, v2  }
0x117: {  	v0 =	vmax.f32 v0, v3  }
0x118: {  	v0 =	vmax.f32 v0, v4  }
0x119: {  	v0 =	vmax.f32 v0, v5  }
0x11a: {  	[tilespmem:s23+$0x4120] =	vst v0  }
0x11b: {  	v0 =	vld [tilespmem:s22+$0xFFFFFE30]  }
0x11c: {  	v1 =	vld [tilespmem:s22+$0xFFFFFE70]  }
0x11d: {  	v2 =	vld [tilespmem:s22+$0xFFFFFEB0]  }
0x11e: {  	v3 =	vld [tilespmem:s22+$0xFFFFFEF0]  }
0x11f: {  	v4 =	vld [tilespmem:s22+$0xFFFFFF30]  }
0x120: {  	v5 =	vld [tilespmem:s22+$0xFFFFFF70]  }
0x121: {  	v0 =	vmax.f32 v0, v1;
	v1 =	vld [tilespmem:s22+$0xFFFFFFB0]  }
0x122: {  	v0 =	vmax.f32 v0, v2;
	v2 =	vld [tilespmem:s22+$0xFFFFFFF0]  }
0x123: {  	v0 =	vmax.f32 v0, v3;
	v3 =	vld [tilespmem:s22+$0x30]  }
0x124: {  	v0 =	vmax.f32 v0, v4;
	v4 =	vld [tilespmem:s22+$0x70]  }
0x125: {  	v0 =	vmax.f32 v0, v5;
	v5 =	vld [tilespmem:s22+$0xB0]  }
0x126: {  	v6 =	vld [tilespmem:s22+$0xF0];
	v0 =	vmax.f32 v0, v1  }
0x127: {  	v0 =	vmax.f32 v0, v2  }
0x128: {  	v1 =	vld [tilespmem:s22+$0x130];
	v2 =	vmax.f32 v0, v3  }
0x129: {  	v0 =	vld [tilespmem:s22+$0x170];
	v3 =	vmax.f32 v2, v4  }
0x12a: {  	v2 =	vld [tilespmem:s22+$0x1B0];
	v4 =	vmax.f32 v3, v5  }
0x12b: {  	s24 =	simm.s32 $0x100;
	v3 =	vld [tilespmem:s22+$0x1F0];
	v4 =	vmax.f32 v4, v6  }
.LBB2_5:
0x12c: {  	p1 =	sne.s32 s24, $0x700  }
0x12d: {  	v1 =	vmax.f32 v4, v1;
	s22 =	sadd.s32 $0x400, s22;
	s25 =	smov.u32 s24;
	s24 =	sadd.s32 $0x100, s24  }
0x12e: {  	v0 =	vmax.f32 v1, v0  }
0x12f: {  	v0 =	vmax.f32 v0, v2  }
0x130: {  	v0 =	vmax.f32 v0, v3  }
0x131: {  	[tilespmem:s23+$0x4130] =	vst v0;
	_ =	sdelay $0x1  }
0x132: {  	v0 =	vld [tilespmem:s22+$0xFFFFFE40]  }
0x133: {  	v1 =	vld [tilespmem:s22+$0xFFFFFE00]  }
0x134: {  	v2 =	vld [tilespmem:s22+$0xFFFFFE80]  }
0x135: {  	v3 =	vld [tilespmem:s22+$0xFFFFFEC0]  }
0x136: {  	v4 =	vld [tilespmem:s22+$0xFFFFFF00]  }
0x137: {  	v5 =	vld [tilespmem:s22+$0xFFFFFF40]  }
0x138: {  	v0 =	vmax.f32 v1, v0;
	v1 =	vld [tilespmem:s22+$0xFFFFFF80]  }
0x139: {  	v0 =	vmax.f32 v0, v2;
	v2 =	vld [tilespmem:s22+$0xFFFFFFC0]  }
0x13a: {  	v0 =	vmax.f32 v0, v3;
	v3 =	vld [tilespmem:s22+$0x0]  }
0x13b: {  	v0 =	vmax.f32 v0, v4;
	v4 =	vld [tilespmem:s22+$0x40]  }
0x13c: {  	v0 =	vmax.f32 v0, v5;
	v5 =	vld [tilespmem:s22+$0x80]  }
0x13d: {  	v0 =	vmax.f32 v0, v1;
	v1 =	vld [tilespmem:s22+$0xC0]  }
0x13e: {  	v0 =	vmax.f32 v0, v2;
	v2 =	vld [tilespmem:s22+$0x100]  }
0x13f: {  	v0 =	vmax.f32 v0, v3;
	v3 =	vld [tilespmem:s22+$0x140]  }
0x140: {  	v0 =	vmax.f32 v0, v4;
	v4 =	vld [tilespmem:s22+$0x180]  }
0x141: {  	v0 =	vmax.f32 v0, v5;
	v5 =	vld [tilespmem:s22+$0x1C0]  }
0x142: {  	v0 =	vmax.f32 v0, v1  }
0x143: {  	v0 =	vmax.f32 v0, v2  }
0x144: {  	v0 =	vmax.f32 v0, v3  }
0x145: {  	v0 =	vmax.f32 v0, v4  }
0x146: {  	s23 =	sshra.s32 s25, $0x2;
	v0 =	vmax.f32 v0, v5  }
0x147: {  	[tilespmem:s23+$0x4100] =	vst v0  }
0x148: {  	v0 =	vld [tilespmem:s22+$0xFFFFFE10]  }
0x149: {  	v1 =	vld [tilespmem:s22+$0xFFFFFE50]  }
0x14a: {  	v2 =	vld [tilespmem:s22+$0xFFFFFE90]  }
0x14b: {  	v3 =	vld [tilespmem:s22+$0xFFFFFED0]  }
0x14c: {  	v4 =	vld [tilespmem:s22+$0xFFFFFF10]  }
0x14d: {  	v5 =	vld [tilespmem:s22+$0xFFFFFF50]  }
0x14e: {  	v0 =	vmax.f32 v0, v1;
	v1 =	vld [tilespmem:s22+$0xFFFFFF90]  }
0x14f: {  	v0 =	vmax.f32 v0, v2;
	v2 =	vld [tilespmem:s22+$0xFFFFFFD0]  }
0x150: {  	v0 =	vmax.f32 v0, v3;
	v3 =	vld [tilespmem:s22+$0x10]  }
0x151: {  	v0 =	vmax.f32 v0, v4;
	v4 =	vld [tilespmem:s22+$0x50]  }
0x152: {  	v0 =	vmax.f32 v0, v5;
	v5 =	vld [tilespmem:s22+$0x90]  }
0x153: {  	v0 =	vmax.f32 v0, v1;
	v1 =	vld [tilespmem:s22+$0xD0]  }
0x154: {  	v0 =	vmax.f32 v0, v2;
	v2 =	vld [tilespmem:s22+$0x110]  }
0x155: {  	v0 =	vmax.f32 v0, v3;
	v3 =	vld [tilespmem:s22+$0x150]  }
0x156: {  	v0 =	vmax.f32 v0, v4;
	v4 =	vld [tilespmem:s22+$0x190]  }
0x157: {  	v0 =	vmax.f32 v0, v5;
	v5 =	vld [tilespmem:s22+$0x1D0]  }
0x158: {  	v0 =	vmax.f32 v0, v1  }
0x159: {  	v0 =	vmax.f32 v0, v2  }
0x15a: {  	v0 =	vmax.f32 v0, v3  }
0x15b: {  	v0 =	vmax.f32 v0, v4  }
0x15c: {  	v0 =	vmax.f32 v0, v5  }
0x15d: {  	[tilespmem:s23+$0x4110] =	vst v0  }
0x15e: {  	v0 =	vld [tilespmem:s22+$0xFFFFFE20]  }
0x15f: {  	v1 =	vld [tilespmem:s22+$0xFFFFFE60]  }
0x160: {  	v2 =	vld [tilespmem:s22+$0xFFFFFEA0]  }
0x161: {  	v3 =	vld [tilespmem:s22+$0xFFFFFEE0]  }
0x162: {  	v4 =	vld [tilespmem:s22+$0xFFFFFF20]  }
0x163: {  	v5 =	vld [tilespmem:s22+$0xFFFFFF60]  }
0x164: {  	v0 =	vmax.f32 v0, v1;
	v1 =	vld [tilespmem:s22+$0xFFFFFFA0]  }
0x165: {  	v0 =	vmax.f32 v0, v2;
	v2 =	vld [tilespmem:s22+$0xFFFFFFE0]  }
0x166: {  	v0 =	vmax.f32 v0, v3;
	v3 =	vld [tilespmem:s22+$0x20]  }
0x167: {  	v0 =	vmax.f32 v0, v4;
	v4 =	vld [tilespmem:s22+$0x60]  }
0x168: {  	v0 =	vmax.f32 v0, v5;
	v5 =	vld [tilespmem:s22+$0xA0]  }
0x169: {  	v0 =	vmax.f32 v0, v1;
	v1 =	vld [tilespmem:s22+$0xE0]  }
0x16a: {  	v0 =	vmax.f32 v0, v2;
	v2 =	vld [tilespmem:s22+$0x120]  }
0x16b: {  	v0 =	vmax.f32 v0, v3;
	v3 =	vld [tilespmem:s22+$0x160]  }
0x16c: {  	v0 =	vmax.f32 v0, v4;
	v4 =	vld [tilespmem:s22+$0x1A0]  }
0x16d: {  	v0 =	vmax.f32 v0, v5;
	v5 =	vld [tilespmem:s22+$0x1E0]  }
0x16e: {  	v0 =	vmax.f32 v0, v1  }
0x16f: {  	v0 =	vmax.f32 v0, v2  }
0x170: {  	v0 =	vmax.f32 v0, v3  }
0x171: {  	v0 =	vmax.f32 v0, v4  }
0x172: {  	v0 =	vmax.f32 v0, v5  }
0x173: {  	[tilespmem:s23+$0x4120] =	vst v0  }
0x174: {  	v0 =	vld [tilespmem:s22+$0xFFFFFE30]  }
0x175: {  	v1 =	vld [tilespmem:s22+$0xFFFFFE70]  }
0x176: {  	v2 =	vld [tilespmem:s22+$0xFFFFFEB0]  }
0x177: {  	v3 =	vld [tilespmem:s22+$0xFFFFFEF0]  }
0x178: {  	v4 =	vld [tilespmem:s22+$0xFFFFFF30]  }
0x179: {  	v5 =	vld [tilespmem:s22+$0xFFFFFF70]  }
0x17a: {  	v0 =	vmax.f32 v0, v1;
	v1 =	vld [tilespmem:s22+$0xFFFFFFB0]  }
0x17b: {  	v0 =	vmax.f32 v0, v2;
	v2 =	vld [tilespmem:s22+$0xFFFFFFF0]  }
0x17c: {  	v0 =	vmax.f32 v0, v3;
	v3 =	vld [tilespmem:s22+$0x30]  }
0x17d: {  	v0 =	vmax.f32 v0, v4;
	v4 =	vld [tilespmem:s22+$0x70]  }
0x17e: {  	v0 =	vmax.f32 v0, v5;
	v5 =	vld [tilespmem:s22+$0xB0]  }
0x17f: {  	v0 =	vmax.f32 v0, v1;
	v6 =	vld [tilespmem:s22+$0xF0]  }
.Ltmp1:
0x180: {  	v0 =	vmax.f32 v0, v2;
	v1 =	vld [tilespmem:s22+$0x130];
	(pc) =	sbr.rel @p1 .LBB2_5-.Ltmp1, $4  }
0x181: {  	v2 =	vmax.f32 v0, v3;
	v0 =	vld [tilespmem:s22+$0x170]  }
0x182: {  	v3 =	vmax.f32 v2, v4;
	v2 =	vld [tilespmem:s22+$0x1B0]  }
0x183: {  	v4 =	vmax.f32 v3, v5;
	v3 =	vld [tilespmem:s22+$0x1F0]  }
0x184: {  	v4 =	vmax.f32 v4, v6  }
0x185: {  	v1 =	vmax.f32 v4, v1  }
0x186: {  	v0 =	vmax.f32 v1, v0  }
0x187: {  	v0 =	vmax.f32 v0, v2  }
0x188: {  	s22 =	sshll.u32 s20, $0x7;
	s21 =	sadd.s32 $0x180, s21;
	v0 =	vmax.f32 v0, v3  }
0x189: {  	s22 =	sadd.s32 s11, s22;
	s21 =	simm.s32 @p0 $0x80;
	[tilespmem:s23+$0x4130] =	vst v0  }
0x18a: {  	[hbm4b:s22+s2] =	stream.linear.scatter [tilespmem:s17], [sflag:$0x3], $0x200, $0x38;
	[tilespmem:$0x4300] =	vst v63  }
0x18b: {  	s21 =	sadd.s32 s9, s21;
	_ =	swait.ge [sflag:s12], $0x200  }
0x18c: {  	s20 =	sadd.s32 $0x1, s20;
	s21 =	sshrl.u32 s21, $0x3;
	[sflag:s12] =	ssyncset.done $0x0  }
0x18d: {  	p0 =	sne.s32 s20, $0x28;
	s21 =	sadd.s32 s4, s21;
	[sflag:s12] =	ssyncadd.s32 $0xFFFFFE00  }
0x18e: {  	[tilespmem:s13], [sflag:$0x3] =	stream.linear.gather [hbm4b:s21+s2], $0x80, $0x38;
	[tilespmem:$0x4300] =	vst v63  }
.Ltmp2:
0x18f: {  	_ = 	snop;
	(pc) =	sbr.rel @p0 .LBB2_2-.Ltmp2, $4  }
0x190: {  	_ =	swait.ge [sflag:s12], $0x80  }
0x191: {  	[sflag:s12] =	ssyncset.done $0x0  }
0x192: {  	[sflag:s12] =	ssyncadd.s32 $0xFFFFFF80  }
0x193: {  	[tilespmem:s15], [sflag:$0x2] =	stream.indirect.gather [hbm4b:s3+s13], $0x40, s13, s13, $0xb8;
	[tilespmem:$0x4300] =	vst v63  }
0x194: {  	s19 =	sadd.s32 $0x1, s19  }
0x195: {  	_ =	swait.ge [sflag:s16], $0x2000;
	p0 =	sne.s32 s19, s10  }
.Ltmp3:
0x196: {  	[sflag:s16] =	ssyncset.done $0x0;
	(pc) =	sbr.rel @p0 .LBB2_1-.Ltmp3, $4  }
0x197: {  	[sflag:s16] =	ssyncadd.s32 $0xFFFFE000  }
0x198: {  	_ =	swait.ge [sflag:s18], $0x2000  }
0x199: {  	[sflag:s18] =	ssyncset.done $0x0  }
0x19a: {  	[sflag:s18] =	ssyncadd.s32 $0xFFFFE000  }
0x19b: {  	_ =	sfence.sel $0x180000  }
0x19c: {  	[bflag:$0x0] =	sbarrier.arrive $0xFFFF  }
0x19d: {  	p0 =	sne.s32 s1, $0x0;
	_ =	strace $0x9000004A  }
0x19e: {  	s0 =	sadd.s32 @!p0 $0x100000, s0;
	[bflag:$0x2] =	sbarrier.arrive $0xFFFF  }
0x19f: {  	[sflag:s0] =	ssyncadd.tile.s32 @!p0 $0x1;
	_ =	shalt  }
.Lfunc_end2:
_tile_overlayer_lowered:
.L_overlay_start_2:
0x1a0: {  	(tag) =	ssettag $0x2  }
0x1a1: {  	s0 =	rddreg [dreg:$0x0];
	s2 =	stileid.u32  }
0x1a2: {  	s1 =	rddreg [dreg:$0x1];
	p0 =	sne.s32 s2, $0x0  }
0x1a3: {  	s3 =	rddreg [dreg:$0x2];
	[bflag:$0x3] =	sbarrier.arrive $0xFFFF;
	s2 =	simm.s32 @!p0 $0x1C03  }
0x1a4: {  	[timem:s3], [sflag:s2] =	dma.local @!p0 [hbm:s0], s1  }
0x1a5: {  	s0 =	simm.s32 @!p0 $0x3  }
0x1a6: {  	_ =	swait.ge @!p0 [sflag:s0], s1  }
0x1a7: {  	s1 =	ssub.s32 @!p0 $0x0, s1;
	[sflag:s0] =	ssyncset.done @!p0 $0x0  }
0x1a8: {  	[sflag:s0] =	ssyncadd.s32 @!p0 s1  }
0x1a9: {  	[bflag:$0x3] =	sbarrier.arrive $0xFFFF  }
0x1aa: {  	_ =	shalt  }

// kernel: kernel.9.cloned.1.call-start
scs
__scs_entry_jumppad:
0x0: {  	(pc) =	sbr.rel $0x88, $3  }
0x1: {  	(tag) =	ssettag $0x0;
	lr =	simm.s32 $0x1  }
0x2: {  	[smem:$0x3F97] =	sst lr;
	_ =	strace $0xD0000000  }
0x3: {  	_ = 	snop  }
0x4: {  	_ = 	snop  }
0x5: {  	_ = 	snop  }
0x6: {  	_ = 	snop  }
0x7: {  	_ = 	snop  }
__scs_overlays_trampoline_lowered:
0x8: {  	[smem:$0x3FA6] =	sst s0  }
0x9: {  	[smem:$0x3FA7] =	sst s1  }
0xa: {  	[smem:$0x3FA8] =	sst s2  }
0xb: {  	[smem:$0x3FA9] =	sst s3  }
0xc: {  	[smem:$0x3FAA] =	sst s4  }
0xd: {  	[smem:$0x3FAB] =	sst s5  }
0xe: {  	[smem:$0x3FAC] =	sst s6  }
0xf: {  	[smem:$0x3FAD] =	sst s7  }
0x10: {  	[smem:$0x3FAE] =	sst s8  }
0x11: {  	[smem:$0x3FAF] =	sst s9;
	s0 =	simm.s32 @!p0 $0x0  }
0x12: {  	s1 =	sld [smem:$0x3F95];
	s0 =	simm.s32 @p0 $0x1  }
0x13: {  	[smem:$0x3FB0] =	sst s0;
	s0 =	simm.s32 @!p1 $0x0  }
0x14: {  	s2 =	sld [smem:$0x3F94];
	s0 =	simm.s32 @p1 $0x1  }
0x15: {  	[smem:$0x3FB1] =	sst s0;
	s0 =	simm.s32 @!p2 $0x0  }
0x16: {  	s3 =	sld [smem:$0x3FDB];
	s0 =	simm.s32 @p2 $0x1  }
0x17: {  	s4 =	simm.s32 $0x1BF5;
	[smem:$0x3FB3] =	sst s0  }
0x18: {  	s0 =	sld [smem:$0x3F96];
	_ =	swait.ge [sflag:s4], $0x0  }
0x19: {  	s7 =	sld [smem:$0x3F97]  }
0x1a: {  	s8 =	sadd.s32 $0xFFFFE003, lr  }
0x1b: {  	s9 =	sadd.s32 $0xFFFFFEF7, lr;
	s5 =	simm.s32 $0xFFFFFFFF;
	p2 =	slt.u32 s8, $0xFFFFF086  }
0x1c: {  	p1 =	slt.u32 s9, $0xF7A;
	s5 =	simm.s32 @!p2 $0x0  }
0x1d: {  	s5 =	simm.s32 @p1 $0x1;
	p0 =	seq.s32 s7, s2  }
0x1e: {  	s7 =	smul.u32 @!p0 $0xF7A, s2;
	p2 =	seq.s32 @!p0 s5, $0x0  }
0x1f: {  	s9 =	smul.u32 $0xF7A, s1;
	s8 =	simm.s32 @!p0 $0x1BF5;
	p2 =	por !p2, p0  }
0x20: {  	[sflag:s8] =	ssyncset.s32 @!p0 $0xFFFFF086;
	s6 =	sadd.s32 @!p0 s3, s7;
	s7 =	simm.s32 @!p0 $0x108  }
0x21: {  	s3 =	sadd.s32 s3, s9;
	s6 =	sadd.s32 @!p0 $0x88, s6;
	s7 =	simm.s32 @p2 $0x1082  }
0x22: {  	[simem:s7], [sflag:s8] =	dma.local @!p0 [hbm:s6], $0xF7A  }
0x23: {  	s9 =	sor.u32 $0xD0000000, s2;
	s6 =	simm.s32 $0x108;
	_ =	swait.ge @!p0 [sflag:s8], $0x0  }
0x24: {  	s3 =	sadd.s32 $0x88, s3;
	s6 =	simm.s32 @!p1 $0x1082;
	[sflag:s4] =	ssyncset.s32 $0xFFFFF086  }
0x25: {  	[simem:s6], [sflag:s4] =	dma.local [hbm:s3], $0xF7A  }
0x26: {  	[smem:$0x3F97] =	sst s1;
	(tag) =	ssettag s2;
	_ =	strace s9  }
0x27: {  	s1 =	sld [smem:$0x3FA7]  }
0x28: {  	s2 =	sld [smem:$0x3FA8]  }
0x29: {  	s4 =	sld [smem:$0x3FAA]  }
0x2a: {  	p0 =	seq.s32 s5, $0x0;
	s5 =	sld [smem:$0x3FAB]  }
0x2b: {  	s6 =	sld [smem:$0x3FAC]  }
0x2c: {  	s7 =	sld [smem:$0x3FAD]  }
0x2d: {  	s3 =	simm.s32 $0x108;
	s8 =	sld [smem:$0x3FAE]  }
0x2e: {  	s3 =	simm.s32 @!p0 $0x1082;
	s9 =	sld [smem:$0x3FAF]  }
0x2f: {  	lr =	sadd.s32 s0, s3;
	s0 =	sld [smem:$0x3FA6]  }
0x30: {  	s3 =	sld [smem:$0x3FA9]  }
0x31: {  	[smem:$0x3FB2] =	sst s10  }
0x32: {  	s10 =	sld [smem:$0x3FB0];
	_ =	sdelay $0x3  }
0x33: {  	p0 =	seq.s32 s10, $0x1;
	s10 =	sld [smem:$0x3FB2];
	_ =	sdelay $0x3  }
0x34: {  	[smem:$0x3FB2] =	sst s10  }
0x35: {  	s10 =	sld [smem:$0x3FB1];
	_ =	sdelay $0x3  }
0x36: {  	p1 =	seq.s32 s10, $0x1;
	s10 =	sld [smem:$0x3FB2];
	_ =	sdelay $0x3  }
0x37: {  	[smem:$0x3FB2] =	sst s10  }
0x38: {  	s10 =	sld [smem:$0x3FB3]  }
0x39: {  	_ = 	snop;
	(pc) =	sbr.ind lr, $3  }
0x3a: {  	_ = 	snop  }
0x3b: {  	_ = 	snop  }
0x3c: {  	p2 =	seq.s32 s10, $0x1;
	s10 =	sld [smem:$0x3FB2]  }
0x3d: {  	_ =	shalt  }
0x3e: {  	_ =	shalt  }
0x3f: {  	_ =	shalt  }
0x40: {  	_ =	shalt  }
0x41: {  	_ =	shalt  }
0x42: {  	_ =	shalt  }
0x43: {  	_ =	shalt  }
0x44: {  	_ =	shalt  }
0x45: {  	_ =	shalt  }
0x46: {  	_ =	shalt  }
0x47: {  	_ =	shalt  }
0x48: {  	_ =	shalt  }
0x49: {  	_ =	shalt  }
0x4a: {  	_ =	shalt  }
0x4b: {  	_ =	shalt  }
0x4c: {  	_ =	shalt  }
0x4d: {  	_ =	shalt  }
0x4e: {  	_ =	shalt  }
0x4f: {  	_ =	shalt  }
0x50: {  	_ =	shalt  }
0x51: {  	_ =	shalt  }
0x52: {  	_ =	shalt  }
0x53: {  	_ =	shalt  }
0x54: {  	_ =	shalt  }
0x55: {  	_ =	shalt  }
0x56: {  	_ =	shalt  }
0x57: {  	_ =	shalt  }
0x58: {  	_ =	shalt  }
0x59: {  	_ =	shalt  }
0x5a: {  	_ =	shalt  }
0x5b: {  	_ =	shalt  }
0x5c: {  	_ =	shalt  }
0x5d: {  	_ =	shalt  }
0x5e: {  	_ =	shalt  }
0x5f: {  	_ =	shalt  }
0x60: {  	_ =	shalt  }
0x61: {  	_ =	shalt  }
0x62: {  	_ =	shalt  }
0x63: {  	_ =	shalt  }
0x64: {  	_ =	shalt  }
0x65: {  	_ =	shalt  }
0x66: {  	_ =	shalt  }
0x67: {  	_ =	shalt  }
0x68: {  	_ =	shalt  }
0x69: {  	_ =	shalt  }
0x6a: {  	_ =	shalt  }
0x6b: {  	_ =	shalt  }
0x6c: {  	_ =	shalt  }
0x6d: {  	_ =	shalt  }
0x6e: {  	_ =	shalt  }
0x6f: {  	_ =	shalt  }
0x70: {  	_ =	shalt  }
0x71: {  	_ =	shalt  }
0x72: {  	_ =	shalt  }
0x73: {  	_ =	shalt  }
0x74: {  	_ =	shalt  }
0x75: {  	_ =	shalt  }
0x76: {  	_ =	shalt  }
0x77: {  	_ =	shalt  }
0x78: {  	_ =	shalt  }
0x79: {  	_ =	shalt  }
0x7a: {  	_ =	shalt  }
0x7b: {  	_ =	shalt  }
0x7c: {  	_ =	shalt  }
0x7d: {  	_ =	shalt  }
0x7e: {  	_ =	shalt  }
0x7f: {  	_ =	shalt  }
0x80: {  	_ =	shalt  }
0x81: {  	_ =	shalt  }
0x82: {  	_ =	shalt  }
0x83: {  	_ =	shalt  }
0x84: {  	_ =	shalt  }
0x85: {  	_ =	shalt  }
0x86: {  	_ =	shalt  }
0x87: {  	_ =	shalt  }
.Lfunc_end0:
.L_simem_size_0:
called_computation_lowered:
.L_overlay_start_0:
0x88: {  	s2 =	sld [smem:$0x3FD9]  }
0x89: {  	s3 =	sld [smem:$0x3FFE];
	_ =	sdelay $0x1  }
0x8a: {  	s1 =	srdreg.scid  }
0x8b: {  	s0 =	sand.u32 $0x1, s1  }
0x8c: {  	s16 =	sshll.u32 s0, $0xA;
	s2 =	sadd.s32 s3, s2  }
0x8d: {  	s2 =	sadd.s32 s2, s16  }
0x8e: {  	[smem:$0x3FBE] =	sst s2  }
0x8f: {  	_ = 	snop  }
0x90: {  	(tm) =	ssettm $0x1  }
0x91: {  	s17 =	sld [smem:$0x3FFB];
	_ =	sdelay $0x3  }
0x92: {  	_ =	strace s17  }
0x93: {  	s2 =	sld [smem:$0x3FFC];
	_ =	sdelay $0x3  }
0x94: {  	_ =	strace s2  }
0x95: {  	s2 =	sld [smem:$0x3FFD];
	_ =	sdelay $0x3  }
0x96: {  	_ =	strace s2  }
0x97: {  	_ =	strace $0x8FFFFFFF  }
0x98: {  	s18 =	sld [smem:$0x3FDB];
	_ =	sdelay $0x1  }
0x99: {  	s19 =	simm.s32 $_scs_section_size  }
0x9a: {  	s4 =	simm.s32 $_size__tile_overlayer_lowered;
	s5 =	simm.s32 $_tile_overlayer_lowered  }
0x9b: {  	s22 =	simm.s32 $0x1BFF;
	s21 =	sshll.u32 s5, $0x1;
	s2 =	sadd.s32 s19, s18  }
0x9c: {  	s6 =	simm.s32 $0x0;
	s20 =	sshll.u32 s4, $0x1;
	s4 =	sadd.s32 s21, s2  }
0x9d: {  	[timem:s6], [sflag:s22] =	dma.local [hbm:s4], s20  }
0x9e: {  	_ =	swait.ge [sflag:s22], s20  }
0x9f: {  	s3 =	ssub.s32 $0x0, s20;
	[sflag:s22] =	ssyncset.done $0x0  }
0xa0: {  	[sflag:s22] =	ssyncadd.s32 s3;
	_ =	sdelay $0x1  }
0xa1: {  	s23 =	simm.s32 $0x1B8B  }
0xa2: {  	_ =	swait.ge [sflag:s23], $0x1  }
0xa3: {  	[sflag:s23] =	ssyncset.done $0x0  }
0xa4: {  	s25 =	simm.s32 $0x1B8E;
	s24 =	sld [smem:$0x3FFE];
	[sflag:s23] =	ssyncadd.s32 $0xFFFFFFFF  }
0xa5: {  	s26 =	simm.s32 $execute0_lowered;
	[smem:$0x3FD2] =	sst s25  }
0xa6: {  	s4 =	sshll.u32 s26, $0x1;
	_ =	strace $0x80000046;
	[dreg:$0x1] =	wrdreg $0xFFFFFFFF  }
0xa7: {  	s28 =	simm.s32 $_size_execute0_lowered;
	s2 =	sadd.s32 s2, s4;
	[dreg:$0x0] =	wrdreg $0x0  }
0xa8: {  	s4 =	sshll.u32 s28, $0x1;
	[dreg:$0x2] =	wrdreg s2  }
0xa9: {  	[dreg:$0x3] =	wrdreg s4  }
0xaa: {  	[dreg:$0x4] =	wrdreg $0xC0  }
0xab: {  	_ =	task [dreg:s6], $0x5FFFF  }
0xac: {  	[dreg:$0x1] =	wrdreg $0xFFFFFFFF  }
0xad: {  	[dreg:$0x0] =	wrdreg $0x60  }
0xae: {  	[dreg:$0x2] =	wrdreg s24  }
0xaf: {  	[dreg:$0x3] =	wrdreg $0x9  }
0xb0: {  	_ =	task.clear_ibuf [dreg:s6], $0x4FFFF;
	_ =	strace $0x90000046  }
0xb1: {  	s29 =	simm.s32 $0x9;
	_ =	strace $0x80000048  }
0xb2: {  	_ =	swait.ge [sflag:s29], $0x1  }
0xb3: {  	[sflag:s29] =	ssyncadd.s32 $0xFFFFFFFF  }
0xb4: {  	_ =	strace $0x90000048  }
0xb5: {  	_ =	sfence  }
0xb6: {  	s30 =	sld [smem:$0x0];
	_ =	sdelay $0x2  }
0xb7: {  	s31 =	sshll.u32 s1, $0xD;
	s1 =	sshrl.u32 s1, $0x2  }
0xb8: {  	s3 =	sand.u32 $0x4000, s31;
	s1 =	sadd.s32 s1, s30  }
0xb9: {  	s0 =	sor.u32 s3, s0;
	s1 =	sshll.u32 s1, $0x11  }
0xba: {  	s0 =	sor.u32 s1, s0  }
0xbb: {  	s0 =	sadd.s32 $0x8F2B, s0  }
0xbc: {  	[sflag:s0] =	ssyncadd.remote.s32 $0x1  }
0xbd: {  	_ =	sfence.sel $0xFFFF  }
0xbe: {  	[dreg:$0x0] =	wrdreg $0xFFFFFFFF;
	(pc) =	sbr.abs _section_cstart, $3  }
0xbf: {  	[dreg:$0x1] =	wrdreg $0xFFFFFFFF  }
0xc0: {  	_ =	task.clear_ibuf [dreg:s6], $0x2FFFF;
	_ =	strace $0x9FFFFFFF  }
0xc1: {  	(tm) =	ssettm $0x7FFFFFFF  }
tec
execute0_lowered:
.L_overlay_start_1:
0x0: {  	(tag) =	ssettag $0x1  }
0x1: {  	s7 =	rddreg [dreg:$0x0]  }
0x2: {  	s0 =	rddreg [dreg:$0x1]  }
0x3: {  	s3 =	srdreg.scid;
	s1 =	stileid.u32;
	s2 =	simm.s32 $0x0  }
0x4: {  	s12 =	simm.s32 $0x3;
	s13 =	simm.s32 $0x80;
	s14 =	simm.s32 $0x100  }
0x5: {  	s15 =	simm.s32 $0x4100;
	s5 =	sand.u32 $0x1, s3;
	s31 =	sshll.u32 s1, $0x1  }
0x6: {  	s16 =	simm.s32 $0x1;
	s17 =	simm.s32 $0x8100;
	s9 =	sor.u32 s5, s31  }
0x7: {  	s18 =	simm.s32 $0x2;
	s19 =	simm.s32 $0x0;
	s6 =	smul.u32 $0x140, s9  }
0x8: {  	[smem:$0x7FF] =	sst s2;
	s3 =	sadd.s32 $0x4A00, s7;
	s4 =	sadd.s32 $0x2200, s7  }
0x9: {  	s8 =	ssub.s32 $0x2, s5;
	s5 =	sadd.s32 s4, s6;
	s6 =	smul.u32 $0xA00, s9  }
0xa: {  	s7 =	sadd.s32 $0x9A00, s7;
	_ =	strace $0x80000047;
	s10 =	sshrl.u32 s8, $0x1  }
0xb: {  	s10 =	ssub.s32 s8, s10;
	s9 =	smul.u32 $0x5000, s9;
	s11 =	sadd.s32 s6, s7  }
0xc: {  	s10 =	smax.u32 s10, $0x1;
	s8 =	sadd.s32 $0x10, s5;
	s11 =	sadd.s32 $0x80, s11  }
.LBB2_1:
0xd: {  	[tilespmem:s2], [sflag:$0x3] =	stream.linear.gather [hbm4b:s5+s2], $0x80, $0x38;
	[tilespmem:$0x8500] =	vst v63  }
0xe: {  	_ =	swait.ge [sflag:s12], $0x80  }
0xf: {  	[sflag:s12] =	ssyncset.done $0x0  }
0x10: {  	[sflag:s12] =	ssyncadd.s32 $0xFFFFFF80  }
0x11: {  	[tilespmem:s14], [sflag:$0x1] =	stream.indirect.gather [hbm4b:s3+s13], $0x80, s2, s13, $0xb8;
	[tilespmem:$0x8500] =	vst v63  }
0x12: {  	_ = 	snop  }
0x13: {  	[tilespmem:s13], [sflag:$0x3] =	stream.linear.gather [hbm4b:s8+s2], $0x80, $0x38;
	[tilespmem:$0x8500] =	vst v63  }
0x14: {  	_ =	swait.ge [sflag:s12], $0x80  }
0x15: {  	[sflag:s12] =	ssyncset.done $0x0  }
0x16: {  	s20 =	simm.s32 $0x0;
	[sflag:s12] =	ssyncadd.s32 $0xFFFFFF80  }
0x17: {  	[tilespmem:s15], [sflag:$0x2] =	stream.indirect.gather [hbm4b:s3+s13], $0x80, s13, s13, $0xb8;
	[tilespmem:$0x8500] =	vst v63  }
.LBB2_2:
0x18: {  	_ =	swait.ge [sflag:s16], $0x4000  }
0x19: {  	[sflag:s16] =	ssyncset.done $0x0  }
0x1a: {  	s21 =	simm.s32 $0x500;
	[sflag:s16] =	ssyncadd.s32 $0xFFFFC000  }
0x1b: {  	v0 =	vld [tilespmem:s21+$0xFFFFFC80]  }
0x1c: {  	v1 =	vld [tilespmem:s21+$0xFFFFFC00]  }
0x1d: {  	v2 =	vld [tilespmem:s21+$0xFFFFFD00]  }
0x1e: {  	v3 =	vld [tilespmem:s21+$0xFFFFFD80]  }
0x1f: {  	v4 =	vld [tilespmem:s21+$0xFFFFFE00]  }
0x20: {  	v5 =	vld [tilespmem:s21+$0xFFFFFE80]  }
0x21: {  	v0 =	vmax.f32 v1, v0;
	v1 =	vld [tilespmem:s21+$0xFFFFFF00]  }
0x22: {  	v0 =	vmax.f32 v0, v2;
	v2 =	vld [tilespmem:s21+$0xFFFFFF80]  }
0x23: {  	v0 =	vmax.f32 v0, v3;
	v3 =	vld [tilespmem:s21+$0x0]  }
0x24: {  	v0 =	vmax.f32 v0, v4;
	v4 =	vld [tilespmem:s21+$0x80]  }
0x25: {  	v0 =	vmax.f32 v0, v5;
	v5 =	vld [tilespmem:s21+$0x100]  }
0x26: {  	v0 =	vmax.f32 v0, v1;
	v1 =	vld [tilespmem:s21+$0x180]  }
0x27: {  	v0 =	vmax.f32 v0, v2;
	v2 =	vld [tilespmem:s21+$0x200]  }
0x28: {  	v0 =	vmax.f32 v0, v3;
	v3 =	vld [tilespmem:s21+$0x280]  }
0x29: {  	v0 =	vmax.f32 v0, v4;
	v4 =	vld [tilespmem:s21+$0x300]  }
0x2a: {  	v0 =	vmax.f32 v0, v5;
	v5 =	vld [tilespmem:s21+$0x380]  }
0x2b: {  	v0 =	vmax.f32 v0, v1  }
0x2c: {  	v0 =	vmax.f32 v0, v2  }
0x2d: {  	v0 =	vmax.f32 v0, v3  }
0x2e: {  	v0 =	vmax.f32 v0, v4  }
0x2f: {  	s22 =	simm.s32 $0x0;
	v0 =	vmax.f32 v0, v5  }
0x30: {  	[tilespmem:s22+$0x8100] =	vst v0  }
0x31: {  	v0 =	vld [tilespmem:s21+$0xFFFFFC10]  }
0x32: {  	v1 =	vld [tilespmem:s21+$0xFFFFFC90]  }
0x33: {  	v2 =	vld [tilespmem:s21+$0xFFFFFD10]  }
0x34: {  	v3 =	vld [tilespmem:s21+$0xFFFFFD90]  }
0x35: {  	v4 =	vld [tilespmem:s21+$0xFFFFFE10]  }
0x36: {  	v5 =	vld [tilespmem:s21+$0xFFFFFE90]  }
0x37: {  	v0 =	vmax.f32 v0, v1;
	v1 =	vld [tilespmem:s21+$0xFFFFFF10]  }
0x38: {  	v0 =	vmax.f32 v0, v2;
	v2 =	vld [tilespmem:s21+$0xFFFFFF90]  }
0x39: {  	v0 =	vmax.f32 v0, v3;
	v3 =	vld [tilespmem:s21+$0x10]  }
0x3a: {  	v0 =	vmax.f32 v0, v4;
	v4 =	vld [tilespmem:s21+$0x90]  }
0x3b: {  	v0 =	vmax.f32 v0, v5;
	v5 =	vld [tilespmem:s21+$0x110]  }
0x3c: {  	v0 =	vmax.f32 v0, v1;
	v1 =	vld [tilespmem:s21+$0x190]  }
0x3d: {  	v0 =	vmax.f32 v0, v2;
	v2 =	vld [tilespmem:s21+$0x210]  }
0x3e: {  	v0 =	vmax.f32 v0, v3;
	v3 =	vld [tilespmem:s21+$0x290]  }
0x3f: {  	v0 =	vmax.f32 v0, v4;
	v4 =	vld [tilespmem:s21+$0x310]  }
0x40: {  	v0 =	vmax.f32 v0, v5;
	v5 =	vld [tilespmem:s21+$0x390]  }
0x41: {  	v0 =	vmax.f32 v0, v1  }
0x42: {  	v0 =	vmax.f32 v0, v2  }
0x43: {  	v0 =	vmax.f32 v0, v3  }
0x44: {  	v0 =	vmax.f32 v0, v4  }
0x45: {  	v0 =	vmax.f32 v0, v5  }
0x46: {  	[tilespmem:s22+$0x8110] =	vst v0  }
0x47: {  	v0 =	vld [tilespmem:s21+$0xFFFFFC20]  }
0x48: {  	v1 =	vld [tilespmem:s21+$0xFFFFFCA0]  }
0x49: {  	v2 =	vld [tilespmem:s21+$0xFFFFFD20]  }
0x4a: {  	v3 =	vld [tilespmem:s21+$0xFFFFFDA0]  }
0x4b: {  	v4 =	vld [tilespmem:s21+$0xFFFFFE20]  }
0x4c: {  	v5 =	vld [tilespmem:s21+$0xFFFFFEA0]  }
0x4d: {  	v0 =	vmax.f32 v0, v1;
	v1 =	vld [tilespmem:s21+$0xFFFFFF20]  }
0x4e: {  	v0 =	vmax.f32 v0, v2;
	v2 =	vld [tilespmem:s21+$0xFFFFFFA0]  }
0x4f: {  	v0 =	vmax.f32 v0, v3;
	v3 =	vld [tilespmem:s21+$0x20]  }
0x50: {  	v0 =	vmax.f32 v0, v4;
	v4 =	vld [tilespmem:s21+$0xA0]  }
0x51: {  	v0 =	vmax.f32 v0, v5;
	v5 =	vld [tilespmem:s21+$0x120]  }
0x52: {  	v0 =	vmax.f32 v0, v1;
	v1 =	vld [tilespmem:s21+$0x1A0]  }
0x53: {  	v0 =	vmax.f32 v0, v2;
	v2 =	vld [tilespmem:s21+$0x220]  }
0x54: {  	v0 =	vmax.f32 v0, v3;
	v3 =	vld [tilespmem:s21+$0x2A0]  }
0x55: {  	v0 =	vmax.f32 v0, v4;
	v4 =	vld [tilespmem:s21+$0x320]  }
0x56: {  	v0 =	vmax.f32 v0, v5;
	v5 =	vld [tilespmem:s21+$0x3A0]  }
0x57: {  	v0 =	vmax.f32 v0, v1  }
0x58: {  	v0 =	vmax.f32 v0, v2  }
0x59: {  	v0 =	vmax.f32 v0, v3  }
0x5a: {  	v0 =	vmax.f32 v0, v4  }
0x5b: {  	v0 =	vmax.f32 v0, v5  }
0x5c: {  	[tilespmem:s22+$0x8120] =	vst v0  }
0x5d: {  	v0 =	vld [tilespmem:s21+$0xFFFFFC30]  }
0x5e: {  	v1 =	vld [tilespmem:s21+$0xFFFFFCB0]  }
0x5f: {  	v2 =	vld [tilespmem:s21+$0xFFFFFD30]  }
0x60: {  	v3 =	vld [tilespmem:s21+$0xFFFFFDB0]  }
0x61: {  	v4 =	vld [tilespmem:s21+$0xFFFFFE30]  }
0x62: {  	v5 =	vld [tilespmem:s21+$0xFFFFFEB0]  }
0x63: {  	v0 =	vmax.f32 v0, v1;
	v1 =	vld [tilespmem:s21+$0xFFFFFF30]  }
0x64: {  	v0 =	vmax.f32 v0, v2;
	v2 =	vld [tilespmem:s21+$0xFFFFFFB0]  }
0x65: {  	v0 =	vmax.f32 v0, v3;
	v3 =	vld [tilespmem:s21+$0x30]  }
0x66: {  	v0 =	vmax.f32 v0, v4;
	v4 =	vld [tilespmem:s21+$0xB0]  }
0x67: {  	v0 =	vmax.f32 v0, v5;
	v5 =	vld [tilespmem:s21+$0x130]  }
0x68: {  	v0 =	vmax.f32 v0, v1;
	v1 =	vld [tilespmem:s21+$0x1B0]  }
0x69: {  	v0 =	vmax.f32 v0, v2;
	v2 =	vld [tilespmem:s21+$0x230]  }
0x6a: {  	v0 =	vmax.f32 v0, v3;
	v3 =	vld [tilespmem:s21+$0x2B0]  }
0x6b: {  	v0 =	vmax.f32 v0, v4;
	v4 =	vld [tilespmem:s21+$0x330]  }
0x6c: {  	v0 =	vmax.f32 v0, v5;
	v5 =	vld [tilespmem:s21+$0x3B0]  }
0x6d: {  	v0 =	vmax.f32 v0, v1  }
0x6e: {  	v0 =	vmax.f32 v0, v2  }
0x6f: {  	v0 =	vmax.f32 v0, v3  }
0x70: {  	v0 =	vmax.f32 v0, v4  }
0x71: {  	v0 =	vmax.f32 v0, v5  }
0x72: {  	[tilespmem:s22+$0x8130] =	vst v0  }
0x73: {  	v0 =	vld [tilespmem:s21+$0xFFFFFC40]  }
0x74: {  	v1 =	vld [tilespmem:s21+$0xFFFFFCC0]  }
0x75: {  	v2 =	vld [tilespmem:s21+$0xFFFFFD40]  }
0x76: {  	v3 =	vld [tilespmem:s21+$0xFFFFFDC0]  }
0x77: {  	v4 =	vld [tilespmem:s21+$0xFFFFFE40]  }
0x78: {  	v5 =	vld [tilespmem:s21+$0xFFFFFEC0]  }
0x79: {  	v0 =	vmax.f32 v0, v1;
	v1 =	vld [tilespmem:s21+$0xFFFFFF40]  }
0x7a: {  	v0 =	vmax.f32 v0, v2;
	v2 =	vld [tilespmem:s21+$0xFFFFFFC0]  }
0x7b: {  	v0 =	vmax.f32 v0, v3;
	v3 =	vld [tilespmem:s21+$0x40]  }
0x7c: {  	v0 =	vmax.f32 v0, v4;
	v4 =	vld [tilespmem:s21+$0xC0]  }
0x7d: {  	v0 =	vmax.f32 v0, v5;
	v5 =	vld [tilespmem:s21+$0x140]  }
0x7e: {  	v0 =	vmax.f32 v0, v1;
	v1 =	vld [tilespmem:s21+$0x1C0]  }
0x7f: {  	v0 =	vmax.f32 v0, v2;
	v2 =	vld [tilespmem:s21+$0x240]  }
0x80: {  	v0 =	vmax.f32 v0, v3;
	v3 =	vld [tilespmem:s21+$0x2C0]  }
0x81: {  	v0 =	vmax.f32 v0, v4;
	v4 =	vld [tilespmem:s21+$0x340]  }
0x82: {  	v0 =	vmax.f32 v0, v5;
	v5 =	vld [tilespmem:s21+$0x3C0]  }
0x83: {  	v0 =	vmax.f32 v0, v1  }
0x84: {  	v0 =	vmax.f32 v0, v2  }
0x85: {  	v0 =	vmax.f32 v0, v3  }
0x86: {  	v0 =	vmax.f32 v0, v4  }
0x87: {  	v0 =	vmax.f32 v0, v5  }
0x88: {  	[tilespmem:s22+$0x8140] =	vst v0  }
0x89: {  	v0 =	vld [tilespmem:s21+$0xFFFFFC50]  }
0x8a: {  	v1 =	vld [tilespmem:s21+$0xFFFFFCD0]  }
0x8b: {  	v2 =	vld [tilespmem:s21+$0xFFFFFD50]  }
0x8c: {  	v3 =	vld [tilespmem:s21+$0xFFFFFDD0]  }
0x8d: {  	v4 =	vld [tilespmem:s21+$0xFFFFFE50]  }
0x8e: {  	v5 =	vld [tilespmem:s21+$0xFFFFFED0]  }
0x8f: {  	v0 =	vmax.f32 v0, v1;
	v1 =	vld [tilespmem:s21+$0xFFFFFF50]  }
0x90: {  	v0 =	vmax.f32 v0, v2;
	v2 =	vld [tilespmem:s21+$0xFFFFFFD0]  }
0x91: {  	v0 =	vmax.f32 v0, v3;
	v3 =	vld [tilespmem:s21+$0x50]  }
0x92: {  	v0 =	vmax.f32 v0, v4;
	v4 =	vld [tilespmem:s21+$0xD0]  }
0x93: {  	v0 =	vmax.f32 v0, v5;
	v5 =	vld [tilespmem:s21+$0x150]  }
0x94: {  	v0 =	vmax.f32 v0, v1;
	v1 =	vld [tilespmem:s21+$0x1D0]  }
0x95: {  	v0 =	vmax.f32 v0, v2;
	v2 =	vld [tilespmem:s21+$0x250]  }
0x96: {  	v0 =	vmax.f32 v0, v3;
	v3 =	vld [tilespmem:s21+$0x2D0]  }
0x97: {  	v0 =	vmax.f32 v0, v4;
	v4 =	vld [tilespmem:s21+$0x350]  }
0x98: {  	v0 =	vmax.f32 v0, v5;
	v5 =	vld [tilespmem:s21+$0x3D0]  }
0x99: {  	v0 =	vmax.f32 v0, v1  }
0x9a: {  	v0 =	vmax.f32 v0, v2  }
0x9b: {  	v0 =	vmax.f32 v0, v3  }
0x9c: {  	v0 =	vmax.f32 v0, v4  }
0x9d: {  	v0 =	vmax.f32 v0, v5  }
0x9e: {  	[tilespmem:s22+$0x8150] =	vst v0  }
0x9f: {  	v0 =	vld [tilespmem:s21+$0xFFFFFC60]  }
0xa0: {  	v1 =	vld [tilespmem:s21+$0xFFFFFCE0]  }
0xa1: {  	v2 =	vld [tilespmem:s21+$0xFFFFFD60]  }
0xa2: {  	v3 =	vld [tilespmem:s21+$0xFFFFFDE0]  }
0xa3: {  	v4 =	vld [tilespmem:s21+$0xFFFFFE60]  }
0xa4: {  	v5 =	vld [tilespmem:s21+$0xFFFFFEE0]  }
0xa5: {  	v0 =	vmax.f32 v0, v1;
	v1 =	vld [tilespmem:s21+$0xFFFFFF60]  }
0xa6: {  	v0 =	vmax.f32 v0, v2;
	v2 =	vld [tilespmem:s21+$0xFFFFFFE0]  }
0xa7: {  	v0 =	vmax.f32 v0, v3;
	v3 =	vld [tilespmem:s21+$0x60]  }
0xa8: {  	v0 =	vmax.f32 v0, v4;
	v4 =	vld [tilespmem:s21+$0xE0]  }
0xa9: {  	v0 =	vmax.f32 v0, v5;
	v5 =	vld [tilespmem:s21+$0x160]  }
0xaa: {  	v0 =	vmax.f32 v0, v1;
	v1 =	vld [tilespmem:s21+$0x1E0]  }
0xab: {  	v0 =	vmax.f32 v0, v2;
	v2 =	vld [tilespmem:s21+$0x260]  }
0xac: {  	v0 =	vmax.f32 v0, v3;
	v3 =	vld [tilespmem:s21+$0x2E0]  }
0xad: {  	v0 =	vmax.f32 v0, v4;
	v4 =	vld [tilespmem:s21+$0x360]  }
0xae: {  	v0 =	vmax.f32 v0, v5;
	v5 =	vld [tilespmem:s21+$0x3E0]  }
0xaf: {  	v0 =	vmax.f32 v0, v1  }
0xb0: {  	v0 =	vmax.f32 v0, v2  }
0xb1: {  	v0 =	vmax.f32 v0, v3  }
0xb2: {  	v0 =	vmax.f32 v0, v4  }
0xb3: {  	v0 =	vmax.f32 v0, v5  }
0xb4: {  	[tilespmem:s22+$0x8160] =	vst v0  }
0xb5: {  	v0 =	vld [tilespmem:s21+$0xFFFFFC70]  }
0xb6: {  	v1 =	vld [tilespmem:s21+$0xFFFFFCF0]  }
0xb7: {  	v2 =	vld [tilespmem:s21+$0xFFFFFD70]  }
0xb8: {  	v3 =	vld [tilespmem:s21+$0xFFFFFDF0]  }
0xb9: {  	v5 =	vld [tilespmem:s21+$0xFFFFFE70]  }
0xba: {  	v6 =	vld [tilespmem:s21+$0xFFFFFEF0]  }
0xbb: {  	v7 =	vld [tilespmem:s21+$0xFFFFFF70];
	v0 =	vmax.f32 v0, v1  }
0xbc: {  	v8 =	vld [tilespmem:s21+$0xFFFFFFF0];
	v0 =	vmax.f32 v0, v2  }
0xbd: {  	v4 =	vld [tilespmem:s21+$0x70];
	v0 =	vmax.f32 v0, v3  }
0xbe: {  	v1 =	vld [tilespmem:s21+$0xF0];
	v0 =	vmax.f32 v0, v5  }
0xbf: {  	v2 =	vld [tilespmem:s21+$0x170];
	v0 =	vmax.f32 v0, v6  }
0xc0: {  	v3 =	vmax.f32 v0, v7;
	v0 =	vld [tilespmem:s21+$0x1F0]  }
0xc1: {  	s23 =	simm.s32 $0x200;
	s24 =	simm.s32 $0x500;
	v5 =	vmax.f32 v3, v8;
	v3 =	vld [tilespmem:s21+$0x270]  }
.LBB2_3:
0xc2: {  	p0 =	sne.s32 s23, $0xE00  }
0xc3: {  	v4 =	vmax.f32 v5, v4;
	v5 =	vld [tilespmem:s21+$0x2F0];
	s24 =	sadd.s32 $0x800, s24;
	s25 =	smov.u32 s23;
	s23 =	sadd.s32 $0x200, s23  }
0xc4: {  	v1 =	vmax.f32 v4, v1;
	v4 =	vld [tilespmem:s21+$0x370]  }
0xc5: {  	v1 =	vmax.f32 v1, v2;
	v2 =	vld [tilespmem:s21+$0x3F0];
	s21 =	smov.u32 s24  }
0xc6: {  	v0 =	vmax.f32 v1, v0  }
0xc7: {  	v0 =	vmax.f32 v0, v3  }
0xc8: {  	v0 =	vmax.f32 v0, v5  }
0xc9: {  	v0 =	vmax.f32 v0, v4  }
0xca: {  	v0 =	vmax.f32 v0, v2  }
0xcb: {  	[tilespmem:s22+$0x8170] =	vst v0  }
0xcc: {  	v0 =	vld [tilespmem:s24+$0xFFFFFD00]  }
0xcd: {  	v1 =	vld [tilespmem:s24+$0xFFFFFC80]  }
0xce: {  	v2 =	vld [tilespmem:s24+$0xFFFFFC00]  }
0xcf: {  	v3 =	vld [tilespmem:s24+$0xFFFFFD80]  }
0xd0: {  	v4 =	vld [tilespmem:s24+$0xFFFFFE00];
	_ =	sdelay $0x1  }
0xd1: {  	v5 =	vld [tilespmem:s24+$0xFFFFFE80]  }
0xd2: {  	v1 =	vmax.f32 v2, v1;
	v2 =	vld [tilespmem:s24+$0xFFFFFF00]  }
0xd3: {  	v0 =	vmax.f32 v1, v0;
	v1 =	vld [tilespmem:s24+$0xFFFFFF80]  }
0xd4: {  	v0 =	vmax.f32 v0, v3;
	v3 =	vld [tilespmem:s24+$0x0]  }
0xd5: {  	v0 =	vmax.f32 v0, v4;
	v4 =	vld [tilespmem:s24+$0x80]  }
0xd6: {  	v0 =	vmax.f32 v0, v5;
	v5 =	vld [tilespmem:s24+$0x100]  }
0xd7: {  	v0 =	vmax.f32 v0, v2;
	v2 =	vld [tilespmem:s24+$0x180]  }
0xd8: {  	v0 =	vmax.f32 v0, v1;
	v1 =	vld [tilespmem:s24+$0x200]  }
0xd9: {  	v0 =	vmax.f32 v0, v3;
	v3 =	vld [tilespmem:s24+$0x280]  }
0xda: {  	v0 =	vmax.f32 v0, v4;
	v4 =	vld [tilespmem:s24+$0x300]  }
0xdb: {  	v0 =	vmax.f32 v0, v5;
	v5 =	vld [tilespmem:s24+$0x380]  }
0xdc: {  	v0 =	vmax.f32 v0, v2  }
0xdd: {  	v0 =	vmax.f32 v0, v1  }
0xde: {  	v0 =	vmax.f32 v0, v3  }
0xdf: {  	v0 =	vmax.f32 v0, v4  }
0xe0: {  	s22 =	sshra.s32 s25, $0x2;
	v0 =	vmax.f32 v0, v5  }
0xe1: {  	[tilespmem:s22+$0x8100] =	vst v0  }
0xe2: {  	v0 =	vld [tilespmem:s24+$0xFFFFFC10]  }
0xe3: {  	v1 =	vld [tilespmem:s24+$0xFFFFFC90]  }
0xe4: {  	v2 =	vld [tilespmem:s24+$0xFFFFFD10]  }
0xe5: {  	v3 =	vld [tilespmem:s24+$0xFFFFFD90]  }
0xe6: {  	v4 =	vld [tilespmem:s24+$0xFFFFFE10]  }
0xe7: {  	v5 =	vld [tilespmem:s24+$0xFFFFFE90]  }
0xe8: {  	v0 =	vmax.f32 v0, v1;
	v1 =	vld [tilespmem:s24+$0xFFFFFF10]  }
0xe9: {  	v0 =	vmax.f32 v0, v2;
	v2 =	vld [tilespmem:s24+$0xFFFFFF90]  }
0xea: {  	v0 =	vmax.f32 v0, v3;
	v3 =	vld [tilespmem:s24+$0x10]  }
0xeb: {  	v0 =	vmax.f32 v0, v4;
	v4 =	vld [tilespmem:s24+$0x90]  }
0xec: {  	v0 =	vmax.f32 v0, v5;
	v5 =	vld [tilespmem:s24+$0x110]  }
0xed: {  	v0 =	vmax.f32 v0, v1;
	v1 =	vld [tilespmem:s24+$0x190]  }
0xee: {  	v0 =	vmax.f32 v0, v2;
	v2 =	vld [tilespmem:s24+$0x210]  }
0xef: {  	v0 =	vmax.f32 v0, v3;
	v3 =	vld [tilespmem:s24+$0x290]  }
0xf0: {  	v0 =	vmax.f32 v0, v4;
	v4 =	vld [tilespmem:s24+$0x310]  }
0xf1: {  	v0 =	vmax.f32 v0, v5;
	v5 =	vld [tilespmem:s24+$0x390]  }
0xf2: {  	v0 =	vmax.f32 v0, v1  }
0xf3: {  	v0 =	vmax.f32 v0, v2  }
0xf4: {  	v0 =	vmax.f32 v0, v3  }
0xf5: {  	v0 =	vmax.f32 v0, v4  }
0xf6: {  	v0 =	vmax.f32 v0, v5  }
0xf7: {  	[tilespmem:s22+$0x8110] =	vst v0  }
0xf8: {  	v0 =	vld [tilespmem:s24+$0xFFFFFC20]  }
0xf9: {  	v1 =	vld [tilespmem:s24+$0xFFFFFCA0]  }
0xfa: {  	v2 =	vld [tilespmem:s24+$0xFFFFFD20]  }
0xfb: {  	v3 =	vld [tilespmem:s24+$0xFFFFFDA0]  }
0xfc: {  	v4 =	vld [tilespmem:s24+$0xFFFFFE20]  }
0xfd: {  	v5 =	vld [tilespmem:s24+$0xFFFFFEA0]  }
0xfe: {  	v0 =	vmax.f32 v0, v1;
	v1 =	vld [tilespmem:s24+$0xFFFFFF20]  }
0xff: {  	v0 =	vmax.f32 v0, v2;
	v2 =	vld [tilespmem:s24+$0xFFFFFFA0]  }
0x100: {  	v0 =	vmax.f32 v0, v3;
	v3 =	vld [tilespmem:s24+$0x20]  }
0x101: {  	v0 =	vmax.f32 v0, v4;
	v4 =	vld [tilespmem:s24+$0xA0]  }
0x102: {  	v0 =	vmax.f32 v0, v5;
	v5 =	vld [tilespmem:s24+$0x120]  }
0x103: {  	v0 =	vmax.f32 v0, v1;
	v1 =	vld [tilespmem:s24+$0x1A0]  }
0x104: {  	v0 =	vmax.f32 v0, v2;
	v2 =	vld [tilespmem:s24+$0x220]  }
0x105: {  	v0 =	vmax.f32 v0, v3;
	v3 =	vld [tilespmem:s24+$0x2A0]  }
0x106: {  	v0 =	vmax.f32 v0, v4;
	v4 =	vld [tilespmem:s24+$0x320]  }
0x107: {  	v0 =	vmax.f32 v0, v5;
	v5 =	vld [tilespmem:s24+$0x3A0]  }
0x108: {  	v0 =	vmax.f32 v0, v1  }
0x109: {  	v0 =	vmax.f32 v0, v2  }
0x10a: {  	v0 =	vmax.f32 v0, v3  }
0x10b: {  	v0 =	vmax.f32 v0, v4  }
0x10c: {  	v0 =	vmax.f32 v0, v5  }
0x10d: {  	[tilespmem:s22+$0x8120] =	vst v0  }
0x10e: {  	v0 =	vld [tilespmem:s24+$0xFFFFFC30]  }
0x10f: {  	v1 =	vld [tilespmem:s24+$0xFFFFFCB0]  }
0x110: {  	v2 =	vld [tilespmem:s24+$0xFFFFFD30]  }
0x111: {  	v3 =	vld [tilespmem:s24+$0xFFFFFDB0]  }
0x112: {  	v4 =	vld [tilespmem:s24+$0xFFFFFE30]  }
0x113: {  	v5 =	vld [tilespmem:s24+$0xFFFFFEB0]  }
0x114: {  	v0 =	vmax.f32 v0, v1;
	v1 =	vld [tilespmem:s24+$0xFFFFFF30]  }
0x115: {  	v0 =	vmax.f32 v0, v2;
	v2 =	vld [tilespmem:s24+$0xFFFFFFB0]  }
0x116: {  	v0 =	vmax.f32 v0, v3;
	v3 =	vld [tilespmem:s24+$0x30]  }
0x117: {  	v0 =	vmax.f32 v0, v4;
	v4 =	vld [tilespmem:s24+$0xB0]  }
0x118: {  	v0 =	vmax.f32 v0, v5;
	v5 =	vld [tilespmem:s24+$0x130]  }
0x119: {  	v0 =	vmax.f32 v0, v1;
	v1 =	vld [tilespmem:s24+$0x1B0]  }
0x11a: {  	v0 =	vmax.f32 v0, v2;
	v2 =	vld [tilespmem:s24+$0x230]  }
0x11b: {  	v0 =	vmax.f32 v0, v3;
	v3 =	vld [tilespmem:s24+$0x2B0]  }
0x11c: {  	v0 =	vmax.f32 v0, v4;
	v4 =	vld [tilespmem:s24+$0x330]  }
0x11d: {  	v0 =	vmax.f32 v0, v5;
	v5 =	vld [tilespmem:s24+$0x3B0]  }
0x11e: {  	v0 =	vmax.f32 v0, v1  }
0x11f: {  	v0 =	vmax.f32 v0, v2  }
0x120: {  	v0 =	vmax.f32 v0, v3  }
0x121: {  	v0 =	vmax.f32 v0, v4  }
0x122: {  	v0 =	vmax.f32 v0, v5  }
0x123: {  	[tilespmem:s22+$0x8130] =	vst v0  }
0x124: {  	v0 =	vld [tilespmem:s24+$0xFFFFFC40]  }
0x125: {  	v1 =	vld [tilespmem:s24+$0xFFFFFCC0]  }
0x126: {  	v2 =	vld [tilespmem:s24+$0xFFFFFD40]  }
0x127: {  	v3 =	vld [tilespmem:s24+$0xFFFFFDC0]  }
0x128: {  	v4 =	vld [tilespmem:s24+$0xFFFFFE40]  }
0x129: {  	v5 =	vld [tilespmem:s24+$0xFFFFFEC0]  }
0x12a: {  	v0 =	vmax.f32 v0, v1;
	v1 =	vld [tilespmem:s24+$0xFFFFFF40]  }
0x12b: {  	v0 =	vmax.f32 v0, v2;
	v2 =	vld [tilespmem:s24+$0xFFFFFFC0]  }
0x12c: {  	v0 =	vmax.f32 v0, v3;
	v3 =	vld [tilespmem:s24+$0x40]  }
0x12d: {  	v0 =	vmax.f32 v0, v4;
	v4 =	vld [tilespmem:s24+$0xC0]  }
0x12e: {  	v0 =	vmax.f32 v0, v5;
	v5 =	vld [tilespmem:s24+$0x140]  }
0x12f: {  	v0 =	vmax.f32 v0, v1;
	v1 =	vld [tilespmem:s24+$0x1C0]  }
0x130: {  	v0 =	vmax.f32 v0, v2;
	v2 =	vld [tilespmem:s24+$0x240]  }
0x131: {  	v0 =	vmax.f32 v0, v3;
	v3 =	vld [tilespmem:s24+$0x2C0]  }
0x132: {  	v0 =	vmax.f32 v0, v4;
	v4 =	vld [tilespmem:s24+$0x340]  }
0x133: {  	v0 =	vmax.f32 v0, v5;
	v5 =	vld [tilespmem:s24+$0x3C0]  }
0x134: {  	v0 =	vmax.f32 v0, v1  }
0x135: {  	v0 =	vmax.f32 v0, v2  }
0x136: {  	v0 =	vmax.f32 v0, v3  }
0x137: {  	v0 =	vmax.f32 v0, v4  }
0x138: {  	v0 =	vmax.f32 v0, v5  }
0x139: {  	[tilespmem:s22+$0x8140] =	vst v0  }
0x13a: {  	v0 =	vld [tilespmem:s24+$0xFFFFFC50]  }
0x13b: {  	v1 =	vld [tilespmem:s24+$0xFFFFFCD0]  }
0x13c: {  	v2 =	vld [tilespmem:s24+$0xFFFFFD50]  }
0x13d: {  	v3 =	vld [tilespmem:s24+$0xFFFFFDD0]  }
0x13e: {  	v4 =	vld [tilespmem:s24+$0xFFFFFE50]  }
0x13f: {  	v5 =	vld [tilespmem:s24+$0xFFFFFED0]  }
0x140: {  	v0 =	vmax.f32 v0, v1;
	v1 =	vld [tilespmem:s24+$0xFFFFFF50]  }
0x141: {  	v0 =	vmax.f32 v0, v2;
	v2 =	vld [tilespmem:s24+$0xFFFFFFD0]  }
0x142: {  	v0 =	vmax.f32 v0, v3;
	v3 =	vld [tilespmem:s24+$0x50]  }
0x143: {  	v0 =	vmax.f32 v0, v4;
	v4 =	vld [tilespmem:s24+$0xD0]  }
0x144: {  	v0 =	vmax.f32 v0, v5;
	v5 =	vld [tilespmem:s24+$0x150]  }
0x145: {  	v0 =	vmax.f32 v0, v1;
	v1 =	vld [tilespmem:s24+$0x1D0]  }
0x146: {  	v0 =	vmax.f32 v0, v2;
	v2 =	vld [tilespmem:s24+$0x250]  }
0x147: {  	v0 =	vmax.f32 v0, v3;
	v3 =	vld [tilespmem:s24+$0x2D0]  }
0x148: {  	v0 =	vmax.f32 v0, v4;
	v4 =	vld [tilespmem:s24+$0x350]  }
0x149: {  	v0 =	vmax.f32 v0, v5;
	v5 =	vld [tilespmem:s24+$0x3D0]  }
0x14a: {  	v0 =	vmax.f32 v0, v1  }
0x14b: {  	v0 =	vmax.f32 v0, v2  }
0x14c: {  	v0 =	vmax.f32 v0, v3  }
0x14d: {  	v0 =	vmax.f32 v0, v4  }
0x14e: {  	v0 =	vmax.f32 v0, v5  }
0x14f: {  	[tilespmem:s22+$0x8150] =	vst v0  }
0x150: {  	v0 =	vld [tilespmem:s24+$0xFFFFFC60]  }
0x151: {  	v1 =	vld [tilespmem:s24+$0xFFFFFCE0]  }
0x152: {  	v2 =	vld [tilespmem:s24+$0xFFFFFD60]  }
0x153: {  	v3 =	vld [tilespmem:s24+$0xFFFFFDE0]  }
0x154: {  	v4 =	vld [tilespmem:s24+$0xFFFFFE60]  }
0x155: {  	v5 =	vld [tilespmem:s24+$0xFFFFFEE0]  }
0x156: {  	v0 =	vmax.f32 v0, v1;
	v1 =	vld [tilespmem:s24+$0xFFFFFF60]  }
0x157: {  	v0 =	vmax.f32 v0, v2;
	v2 =	vld [tilespmem:s24+$0xFFFFFFE0]  }
0x158: {  	v0 =	vmax.f32 v0, v3;
	v3 =	vld [tilespmem:s24+$0x60]  }
0x159: {  	v0 =	vmax.f32 v0, v4;
	v4 =	vld [tilespmem:s24+$0xE0]  }
0x15a: {  	v0 =	vmax.f32 v0, v5;
	v5 =	vld [tilespmem:s24+$0x160]  }
0x15b: {  	v0 =	vmax.f32 v0, v1;
	v1 =	vld [tilespmem:s24+$0x1E0]  }
0x15c: {  	v0 =	vmax.f32 v0, v2;
	v2 =	vld [tilespmem:s24+$0x260]  }
0x15d: {  	v0 =	vmax.f32 v0, v3;
	v3 =	vld [tilespmem:s24+$0x2E0]  }
0x15e: {  	v0 =	vmax.f32 v0, v4;
	v4 =	vld [tilespmem:s24+$0x360]  }
0x15f: {  	v0 =	vmax.f32 v0, v5;
	v5 =	vld [tilespmem:s24+$0x3E0]  }
0x160: {  	v0 =	vmax.f32 v0, v1  }
0x161: {  	v0 =	vmax.f32 v0, v2  }
0x162: {  	v0 =	vmax.f32 v0, v3  }
0x163: {  	v0 =	vmax.f32 v0, v4  }
0x164: {  	v0 =	vmax.f32 v0, v5  }
0x165: {  	[tilespmem:s22+$0x8160] =	vst v0  }
0x166: {  	v0 =	vld [tilespmem:s24+$0xFFFFFC70]  }
0x167: {  	v1 =	vld [tilespmem:s24+$0xFFFFFCF0]  }
0x168: {  	v2 =	vld [tilespmem:s24+$0xFFFFFD70]  }
0x169: {  	v3 =	vld [tilespmem:s24+$0xFFFFFDF0]  }
0x16a: {  	v5 =	vld [tilespmem:s24+$0xFFFFFE70]  }
0x16b: {  	v6 =	vld [tilespmem:s24+$0xFFFFFEF0]  }
0x16c: {  	v0 =	vmax.f32 v0, v1;
	v7 =	vld [tilespmem:s24+$0xFFFFFF70]  }
0x16d: {  	v0 =	vmax.f32 v0, v2;
	v8 =	vld [tilespmem:s24+$0xFFFFFFF0]  }
.Ltmp0:
0x16e: {  	v0 =	vmax.f32 v0, v3;
	v4 =	vld [tilespmem:s24+$0x70];
	(pc) =	sbr.rel @p0 .LBB2_3-.Ltmp0, $4  }
0x16f: {  	v0 =	vmax.f32 v0, v5;
	v1 =	vld [tilespmem:s24+$0xF0]  }
0x170: {  	v0 =	vmax.f32 v0, v6;
	v2 =	vld [tilespmem:s24+$0x170]  }
0x171: {  	v3 =	vmax.f32 v0, v7;
	v0 =	vld [tilespmem:s24+$0x1F0]  }
0x172: {  	v5 =	vmax.f32 v3, v8;
	v3 =	vld [tilespmem:s24+$0x270]  }
0x173: {  	v4 =	vmax.f32 v5, v4;
	v5 =	vld [tilespmem:s21+$0x2F0]  }
0x174: {  	v1 =	vmax.f32 v4, v1;
	v4 =	vld [tilespmem:s21+$0x370]  }
0x175: {  	v1 =	vmax.f32 v1, v2;
	v2 =	vld [tilespmem:s21+$0x3F0]  }
0x176: {  	v0 =	vmax.f32 v1, v0  }
0x177: {  	v0 =	vmax.f32 v0, v3  }
0x178: {  	s29 =	sshll.u32 s20, $0xB;
	v0 =	vmax.f32 v0, v5  }
0x179: {  	s21 =	sadd.s32 s9, s29;
	v0 =	vmax.f32 v0, v4  }
0x17a: {  	s31 =	simm.s32 $0x0;
	s23 =	sshrl.u32 s21, $0x3;
	s21 =	sshll.u32 s20, $0x8;
	v0 =	vmax.f32 v0, v2  }
0x17b: {  	p0 =	seq.s32 s20, $0x9;
	s30 =	sadd.s32 s7, s23;
	[tilespmem:s22+$0x8170] =	vst v0;
	s22 =	sadd.s32 $0x100, s21  }
0x17c: {  	[hbm4b:s30+s31] =	stream.linear.scatter [tilespmem:s17], [sflag:$0x3], $0x400, $0x38;
	[tilespmem:$0x8500] =	vst v63  }
0x17d: {  	s22 =	simm.s32 @p0 $0x0  }
0x17e: {  	_ =	swait.ge [sflag:s12], $0x400;
	s22 =	sadd.s32 s6, s22  }
0x17f: {  	[sflag:s12] =	ssyncset.done $0x0;
	s22 =	sshrl.u32 s22, $0x3  }
0x180: {  	[sflag:s12] =	ssyncadd.s32 $0xFFFFFC00;
	s22 =	sadd.s32 s4, s22  }
0x181: {  	[tilespmem:s31], [sflag:$0x3] =	stream.linear.gather [hbm4b:s22+s31], $0x80, $0x38;
	[tilespmem:$0x8500] =	vst v63  }
0x182: {  	_ =	swait.ge [sflag:s12], $0x80  }
0x183: {  	[sflag:s12] =	ssyncset.done $0x0  }
0x184: {  	[sflag:s12] =	ssyncadd.s32 $0xFFFFFF80  }
0x185: {  	[tilespmem:s14], [sflag:$0x1] =	stream.indirect.gather [hbm4b:s3+s13], $0x80, s31, s13, $0xb8;
	[tilespmem:$0x8500] =	vst v63  }
0x186: {  	_ =	swait.ge [sflag:s18], $0x4000  }
0x187: {  	[sflag:s18] =	ssyncset.done $0x0  }
0x188: {  	s22 =	simm.s32 $0x4500;
	[sflag:s18] =	ssyncadd.s32 $0xFFFFC000  }
0x189: {  	v0 =	vld [tilespmem:s22+$0xFFFFFC80]  }
0x18a: {  	v1 =	vld [tilespmem:s22+$0xFFFFFC00]  }
0x18b: {  	v2 =	vld [tilespmem:s22+$0xFFFFFD00]  }
0x18c: {  	v3 =	vld [tilespmem:s22+$0xFFFFFD80]  }
0x18d: {  	v4 =	vld [tilespmem:s22+$0xFFFFFE00]  }
0x18e: {  	v5 =	vld [tilespmem:s22+$0xFFFFFE80]  }
0x18f: {  	v0 =	vmax.f32 v1, v0;
	v1 =	vld [tilespmem:s22+$0xFFFFFF00]  }
0x190: {  	v0 =	vmax.f32 v0, v2;
	v2 =	vld [tilespmem:s22+$0xFFFFFF80]  }
0x191: {  	v0 =	vmax.f32 v0, v3;
	v3 =	vld [tilespmem:s22+$0x0]  }
0x192: {  	v0 =	vmax.f32 v0, v4;
	v4 =	vld [tilespmem:s22+$0x80]  }
0x193: {  	v0 =	vmax.f32 v0, v5;
	v5 =	vld [tilespmem:s22+$0x100]  }
0x194: {  	v0 =	vmax.f32 v0, v1;
	v1 =	vld [tilespmem:s22+$0x180]  }
0x195: {  	v0 =	vmax.f32 v0, v2;
	v2 =	vld [tilespmem:s22+$0x200]  }
0x196: {  	v0 =	vmax.f32 v0, v3;
	v3 =	vld [tilespmem:s22+$0x280]  }
0x197: {  	v0 =	vmax.f32 v0, v4;
	v4 =	vld [tilespmem:s22+$0x300]  }
0x198: {  	v0 =	vmax.f32 v0, v5;
	v5 =	vld [tilespmem:s22+$0x380]  }
0x199: {  	v0 =	vmax.f32 v0, v1  }
0x19a: {  	v0 =	vmax.f32 v0, v2  }
0x19b: {  	v0 =	vmax.f32 v0, v3  }
0x19c: {  	v0 =	vmax.f32 v0, v4  }
0x19d: {  	s23 =	simm.s32 $0x0;
	v0 =	vmax.f32 v0, v5  }
0x19e: {  	[tilespmem:s23+$0x8100] =	vst v0  }
0x19f: {  	v0 =	vld [tilespmem:s22+$0xFFFFFC10]  }
0x1a0: {  	v1 =	vld [tilespmem:s22+$0xFFFFFC90]  }
0x1a1: {  	v2 =	vld [tilespmem:s22+$0xFFFFFD10]  }
0x1a2: {  	v3 =	vld [tilespmem:s22+$0xFFFFFD90]  }
0x1a3: {  	v4 =	vld [tilespmem:s22+$0xFFFFFE10]  }
0x1a4: {  	v5 =	vld [tilespmem:s22+$0xFFFFFE90]  }
0x1a5: {  	v0 =	vmax.f32 v0, v1;
	v1 =	vld [tilespmem:s22+$0xFFFFFF10]  }
0x1a6: {  	v0 =	vmax.f32 v0, v2;
	v2 =	vld [tilespmem:s22+$0xFFFFFF90]  }
0x1a7: {  	v0 =	vmax.f32 v0, v3;
	v3 =	vld [tilespmem:s22+$0x10]  }
0x1a8: {  	v0 =	vmax.f32 v0, v4;
	v4 =	vld [tilespmem:s22+$0x90]  }
0x1a9: {  	v0 =	vmax.f32 v0, v5;
	v5 =	vld [tilespmem:s22+$0x110]  }
0x1aa: {  	v0 =	vmax.f32 v0, v1;
	v1 =	vld [tilespmem:s22+$0x190]  }
0x1ab: {  	v0 =	vmax.f32 v0, v2;
	v2 =	vld [tilespmem:s22+$0x210]  }
0x1ac: {  	v0 =	vmax.f32 v0, v3;
	v3 =	vld [tilespmem:s22+$0x290]  }
0x1ad: {  	v0 =	vmax.f32 v0, v4;
	v4 =	vld [tilespmem:s22+$0x310]  }
0x1ae: {  	v0 =	vmax.f32 v0, v5;
	v5 =	vld [tilespmem:s22+$0x390]  }
0x1af: {  	v0 =	vmax.f32 v0, v1  }
0x1b0: {  	v0 =	vmax.f32 v0, v2  }
0x1b1: {  	v0 =	vmax.f32 v0, v3  }
0x1b2: {  	v0 =	vmax.f32 v0, v4  }
0x1b3: {  	v0 =	vmax.f32 v0, v5  }
0x1b4: {  	[tilespmem:s23+$0x8110] =	vst v0  }
0x1b5: {  	v0 =	vld [tilespmem:s22+$0xFFFFFC20]  }
0x1b6: {  	v1 =	vld [tilespmem:s22+$0xFFFFFCA0]  }
0x1b7: {  	v2 =	vld [tilespmem:s22+$0xFFFFFD20]  }
0x1b8: {  	v3 =	vld [tilespmem:s22+$0xFFFFFDA0]  }
0x1b9: {  	v4 =	vld [tilespmem:s22+$0xFFFFFE20]  }
0x1ba: {  	v5 =	vld [tilespmem:s22+$0xFFFFFEA0]  }
0x1bb: {  	v0 =	vmax.f32 v0, v1;
	v1 =	vld [tilespmem:s22+$0xFFFFFF20]  }
0x1bc: {  	v0 =	vmax.f32 v0, v2;
	v2 =	vld [tilespmem:s22+$0xFFFFFFA0]  }
0x1bd: {  	v0 =	vmax.f32 v0, v3;
	v3 =	vld [tilespmem:s22+$0x20]  }
0x1be: {  	v0 =	vmax.f32 v0, v4;
	v4 =	vld [tilespmem:s22+$0xA0]  }
0x1bf: {  	v0 =	vmax.f32 v0, v5;
	v5 =	vld [tilespmem:s22+$0x120]  }
0x1c0: {  	v0 =	vmax.f32 v0, v1;
	v1 =	vld [tilespmem:s22+$0x1A0]  }
0x1c1: {  	v0 =	vmax.f32 v0, v2;
	v2 =	vld [tilespmem:s22+$0x220]  }
0x1c2: {  	v0 =	vmax.f32 v0, v3;
	v3 =	vld [tilespmem:s22+$0x2A0]  }
0x1c3: {  	v0 =	vmax.f32 v0, v4;
	v4 =	vld [tilespmem:s22+$0x320]  }
0x1c4: {  	v0 =	vmax.f32 v0, v5;
	v5 =	vld [tilespmem:s22+$0x3A0]  }
0x1c5: {  	v0 =	vmax.f32 v0, v1  }
0x1c6: {  	v0 =	vmax.f32 v0, v2  }
0x1c7: {  	v0 =	vmax.f32 v0, v3  }
0x1c8: {  	v0 =	vmax.f32 v0, v4  }
0x1c9: {  	v0 =	vmax.f32 v0, v5  }
0x1ca: {  	[tilespmem:s23+$0x8120] =	vst v0  }
0x1cb: {  	v0 =	vld [tilespmem:s22+$0xFFFFFC30]  }
0x1cc: {  	v1 =	vld [tilespmem:s22+$0xFFFFFCB0]  }
0x1cd: {  	v2 =	vld [tilespmem:s22+$0xFFFFFD30]  }
0x1ce: {  	v3 =	vld [tilespmem:s22+$0xFFFFFDB0]  }
0x1cf: {  	v4 =	vld [tilespmem:s22+$0xFFFFFE30]  }
0x1d0: {  	v5 =	vld [tilespmem:s22+$0xFFFFFEB0]  }
0x1d1: {  	v0 =	vmax.f32 v0, v1;
	v1 =	vld [tilespmem:s22+$0xFFFFFF30]  }
0x1d2: {  	v0 =	vmax.f32 v0, v2;
	v2 =	vld [tilespmem:s22+$0xFFFFFFB0]  }
0x1d3: {  	v0 =	vmax.f32 v0, v3;
	v3 =	vld [tilespmem:s22+$0x30]  }
0x1d4: {  	v0 =	vmax.f32 v0, v4;
	v4 =	vld [tilespmem:s22+$0xB0]  }
0x1d5: {  	v0 =	vmax.f32 v0, v5;
	v5 =	vld [tilespmem:s22+$0x130]  }
0x1d6: {  	v0 =	vmax.f32 v0, v1;
	v1 =	vld [tilespmem:s22+$0x1B0]  }
0x1d7: {  	v0 =	vmax.f32 v0, v2;
	v2 =	vld [tilespmem:s22+$0x230]  }
0x1d8: {  	v0 =	vmax.f32 v0, v3;
	v3 =	vld [tilespmem:s22+$0x2B0]  }
0x1d9: {  	v0 =	vmax.f32 v0, v4;
	v4 =	vld [tilespmem:s22+$0x330]  }
0x1da: {  	v0 =	vmax.f32 v0, v5;
	v5 =	vld [tilespmem:s22+$0x3B0]  }
0x1db: {  	v0 =	vmax.f32 v0, v1  }
0x1dc: {  	v0 =	vmax.f32 v0, v2  }
0x1dd: {  	v0 =	vmax.f32 v0, v3  }
0x1de: {  	v0 =	vmax.f32 v0, v4  }
0x1df: {  	v0 =	vmax.f32 v0, v5  }
0x1e0: {  	[tilespmem:s23+$0x8130] =	vst v0  }
0x1e1: {  	v0 =	vld [tilespmem:s22+$0xFFFFFC40]  }
0x1e2: {  	v1 =	vld [tilespmem:s22+$0xFFFFFCC0]  }
0x1e3: {  	v2 =	vld [tilespmem:s22+$0xFFFFFD40]  }
0x1e4: {  	v3 =	vld [tilespmem:s22+$0xFFFFFDC0]  }
0x1e5: {  	v4 =	vld [tilespmem:s22+$0xFFFFFE40]  }
0x1e6: {  	v5 =	vld [tilespmem:s22+$0xFFFFFEC0]  }
0x1e7: {  	v0 =	vmax.f32 v0, v1;
	v1 =	vld [tilespmem:s22+$0xFFFFFF40]  }
0x1e8: {  	v0 =	vmax.f32 v0, v2;
	v2 =	vld [tilespmem:s22+$0xFFFFFFC0]  }
0x1e9: {  	v0 =	vmax.f32 v0, v3;
	v3 =	vld [tilespmem:s22+$0x40]  }
0x1ea: {  	v0 =	vmax.f32 v0, v4;
	v4 =	vld [tilespmem:s22+$0xC0]  }
0x1eb: {  	v0 =	vmax.f32 v0, v5;
	v5 =	vld [tilespmem:s22+$0x140]  }
0x1ec: {  	v0 =	vmax.f32 v0, v1;
	v1 =	vld [tilespmem:s22+$0x1C0]  }
0x1ed: {  	v0 =	vmax.f32 v0, v2;
	v2 =	vld [tilespmem:s22+$0x240]  }
0x1ee: {  	v0 =	vmax.f32 v0, v3;
	v3 =	vld [tilespmem:s22+$0x2C0]  }
0x1ef: {  	v0 =	vmax.f32 v0, v4;
	v4 =	vld [tilespmem:s22+$0x340]  }
0x1f0: {  	v0 =	vmax.f32 v0, v5;
	v5 =	vld [tilespmem:s22+$0x3C0]  }
0x1f1: {  	v0 =	vmax.f32 v0, v1  }
0x1f2: {  	v0 =	vmax.f32 v0, v2  }
0x1f3: {  	v0 =	vmax.f32 v0, v3  }
0x1f4: {  	v0 =	vmax.f32 v0, v4  }
0x1f5: {  	v0 =	vmax.f32 v0, v5  }
0x1f6: {  	[tilespmem:s23+$0x8140] =	vst v0  }
0x1f7: {  	v0 =	vld [tilespmem:s22+$0xFFFFFC50]  }
0x1f8: {  	v1 =	vld [tilespmem:s22+$0xFFFFFCD0]  }
0x1f9: {  	v2 =	vld [tilespmem:s22+$0xFFFFFD50]  }
0x1fa: {  	v3 =	vld [tilespmem:s22+$0xFFFFFDD0]  }
0x1fb: {  	v4 =	vld [tilespmem:s22+$0xFFFFFE50]  }
0x1fc: {  	v5 =	vld [tilespmem:s22+$0xFFFFFED0]  }
0x1fd: {  	v0 =	vmax.f32 v0, v1;
	v1 =	vld [tilespmem:s22+$0xFFFFFF50]  }
0x1fe: {  	v0 =	vmax.f32 v0, v2;
	v2 =	vld [tilespmem:s22+$0xFFFFFFD0]  }
0x1ff: {  	v0 =	vmax.f32 v0, v3;
	v3 =	vld [tilespmem:s22+$0x50]  }
0x200: {  	v0 =	vmax.f32 v0, v4;
	v4 =	vld [tilespmem:s22+$0xD0]  }
0x201: {  	v0 =	vmax.f32 v0, v5;
	v5 =	vld [tilespmem:s22+$0x150]  }
0x202: {  	v0 =	vmax.f32 v0, v1;
	v1 =	vld [tilespmem:s22+$0x1D0]  }
0x203: {  	v0 =	vmax.f32 v0, v2;
	v2 =	vld [tilespmem:s22+$0x250]  }
0x204: {  	v0 =	vmax.f32 v0, v3;
	v3 =	vld [tilespmem:s22+$0x2D0]  }
0x205: {  	v0 =	vmax.f32 v0, v4;
	v4 =	vld [tilespmem:s22+$0x350]  }
0x206: {  	v0 =	vmax.f32 v0, v5;
	v5 =	vld [tilespmem:s22+$0x3D0]  }
0x207: {  	v0 =	vmax.f32 v0, v1  }
0x208: {  	v0 =	vmax.f32 v0, v2  }
0x209: {  	v0 =	vmax.f32 v0, v3  }
0x20a: {  	v0 =	vmax.f32 v0, v4  }
0x20b: {  	v0 =	vmax.f32 v0, v5  }
0x20c: {  	[tilespmem:s23+$0x8150] =	vst v0  }
0x20d: {  	v0 =	vld [tilespmem:s22+$0xFFFFFC60]  }
0x20e: {  	v1 =	vld [tilespmem:s22+$0xFFFFFCE0]  }
0x20f: {  	v2 =	vld [tilespmem:s22+$0xFFFFFD60]  }
0x210: {  	v3 =	vld [tilespmem:s22+$0xFFFFFDE0]  }
0x211: {  	v4 =	vld [tilespmem:s22+$0xFFFFFE60]  }
0x212: {  	v5 =	vld [tilespmem:s22+$0xFFFFFEE0]  }
0x213: {  	v0 =	vmax.f32 v0, v1;
	v1 =	vld [tilespmem:s22+$0xFFFFFF60]  }
0x214: {  	v0 =	vmax.f32 v0, v2;
	v2 =	vld [tilespmem:s22+$0xFFFFFFE0]  }
0x215: {  	v0 =	vmax.f32 v0, v3;
	v3 =	vld [tilespmem:s22+$0x60]  }
0x216: {  	v0 =	vmax.f32 v0, v4;
	v4 =	vld [tilespmem:s22+$0xE0]  }
0x217: {  	v0 =	vmax.f32 v0, v5;
	v5 =	vld [tilespmem:s22+$0x160]  }
0x218: {  	v0 =	vmax.f32 v0, v1;
	v1 =	vld [tilespmem:s22+$0x1E0]  }
0x219: {  	v0 =	vmax.f32 v0, v2;
	v2 =	vld [tilespmem:s22+$0x260]  }
0x21a: {  	v0 =	vmax.f32 v0, v3;
	v3 =	vld [tilespmem:s22+$0x2E0]  }
0x21b: {  	v0 =	vmax.f32 v0, v4;
	v4 =	vld [tilespmem:s22+$0x360]  }
0x21c: {  	v0 =	vmax.f32 v0, v5;
	v5 =	vld [tilespmem:s22+$0x3E0]  }
0x21d: {  	v0 =	vmax.f32 v0, v1  }
0x21e: {  	v0 =	vmax.f32 v0, v2  }
0x21f: {  	v0 =	vmax.f32 v0, v3  }
0x220: {  	v0 =	vmax.f32 v0, v4  }
0x221: {  	v0 =	vmax.f32 v0, v5  }
0x222: {  	[tilespmem:s23+$0x8160] =	vst v0  }
0x223: {  	v0 =	vld [tilespmem:s22+$0xFFFFFC70]  }
0x224: {  	v1 =	vld [tilespmem:s22+$0xFFFFFCF0]  }
0x225: {  	v2 =	vld [tilespmem:s22+$0xFFFFFD70]  }
0x226: {  	v3 =	vld [tilespmem:s22+$0xFFFFFDF0]  }
0x227: {  	v5 =	vld [tilespmem:s22+$0xFFFFFE70]  }
0x228: {  	v6 =	vld [tilespmem:s22+$0xFFFFFEF0]  }
0x229: {  	v7 =	vld [tilespmem:s22+$0xFFFFFF70];
	v0 =	vmax.f32 v0, v1  }
0x22a: {  	v8 =	vld [tilespmem:s22+$0xFFFFFFF0];
	v0 =	vmax.f32 v0, v2  }
0x22b: {  	v4 =	vld [tilespmem:s22+$0x70];
	v0 =	vmax.f32 v0, v3  }
0x22c: {  	v1 =	vld [tilespmem:s22+$0xF0];
	v0 =	vmax.f32 v0, v5  }
0x22d: {  	v2 =	vld [tilespmem:s22+$0x170];
	v0 =	vmax.f32 v0, v6  }
0x22e: {  	v3 =	vmax.f32 v0, v7;
	v0 =	vld [tilespmem:s22+$0x1F0]  }
0x22f: {  	s24 =	simm.s32 $0x200;
	s25 =	simm.s32 $0x4500;
	v5 =	vmax.f32 v3, v8;
	v3 =	vld [tilespmem:s22+$0x270]  }
.LBB2_5:
0x230: {  	p1 =	sne.s32 s24, $0xE00  }
0x231: {  	v4 =	vmax.f32 v5, v4;
	v5 =	vld [tilespmem:s22+$0x2F0];
	s25 =	sadd.s32 $0x800, s25;
	s26 =	smov.u32 s24;
	s24 =	sadd.s32 $0x200, s24  }
0x232: {  	v1 =	vmax.f32 v4, v1;
	v4 =	vld [tilespmem:s22+$0x370]  }
0x233: {  	v1 =	vmax.f32 v1, v2;
	v2 =	vld [tilespmem:s22+$0x3F0];
	s22 =	smov.u32 s25  }
0x234: {  	v0 =	vmax.f32 v1, v0  }
0x235: {  	v0 =	vmax.f32 v0, v3  }
0x236: {  	v0 =	vmax.f32 v0, v5  }
0x237: {  	v0 =	vmax.f32 v0, v4  }
0x238: {  	v0 =	vmax.f32 v0, v2  }
0x239: {  	[tilespmem:s23+$0x8170] =	vst v0  }
0x23a: {  	v0 =	vld [tilespmem:s25+$0xFFFFFD00]  }
0x23b: {  	v1 =	vld [tilespmem:s25+$0xFFFFFC80]  }
0x23c: {  	v2 =	vld [tilespmem:s25+$0xFFFFFC00]  }
0x23d: {  	v3 =	vld [tilespmem:s25+$0xFFFFFD80]  }
0x23e: {  	v4 =	vld [tilespmem:s25+$0xFFFFFE00];
	_ =	sdelay $0x1  }
0x23f: {  	v5 =	vld [tilespmem:s25+$0xFFFFFE80]  }
0x240: {  	v1 =	vmax.f32 v2, v1;
	v2 =	vld [tilespmem:s25+$0xFFFFFF00]  }
0x241: {  	v0 =	vmax.f32 v1, v0;
	v1 =	vld [tilespmem:s25+$0xFFFFFF80]  }
0x242: {  	v0 =	vmax.f32 v0, v3;
	v3 =	vld [tilespmem:s25+$0x0]  }
0x243: {  	v0 =	vmax.f32 v0, v4;
	v4 =	vld [tilespmem:s25+$0x80]  }
0x244: {  	v0 =	vmax.f32 v0, v5;
	v5 =	vld [tilespmem:s25+$0x100]  }
0x245: {  	v0 =	vmax.f32 v0, v2;
	v2 =	vld [tilespmem:s25+$0x180]  }
0x246: {  	v0 =	vmax.f32 v0, v1;
	v1 =	vld [tilespmem:s25+$0x200]  }
0x247: {  	v0 =	vmax.f32 v0, v3;
	v3 =	vld [tilespmem:s25+$0x280]  }
0x248: {  	v0 =	vmax.f32 v0, v4;
	v4 =	vld [tilespmem:s25+$0x300]  }
0x249: {  	v0 =	vmax.f32 v0, v5;
	v5 =	vld [tilespmem:s25+$0x380]  }
0x24a: {  	v0 =	vmax.f32 v0, v2  }
0x24b: {  	v0 =	vmax.f32 v0, v1  }
0x24c: {  	v0 =	vmax.f32 v0, v3  }
0x24d: {  	v0 =	vmax.f32 v0, v4  }
0x24e: {  	s23 =	sshra.s32 s26, $0x2;
	v0 =	vmax.f32 v0, v5  }
0x24f: {  	[tilespmem:s23+$0x8100] =	vst v0  }
0x250: {  	v0 =	vld [tilespmem:s25+$0xFFFFFC10]  }
0x251: {  	v1 =	vld [tilespmem:s25+$0xFFFFFC90]  }
0x252: {  	v2 =	vld [tilespmem:s25+$0xFFFFFD10]  }
0x253: {  	v3 =	vld [tilespmem:s25+$0xFFFFFD90]  }
0x254: {  	v4 =	vld [tilespmem:s25+$0xFFFFFE10]  }
0x255: {  	v5 =	vld [tilespmem:s25+$0xFFFFFE90]  }
0x256: {  	v0 =	vmax.f32 v0, v1;
	v1 =	vld [tilespmem:s25+$0xFFFFFF10]  }
0x257: {  	v0 =	vmax.f32 v0, v2;
	v2 =	vld [tilespmem:s25+$0xFFFFFF90]  }
0x258: {  	v0 =	vmax.f32 v0, v3;
	v3 =	vld [tilespmem:s25+$0x10]  }
0x259: {  	v0 =	vmax.f32 v0, v4;
	v4 =	vld [tilespmem:s25+$0x90]  }
0x25a: {  	v0 =	vmax.f32 v0, v5;
	v5 =	vld [tilespmem:s25+$0x110]  }
0x25b: {  	v0 =	vmax.f32 v0, v1;
	v1 =	vld [tilespmem:s25+$0x190]  }
0x25c: {  	v0 =	vmax.f32 v0, v2;
	v2 =	vld [tilespmem:s25+$0x210]  }
0x25d: {  	v0 =	vmax.f32 v0, v3;
	v3 =	vld [tilespmem:s25+$0x290]  }
0x25e: {  	v0 =	vmax.f32 v0, v4;
	v4 =	vld [tilespmem:s25+$0x310]  }
0x25f: {  	v0 =	vmax.f32 v0, v5;
	v5 =	vld [tilespmem:s25+$0x390]  }
0x260: {  	v0 =	vmax.f32 v0, v1  }
0x261: {  	v0 =	vmax.f32 v0, v2  }
0x262: {  	v0 =	vmax.f32 v0, v3  }
0x263: {  	v0 =	vmax.f32 v0, v4  }
0x264: {  	v0 =	vmax.f32 v0, v5  }
0x265: {  	[tilespmem:s23+$0x8110] =	vst v0  }
0x266: {  	v0 =	vld [tilespmem:s25+$0xFFFFFC20]  }
0x267: {  	v1 =	vld [tilespmem:s25+$0xFFFFFCA0]  }
0x268: {  	v2 =	vld [tilespmem:s25+$0xFFFFFD20]  }
0x269: {  	v3 =	vld [tilespmem:s25+$0xFFFFFDA0]  }
0x26a: {  	v4 =	vld [tilespmem:s25+$0xFFFFFE20]  }
0x26b: {  	v5 =	vld [tilespmem:s25+$0xFFFFFEA0]  }
0x26c: {  	v0 =	vmax.f32 v0, v1;
	v1 =	vld [tilespmem:s25+$0xFFFFFF20]  }
0x26d: {  	v0 =	vmax.f32 v0, v2;
	v2 =	vld [tilespmem:s25+$0xFFFFFFA0]  }
0x26e: {  	v0 =	vmax.f32 v0, v3;
	v3 =	vld [tilespmem:s25+$0x20]  }
0x26f: {  	v0 =	vmax.f32 v0, v4;
	v4 =	vld [tilespmem:s25+$0xA0]  }
0x270: {  	v0 =	vmax.f32 v0, v5;
	v5 =	vld [tilespmem:s25+$0x120]  }
0x271: {  	v0 =	vmax.f32 v0, v1;
	v1 =	vld [tilespmem:s25+$0x1A0]  }
0x272: {  	v0 =	vmax.f32 v0, v2;
	v2 =	vld [tilespmem:s25+$0x220]  }
0x273: {  	v0 =	vmax.f32 v0, v3;
	v3 =	vld [tilespmem:s25+$0x2A0]  }
0x274: {  	v0 =	vmax.f32 v0, v4;
	v4 =	vld [tilespmem:s25+$0x320]  }
0x275: {  	v0 =	vmax.f32 v0, v5;
	v5 =	vld [tilespmem:s25+$0x3A0]  }
0x276: {  	v0 =	vmax.f32 v0, v1  }
0x277: {  	v0 =	vmax.f32 v0, v2  }
0x278: {  	v0 =	vmax.f32 v0, v3  }
0x279: {  	v0 =	vmax.f32 v0, v4  }
0x27a: {  	v0 =	vmax.f32 v0, v5  }
0x27b: {  	[tilespmem:s23+$0x8120] =	vst v0  }
0x27c: {  	v0 =	vld [tilespmem:s25+$0xFFFFFC30]  }
0x27d: {  	v1 =	vld [tilespmem:s25+$0xFFFFFCB0]  }
0x27e: {  	v2 =	vld [tilespmem:s25+$0xFFFFFD30]  }
0x27f: {  	v3 =	vld [tilespmem:s25+$0xFFFFFDB0]  }
0x280: {  	v4 =	vld [tilespmem:s25+$0xFFFFFE30]  }
0x281: {  	v5 =	vld [tilespmem:s25+$0xFFFFFEB0]  }
0x282: {  	v0 =	vmax.f32 v0, v1;
	v1 =	vld [tilespmem:s25+$0xFFFFFF30]  }
0x283: {  	v0 =	vmax.f32 v0, v2;
	v2 =	vld [tilespmem:s25+$0xFFFFFFB0]  }
0x284: {  	v0 =	vmax.f32 v0, v3;
	v3 =	vld [tilespmem:s25+$0x30]  }
0x285: {  	v0 =	vmax.f32 v0, v4;
	v4 =	vld [tilespmem:s25+$0xB0]  }
0x286: {  	v0 =	vmax.f32 v0, v5;
	v5 =	vld [tilespmem:s25+$0x130]  }
0x287: {  	v0 =	vmax.f32 v0, v1;
	v1 =	vld [tilespmem:s25+$0x1B0]  }
0x288: {  	v0 =	vmax.f32 v0, v2;
	v2 =	vld [tilespmem:s25+$0x230]  }
0x289: {  	v0 =	vmax.f32 v0, v3;
	v3 =	vld [tilespmem:s25+$0x2B0]  }
0x28a: {  	v0 =	vmax.f32 v0, v4;
	v4 =	vld [tilespmem:s25+$0x330]  }
0x28b: {  	v0 =	vmax.f32 v0, v5;
	v5 =	vld [tilespmem:s25+$0x3B0]  }
0x28c: {  	v0 =	vmax.f32 v0, v1  }
0x28d: {  	v0 =	vmax.f32 v0, v2  }
0x28e: {  	v0 =	vmax.f32 v0, v3  }
0x28f: {  	v0 =	vmax.f32 v0, v4  }
0x290: {  	v0 =	vmax.f32 v0, v5  }
0x291: {  	[tilespmem:s23+$0x8130] =	vst v0  }
0x292: {  	v0 =	vld [tilespmem:s25+$0xFFFFFC40]  }
0x293: {  	v1 =	vld [tilespmem:s25+$0xFFFFFCC0]  }
0x294: {  	v2 =	vld [tilespmem:s25+$0xFFFFFD40]  }
0x295: {  	v3 =	vld [tilespmem:s25+$0xFFFFFDC0]  }
0x296: {  	v4 =	vld [tilespmem:s25+$0xFFFFFE40]  }
0x297: {  	v5 =	vld [tilespmem:s25+$0xFFFFFEC0]  }
0x298: {  	v0 =	vmax.f32 v0, v1;
	v1 =	vld [tilespmem:s25+$0xFFFFFF40]  }
0x299: {  	v0 =	vmax.f32 v0, v2;
	v2 =	vld [tilespmem:s25+$0xFFFFFFC0]  }
0x29a: {  	v0 =	vmax.f32 v0, v3;
	v3 =	vld [tilespmem:s25+$0x40]  }
0x29b: {  	v0 =	vmax.f32 v0, v4;
	v4 =	vld [tilespmem:s25+$0xC0]  }
0x29c: {  	v0 =	vmax.f32 v0, v5;
	v5 =	vld [tilespmem:s25+$0x140]  }
0x29d: {  	v0 =	vmax.f32 v0, v1;
	v1 =	vld [tilespmem:s25+$0x1C0]  }
0x29e: {  	v0 =	vmax.f32 v0, v2;
	v2 =	vld [tilespmem:s25+$0x240]  }
0x29f: {  	v0 =	vmax.f32 v0, v3;
	v3 =	vld [tilespmem:s25+$0x2C0]  }
0x2a0: {  	v0 =	vmax.f32 v0, v4;
	v4 =	vld [tilespmem:s25+$0x340]  }
0x2a1: {  	v0 =	vmax.f32 v0, v5;
	v5 =	vld [tilespmem:s25+$0x3C0]  }
0x2a2: {  	v0 =	vmax.f32 v0, v1  }
0x2a3: {  	v0 =	vmax.f32 v0, v2  }
0x2a4: {  	v0 =	vmax.f32 v0, v3  }
0x2a5: {  	v0 =	vmax.f32 v0, v4  }
0x2a6: {  	v0 =	vmax.f32 v0, v5  }
0x2a7: {  	[tilespmem:s23+$0x8140] =	vst v0  }
0x2a8: {  	v0 =	vld [tilespmem:s25+$0xFFFFFC50]  }
0x2a9: {  	v1 =	vld [tilespmem:s25+$0xFFFFFCD0]  }
0x2aa: {  	v2 =	vld [tilespmem:s25+$0xFFFFFD50]  }
0x2ab: {  	v3 =	vld [tilespmem:s25+$0xFFFFFDD0]  }
0x2ac: {  	v4 =	vld [tilespmem:s25+$0xFFFFFE50]  }
0x2ad: {  	v5 =	vld [tilespmem:s25+$0xFFFFFED0]  }
0x2ae: {  	v0 =	vmax.f32 v0, v1;
	v1 =	vld [tilespmem:s25+$0xFFFFFF50]  }
0x2af: {  	v0 =	vmax.f32 v0, v2;
	v2 =	vld [tilespmem:s25+$0xFFFFFFD0]  }
0x2b0: {  	v0 =	vmax.f32 v0, v3;
	v3 =	vld [tilespmem:s25+$0x50]  }
0x2b1: {  	v0 =	vmax.f32 v0, v4;
	v4 =	vld [tilespmem:s25+$0xD0]  }
0x2b2: {  	v0 =	vmax.f32 v0, v5;
	v5 =	vld [tilespmem:s25+$0x150]  }
0x2b3: {  	v0 =	vmax.f32 v0, v1;
	v1 =	vld [tilespmem:s25+$0x1D0]  }
0x2b4: {  	v0 =	vmax.f32 v0, v2;
	v2 =	vld [tilespmem:s25+$0x250]  }
0x2b5: {  	v0 =	vmax.f32 v0, v3;
	v3 =	vld [tilespmem:s25+$0x2D0]  }
0x2b6: {  	v0 =	vmax.f32 v0, v4;
	v4 =	vld [tilespmem:s25+$0x350]  }
0x2b7: {  	v0 =	vmax.f32 v0, v5;
	v5 =	vld [tilespmem:s25+$0x3D0]  }
0x2b8: {  	v0 =	vmax.f32 v0, v1  }
0x2b9: {  	v0 =	vmax.f32 v0, v2  }
0x2ba: {  	v0 =	vmax.f32 v0, v3  }
0x2bb: {  	v0 =	vmax.f32 v0, v4  }
0x2bc: {  	v0 =	vmax.f32 v0, v5  }
0x2bd: {  	[tilespmem:s23+$0x8150] =	vst v0  }
0x2be: {  	v0 =	vld [tilespmem:s25+$0xFFFFFC60]  }
0x2bf: {  	v1 =	vld [tilespmem:s25+$0xFFFFFCE0]  }
0x2c0: {  	v2 =	vld [tilespmem:s25+$0xFFFFFD60]  }
0x2c1: {  	v3 =	vld [tilespmem:s25+$0xFFFFFDE0]  }
0x2c2: {  	v4 =	vld [tilespmem:s25+$0xFFFFFE60]  }
0x2c3: {  	v5 =	vld [tilespmem:s25+$0xFFFFFEE0]  }
0x2c4: {  	v0 =	vmax.f32 v0, v1;
	v1 =	vld [tilespmem:s25+$0xFFFFFF60]  }
0x2c5: {  	v0 =	vmax.f32 v0, v2;
	v2 =	vld [tilespmem:s25+$0xFFFFFFE0]  }
0x2c6: {  	v0 =	vmax.f32 v0, v3;
	v3 =	vld [tilespmem:s25+$0x60]  }
0x2c7: {  	v0 =	vmax.f32 v0, v4;
	v4 =	vld [tilespmem:s25+$0xE0]  }
0x2c8: {  	v0 =	vmax.f32 v0, v5;
	v5 =	vld [tilespmem:s25+$0x160]  }
0x2c9: {  	v0 =	vmax.f32 v0, v1;
	v1 =	vld [tilespmem:s25+$0x1E0]  }
0x2ca: {  	v0 =	vmax.f32 v0, v2;
	v2 =	vld [tilespmem:s25+$0x260]  }
0x2cb: {  	v0 =	vmax.f32 v0, v3;
	v3 =	vld [tilespmem:s25+$0x2E0]  }
0x2cc: {  	v0 =	vmax.f32 v0, v4;
	v4 =	vld [tilespmem:s25+$0x360]  }
0x2cd: {  	v0 =	vmax.f32 v0, v5;
	v5 =	vld [tilespmem:s25+$0x3E0]  }
0x2ce: {  	v0 =	vmax.f32 v0, v1  }
0x2cf: {  	v0 =	vmax.f32 v0, v2  }
0x2d0: {  	v0 =	vmax.f32 v0, v3  }
0x2d1: {  	v0 =	vmax.f32 v0, v4  }
0x2d2: {  	v0 =	vmax.f32 v0, v5  }
0x2d3: {  	[tilespmem:s23+$0x8160] =	vst v0  }
0x2d4: {  	v0 =	vld [tilespmem:s25+$0xFFFFFC70]  }
0x2d5: {  	v1 =	vld [tilespmem:s25+$0xFFFFFCF0]  }
0x2d6: {  	v2 =	vld [tilespmem:s25+$0xFFFFFD70]  }
0x2d7: {  	v3 =	vld [tilespmem:s25+$0xFFFFFDF0]  }
0x2d8: {  	v5 =	vld [tilespmem:s25+$0xFFFFFE70]  }
0x2d9: {  	v6 =	vld [tilespmem:s25+$0xFFFFFEF0]  }
0x2da: {  	v0 =	vmax.f32 v0, v1;
	v7 =	vld [tilespmem:s25+$0xFFFFFF70]  }
0x2db: {  	v0 =	vmax.f32 v0, v2;
	v8 =	vld [tilespmem:s25+$0xFFFFFFF0]  }
.Ltmp1:
0x2dc: {  	v0 =	vmax.f32 v0, v3;
	v4 =	vld [tilespmem:s25+$0x70];
	(pc) =	sbr.rel @p1 .LBB2_5-.Ltmp1, $4  }
0x2dd: {  	v0 =	vmax.f32 v0, v5;
	v1 =	vld [tilespmem:s25+$0xF0]  }
0x2de: {  	v0 =	vmax.f32 v0, v6;
	v2 =	vld [tilespmem:s25+$0x170]  }
0x2df: {  	v3 =	vmax.f32 v0, v7;
	v0 =	vld [tilespmem:s25+$0x1F0]  }
0x2e0: {  	v5 =	vmax.f32 v3, v8;
	v3 =	vld [tilespmem:s25+$0x270]  }
0x2e1: {  	v4 =	vmax.f32 v5, v4;
	v61 =	vld [tilespmem:s22+$0x2F0]  }
0x2e2: {  	v62 =	vld [tilespmem:s22+$0x370];
	v1 =	vmax.f32 v4, v1  }
0x2e3: {  	v63 =	vld [tilespmem:s22+$0x3F0];
	v1 =	vmax.f32 v1, v2  }
0x2e4: {  	v0 =	vmax.f32 v1, v0  }
0x2e5: {  	v0 =	vmax.f32 v0, v3  }
0x2e6: {  	v0 =	vmax.f32 v0, v61  }
0x2e7: {  	v0 =	vmax.f32 v0, v62  }
0x2e8: {  	s31 =	sadd.s32 s11, s21;
	s21 =	sadd.s32 $0x180, s21;
	v0 =	vmax.f32 v0, v63  }
0x2e9: {  	s21 =	simm.s32 @p0 $0x80;
	[tilespmem:s23+$0x8170] =	vst v0  }
0x2ea: {  	[hbm4b:s31+s2] =	stream.linear.scatter [tilespmem:s17], [sflag:$0x3], $0x400, $0x38;
	[tilespmem:$0x8500] =	vst v63  }
0x2eb: {  	s21 =	sadd.s32 s6, s21;
	_ =	swait.ge [sflag:s12], $0x400  }
0x2ec: {  	s20 =	sadd.s32 $0x1, s20;
	s21 =	sshrl.u32 s21, $0x3;
	[sflag:s12] =	ssyncset.done $0x0  }
0x2ed: {  	p0 =	sne.s32 s20, $0xA;
	s21 =	sadd.s32 s4, s21;
	[sflag:s12] =	ssyncadd.s32 $0xFFFFFC00  }
0x2ee: {  	[tilespmem:s13], [sflag:$0x3] =	stream.linear.gather [hbm4b:s21+s2], $0x80, $0x38;
	[tilespmem:$0x8500] =	vst v63  }
.Ltmp2:
0x2ef: {  	_ = 	snop;
	(pc) =	sbr.rel @p0 .LBB2_2-.Ltmp2, $4  }
0x2f0: {  	_ =	swait.ge [sflag:s12], $0x80  }
0x2f1: {  	[sflag:s12] =	ssyncset.done $0x0  }
0x2f2: {  	[sflag:s12] =	ssyncadd.s32 $0xFFFFFF80  }
0x2f3: {  	[tilespmem:s15], [sflag:$0x2] =	stream.indirect.gather [hbm4b:s3+s13], $0x80, s13, s13, $0xb8;
	[tilespmem:$0x8500] =	vst v63  }
0x2f4: {  	s19 =	sadd.s32 $0x1, s19  }
0x2f5: {  	_ =	swait.ge [sflag:s16], $0x4000;
	p0 =	sne.s32 s19, s10  }
.Ltmp3:
0x2f6: {  	[sflag:s16] =	ssyncset.done $0x0;
	(pc) =	sbr.rel @p0 .LBB2_1-.Ltmp3, $4  }
0x2f7: {  	[sflag:s16] =	ssyncadd.s32 $0xFFFFC000  }
0x2f8: {  	_ =	swait.ge [sflag:s18], $0x4000  }
0x2f9: {  	[sflag:s18] =	ssyncset.done $0x0  }
0x2fa: {  	[sflag:s18] =	ssyncadd.s32 $0xFFFFC000  }
0x2fb: {  	_ =	sfence.sel $0x180000  }
0x2fc: {  	[bflag:$0x0] =	sbarrier.arrive $0xFFFF  }
0x2fd: {  	p0 =	sne.s32 s1, $0x0;
	_ =	strace $0x90000047  }
0x2fe: {  	s0 =	sadd.s32 @!p0 $0x100000, s0;
	[bflag:$0x2] =	sbarrier.arrive $0xFFFF  }
0x2ff: {  	[sflag:s0] =	ssyncadd.tile.s32 @!p0 $0x1;
	_ =	shalt  }
.Lfunc_end2:
_tile_overlayer_lowered:
.L_overlay_start_2:
0x300: {  	(tag) =	ssettag $0x2  }
0x301: {  	s0 =	rddreg [dreg:$0x0];
	s2 =	stileid.u32  }
0x302: {  	s1 =	rddreg [dreg:$0x1];
	p0 =	sne.s32 s2, $0x0  }
0x303: {  	s3 =	rddreg [dreg:$0x2];
	[bflag:$0x3] =	sbarrier.arrive $0xFFFF;
	s2 =	simm.s32 @!p0 $0x1C03  }
0x304: {  	[timem:s3], [sflag:s2] =	dma.local @!p0 [hbm:s0], s1  }
0x305: {  	s0 =	simm.s32 @!p0 $0x3  }
0x306: {  	_ =	swait.ge @!p0 [sflag:s0], s1  }
0x307: {  	s1 =	ssub.s32 @!p0 $0x0, s1;
	[sflag:s0] =	ssyncset.done @!p0 $0x0  }
0x308: {  	[sflag:s0] =	ssyncadd.s32 @!p0 s1  }
0x309: {  	[bflag:$0x3] =	sbarrier.arrive $0xFFFF  }
0x30a: {  	_ =	shalt  }

</sc_bundles>
